<compile_context>
chip_gen: v7x
topology: tpu7x:2x2x1
jax: 0.10.2.dev20260603
libtpu: 0.0.44.dev20260713+nightly
codegen_flags: <defaults>
</compile_context>

<pallas_src>
import functools

import jax
import jax.numpy as jnp
from jax import lax
from jax.experimental import pallas as pl
from jax.experimental.pallas import tpu as pltpu
from jax.experimental.pallas import tpu_sc as plsc

N_SRC = 100000
N_MID = 16000
N_DST = 4000
E0 = 256000
E1 = 64000
P = 4000
D = 256
H = 256
HH = 128
WB = 384
ZPAD = 1000

NC = 2
NS = 16
LANES = 16



def _proj_z1_body(x_ref, wp_ref, bp_ref, q1_ref, bq1_ref, za_ref, zb_ref):
    h = jnp.dot(x_ref[...], wp_ref[...], preferred_element_type=jnp.float32)
    h = h + bp_ref[...]
    z = jnp.dot(h, q1_ref[...], preferred_element_type=jnp.float32)
    z = jax.nn.relu(z + bq1_ref[...])
    za_ref[...] = z[:, :HH]
    zb_ref[...] = z[:, HH:]


def _proj_z1(x, W_proj, b_proj, Q1, bq1):
    blk = 1000
    grid = N_SRC // blk
    return pl.pallas_call(
        _proj_z1_body,
        grid=(grid,),
        in_specs=[
            pl.BlockSpec((blk, D), lambda i: (i, 0)),
            pl.BlockSpec((D, H), lambda i: (0, 0)),
            pl.BlockSpec((1, H), lambda i: (0, 0)),
            pl.BlockSpec((H, H), lambda i: (0, 0)),
            pl.BlockSpec((1, H), lambda i: (0, 0)),
        ],
        out_specs=[
            pl.BlockSpec((blk, HH), lambda i: (i, 0)),
            pl.BlockSpec((blk, HH), lambda i: (i, 0)),
        ],
        out_shape=[
            jax.ShapeDtypeStruct((N_SRC, HH), jnp.float32),
            jax.ShapeDtypeStruct((N_SRC, HH), jnp.float32),
        ],
    )(x, W_proj, b_proj.reshape(1, H), Q1, bq1.reshape(1, H))


def _layer1_body(x_ref, sa_ref, sb_ref, d_ref, wp_ref, bp_ref, w1a_ref,
                 w1b_ref, bw1_ref, q2_ref, bq2_ref, h1_ref, za_ref, zb_ref):
    dd = jnp.clip(d_ref[...], 1.0, None)
    agg = jnp.concatenate([sa_ref[...], sb_ref[...]], axis=1) / dd
    h_item = jnp.dot(x_ref[...], wp_ref[...],
                     preferred_element_type=jnp.float32) + bp_ref[...]
    h = jnp.dot(h_item, w1a_ref[...], preferred_element_type=jnp.float32)
    h = h + jnp.dot(agg, w1b_ref[...], preferred_element_type=jnp.float32)
    h = jax.nn.relu(h + bw1_ref[...])
    nrm = jnp.sqrt(jnp.sum(h * h, axis=1, keepdims=True))
    h = h / jnp.clip(nrm, 1e-6, None)
    h1_ref[...] = h
    z = jnp.dot(h, q2_ref[...], preferred_element_type=jnp.float32)
    z = jax.nn.relu(z + bq2_ref[...])
    za_ref[...] = z[:, :HH]
    zb_ref[...] = z[:, HH:]


def _layer1(x16, s1a, s1b, deg1, W_proj, b_proj, W1, bw1, Q2, bq2):
    blk = 1000
    grid = N_MID // blk
    return pl.pallas_call(
        _layer1_body,
        grid=(grid,),
        in_specs=[
            pl.BlockSpec((blk, D), lambda i: (i, 0)),
            pl.BlockSpec((blk, HH), lambda i: (i, 0)),
            pl.BlockSpec((blk, HH), lambda i: (i, 0)),
            pl.BlockSpec((blk, 1), lambda i: (i, 0)),
            pl.BlockSpec((D, H), lambda i: (0, 0)),
            pl.BlockSpec((1, H), lambda i: (0, 0)),
            pl.BlockSpec((H, H), lambda i: (0, 0)),
            pl.BlockSpec((H, H), lambda i: (0, 0)),
            pl.BlockSpec((1, H), lambda i: (0, 0)),
            pl.BlockSpec((H, H), lambda i: (0, 0)),
            pl.BlockSpec((1, H), lambda i: (0, 0)),
        ],
        out_specs=[
            pl.BlockSpec((blk, H), lambda i: (i, 0)),
            pl.BlockSpec((blk, HH), lambda i: (i, 0)),
            pl.BlockSpec((blk, HH), lambda i: (i, 0)),
        ],
        out_shape=[
            jax.ShapeDtypeStruct((N_MID, H), jnp.float32),
            jax.ShapeDtypeStruct((N_MID, HH), jnp.float32),
            jax.ShapeDtypeStruct((N_MID, HH), jnp.float32),
        ],
    )(x16, s1a, s1b, deg1, W_proj, b_proj.reshape(1, H), W1[:H], W1[H:],
      bw1.reshape(1, H), Q2, bq2.reshape(1, H))


def _layer2_body(h14_ref, sa_ref, sb_ref, d_ref, x4_ref,
                 wp_ref, bp_ref, w2a_ref, w2b_ref, bw2_ref, bias_ref, g_ref,
                 b_ref, hb_ref):
    dd = jnp.clip(d_ref[...], 1.0, None)
    agg = jnp.concatenate([sa_ref[...], sb_ref[...]], axis=1) / dd
    h = jnp.dot(h14_ref[...], w2a_ref[...], preferred_element_type=jnp.float32)
    h = h + jnp.dot(agg, w2b_ref[...], preferred_element_type=jnp.float32)
    h = jax.nn.relu(h + bw2_ref[...])
    nrm = jnp.sqrt(jnp.sum(h * h, axis=1, keepdims=True))
    h = h / jnp.clip(nrm, 1e-6, None)
    hd = jnp.dot(x4_ref[...], wp_ref[...],
                 preferred_element_type=jnp.float32) + bp_ref[...]
    h = hd + h
    mu = jnp.mean(h, axis=1, keepdims=True)
    var = jnp.mean((h - mu) ** 2, axis=1, keepdims=True)
    h = (h - mu) / jnp.sqrt(var + 1e-5) * g_ref[...] + b_ref[...]
    hb_ref[...] = jnp.concatenate(
        [h, bias_ref[...], jnp.zeros((N_DST, WB - H - 1), jnp.float32)],
        axis=1)


def _layer2(h1_4, s2a, s2b, deg2, x4, W_proj, b_proj, W2, bw2,
            item_bias, gamma, beta):
    return pl.pallas_call(
        _layer2_body,
        out_shape=jax.ShapeDtypeStruct((N_DST, WB), jnp.float32),
    )(h1_4, s2a, s2b, deg2, x4, W_proj, b_proj.reshape(1, H),
      W2[:H], W2[H:], bw2.reshape(1, H), item_bias.reshape(N_DST, 1),
      gamma.reshape(1, H), beta.reshape(1, H))


def _score_body(u_ref, v_ref, nu_ref, nv_ref, pos_ref, neg_ref, loss_ref,
                auc_ref):
    u, v = u_ref[...], v_ref[...]
    nu, nv = nu_ref[...], nv_ref[...]
    pos = jnp.sum(u[:, :H] * v[:, :H], axis=1, keepdims=True)
    pos = pos + u[:, H:H + 1] + v[:, H:H + 1]
    neg = jnp.sum(nu[:, :H] * nv[:, :H], axis=1, keepdims=True)
    neg = neg + nu[:, H:H + 1] + nv[:, H:H + 1]
    pos_ref[...] = pos
    neg_ref[...] = neg
    loss_ref[...] = jnp.mean(jax.nn.relu(neg - pos + 1.0)).reshape(1, 1)
    auc_ref[...] = jnp.mean((pos > neg).astype(jnp.float32)).reshape(1, 1)


def _score(u, v, nu, nv):
    return pl.pallas_call(
        _score_body,
        out_shape=[
            jax.ShapeDtypeStruct((P, 1), jnp.float32),
            jax.ShapeDtypeStruct((P, 1), jnp.float32),
            jax.ShapeDtypeStruct((1, 1), jnp.float32),
            jax.ShapeDtypeStruct((1, 1), jnp.float32),
        ],
    )(u, v, nu, nv)



def _zero_vmem_2d(ref, rows, cols):
    zero = jnp.zeros((LANES,), jnp.float32)
    nj = cols // LANES

    def body(k, _):
        ref[k // nj, pl.ds((k % nj) * LANES, LANES)] = zero
        return 0

    lax.fori_loop(0, rows * nj, body, 0)


def _make_segsum(n_dst, chunk, with_deg=False):
    G = 2
    half = n_dst // NC
    acc_rows = half + 8
    nfull = half // 128
    rem = half - nfull * 128
    K = (nfull + (1 if rem else 0) + NS - 1) // NS
    nfz = acc_rows // 128
    rmz = acc_rows - nfz * 128
    KZ = (nfz + (1 if rmz else 0) + NS - 1) // NS

    mesh = plsc.VectorSubcoreMesh(core_axis_name="c", subcore_axis_name="s")

    out_type = [
        jax.ShapeDtypeStruct((n_dst, HH), jnp.float32),
        jax.ShapeDtypeStruct((n_dst, HH), jnp.float32),
    ]
    assert chunk % LANES == 0
    scratch = (
        [pltpu.VMEM((G * chunk,), jnp.int32)]
        + [pltpu.VMEM((chunk,), jnp.int32) for _ in range(G)]
        + [pltpu.VMEM((G, chunk, HH), jnp.float32),
           pltpu.VMEM_SHARED((acc_rows, HH), jnp.float32),
           pltpu.SemaphoreType.DMA,
           pltpu.SemaphoreType.DMA,
           pltpu.SemaphoreType.DMA]
    )
    if with_deg:
        out_type += [
            jax.ShapeDtypeStruct((n_dst, HH), jnp.float32),
            jax.ShapeDtypeStruct((NC * N_DST, HH), jnp.float32),
        ]
        scratch += [pltpu.VMEM((40, HH), jnp.float32)]
        scratch += [pltpu.VMEM((32,), jnp.int32) for _ in range(G)]
        scratch += [pltpu.VMEM((40,), jnp.int32) for _ in range(G)]

    @functools.partial(pl.kernel, mesh=mesh, out_type=out_type,
                       scratch_types=scratch)
    def seg(*args):
        if with_deg:
            (ta, tb, esrc, edst, zin, e1d, oa, ob, od1, od2,
             src_v, *rest) = args
        else:
            (ta, tb, esrc, edst, zin, oa, ob, src_v, *rest) = args
        dst_v = rest[:G]
        (rows_v, acc_sh, isem, gsem, ssem) = rest[G:G + 5]
        if with_deg:
            ones_v = rest[G + 5]
            d32_v = rest[G + 6:G + 6 + G]
            d40_v = rest[G + 6 + G:]
        c = lax.axis_index("c")
        s = lax.axis_index("s")
        if with_deg:
            one = jnp.full((LANES,), 1.0, jnp.float32)

            def fill(k, _):
                ones_v[k // (HH // LANES),
                       pl.ds((k % (HH // LANES)) * LANES, LANES)] = one
                return 0
            lax.fori_loop(0, 40 * (HH // LANES), fill, 0)

        def for_blocks(fn, nf, rm, kk):
            for k in range(kk):
                if (k + 1) * NS <= nf:
                    fn(s + NS * k, 128)
                else:
                    @pl.when(s + NS * k < nf)
                    def _():
                        fn(s + NS * k, 128)
                    if rm:
                        @pl.when(s + NS * k == nf)
                        def _():
                            fn(nf, rm)

        def zero_acc():
            for_blocks(lambda b, sz: pltpu.sync_copy(
                zin.at[pl.ds(0, sz)], acc_sh.at[pl.ds(b * 128, sz)]),
                nfz, rmz, KZ)

        def write_out(out, obase):
            for_blocks(lambda b, sz: pltpu.sync_copy(
                acc_sh.at[pl.ds(b * 128, sz)],
                out.at[pl.ds(obase + b * 128, sz)]), nfull, rem, K)

        base = c * half

        def fixup(bufs, chunk2, b):
            for k in range(chunk2 // LANES):
                sl = pl.ds(k * LANES, LANES)
                d = bufs[b][sl]
                local = d - base
                inr = (local >= 0) & (local < half)
                bufs[b][sl] = jnp.where(inr, local, half)

        def run_pass(tbl, esrc2, edst2, ept, out, obase):
            zero_acc()
            plsc.subcore_barrier()
            ebase = s * ept

            def group(g, _):
                eoff = ebase + g * G * chunk
                ds_ = [pltpu.async_copy(
                    esrc2.at[pl.ds(eoff, G * chunk)], src_v, isem)]
                ds_ += [pltpu.async_copy(
                    edst2.at[pl.ds(eoff + b * chunk, chunk)], dst_v[b],
                    isem) for b in range(G)]
                for d in ds_:
                    d.wait()
                for b in range(G):
                    fixup(dst_v, chunk, b)
                gs = [pltpu.async_copy(
                    tbl.at[src_v.at[pl.ds(b * chunk, chunk)]],
                    rows_v.at[b], gsem) for b in range(G)]
                for d in gs:
                    d.wait()
                ss = [pltpu.async_copy(
                    rows_v.at[b], acc_sh.at[dst_v[b]], ssem, add=True)
                    for b in range(G)]
                for d in ss:
                    d.wait()
                return 0

            lax.fori_loop(0, ept // (G * chunk), group, 0)
            plsc.subcore_barrier()
            write_out(out, obase)

        def deg_pass(edges, chunk2, ept, out, obase, split, bufs,
                     wo=None):
            zero_acc()
            plsc.subcore_barrier()
            ebase = (s if split else c * NS + s) * ept

            def group(g, _):
                eoff = ebase + g * G * chunk2
                ds_ = [pltpu.async_copy(
                    edges.at[pl.ds(eoff + b * chunk2, chunk2)], bufs[b],
                    isem) for b in range(G)]
                for d in ds_:
                    d.wait()
                if split:
                    for b in range(G):
                        fixup(bufs, chunk2, b)
                ss = [pltpu.async_copy(
                    ones_v.at[pl.ds(0, chunk2)], acc_sh.at[bufs[b]],
                    ssem, add=True) for b in range(G)]
                for d in ss:
                    d.wait()
                return 0

            lax.fori_loop(0, ept // (G * chunk2), group, 0)
            plsc.subcore_barrier()
            if wo is None:
                write_out(out, obase)
            else:
                for_blocks(lambda b, sz: pltpu.sync_copy(
                    acc_sh.at[pl.ds(b * 128, sz)],
                    out.at[pl.ds(obase + b * 128, sz)]), *wo)

        obase = c * half
        run_pass(ta, esrc, edst, E0 // NS if with_deg else E1 // NS,
                 oa, obase)
        plsc.subcore_barrier()
        run_pass(tb, esrc, edst, E0 // NS if with_deg else E1 // NS,
                 ob, obase)

        if with_deg:
            plsc.subcore_barrier()
            deg_pass(edst, 32, E0 // NS, od1, obase, True, d32_v)
            plsc.subcore_barrier()
            deg_pass(e1d, 40, E1 // (NC * NS), od2, c * N_DST, False,
                     d40_v, wo=(N_DST // 128, N_DST % 128,
                                (N_DST // 128 + 1 + NS - 1) // NS))

    return seg


_segsum1 = _make_segsum(N_MID, 64, with_deg=True)
_segsum2 = _make_segsum(N_DST, 80)


def _make_score_gather():
    mesh = plsc.VectorSubcoreMesh(core_axis_name="c", subcore_axis_name="s")
    PP = 4096
    per_tile = PP // (NC * NS)

    @functools.partial(
        pl.kernel,
        mesh=mesh,
        out_type=[jax.ShapeDtypeStruct((PP, WB), jnp.float32)
                  for _ in range(4)],
        scratch_types=[
            pltpu.VMEM((64,), jnp.int32),
            pltpu.VMEM((64, WB), jnp.float32),
            pltpu.SemaphoreType.DMA,
        ],
    )
    def gather4(hb, iu, iv, inu, inv, ou, ov, onu, onv, idx_v, rows_v, sem):
        c = lax.axis_index("c")
        s = lax.axis_index("s")
        wid = s * NC + c
        for inp, outp in ((iu, ou), (iv, ov), (inu, onu), (inv, onv)):
            for k in range(per_tile // 64):
                off = wid * per_tile + k * 64
                pltpu.sync_copy(inp.at[pl.ds(off, 64)], idx_v)
                pltpu.async_copy(hb.at[idx_v], rows_v, sem).wait()
                pltpu.sync_copy(rows_v, outp.at[pl.ds(off, 64)])

    return gather4


_score_gather = _make_score_gather()


def _pad_idx(i):
    return jnp.concatenate([i, jnp.zeros((4096 - P,), jnp.int32)])



def kernel(x, e0_src, e0_dst, e1_src, e1_dst, pos_u, pos_v, neg_u, neg_v,
           W_proj, b_proj, Q1, bq1, W1, bw1, Q2, bq2, W2, bw2,
           item_bias, gamma, beta):
    z1a, z1b = _proj_z1(x, W_proj, b_proj, Q1, bq1)
    zin = jnp.zeros((128, HH), jnp.float32)
    s1a, s1b, od1, od2 = _segsum1(z1a, z1b, e0_src, e0_dst, zin, e1_dst)
    deg1 = od1[:, :1]
    deg2 = od2[:N_DST, :1] + od2[N_DST:, :1]
    h1, z2a, z2b = _layer1(x[:N_MID], s1a, s1b, deg1, W_proj, b_proj, W1,
                           bw1, Q2, bq2)
    s2a, s2b = _segsum2(z2a, z2b, e1_src, e1_dst, zin)
    hb = _layer2(h1[:N_DST], s2a, s2b, deg2, x[:N_DST], W_proj, b_proj,
                 W2, bw2, item_bias, gamma, beta)
    u, v, nu, nv = _score_gather(hb, _pad_idx(pos_u), _pad_idx(pos_v),
                                 _pad_idx(neg_u), _pad_idx(neg_v))
    pos, neg, loss, auc = _score(u[:P], v[:P], nu[:P], nv[:P])
    return (pos[:, 0], neg[:, 0], loss[0, 0], auc[0, 0])

# --- scband reference (transcript-rebuilt; emitter-appended) ---
"""Pipeline reference for scband-pin-sagemodel-31224412242214 (READ-ONLY COPY).

The authoritative reference and input builder live on the scoring server;
editing this copy changes nothing except your own understanding.
"""

import jax, jax.numpy as jnp
import numpy as np

N_SRC = 100000
N_MID = 16000
N_DST = 4000
E0 = 256000
E1 = 64000
P = 4000
D = 256
H = 256


def _layernorm(h, gamma, beta, eps=1e-5):
    mu = jnp.mean(h, axis=-1, keepdims=True)
    var = jnp.var(h, axis=-1, keepdims=True)
    return (h - mu) / jnp.sqrt(var + eps) * gamma + beta


def _sage_conv(h_src, h_dst, src_idx, dst_idx, n_dst, Q, bq, W, bw):
    # WeightedSAGEConv (PinSAGE style): z = relu(Q h_src); mean-aggregate over in-edges;
    # h = relu(W [h_dst ; agg]); l2-normalize.
    z = jax.nn.relu(h_src @ Q + bq)
    msg = z[src_idx]
    agg = jax.ops.segment_sum(msg, dst_idx, num_segments=n_dst)
    deg = jax.ops.segment_sum(jnp.ones((src_idx.shape[0], 1), dtype=h_src.dtype), dst_idx, num_segments=n_dst)
    agg = agg / jnp.clip(deg, 1.0, None)
    h = jax.nn.relu(jnp.concatenate([h_dst, agg], axis=1) @ W + bw)
    nrm = jnp.linalg.norm(h, axis=1, keepdims=True)
    return h / jnp.clip(nrm, 1e-6, None)


def setup_inputs(seed: int = 0) -> dict:
    key = jax.random.key(seed)
    ks = jax.random.split(key, 24)
    inp = {}
    inp["x"] = jax.random.normal(ks[0], (N_SRC, D), dtype=jnp.float32)
    inp["e0_src"] = jax.random.randint(ks[1], (E0,), 0, N_SRC, dtype=jnp.int32)
    inp["e0_dst"] = jax.random.randint(ks[2], (E0,), 0, N_MID, dtype=jnp.int32)
    inp["e1_src"] = jax.random.randint(ks[3], (E1,), 0, N_MID, dtype=jnp.int32)
    inp["e1_dst"] = jax.random.randint(ks[4], (E1,), 0, N_DST, dtype=jnp.int32)
    inp["pos_u"] = jax.random.randint(ks[5], (P,), 0, N_DST, dtype=jnp.int32)
    inp["pos_v"] = jax.random.randint(ks[6], (P,), 0, N_DST, dtype=jnp.int32)
    inp["neg_u"] = jax.random.randint(ks[7], (P,), 0, N_DST, dtype=jnp.int32)
    inp["neg_v"] = jax.random.randint(ks[8], (P,), 0, N_DST, dtype=jnp.int32)
    s_in = 1.0 / np.sqrt(D)
    s_h = 1.0 / np.sqrt(H)
    s_2h = 1.0 / np.sqrt(2 * H)
    inp["W_proj"] = jax.random.normal(ks[9], (D, H), dtype=jnp.float32) * s_in
    inp["b_proj"] = jnp.zeros((H,), dtype=jnp.float32)
    inp["Q1"] = jax.random.normal(ks[10], (H, H), dtype=jnp.float32) * s_h
    inp["bq1"] = jnp.zeros((H,), dtype=jnp.float32)
    inp["W1"] = jax.random.normal(ks[11], (2 * H, H), dtype=jnp.float32) * s_2h
    inp["bw1"] = jnp.zeros((H,), dtype=jnp.float32)
    inp["Q2"] = jax.random.normal(ks[12], (H, H), dtype=jnp.float32) * s_h
    inp["bq2"] = jnp.zeros((H,), dtype=jnp.float32)
    inp["W2"] = jax.random.normal(ks[13], (2 * H, H), dtype=jnp.float32) * s_2h
    inp["bw2"] = jnp.zeros((H,), dtype=jnp.float32)
    inp["item_bias"] = jax.random.normal(ks[14], (N_DST,), dtype=jnp.float32) * 0.01
    inp["gamma"] = jnp.ones((H,), dtype=jnp.float32)
    inp["beta"] = jnp.zeros((H,), dtype=jnp.float32)
    return inp


def reference(x, e0_src, e0_dst, e1_src, e1_dst, pos_u, pos_v, neg_u, neg_v,
              W_proj, b_proj, Q1, bq1, W1, bw1, Q2, bq2, W2, bw2,
              item_bias, gamma, beta):
    # get_repr: LinearProjector on block[0] srcdata, 2-layer SAGENet, skip from
    # projected dst features, LayerNorm.
    h_item = x @ W_proj + b_proj
    h = _sage_conv(h_item, h_item[:N_MID], e0_src, e0_dst, N_MID, Q1, bq1, W1, bw1)
    h = _sage_conv(h, h[:N_DST], e1_src, e1_dst, N_DST, Q2, bq2, W2, bw2)
    h_item_dst = x[:N_DST] @ W_proj + b_proj
    h = h_item_dst + h
    h = _layernorm(h, gamma, beta)
    # ItemToItemScorer: edge dot-product + per-item learned bias on both endpoints
    pos_score = jnp.sum(h[pos_u] * h[pos_v], axis=1) + item_bias[pos_u] + item_bias[pos_v]
    neg_score = jnp.sum(h[neg_u] * h[neg_v], axis=1) + item_bias[neg_u] + item_bias[neg_v]
    # margin (hinge) loss
    loss = jnp.mean(jax.nn.relu(neg_score - pos_score + 1.0))
    auc = jnp.mean((pos_score > neg_score).astype(jnp.float32))
    return (pos_score, neg_score, loss, auc)

if __name__ == "__main__":
    import jax
    _d = setup_inputs()
    print(jax.jit(kernel)(*tuple(_d.values())))

</pallas_src>

<mosaic_0001>
#map = affine_map<(d0, d1) -> (0, 0)>
#map1 = affine_map<(d0, d1) -> (0)>
module attributes {stable_mosaic.version = 14 : i64} {
  func.func @gather4(%arg0: i32, %arg1: i32, %arg2: memref<4000x384xf32, #tpu.memory_space<hbm>>, %arg3: memref<4096xi32, #tpu.memory_space<hbm>>, %arg4: memref<4096xi32, #tpu.memory_space<hbm>>, %arg5: memref<4096xi32, #tpu.memory_space<hbm>>, %arg6: memref<4096xi32, #tpu.memory_space<hbm>>, %arg7: memref<4096x384xf32, #tpu.memory_space<hbm>>, %arg8: memref<4096x384xf32, #tpu.memory_space<hbm>>, %arg9: memref<4096x384xf32, #tpu.memory_space<hbm>>, %arg10: memref<4096x384xf32, #tpu.memory_space<hbm>>, %arg11: memref<64xi32, #tpu.memory_space<vmem>>, %arg12: memref<64x384xf32, #tpu.memory_space<vmem>>, %arg13: memref<!tpu.dma_semaphore, #tpu.memory_space<semaphore_mem>>) attributes {dimension_semantics = [#tpu.dimension_semantics<core_parallel>, #tpu.dimension_semantics<subcore_parallel>], iteration_bounds = array<i64: 2, 16>, scalar_prefetch = 0 : i64, scratch_operands = 3 : i64, tpu.core_type = #tpu.core_type<sc_vector_subcore>, window_params = [{transform_indices = #map}, {transform_indices = #map1}, {transform_indices = #map1}, {transform_indices = #map1}, {transform_indices = #map1}, {transform_indices = #map}, {transform_indices = #map}, {transform_indices = #map}, {transform_indices = #map}]} {
    %mul3A = arith.constant 2 : i32
    %mul3A_0 = arith.muli %arg1, %mul3A : i32
    %add3A = arith.addi %mul3A_0, %arg0 : i32
    %mul3A_1 = arith.constant 128 : i32
    %mul3A_2 = arith.muli %add3A, %mul3A_1 : i32
    %add3A_3 = arith.constant 0 : i32
    %add3A_4 = arith.addi %mul3A_2, %add3A_3 : i32
    "tpu.region"() ({
      %run_scoped3A = tpu.sem_alloc : memref<!tpu.dma_semaphore, #tpu.memory_space<semaphore_mem>>
      %dma_start3A_79 = tpu.memref_slice %arg3[%add3A_4] : memref<4096xi32, #tpu.memory_space<hbm>> -> memref<64xi32, #tpu.memory_space<hbm>>
      %dma_start3A_80 = tpu.memref_slice %arg3[%add3A_4] : memref<4096xi32, #tpu.memory_space<hbm>> -> memref<64xi32, #tpu.memory_space<hbm>>
      tpu.enqueue_dma source(%dma_start3A_80 : memref<64xi32, #tpu.memory_space<hbm>>) target(%arg11 : memref<64xi32, #tpu.memory_space<vmem>>) target_semaphore(%run_scoped3A : memref<!tpu.dma_semaphore, #tpu.memory_space<semaphore_mem>>)
      %dma_wait3A_81 = tpu.memref_slice %arg3[%add3A_4] : memref<4096xi32, #tpu.memory_space<hbm>> -> memref<64xi32, #tpu.memory_space<hbm>>
      %dma_wait3A_82 = tpu.memref_slice %arg3[%add3A_4] : memref<4096xi32, #tpu.memory_space<hbm>> -> memref<64xi32, #tpu.memory_space<hbm>>
      tpu.wait_dma2 semaphore(%run_scoped3A : memref<!tpu.dma_semaphore, #tpu.memory_space<semaphore_mem>>) src(%dma_wait3A_82 : memref<64xi32, #tpu.memory_space<hbm>>) dst(%arg11 : memref<64xi32, #tpu.memory_space<vmem>>)
      tpu.yield
    }) : () -> ()
    %dma_start3A = arith.constant 0 : i32
    %dma_start3A_5 = arith.constant 0 : i32
    %dma_start3A_6 = tpu.memref_slice %arg2[%dma_start3A, %dma_start3A_5] : memref<4000x384xf32, #tpu.memory_space<hbm>> -> memref<4000x384xf32, #tpu.memory_space<hbm>>
    tpu.enqueue_indirect_dma source(%dma_start3A_6 : memref<4000x384xf32, #tpu.memory_space<hbm>>) target(%arg12 : memref<64x384xf32, #tpu.memory_space<vmem>>) offsets(%arg11 : memref<64xi32, #tpu.memory_space<vmem>>) semaphore(%arg13 : memref<!tpu.dma_semaphore, #tpu.memory_space<semaphore_mem>>)
    %dma_wait3A = arith.constant 0 : i32
    %dma_wait3A_7 = arith.constant 0 : i32
    %dma_wait3A_8 = tpu.memref_slice %arg2[%dma_wait3A, %dma_wait3A_7] : memref<4000x384xf32, #tpu.memory_space<hbm>> -> memref<4000x384xf32, #tpu.memory_space<hbm>>
    tpu.wait_indirect_dma semaphore(%arg13 : memref<!tpu.dma_semaphore, #tpu.memory_space<semaphore_mem>>) src(%dma_wait3A_8 : memref<4000x384xf32, #tpu.memory_space<hbm>>) dst(%arg12 : memref<64x384xf32, #tpu.memory_space<vmem>>)
    "tpu.region"() ({
      %run_scoped3A = tpu.sem_alloc : memref<!tpu.dma_semaphore, #tpu.memory_space<semaphore_mem>>
      %dma_start3A_79 = arith.constant 0 : i32
      %dma_start3A_80 = tpu.memref_slice %arg7[%add3A_4, %dma_start3A_79] : memref<4096x384xf32, #tpu.memory_space<hbm>> -> memref<64x384xf32, #tpu.memory_space<hbm>>
      %dma_start3A_81 = arith.constant 0 : i32
      %dma_start3A_82 = tpu.memref_slice %arg7[%add3A_4, %dma_start3A_81] : memref<4096x384xf32, #tpu.memory_space<hbm>> -> memref<64x384xf32, #tpu.memory_space<hbm>>
      tpu.enqueue_dma source(%arg12 : memref<64x384xf32, #tpu.memory_space<vmem>>) target(%dma_start3A_82 : memref<64x384xf32, #tpu.memory_space<hbm>>) target_semaphore(%run_scoped3A : memref<!tpu.dma_semaphore, #tpu.memory_space<semaphore_mem>>)
      %dma_wait3A_83 = arith.constant 0 : i32
      %dma_wait3A_84 = tpu.memref_slice %arg7[%add3A_4, %dma_wait3A_83] : memref<4096x384xf32, #tpu.memory_space<hbm>> -> memref<64x384xf32, #tpu.memory_space<hbm>>
      %dma_wait3A_85 = arith.constant 0 : i32
      %dma_wait3A_86 = tpu.memref_slice %arg7[%add3A_4, %dma_wait3A_85] : memref<4096x384xf32, #tpu.memory_space<hbm>> -> memref<64x384xf32, #tpu.memory_space<hbm>>
      tpu.wait_dma2 semaphore(%run_scoped3A : memref<!tpu.dma_semaphore, #tpu.memory_space<semaphore_mem>>) src(%arg12 : memref<64x384xf32, #tpu.memory_space<vmem>>) dst(%dma_wait3A_86 : memref<64x384xf32, #tpu.memory_space<hbm>>)
      tpu.yield
    }) : () -> ()
    %mul3A_9 = arith.constant 128 : i32
    %mul3A_10 = arith.muli %add3A, %mul3A_9 : i32
    %add3A_11 = arith.constant 64 : i32
    %add3A_12 = arith.addi %mul3A_10, %add3A_11 : i32
    "tpu.region"() ({
      %run_scoped3A = tpu.sem_alloc : memref<!tpu.dma_semaphore, #tpu.memory_space<semaphore_mem>>
      %dma_start3A_79 = tpu.memref_slice %arg3[%add3A_12] : memref<4096xi32, #tpu.memory_space<hbm>> -> memref<64xi32, #tpu.memory_space<hbm>>
      %dma_start3A_80 = tpu.memref_slice %arg3[%add3A_12] : memref<4096xi32, #tpu.memory_space<hbm>> -> memref<64xi32, #tpu.memory_space<hbm>>
      tpu.enqueue_dma source(%dma_start3A_80 : memref<64xi32, #tpu.memory_space<hbm>>) target(%arg11 : memref<64xi32, #tpu.memory_space<vmem>>) target_semaphore(%run_scoped3A : memref<!tpu.dma_semaphore, #tpu.memory_space<semaphore_mem>>)
      %dma_wait3A_81 = tpu.memref_slice %arg3[%add3A_12] : memref<4096xi32, #tpu.memory_space<hbm>> -> memref<64xi32, #tpu.memory_space<hbm>>
      %dma_wait3A_82 = tpu.memref_slice %arg3[%add3A_12] : memref<4096xi32, #tpu.memory_space<hbm>> -> memref<64xi32, #tpu.memory_space<hbm>>
      tpu.wait_dma2 semaphore(%run_scoped3A : memref<!tpu.dma_semaphore, #tpu.memory_space<semaphore_mem>>) src(%dma_wait3A_82 : memref<64xi32, #tpu.memory_space<hbm>>) dst(%arg11 : memref<64xi32, #tpu.memory_space<vmem>>)
      tpu.yield
    }) : () -> ()
    %dma_start3A_13 = arith.constant 0 : i32
    %dma_start3A_14 = arith.constant 0 : i32
    %dma_start3A_15 = tpu.memref_slice %arg2[%dma_start3A_13, %dma_start3A_14] : memref<4000x384xf32, #tpu.memory_space<hbm>> -> memref<4000x384xf32, #tpu.memory_space<hbm>>
    tpu.enqueue_indirect_dma source(%dma_start3A_15 : memref<4000x384xf32, #tpu.memory_space<hbm>>) target(%arg12 : memref<64x384xf32, #tpu.memory_space<vmem>>) offsets(%arg11 : memref<64xi32, #tpu.memory_space<vmem>>) semaphore(%arg13 : memref<!tpu.dma_semaphore, #tpu.memory_space<semaphore_mem>>)
    %dma_wait3A_16 = arith.constant 0 : i32
    %dma_wait3A_17 = arith.constant 0 : i32
    %dma_wait3A_18 = tpu.memref_slice %arg2[%dma_wait3A_16, %dma_wait3A_17] : memref<4000x384xf32, #tpu.memory_space<hbm>> -> memref<4000x384xf32, #tpu.memory_space<hbm>>
    tpu.wait_indirect_dma semaphore(%arg13 : memref<!tpu.dma_semaphore, #tpu.memory_space<semaphore_mem>>) src(%dma_wait3A_18 : memref<4000x384xf32, #tpu.memory_space<hbm>>) dst(%arg12 : memref<64x384xf32, #tpu.memory_space<vmem>>)
    "tpu.region"() ({
      %run_scoped3A = tpu.sem_alloc : memref<!tpu.dma_semaphore, #tpu.memory_space<semaphore_mem>>
      %dma_start3A_79 = arith.constant 0 : i32
      %dma_start3A_80 = tpu.memref_slice %arg7[%add3A_12, %dma_start3A_79] : memref<4096x384xf32, #tpu.memory_space<hbm>> -> memref<64x384xf32, #tpu.memory_space<hbm>>
      %dma_start3A_81 = arith.constant 0 : i32
      %dma_start3A_82 = tpu.memref_slice %arg7[%add3A_12, %dma_start3A_81] : memref<4096x384xf32, #tpu.memory_space<hbm>> -> memref<64x384xf32, #tpu.memory_space<hbm>>
      tpu.enqueue_dma source(%arg12 : memref<64x384xf32, #tpu.memory_space<vmem>>) target(%dma_start3A_82 : memref<64x384xf32, #tpu.memory_space<hbm>>) target_semaphore(%run_scoped3A : memref<!tpu.dma_semaphore, #tpu.memory_space<semaphore_mem>>)
      %dma_wait3A_83 = arith.constant 0 : i32
      %dma_wait3A_84 = tpu.memref_slice %arg7[%add3A_12, %dma_wait3A_83] : memref<4096x384xf32, #tpu.memory_space<hbm>> -> memref<64x384xf32, #tpu.memory_space<hbm>>
      %dma_wait3A_85 = arith.constant 0 : i32
      %dma_wait3A_86 = tpu.memref_slice %arg7[%add3A_12, %dma_wait3A_85] : memref<4096x384xf32, #tpu.memory_space<hbm>> -> memref<64x384xf32, #tpu.memory_space<hbm>>
      tpu.wait_dma2 semaphore(%run_scoped3A : memref<!tpu.dma_semaphore, #tpu.memory_space<semaphore_mem>>) src(%arg12 : memref<64x384xf32, #tpu.memory_space<vmem>>) dst(%dma_wait3A_86 : memref<64x384xf32, #tpu.memory_space<hbm>>)
      tpu.yield
    }) : () -> ()
    %mul3A_19 = arith.constant 128 : i32
    %mul3A_20 = arith.muli %add3A, %mul3A_19 : i32
    %add3A_21 = arith.constant 0 : i32
    %add3A_22 = arith.addi %mul3A_20, %add3A_21 : i32
    "tpu.region"() ({
      %run_scoped3A = tpu.sem_alloc : memref<!tpu.dma_semaphore, #tpu.memory_space<semaphore_mem>>
      %dma_start3A_79 = tpu.memref_slice %arg4[%add3A_22] : memref<4096xi32, #tpu.memory_space<hbm>> -> memref<64xi32, #tpu.memory_space<hbm>>
      %dma_start3A_80 = tpu.memref_slice %arg4[%add3A_22] : memref<4096xi32, #tpu.memory_space<hbm>> -> memref<64xi32, #tpu.memory_space<hbm>>
      tpu.enqueue_dma source(%dma_start3A_80 : memref<64xi32, #tpu.memory_space<hbm>>) target(%arg11 : memref<64xi32, #tpu.memory_space<vmem>>) target_semaphore(%run_scoped3A : memref<!tpu.dma_semaphore, #tpu.memory_space<semaphore_mem>>)
      %dma_wait3A_81 = tpu.memref_slice %arg4[%add3A_22] : memref<4096xi32, #tpu.memory_space<hbm>> -> memref<64xi32, #tpu.memory_space<hbm>>
      %dma_wait3A_82 = tpu.memref_slice %arg4[%add3A_22] : memref<4096xi32, #tpu.memory_space<hbm>> -> memref<64xi32, #tpu.memory_space<hbm>>
      tpu.wait_dma2 semaphore(%run_scoped3A : memref<!tpu.dma_semaphore, #tpu.memory_space<semaphore_mem>>) src(%dma_wait3A_82 : memref<64xi32, #tpu.memory_space<hbm>>) dst(%arg11 : memref<64xi32, #tpu.memory_space<vmem>>)
      tpu.yield
    }) : () -> ()
    %dma_start3A_23 = arith.constant 0 : i32
    %dma_start3A_24 = arith.constant 0 : i32
    %dma_start3A_25 = tpu.memref_slice %arg2[%dma_start3A_23, %dma_start3A_24] : memref<4000x384xf32, #tpu.memory_space<hbm>> -> memref<4000x384xf32, #tpu.memory_space<hbm>>
    tpu.enqueue_indirect_dma source(%dma_start3A_25 : memref<4000x384xf32, #tpu.memory_space<hbm>>) target(%arg12 : memref<64x384xf32, #tpu.memory_space<vmem>>) offsets(%arg11 : memref<64xi32, #tpu.memory_space<vmem>>) semaphore(%arg13 : memref<!tpu.dma_semaphore, #tpu.memory_space<semaphore_mem>>)
    %dma_wait3A_26 = arith.constant 0 : i32
    %dma_wait3A_27 = arith.constant 0 : i32
    %dma_wait3A_28 = tpu.memref_slice %arg2[%dma_wait3A_26, %dma_wait3A_27] : memref<4000x384xf32, #tpu.memory_space<hbm>> -> memref<4000x384xf32, #tpu.memory_space<hbm>>
    tpu.wait_indirect_dma semaphore(%arg13 : memref<!tpu.dma_semaphore, #tpu.memory_space<semaphore_mem>>) src(%dma_wait3A_28 : memref<4000x384xf32, #tpu.memory_space<hbm>>) dst(%arg12 : memref<64x384xf32, #tpu.memory_space<vmem>>)
    "tpu.region"() ({
      %run_scoped3A = tpu.sem_alloc : memref<!tpu.dma_semaphore, #tpu.memory_space<semaphore_mem>>
      %dma_start3A_79 = arith.constant 0 : i32
      %dma_start3A_80 = tpu.memref_slice %arg8[%add3A_22, %dma_start3A_79] : memref<4096x384xf32, #tpu.memory_space<hbm>> -> memref<64x384xf32, #tpu.memory_space<hbm>>
      %dma_start3A_81 = arith.constant 0 : i32
      %dma_start3A_82 = tpu.memref_slice %arg8[%add3A_22, %dma_start3A_81] : memref<4096x384xf32, #tpu.memory_space<hbm>> -> memref<64x384xf32, #tpu.memory_space<hbm>>
      tpu.enqueue_dma source(%arg12 : memref<64x384xf32, #tpu.memory_space<vmem>>) target(%dma_start3A_82 : memref<64x384xf32, #tpu.memory_space<hbm>>) target_semaphore(%run_scoped3A : memref<!tpu.dma_semaphore, #tpu.memory_space<semaphore_mem>>)
      %dma_wait3A_83 = arith.constant 0 : i32
      %dma_wait3A_84 = tpu.memref_slice %arg8[%add3A_22, %dma_wait3A_83] : memref<4096x384xf32, #tpu.memory_space<hbm>> -> memref<64x384xf32, #tpu.memory_space<hbm>>
      %dma_wait3A_85 = arith.constant 0 : i32
      %dma_wait3A_86 = tpu.memref_slice %arg8[%add3A_22, %dma_wait3A_85] : memref<4096x384xf32, #tpu.memory_space<hbm>> -> memref<64x384xf32, #tpu.memory_space<hbm>>
      tpu.wait_dma2 semaphore(%run_scoped3A : memref<!tpu.dma_semaphore, #tpu.memory_space<semaphore_mem>>) src(%arg12 : memref<64x384xf32, #tpu.memory_space<vmem>>) dst(%dma_wait3A_86 : memref<64x384xf32, #tpu.memory_space<hbm>>)
      tpu.yield
    }) : () -> ()
    %mul3A_29 = arith.constant 128 : i32
    %mul3A_30 = arith.muli %add3A, %mul3A_29 : i32
    %add3A_31 = arith.constant 64 : i32
    %add3A_32 = arith.addi %mul3A_30, %add3A_31 : i32
    "tpu.region"() ({
      %run_scoped3A = tpu.sem_alloc : memref<!tpu.dma_semaphore, #tpu.memory_space<semaphore_mem>>
      %dma_start3A_79 = tpu.memref_slice %arg4[%add3A_32] : memref<4096xi32, #tpu.memory_space<hbm>> -> memref<64xi32, #tpu.memory_space<hbm>>
      %dma_start3A_80 = tpu.memref_slice %arg4[%add3A_32] : memref<4096xi32, #tpu.memory_space<hbm>> -> memref<64xi32, #tpu.memory_space<hbm>>
      tpu.enqueue_dma source(%dma_start3A_80 : memref<64xi32, #tpu.memory_space<hbm>>) target(%arg11 : memref<64xi32, #tpu.memory_space<vmem>>) target_semaphore(%run_scoped3A : memref<!tpu.dma_semaphore, #tpu.memory_space<semaphore_mem>>)
      %dma_wait3A_81 = tpu.memref_slice %arg4[%add3A_32] : memref<4096xi32, #tpu.memory_space<hbm>> -> memref<64xi32, #tpu.memory_space<hbm>>
      %dma_wait3A_82 = tpu.memref_slice %arg4[%add3A_32] : memref<4096xi32, #tpu.memory_space<hbm>> -> memref<64xi32, #tpu.memory_space<hbm>>
      tpu.wait_dma2 semaphore(%run_scoped3A : memref<!tpu.dma_semaphore, #tpu.memory_space<semaphore_mem>>) src(%dma_wait3A_82 : memref<64xi32, #tpu.memory_space<hbm>>) dst(%arg11 : memref<64xi32, #tpu.memory_space<vmem>>)
      tpu.yield
    }) : () -> ()
    %dma_start3A_33 = arith.constant 0 : i32
    %dma_start3A_34 = arith.constant 0 : i32
    %dma_start3A_35 = tpu.memref_slice %arg2[%dma_start3A_33, %dma_start3A_34] : memref<4000x384xf32, #tpu.memory_space<hbm>> -> memref<4000x384xf32, #tpu.memory_space<hbm>>
    tpu.enqueue_indirect_dma source(%dma_start3A_35 : memref<4000x384xf32, #tpu.memory_space<hbm>>) target(%arg12 : memref<64x384xf32, #tpu.memory_space<vmem>>) offsets(%arg11 : memref<64xi32, #tpu.memory_space<vmem>>) semaphore(%arg13 : memref<!tpu.dma_semaphore, #tpu.memory_space<semaphore_mem>>)
    %dma_wait3A_36 = arith.constant 0 : i32
    %dma_wait3A_37 = arith.constant 0 : i32
    %dma_wait3A_38 = tpu.memref_slice %arg2[%dma_wait3A_36, %dma_wait3A_37] : memref<4000x384xf32, #tpu.memory_space<hbm>> -> memref<4000x384xf32, #tpu.memory_space<hbm>>
    tpu.wait_indirect_dma semaphore(%arg13 : memref<!tpu.dma_semaphore, #tpu.memory_space<semaphore_mem>>) src(%dma_wait3A_38 : memref<4000x384xf32, #tpu.memory_space<hbm>>) dst(%arg12 : memref<64x384xf32, #tpu.memory_space<vmem>>)
    "tpu.region"() ({
      %run_scoped3A = tpu.sem_alloc : memref<!tpu.dma_semaphore, #tpu.memory_space<semaphore_mem>>
      %dma_start3A_79 = arith.constant 0 : i32
      %dma_start3A_80 = tpu.memref_slice %arg8[%add3A_32, %dma_start3A_79] : memref<4096x384xf32, #tpu.memory_space<hbm>> -> memref<64x384xf32, #tpu.memory_space<hbm>>
      %dma_start3A_81 = arith.constant 0 : i32
      %dma_start3A_82 = tpu.memref_slice %arg8[%add3A_32, %dma_start3A_81] : memref<4096x384xf32, #tpu.memory_space<hbm>> -> memref<64x384xf32, #tpu.memory_space<hbm>>
      tpu.enqueue_dma source(%arg12 : memref<64x384xf32, #tpu.memory_space<vmem>>) target(%dma_start3A_82 : memref<64x384xf32, #tpu.memory_space<hbm>>) target_semaphore(%run_scoped3A : memref<!tpu.dma_semaphore, #tpu.memory_space<semaphore_mem>>)
      %dma_wait3A_83 = arith.constant 0 : i32
      %dma_wait3A_84 = tpu.memref_slice %arg8[%add3A_32, %dma_wait3A_83] : memref<4096x384xf32, #tpu.memory_space<hbm>> -> memref<64x384xf32, #tpu.memory_space<hbm>>
      %dma_wait3A_85 = arith.constant 0 : i32
      %dma_wait3A_86 = tpu.memref_slice %arg8[%add3A_32, %dma_wait3A_85] : memref<4096x384xf32, #tpu.memory_space<hbm>> -> memref<64x384xf32, #tpu.memory_space<hbm>>
      tpu.wait_dma2 semaphore(%run_scoped3A : memref<!tpu.dma_semaphore, #tpu.memory_space<semaphore_mem>>) src(%arg12 : memref<64x384xf32, #tpu.memory_space<vmem>>) dst(%dma_wait3A_86 : memref<64x384xf32, #tpu.memory_space<hbm>>)
      tpu.yield
    }) : () -> ()
    %mul3A_39 = arith.constant 128 : i32
    %mul3A_40 = arith.muli %add3A, %mul3A_39 : i32
    %add3A_41 = arith.constant 0 : i32
    %add3A_42 = arith.addi %mul3A_40, %add3A_41 : i32
    "tpu.region"() ({
      %run_scoped3A = tpu.sem_alloc : memref<!tpu.dma_semaphore, #tpu.memory_space<semaphore_mem>>
      %dma_start3A_79 = tpu.memref_slice %arg5[%add3A_42] : memref<4096xi32, #tpu.memory_space<hbm>> -> memref<64xi32, #tpu.memory_space<hbm>>
      %dma_start3A_80 = tpu.memref_slice %arg5[%add3A_42] : memref<4096xi32, #tpu.memory_space<hbm>> -> memref<64xi32, #tpu.memory_space<hbm>>
      tpu.enqueue_dma source(%dma_start3A_80 : memref<64xi32, #tpu.memory_space<hbm>>) target(%arg11 : memref<64xi32, #tpu.memory_space<vmem>>) target_semaphore(%run_scoped3A : memref<!tpu.dma_semaphore, #tpu.memory_space<semaphore_mem>>)
      %dma_wait3A_81 = tpu.memref_slice %arg5[%add3A_42] : memref<4096xi32, #tpu.memory_space<hbm>> -> memref<64xi32, #tpu.memory_space<hbm>>
      %dma_wait3A_82 = tpu.memref_slice %arg5[%add3A_42] : memref<4096xi32, #tpu.memory_space<hbm>> -> memref<64xi32, #tpu.memory_space<hbm>>
      tpu.wait_dma2 semaphore(%run_scoped3A : memref<!tpu.dma_semaphore, #tpu.memory_space<semaphore_mem>>) src(%dma_wait3A_82 : memref<64xi32, #tpu.memory_space<hbm>>) dst(%arg11 : memref<64xi32, #tpu.memory_space<vmem>>)
      tpu.yield
    }) : () -> ()
    %dma_start3A_43 = arith.constant 0 : i32
    %dma_start3A_44 = arith.constant 0 : i32
    %dma_start3A_45 = tpu.memref_slice %arg2[%dma_start3A_43, %dma_start3A_44] : memref<4000x384xf32, #tpu.memory_space<hbm>> -> memref<4000x384xf32, #tpu.memory_space<hbm>>
    tpu.enqueue_indirect_dma source(%dma_start3A_45 : memref<4000x384xf32, #tpu.memory_space<hbm>>) target(%arg12 : memref<64x384xf32, #tpu.memory_space<vmem>>) offsets(%arg11 : memref<64xi32, #tpu.memory_space<vmem>>) semaphore(%arg13 : memref<!tpu.dma_semaphore, #tpu.memory_space<semaphore_mem>>)
    %dma_wait3A_46 = arith.constant 0 : i32
    %dma_wait3A_47 = arith.constant 0 : i32
    %dma_wait3A_48 = tpu.memref_slice %arg2[%dma_wait3A_46, %dma_wait3A_47] : memref<4000x384xf32, #tpu.memory_space<hbm>> -> memref<4000x384xf32, #tpu.memory_space<hbm>>
    tpu.wait_indirect_dma semaphore(%arg13 : memref<!tpu.dma_semaphore, #tpu.memory_space<semaphore_mem>>) src(%dma_wait3A_48 : memref<4000x384xf32, #tpu.memory_space<hbm>>) dst(%arg12 : memref<64x384xf32, #tpu.memory_space<vmem>>)
    "tpu.region"() ({
      %run_scoped3A = tpu.sem_alloc : memref<!tpu.dma_semaphore, #tpu.memory_space<semaphore_mem>>
      %dma_start3A_79 = arith.constant 0 : i32
      %dma_start3A_80 = tpu.memref_slice %arg9[%add3A_42, %dma_start3A_79] : memref<4096x384xf32, #tpu.memory_space<hbm>> -> memref<64x384xf32, #tpu.memory_space<hbm>>
      %dma_start3A_81 = arith.constant 0 : i32
      %dma_start3A_82 = tpu.memref_slice %arg9[%add3A_42, %dma_start3A_81] : memref<4096x384xf32, #tpu.memory_space<hbm>> -> memref<64x384xf32, #tpu.memory_space<hbm>>
      tpu.enqueue_dma source(%arg12 : memref<64x384xf32, #tpu.memory_space<vmem>>) target(%dma_start3A_82 : memref<64x384xf32, #tpu.memory_space<hbm>>) target_semaphore(%run_scoped3A : memref<!tpu.dma_semaphore, #tpu.memory_space<semaphore_mem>>)
      %dma_wait3A_83 = arith.constant 0 : i32
      %dma_wait3A_84 = tpu.memref_slice %arg9[%add3A_42, %dma_wait3A_83] : memref<4096x384xf32, #tpu.memory_space<hbm>> -> memref<64x384xf32, #tpu.memory_space<hbm>>
      %dma_wait3A_85 = arith.constant 0 : i32
      %dma_wait3A_86 = tpu.memref_slice %arg9[%add3A_42, %dma_wait3A_85] : memref<4096x384xf32, #tpu.memory_space<hbm>> -> memref<64x384xf32, #tpu.memory_space<hbm>>
      tpu.wait_dma2 semaphore(%run_scoped3A : memref<!tpu.dma_semaphore, #tpu.memory_space<semaphore_mem>>) src(%arg12 : memref<64x384xf32, #tpu.memory_space<vmem>>) dst(%dma_wait3A_86 : memref<64x384xf32, #tpu.memory_space<hbm>>)
      tpu.yield
    }) : () -> ()
    %mul3A_49 = arith.constant 128 : i32
    %mul3A_50 = arith.muli %add3A, %mul3A_49 : i32
    %add3A_51 = arith.constant 64 : i32
    %add3A_52 = arith.addi %mul3A_50, %add3A_51 : i32
    "tpu.region"() ({
      %run_scoped3A = tpu.sem_alloc : memref<!tpu.dma_semaphore, #tpu.memory_space<semaphore_mem>>
      %dma_start3A_79 = tpu.memref_slice %arg5[%add3A_52] : memref<4096xi32, #tpu.memory_space<hbm>> -> memref<64xi32, #tpu.memory_space<hbm>>
      %dma_start3A_80 = tpu.memref_slice %arg5[%add3A_52] : memref<4096xi32, #tpu.memory_space<hbm>> -> memref<64xi32, #tpu.memory_space<hbm>>
      tpu.enqueue_dma source(%dma_start3A_80 : memref<64xi32, #tpu.memory_space<hbm>>) target(%arg11 : memref<64xi32, #tpu.memory_space<vmem>>) target_semaphore(%run_scoped3A : memref<!tpu.dma_semaphore, #tpu.memory_space<semaphore_mem>>)
      %dma_wait3A_81 = tpu.memref_slice %arg5[%add3A_52] : memref<4096xi32, #tpu.memory_space<hbm>> -> memref<64xi32, #tpu.memory_space<hbm>>
      %dma_wait3A_82 = tpu.memref_slice %arg5[%add3A_52] : memref<4096xi32, #tpu.memory_space<hbm>> -> memref<64xi32, #tpu.memory_space<hbm>>
      tpu.wait_dma2 semaphore(%run_scoped3A : memref<!tpu.dma_semaphore, #tpu.memory_space<semaphore_mem>>) src(%dma_wait3A_82 : memref<64xi32, #tpu.memory_space<hbm>>) dst(%arg11 : memref<64xi32, #tpu.memory_space<vmem>>)
      tpu.yield
    }) : () -> ()
    %dma_start3A_53 = arith.constant 0 : i32
    %dma_start3A_54 = arith.constant 0 : i32
    %dma_start3A_55 = tpu.memref_slice %arg2[%dma_start3A_53, %dma_start3A_54] : memref<4000x384xf32, #tpu.memory_space<hbm>> -> memref<4000x384xf32, #tpu.memory_space<hbm>>
    tpu.enqueue_indirect_dma source(%dma_start3A_55 : memref<4000x384xf32, #tpu.memory_space<hbm>>) target(%arg12 : memref<64x384xf32, #tpu.memory_space<vmem>>) offsets(%arg11 : memref<64xi32, #tpu.memory_space<vmem>>) semaphore(%arg13 : memref<!tpu.dma_semaphore, #tpu.memory_space<semaphore_mem>>)
    %dma_wait3A_56 = arith.constant 0 : i32
    %dma_wait3A_57 = arith.constant 0 : i32
    %dma_wait3A_58 = tpu.memref_slice %arg2[%dma_wait3A_56, %dma_wait3A_57] : memref<4000x384xf32, #tpu.memory_space<hbm>> -> memref<4000x384xf32, #tpu.memory_space<hbm>>
    tpu.wait_indirect_dma semaphore(%arg13 : memref<!tpu.dma_semaphore, #tpu.memory_space<semaphore_mem>>) src(%dma_wait3A_58 : memref<4000x384xf32, #tpu.memory_space<hbm>>) dst(%arg12 : memref<64x384xf32, #tpu.memory_space<vmem>>)
    "tpu.region"() ({
      %run_scoped3A = tpu.sem_alloc : memref<!tpu.dma_semaphore, #tpu.memory_space<semaphore_mem>>
      %dma_start3A_79 = arith.constant 0 : i32
      %dma_start3A_80 = tpu.memref_slice %arg9[%add3A_52, %dma_start3A_79] : memref<4096x384xf32, #tpu.memory_space<hbm>> -> memref<64x384xf32, #tpu.memory_space<hbm>>
      %dma_start3A_81 = arith.constant 0 : i32
      %dma_start3A_82 = tpu.memref_slice %arg9[%add3A_52, %dma_start3A_81] : memref<4096x384xf32, #tpu.memory_space<hbm>> -> memref<64x384xf32, #tpu.memory_space<hbm>>
      tpu.enqueue_dma source(%arg12 : memref<64x384xf32, #tpu.memory_space<vmem>>) target(%dma_start3A_82 : memref<64x384xf32, #tpu.memory_space<hbm>>) target_semaphore(%run_scoped3A : memref<!tpu.dma_semaphore, #tpu.memory_space<semaphore_mem>>)
      %dma_wait3A_83 = arith.constant 0 : i32
      %dma_wait3A_84 = tpu.memref_slice %arg9[%add3A_52, %dma_wait3A_83] : memref<4096x384xf32, #tpu.memory_space<hbm>> -> memref<64x384xf32, #tpu.memory_space<hbm>>
      %dma_wait3A_85 = arith.constant 0 : i32
      %dma_wait3A_86 = tpu.memref_slice %arg9[%add3A_52, %dma_wait3A_85] : memref<4096x384xf32, #tpu.memory_space<hbm>> -> memref<64x384xf32, #tpu.memory_space<hbm>>
      tpu.wait_dma2 semaphore(%run_scoped3A : memref<!tpu.dma_semaphore, #tpu.memory_space<semaphore_mem>>) src(%arg12 : memref<64x384xf32, #tpu.memory_space<vmem>>) dst(%dma_wait3A_86 : memref<64x384xf32, #tpu.memory_space<hbm>>)
      tpu.yield
    }) : () -> ()
    %mul3A_59 = arith.constant 128 : i32
    %mul3A_60 = arith.muli %add3A, %mul3A_59 : i32
    %add3A_61 = arith.constant 0 : i32
    %add3A_62 = arith.addi %mul3A_60, %add3A_61 : i32
    "tpu.region"() ({
      %run_scoped3A = tpu.sem_alloc : memref<!tpu.dma_semaphore, #tpu.memory_space<semaphore_mem>>
      %dma_start3A_79 = tpu.memref_slice %arg6[%add3A_62] : memref<4096xi32, #tpu.memory_space<hbm>> -> memref<64xi32, #tpu.memory_space<hbm>>
      %dma_start3A_80 = tpu.memref_slice %arg6[%add3A_62] : memref<4096xi32, #tpu.memory_space<hbm>> -> memref<64xi32, #tpu.memory_space<hbm>>
      tpu.enqueue_dma source(%dma_start3A_80 : memref<64xi32, #tpu.memory_space<hbm>>) target(%arg11 : memref<64xi32, #tpu.memory_space<vmem>>) target_semaphore(%run_scoped3A : memref<!tpu.dma_semaphore, #tpu.memory_space<semaphore_mem>>)
      %dma_wait3A_81 = tpu.memref_slice %arg6[%add3A_62] : memref<4096xi32, #tpu.memory_space<hbm>> -> memref<64xi32, #tpu.memory_space<hbm>>
      %dma_wait3A_82 = tpu.memref_slice %arg6[%add3A_62] : memref<4096xi32, #tpu.memory_space<hbm>> -> memref<64xi32, #tpu.memory_space<hbm>>
      tpu.wait_dma2 semaphore(%run_scoped3A : memref<!tpu.dma_semaphore, #tpu.memory_space<semaphore_mem>>) src(%dma_wait3A_82 : memref<64xi32, #tpu.memory_space<hbm>>) dst(%arg11 : memref<64xi32, #tpu.memory_space<vmem>>)
      tpu.yield
    }) : () -> ()
    %dma_start3A_63 = arith.constant 0 : i32
    %dma_start3A_64 = arith.constant 0 : i32
    %dma_start3A_65 = tpu.memref_slice %arg2[%dma_start3A_63, %dma_start3A_64] : memref<4000x384xf32, #tpu.memory_space<hbm>> -> memref<4000x384xf32, #tpu.memory_space<hbm>>
    tpu.enqueue_indirect_dma source(%dma_start3A_65 : memref<4000x384xf32, #tpu.memory_space<hbm>>) target(%arg12 : memref<64x384xf32, #tpu.memory_space<vmem>>) offsets(%arg11 : memref<64xi32, #tpu.memory_space<vmem>>) semaphore(%arg13 : memref<!tpu.dma_semaphore, #tpu.memory_space<semaphore_mem>>)
    %dma_wait3A_66 = arith.constant 0 : i32
    %dma_wait3A_67 = arith.constant 0 : i32
    %dma_wait3A_68 = tpu.memref_slice %arg2[%dma_wait3A_66, %dma_wait3A_67] : memref<4000x384xf32, #tpu.memory_space<hbm>> -> memref<4000x384xf32, #tpu.memory_space<hbm>>
    tpu.wait_indirect_dma semaphore(%arg13 : memref<!tpu.dma_semaphore, #tpu.memory_space<semaphore_mem>>) src(%dma_wait3A_68 : memref<4000x384xf32, #tpu.memory_space<hbm>>) dst(%arg12 : memref<64x384xf32, #tpu.memory_space<vmem>>)
    "tpu.region"() ({
      %run_scoped3A = tpu.sem_alloc : memref<!tpu.dma_semaphore, #tpu.memory_space<semaphore_mem>>
      %dma_start3A_79 = arith.constant 0 : i32
      %dma_start3A_80 = tpu.memref_slice %arg10[%add3A_62, %dma_start3A_79] : memref<4096x384xf32, #tpu.memory_space<hbm>> -> memref<64x384xf32, #tpu.memory_space<hbm>>
      %dma_start3A_81 = arith.constant 0 : i32
      %dma_start3A_82 = tpu.memref_slice %arg10[%add3A_62, %dma_start3A_81] : memref<4096x384xf32, #tpu.memory_space<hbm>> -> memref<64x384xf32, #tpu.memory_space<hbm>>
      tpu.enqueue_dma source(%arg12 : memref<64x384xf32, #tpu.memory_space<vmem>>) target(%dma_start3A_82 : memref<64x384xf32, #tpu.memory_space<hbm>>) target_semaphore(%run_scoped3A : memref<!tpu.dma_semaphore, #tpu.memory_space<semaphore_mem>>)
      %dma_wait3A_83 = arith.constant 0 : i32
      %dma_wait3A_84 = tpu.memref_slice %arg10[%add3A_62, %dma_wait3A_83] : memref<4096x384xf32, #tpu.memory_space<hbm>> -> memref<64x384xf32, #tpu.memory_space<hbm>>
      %dma_wait3A_85 = arith.constant 0 : i32
      %dma_wait3A_86 = tpu.memref_slice %arg10[%add3A_62, %dma_wait3A_85] : memref<4096x384xf32, #tpu.memory_space<hbm>> -> memref<64x384xf32, #tpu.memory_space<hbm>>
      tpu.wait_dma2 semaphore(%run_scoped3A : memref<!tpu.dma_semaphore, #tpu.memory_space<semaphore_mem>>) src(%arg12 : memref<64x384xf32, #tpu.memory_space<vmem>>) dst(%dma_wait3A_86 : memref<64x384xf32, #tpu.memory_space<hbm>>)
      tpu.yield
    }) : () -> ()
    %mul3A_69 = arith.constant 128 : i32
    %mul3A_70 = arith.muli %add3A, %mul3A_69 : i32
    %add3A_71 = arith.constant 64 : i32
    %add3A_72 = arith.addi %mul3A_70, %add3A_71 : i32
    "tpu.region"() ({
      %run_scoped3A = tpu.sem_alloc : memref<!tpu.dma_semaphore, #tpu.memory_space<semaphore_mem>>
      %dma_start3A_79 = tpu.memref_slice %arg6[%add3A_72] : memref<4096xi32, #tpu.memory_space<hbm>> -> memref<64xi32, #tpu.memory_space<hbm>>
      %dma_start3A_80 = tpu.memref_slice %arg6[%add3A_72] : memref<4096xi32, #tpu.memory_space<hbm>> -> memref<64xi32, #tpu.memory_space<hbm>>
      tpu.enqueue_dma source(%dma_start3A_80 : memref<64xi32, #tpu.memory_space<hbm>>) target(%arg11 : memref<64xi32, #tpu.memory_space<vmem>>) target_semaphore(%run_scoped3A : memref<!tpu.dma_semaphore, #tpu.memory_space<semaphore_mem>>)
      %dma_wait3A_81 = tpu.memref_slice %arg6[%add3A_72] : memref<4096xi32, #tpu.memory_space<hbm>> -> memref<64xi32, #tpu.memory_space<hbm>>
      %dma_wait3A_82 = tpu.memref_slice %arg6[%add3A_72] : memref<4096xi32, #tpu.memory_space<hbm>> -> memref<64xi32, #tpu.memory_space<hbm>>
      tpu.wait_dma2 semaphore(%run_scoped3A : memref<!tpu.dma_semaphore, #tpu.memory_space<semaphore_mem>>) src(%dma_wait3A_82 : memref<64xi32, #tpu.memory_space<hbm>>) dst(%arg11 : memref<64xi32, #tpu.memory_space<vmem>>)
      tpu.yield
    }) : () -> ()
    %dma_start3A_73 = arith.constant 0 : i32
    %dma_start3A_74 = arith.constant 0 : i32
    %dma_start3A_75 = tpu.memref_slice %arg2[%dma_start3A_73, %dma_start3A_74] : memref<4000x384xf32, #tpu.memory_space<hbm>> -> memref<4000x384xf32, #tpu.memory_space<hbm>>
    tpu.enqueue_indirect_dma source(%dma_start3A_75 : memref<4000x384xf32, #tpu.memory_space<hbm>>) target(%arg12 : memref<64x384xf32, #tpu.memory_space<vmem>>) offsets(%arg11 : memref<64xi32, #tpu.memory_space<vmem>>) semaphore(%arg13 : memref<!tpu.dma_semaphore, #tpu.memory_space<semaphore_mem>>)
    %dma_wait3A_76 = arith.constant 0 : i32
    %dma_wait3A_77 = arith.constant 0 : i32
    %dma_wait3A_78 = tpu.memref_slice %arg2[%dma_wait3A_76, %dma_wait3A_77] : memref<4000x384xf32, #tpu.memory_space<hbm>> -> memref<4000x384xf32, #tpu.memory_space<hbm>>
    tpu.wait_indirect_dma semaphore(%arg13 : memref<!tpu.dma_semaphore, #tpu.memory_space<semaphore_mem>>) src(%dma_wait3A_78 : memref<4000x384xf32, #tpu.memory_space<hbm>>) dst(%arg12 : memref<64x384xf32, #tpu.memory_space<vmem>>)
    "tpu.region"() ({
      %run_scoped3A = tpu.sem_alloc : memref<!tpu.dma_semaphore, #tpu.memory_space<semaphore_mem>>
      %dma_start3A_79 = arith.constant 0 : i32
      %dma_start3A_80 = tpu.memref_slice %arg10[%add3A_72, %dma_start3A_79] : memref<4096x384xf32, #tpu.memory_space<hbm>> -> memref<64x384xf32, #tpu.memory_space<hbm>>
      %dma_start3A_81 = arith.constant 0 : i32
      %dma_start3A_82 = tpu.memref_slice %arg10[%add3A_72, %dma_start3A_81] : memref<4096x384xf32, #tpu.memory_space<hbm>> -> memref<64x384xf32, #tpu.memory_space<hbm>>
      tpu.enqueue_dma source(%arg12 : memref<64x384xf32, #tpu.memory_space<vmem>>) target(%dma_start3A_82 : memref<64x384xf32, #tpu.memory_space<hbm>>) target_semaphore(%run_scoped3A : memref<!tpu.dma_semaphore, #tpu.memory_space<semaphore_mem>>)
      %dma_wait3A_83 = arith.constant 0 : i32
      %dma_wait3A_84 = tpu.memref_slice %arg10[%add3A_72, %dma_wait3A_83] : memref<4096x384xf32, #tpu.memory_space<hbm>> -> memref<64x384xf32, #tpu.memory_space<hbm>>
      %dma_wait3A_85 = arith.constant 0 : i32
      %dma_wait3A_86 = tpu.memref_slice %arg10[%add3A_72, %dma_wait3A_85] : memref<4096x384xf32, #tpu.memory_space<hbm>> -> memref<64x384xf32, #tpu.memory_space<hbm>>
      tpu.wait_dma2 semaphore(%run_scoped3A : memref<!tpu.dma_semaphore, #tpu.memory_space<semaphore_mem>>) src(%arg12 : memref<64x384xf32, #tpu.memory_space<vmem>>) dst(%dma_wait3A_86 : memref<64x384xf32, #tpu.memory_space<hbm>>)
      tpu.yield
    }) : () -> ()
    return
  }
}

#map = affine_map<(d0, d1) -> (0, 0)>
#map1 = affine_map<(d0, d1) -> (0)>
module attributes {stable_mosaic.version = 14 : i64} {
  func.func @seg(%arg0: i32, %arg1: i32, %arg2: memref<16000x128xf32, #tpu.memory_space<hbm>>, %arg3: memref<16000x128xf32, #tpu.memory_space<hbm>>, %arg4: memref<64000xi32, #tpu.memory_space<hbm>>, %arg5: memref<64000xi32, #tpu.memory_space<hbm>>, %arg6: memref<128x128xf32, #tpu.memory_space<hbm>>, %arg7: memref<4000x128xf32, #tpu.memory_space<hbm>>, %arg8: memref<4000x128xf32, #tpu.memory_space<hbm>>, %arg9: memref<160xi32, #tpu.memory_space<vmem>>, %arg10: memref<80xi32, #tpu.memory_space<vmem>>, %arg11: memref<80xi32, #tpu.memory_space<vmem>>, %arg12: memref<2x80x128xf32, #tpu.memory_space<vmem>>, %arg13: memref<2008x128xf32, #tpu.memory_space<vmem_shared>>, %arg14: memref<!tpu.dma_semaphore, #tpu.memory_space<semaphore_mem>>, %arg15: memref<!tpu.dma_semaphore, #tpu.memory_space<semaphore_mem>>, %arg16: memref<!tpu.dma_semaphore, #tpu.memory_space<semaphore_mem>>) attributes {dimension_semantics = [#tpu.dimension_semantics<core_parallel>, #tpu.dimension_semantics<subcore_parallel>], iteration_bounds = array<i64: 2, 16>, scalar_prefetch = 0 : i64, scratch_operands = 8 : i64, tpu.core_type = #tpu.core_type<sc_vector_subcore>, window_params = [{transform_indices = #map}, {transform_indices = #map}, {transform_indices = #map1}, {transform_indices = #map1}, {transform_indices = #map}, {transform_indices = #map}, {transform_indices = #map}]} {
    %mul3A = arith.constant 2000 : i32
    %mul3A_0 = arith.muli %arg0, %mul3A : i32
    %mul3A_1 = arith.constant 2000 : i32
    %mul3A_2 = arith.muli %arg0, %mul3A_1 : i32
    %add3A = arith.constant 0 : i32
    %add3A_3 = arith.addi %arg1, %add3A : i32
    %lt3A = arith.constant 15 : i32
    %lt3A_4 = arith.cmpi slt, %add3A_3, %lt3A : i32
    %convert_element_type3A = arith.extui %lt3A_4 : i1 to i32
    %cond3A = arith.constant 0 : i32
    %cond3A_5 = arith.cmpi ne, %convert_element_type3A, %cond3A : i32
    scf.if %cond3A_5 {
      %add3A_75 = arith.constant 0 : i32
      %add3A_76 = arith.addi %arg1, %add3A_75 : i32
      %mul3A_77 = arith.constant 128 : i32
      %mul3A_78 = arith.muli %add3A_76, %mul3A_77 : i32
      "tpu.region"() ({
        %run_scoped3A = tpu.sem_alloc : memref<!tpu.dma_semaphore, #tpu.memory_space<semaphore_mem>>
        %dma_start3A = arith.constant 0 : i32
        %dma_start3A_79 = tpu.memref_slice %arg13[%mul3A_78, %dma_start3A] : memref<2008x128xf32, #tpu.memory_space<vmem_shared>> -> memref<128x128xf32, #tpu.memory_space<vmem_shared>>
        %dma_start3A_80 = arith.constant 0 : i32
        %dma_start3A_81 = arith.constant 0 : i32
        %dma_start3A_82 = tpu.memref_slice %arg6[%dma_start3A_80, %dma_start3A_81] : memref<128x128xf32, #tpu.memory_space<hbm>> -> memref<128x128xf32, #tpu.memory_space<hbm>>
        tpu.enqueue_dma source(%dma_start3A_82 : memref<128x128xf32, #tpu.memory_space<hbm>>) target(%dma_start3A_79 : memref<128x128xf32, #tpu.memory_space<vmem_shared>>) target_semaphore(%run_scoped3A : memref<!tpu.dma_semaphore, #tpu.memory_space<semaphore_mem>>)
        %dma_wait3A = arith.constant 0 : i32
        %dma_wait3A_83 = tpu.memref_slice %arg13[%mul3A_78, %dma_wait3A] : memref<2008x128xf32, #tpu.memory_space<vmem_shared>> -> memref<128x128xf32, #tpu.memory_space<vmem_shared>>
        %dma_wait3A_84 = arith.constant 0 : i32
        %dma_wait3A_85 = arith.constant 0 : i32
        %dma_wait3A_86 = tpu.memref_slice %arg6[%dma_wait3A_84, %dma_wait3A_85] : memref<128x128xf32, #tpu.memory_space<hbm>> -> memref<128x128xf32, #tpu.memory_space<hbm>>
        tpu.wait_dma2 semaphore(%run_scoped3A : memref<!tpu.dma_semaphore, #tpu.memory_space<semaphore_mem>>) src(%dma_wait3A_86 : memref<128x128xf32, #tpu.memory_space<hbm>>) dst(%dma_wait3A_83 : memref<128x128xf32, #tpu.memory_space<vmem_shared>>)
        tpu.yield
      }) : () -> ()
    } else {
    }
    %add3A_6 = arith.constant 0 : i32
    %add3A_7 = arith.addi %arg1, %add3A_6 : i32
    %eq3A = arith.constant 15 : i32
    %eq3A_8 = arith.cmpi eq, %add3A_7, %eq3A : i32
    %convert_element_type3A_9 = arith.extui %eq3A_8 : i1 to i32
    %cond3A_10 = arith.constant 0 : i32
    %cond3A_11 = arith.cmpi ne, %convert_element_type3A_9, %cond3A_10 : i32
    scf.if %cond3A_11 {
      "tpu.region"() ({
        %run_scoped3A = tpu.sem_alloc : memref<!tpu.dma_semaphore, #tpu.memory_space<semaphore_mem>>
        %dma_start3A = arith.constant 1920 : i32
        %dma_start3A_75 = arith.constant 0 : i32
        %dma_start3A_76 = tpu.memref_slice %arg13[%dma_start3A, %dma_start3A_75] : memref<2008x128xf32, #tpu.memory_space<vmem_shared>> -> memref<88x128xf32, #tpu.memory_space<vmem_shared>>
        %dma_start3A_77 = arith.constant 0 : i32
        %dma_start3A_78 = arith.constant 0 : i32
        %dma_start3A_79 = tpu.memref_slice %arg6[%dma_start3A_77, %dma_start3A_78] : memref<128x128xf32, #tpu.memory_space<hbm>> -> memref<88x128xf32, #tpu.memory_space<hbm>>
        tpu.enqueue_dma source(%dma_start3A_79 : memref<88x128xf32, #tpu.memory_space<hbm>>) target(%dma_start3A_76 : memref<88x128xf32, #tpu.memory_space<vmem_shared>>) target_semaphore(%run_scoped3A : memref<!tpu.dma_semaphore, #tpu.memory_space<semaphore_mem>>)
        %dma_wait3A = arith.constant 1920 : i32
        %dma_wait3A_80 = arith.constant 0 : i32
        %dma_wait3A_81 = tpu.memref_slice %arg13[%dma_wait3A, %dma_wait3A_80] : memref<2008x128xf32, #tpu.memory_space<vmem_shared>> -> memref<88x128xf32, #tpu.memory_space<vmem_shared>>
        %dma_wait3A_82 = arith.constant 0 : i32
        %dma_wait3A_83 = arith.constant 0 : i32
        %dma_wait3A_84 = tpu.memref_slice %arg6[%dma_wait3A_82, %dma_wait3A_83] : memref<128x128xf32, #tpu.memory_space<hbm>> -> memref<88x128xf32, #tpu.memory_space<hbm>>
        tpu.wait_dma2 semaphore(%run_scoped3A : memref<!tpu.dma_semaphore, #tpu.memory_space<semaphore_mem>>) src(%dma_wait3A_84 : memref<88x128xf32, #tpu.memory_space<hbm>>) dst(%dma_wait3A_81 : memref<88x128xf32, #tpu.memory_space<vmem_shared>>)
        tpu.yield
      }) : () -> ()
    } else {
    }
    %barrier3A = arith.constant 0 : index
    tpu.barrier barrier_id(%barrier3A)
    %mul3A_12 = arith.constant 4000 : i32
    %mul3A_13 = arith.muli %arg1, %mul3A_12 : i32
    %scan3A = arith.constant 0 : i32
    %scan3A_14 = arith.constant 0 : i32
    %scan3A_15 = arith.constant 25 : i32
    %scan3A_16 = arith.addi %scan3A_14, %scan3A_15 : i32
    %scan3A_17 = arith.constant 1 : i32
    %scan3A_18 = scf.for %scan3A_75 = %scan3A_14 to %scan3A_16 step %scan3A_17 iter_args(%scan3A_76 = %scan3A) -> (i32)  : i32 {
      %mul3A_77 = arith.constant 2 : i32
      %mul3A_78 = arith.muli %scan3A_75, %mul3A_77 : i32
      %mul3A_79 = arith.constant 80 : i32
      %mul3A_80 = arith.muli %mul3A_78, %mul3A_79 : i32
      %add3A_81 = arith.addi %mul3A_13, %mul3A_80 : i32
      %dma_start3A = tpu.memref_slice %arg4[%add3A_81] : memref<64000xi32, #tpu.memory_space<hbm>> -> memref<160xi32, #tpu.memory_space<hbm>>
      %dma_start3A_82 = tpu.memref_slice %arg4[%add3A_81] : memref<64000xi32, #tpu.memory_space<hbm>> -> memref<160xi32, #tpu.memory_space<hbm>>
      tpu.enqueue_dma source(%dma_start3A_82 : memref<160xi32, #tpu.memory_space<hbm>>) target(%arg9 : memref<160xi32, #tpu.memory_space<vmem>>) target_semaphore(%arg14 : memref<!tpu.dma_semaphore, #tpu.memory_space<semaphore_mem>>)
      %add3A_83 = arith.constant 0 : i32
      %add3A_84 = arith.addi %add3A_81, %add3A_83 : i32
      %dma_start3A_85 = tpu.memref_slice %arg5[%add3A_84] : memref<64000xi32, #tpu.memory_space<hbm>> -> memref<80xi32, #tpu.memory_space<hbm>>
      %dma_start3A_86 = tpu.memref_slice %arg5[%add3A_84] : memref<64000xi32, #tpu.memory_space<hbm>> -> memref<80xi32, #tpu.memory_space<hbm>>
      tpu.enqueue_dma source(%dma_start3A_86 : memref<80xi32, #tpu.memory_space<hbm>>) target(%arg10 : memref<80xi32, #tpu.memory_space<vmem>>) target_semaphore(%arg14 : memref<!tpu.dma_semaphore, #tpu.memory_space<semaphore_mem>>)
      %add3A_87 = arith.constant 80 : i32
      %add3A_88 = arith.addi %add3A_81, %add3A_87 : i32
      %dma_start3A_89 = tpu.memref_slice %arg5[%add3A_88] : memref<64000xi32, #tpu.memory_space<hbm>> -> memref<80xi32, #tpu.memory_space<hbm>>
      %dma_start3A_90 = tpu.memref_slice %arg5[%add3A_88] : memref<64000xi32, #tpu.memory_space<hbm>> -> memref<80xi32, #tpu.memory_space<hbm>>
      tpu.enqueue_dma source(%dma_start3A_90 : memref<80xi32, #tpu.memory_space<hbm>>) target(%arg11 : memref<80xi32, #tpu.memory_space<vmem>>) target_semaphore(%arg14 : memref<!tpu.dma_semaphore, #tpu.memory_space<semaphore_mem>>)
      %dma_wait3A = tpu.memref_slice %arg4[%add3A_81] : memref<64000xi32, #tpu.memory_space<hbm>> -> memref<160xi32, #tpu.memory_space<hbm>>
      %dma_wait3A_91 = tpu.memref_slice %arg4[%add3A_81] : memref<64000xi32, #tpu.memory_space<hbm>> -> memref<160xi32, #tpu.memory_space<hbm>>
      tpu.wait_dma2 semaphore(%arg14 : memref<!tpu.dma_semaphore, #tpu.memory_space<semaphore_mem>>) src(%dma_wait3A_91 : memref<160xi32, #tpu.memory_space<hbm>>) dst(%arg9 : memref<160xi32, #tpu.memory_space<vmem>>)
      %dma_wait3A_92 = tpu.memref_slice %arg5[%add3A_84] : memref<64000xi32, #tpu.memory_space<hbm>> -> memref<80xi32, #tpu.memory_space<hbm>>
      %dma_wait3A_93 = tpu.memref_slice %arg5[%add3A_84] : memref<64000xi32, #tpu.memory_space<hbm>> -> memref<80xi32, #tpu.memory_space<hbm>>
      tpu.wait_dma2 semaphore(%arg14 : memref<!tpu.dma_semaphore, #tpu.memory_space<semaphore_mem>>) src(%dma_wait3A_93 : memref<80xi32, #tpu.memory_space<hbm>>) dst(%arg10 : memref<80xi32, #tpu.memory_space<vmem>>)
      %dma_wait3A_94 = tpu.memref_slice %arg5[%add3A_88] : memref<64000xi32, #tpu.memory_space<hbm>> -> memref<80xi32, #tpu.memory_space<hbm>>
      %dma_wait3A_95 = tpu.memref_slice %arg5[%add3A_88] : memref<64000xi32, #tpu.memory_space<hbm>> -> memref<80xi32, #tpu.memory_space<hbm>>
      tpu.wait_dma2 semaphore(%arg14 : memref<!tpu.dma_semaphore, #tpu.memory_space<semaphore_mem>>) src(%dma_wait3A_95 : memref<80xi32, #tpu.memory_space<hbm>>) dst(%arg11 : memref<80xi32, #tpu.memory_space<vmem>>)
      %get3A = arith.constant 0 : index
      %get3A_96 = tpu.vector_load %arg10[%get3A] {strides = array<i32>} : memref<80xi32, #tpu.memory_space<vmem>>, vector<16xi32>,
      %get3A_97 = vector.shape_cast %get3A_96 : vector<16xi32> to vector<16xi32>
      %sub3A = vector.broadcast %mul3A_0 : i32 to vector<16xi32>
      %sub3A_98 = arith.subi %get3A_97, %sub3A : vector<16xi32>
      %ge3A = arith.constant 0 : i32
      %ge3A_99 = vector.broadcast %ge3A : i32 to vector<16xi32>
      %ge3A_100 = arith.cmpi sge, %sub3A_98, %ge3A_99 : vector<16xi32>
      %lt3A_101 = arith.constant 2000 : i32
      %lt3A_102 = vector.broadcast %lt3A_101 : i32 to vector<16xi32>
      %lt3A_103 = arith.cmpi slt, %sub3A_98, %lt3A_102 : vector<16xi32>
      %and3A = arith.andi %ge3A_100, %lt3A_103 : vector<16xi1>
      %jit3A = arith.constant 2000 : i32
      %broadcast_in_dim3A = vector.broadcast %jit3A : i32 to vector<16xi32>
      %select_n3A = arith.select %and3A, %sub3A_98, %broadcast_in_dim3A : vector<16xi1>, vector<16xi32>
      %swap3A = arith.constant 0 : index
      %swap3A_104 = tpu.vector_load %arg10[%swap3A] {strides = array<i32>} : memref<80xi32, #tpu.memory_space<vmem>>, vector<16xi32>,
      %swap3A_105 = vector.shape_cast %swap3A_104 : vector<16xi32> to vector<16xi32>
      %swap3A_106 = vector.shape_cast %select_n3A : vector<16xi32> to vector<16xi32>
      tpu.vector_store %arg10[%swap3A], %swap3A_106 {strides = array<i32>} : memref<80xi32, #tpu.memory_space<vmem>>, vector<16xi32>,
      %get3A_107 = arith.constant 16 : index
      %get3A_108 = tpu.vector_load %arg10[%get3A_107] {strides = array<i32>} : memref<80xi32, #tpu.memory_space<vmem>>, vector<16xi32>,
      %get3A_109 = vector.shape_cast %get3A_108 : vector<16xi32> to vector<16xi32>
      %sub3A_110 = vector.broadcast %mul3A_0 : i32 to vector<16xi32>
      %sub3A_111 = arith.subi %get3A_109, %sub3A_110 : vector<16xi32>
      %ge3A_112 = arith.constant 0 : i32
      %ge3A_113 = vector.broadcast %ge3A_112 : i32 to vector<16xi32>
      %ge3A_114 = arith.cmpi sge, %sub3A_111, %ge3A_113 : vector<16xi32>
      %lt3A_115 = arith.constant 2000 : i32
      %lt3A_116 = vector.broadcast %lt3A_115 : i32 to vector<16xi32>
      %lt3A_117 = arith.cmpi slt, %sub3A_111, %lt3A_116 : vector<16xi32>
      %and3A_118 = arith.andi %ge3A_114, %lt3A_117 : vector<16xi1>
      %jit3A_119 = arith.constant 2000 : i32
      %broadcast_in_dim3A_120 = vector.broadcast %jit3A_119 : i32 to vector<16xi32>
      %select_n3A_121 = arith.select %and3A_118, %sub3A_111, %broadcast_in_dim3A_120 : vector<16xi1>, vector<16xi32>
      %swap3A_122 = arith.constant 16 : index
      %swap3A_123 = tpu.vector_load %arg10[%swap3A_122] {strides = array<i32>} : memref<80xi32, #tpu.memory_space<vmem>>, vector<16xi32>,
      %swap3A_124 = vector.shape_cast %swap3A_123 : vector<16xi32> to vector<16xi32>
      %swap3A_125 = vector.shape_cast %select_n3A_121 : vector<16xi32> to vector<16xi32>
      tpu.vector_store %arg10[%swap3A_122], %swap3A_125 {strides = array<i32>} : memref<80xi32, #tpu.memory_space<vmem>>, vector<16xi32>,
      %get3A_126 = arith.constant 32 : index
      %get3A_127 = tpu.vector_load %arg10[%get3A_126] {strides = array<i32>} : memref<80xi32, #tpu.memory_space<vmem>>, vector<16xi32>,
      %get3A_128 = vector.shape_cast %get3A_127 : vector<16xi32> to vector<16xi32>
      %sub3A_129 = vector.broadcast %mul3A_0 : i32 to vector<16xi32>
      %sub3A_130 = arith.subi %get3A_128, %sub3A_129 : vector<16xi32>
      %ge3A_131 = arith.constant 0 : i32
      %ge3A_132 = vector.broadcast %ge3A_131 : i32 to vector<16xi32>
      %ge3A_133 = arith.cmpi sge, %sub3A_130, %ge3A_132 : vector<16xi32>
      %lt3A_134 = arith.constant 2000 : i32
      %lt3A_135 = vector.broadcast %lt3A_134 : i32 to vector<16xi32>
      %lt3A_136 = arith.cmpi slt, %sub3A_130, %lt3A_135 : vector<16xi32>
      %and3A_137 = arith.andi %ge3A_133, %lt3A_136 : vector<16xi1>
      %jit3A_138 = arith.constant 2000 : i32
      %broadcast_in_dim3A_139 = vector.broadcast %jit3A_138 : i32 to vector<16xi32>
      %select_n3A_140 = arith.select %and3A_137, %sub3A_130, %broadcast_in_dim3A_139 : vector<16xi1>, vector<16xi32>
      %swap3A_141 = arith.constant 32 : index
      %swap3A_142 = tpu.vector_load %arg10[%swap3A_141] {strides = array<i32>} : memref<80xi32, #tpu.memory_space<vmem>>, vector<16xi32>,
      %swap3A_143 = vector.shape_cast %swap3A_142 : vector<16xi32> to vector<16xi32>
      %swap3A_144 = vector.shape_cast %select_n3A_140 : vector<16xi32> to vector<16xi32>
      tpu.vector_store %arg10[%swap3A_141], %swap3A_144 {strides = array<i32>} : memref<80xi32, #tpu.memory_space<vmem>>, vector<16xi32>,
      %get3A_145 = arith.constant 48 : index
      %get3A_146 = tpu.vector_load %arg10[%get3A_145] {strides = array<i32>} : memref<80xi32, #tpu.memory_space<vmem>>, vector<16xi32>,
      %get3A_147 = vector.shape_cast %get3A_146 : vector<16xi32> to vector<16xi32>
      %sub3A_148 = vector.broadcast %mul3A_0 : i32 to vector<16xi32>
      %sub3A_149 = arith.subi %get3A_147, %sub3A_148 : vector<16xi32>
      %ge3A_150 = arith.constant 0 : i32
      %ge3A_151 = vector.broadcast %ge3A_150 : i32 to vector<16xi32>
      %ge3A_152 = arith.cmpi sge, %sub3A_149, %ge3A_151 : vector<16xi32>
      %lt3A_153 = arith.constant 2000 : i32
      %lt3A_154 = vector.broadcast %lt3A_153 : i32 to vector<16xi32>
      %lt3A_155 = arith.cmpi slt, %sub3A_149, %lt3A_154 : vector<16xi32>
      %and3A_156 = arith.andi %ge3A_152, %lt3A_155 : vector<16xi1>
      %jit3A_157 = arith.constant 2000 : i32
      %broadcast_in_dim3A_158 = vector.broadcast %jit3A_157 : i32 to vector<16xi32>
      %select_n3A_159 = arith.select %and3A_156, %sub3A_149, %broadcast_in_dim3A_158 : vector<16xi1>, vector<16xi32>
      %swap3A_160 = arith.constant 48 : index
      %swap3A_161 = tpu.vector_load %arg10[%swap3A_160] {strides = array<i32>} : memref<80xi32, #tpu.memory_space<vmem>>, vector<16xi32>,
      %swap3A_162 = vector.shape_cast %swap3A_161 : vector<16xi32> to vector<16xi32>
      %swap3A_163 = vector.shape_cast %select_n3A_159 : vector<16xi32> to vector<16xi32>
      tpu.vector_store %arg10[%swap3A_160], %swap3A_163 {strides = array<i32>} : memref<80xi32, #tpu.memory_space<vmem>>, vector<16xi32>,
      %get3A_164 = arith.constant 64 : index
      %get3A_165 = tpu.vector_load %arg10[%get3A_164] {strides = array<i32>} : memref<80xi32, #tpu.memory_space<vmem>>, vector<16xi32>,
      %get3A_166 = vector.shape_cast %get3A_165 : vector<16xi32> to vector<16xi32>
      %sub3A_167 = vector.broadcast %mul3A_0 : i32 to vector<16xi32>
      %sub3A_168 = arith.subi %get3A_166, %sub3A_167 : vector<16xi32>
      %ge3A_169 = arith.constant 0 : i32
      %ge3A_170 = vector.broadcast %ge3A_169 : i32 to vector<16xi32>
      %ge3A_171 = arith.cmpi sge, %sub3A_168, %ge3A_170 : vector<16xi32>
      %lt3A_172 = arith.constant 2000 : i32
      %lt3A_173 = vector.broadcast %lt3A_172 : i32 to vector<16xi32>
      %lt3A_174 = arith.cmpi slt, %sub3A_168, %lt3A_173 : vector<16xi32>
      %and3A_175 = arith.andi %ge3A_171, %lt3A_174 : vector<16xi1>
      %jit3A_176 = arith.constant 2000 : i32
      %broadcast_in_dim3A_177 = vector.broadcast %jit3A_176 : i32 to vector<16xi32>
      %select_n3A_178 = arith.select %and3A_175, %sub3A_168, %broadcast_in_dim3A_177 : vector<16xi1>, vector<16xi32>
      %swap3A_179 = arith.constant 64 : index
      %swap3A_180 = tpu.vector_load %arg10[%swap3A_179] {strides = array<i32>} : memref<80xi32, #tpu.memory_space<vmem>>, vector<16xi32>,
      %swap3A_181 = vector.shape_cast %swap3A_180 : vector<16xi32> to vector<16xi32>
      %swap3A_182 = vector.shape_cast %select_n3A_178 : vector<16xi32> to vector<16xi32>
      tpu.vector_store %arg10[%swap3A_179], %swap3A_182 {strides = array<i32>} : memref<80xi32, #tpu.memory_space<vmem>>, vector<16xi32>,
      %get3A_183 = arith.constant 0 : index
      %get3A_184 = tpu.vector_load %arg11[%get3A_183] {strides = array<i32>} : memref<80xi32, #tpu.memory_space<vmem>>, vector<16xi32>,
      %get3A_185 = vector.shape_cast %get3A_184 : vector<16xi32> to vector<16xi32>
      %sub3A_186 = vector.broadcast %mul3A_0 : i32 to vector<16xi32>
      %sub3A_187 = arith.subi %get3A_185, %sub3A_186 : vector<16xi32>
      %ge3A_188 = arith.constant 0 : i32
      %ge3A_189 = vector.broadcast %ge3A_188 : i32 to vector<16xi32>
      %ge3A_190 = arith.cmpi sge, %sub3A_187, %ge3A_189 : vector<16xi32>
      %lt3A_191 = arith.constant 2000 : i32
      %lt3A_192 = vector.broadcast %lt3A_191 : i32 to vector<16xi32>
      %lt3A_193 = arith.cmpi slt, %sub3A_187, %lt3A_192 : vector<16xi32>
      %and3A_194 = arith.andi %ge3A_190, %lt3A_193 : vector<16xi1>
      %jit3A_195 = arith.constant 2000 : i32
      %broadcast_in_dim3A_196 = vector.broadcast %jit3A_195 : i32 to vector<16xi32>
      %select_n3A_197 = arith.select %and3A_194, %sub3A_187, %broadcast_in_dim3A_196 : vector<16xi1>, vector<16xi32>
      %swap3A_198 = arith.constant 0 : index
      %swap3A_199 = tpu.vector_load %arg11[%swap3A_198] {strides = array<i32>} : memref<80xi32, #tpu.memory_space<vmem>>, vector<16xi32>,
      %swap3A_200 = vector.shape_cast %swap3A_199 : vector<16xi32> to vector<16xi32>
      %swap3A_201 = vector.shape_cast %select_n3A_197 : vector<16xi32> to vector<16xi32>
      tpu.vector_store %arg11[%swap3A_198], %swap3A_201 {strides = array<i32>} : memref<80xi32, #tpu.memory_space<vmem>>, vector<16xi32>,
      %get3A_202 = arith.constant 16 : index
      %get3A_203 = tpu.vector_load %arg11[%get3A_202] {strides = array<i32>} : memref<80xi32, #tpu.memory_space<vmem>>, vector<16xi32>,
      %get3A_204 = vector.shape_cast %get3A_203 : vector<16xi32> to vector<16xi32>
      %sub3A_205 = vector.broadcast %mul3A_0 : i32 to vector<16xi32>
      %sub3A_206 = arith.subi %get3A_204, %sub3A_205 : vector<16xi32>
      %ge3A_207 = arith.constant 0 : i32
      %ge3A_208 = vector.broadcast %ge3A_207 : i32 to vector<16xi32>
      %ge3A_209 = arith.cmpi sge, %sub3A_206, %ge3A_208 : vector<16xi32>
      %lt3A_210 = arith.constant 2000 : i32
      %lt3A_211 = vector.broadcast %lt3A_210 : i32 to vector<16xi32>
      %lt3A_212 = arith.cmpi slt, %sub3A_206, %lt3A_211 : vector<16xi32>
      %and3A_213 = arith.andi %ge3A_209, %lt3A_212 : vector<16xi1>
      %jit3A_214 = arith.constant 2000 : i32
      %broadcast_in_dim3A_215 = vector.broadcast %jit3A_214 : i32 to vector<16xi32>
      %select_n3A_216 = arith.select %and3A_213, %sub3A_206, %broadcast_in_dim3A_215 : vector<16xi1>, vector<16xi32>
      %swap3A_217 = arith.constant 16 : index
      %swap3A_218 = tpu.vector_load %arg11[%swap3A_217] {strides = array<i32>} : memref<80xi32, #tpu.memory_space<vmem>>, vector<16xi32>,
      %swap3A_219 = vector.shape_cast %swap3A_218 : vector<16xi32> to vector<16xi32>
      %swap3A_220 = vector.shape_cast %select_n3A_216 : vector<16xi32> to vector<16xi32>
      tpu.vector_store %arg11[%swap3A_217], %swap3A_220 {strides = array<i32>} : memref<80xi32, #tpu.memory_space<vmem>>, vector<16xi32>,
      %get3A_221 = arith.constant 32 : index
      %get3A_222 = tpu.vector_load %arg11[%get3A_221] {strides = array<i32>} : memref<80xi32, #tpu.memory_space<vmem>>, vector<16xi32>,
      %get3A_223 = vector.shape_cast %get3A_222 : vector<16xi32> to vector<16xi32>
      %sub3A_224 = vector.broadcast %mul3A_0 : i32 to vector<16xi32>
      %sub3A_225 = arith.subi %get3A_223, %sub3A_224 : vector<16xi32>
      %ge3A_226 = arith.constant 0 : i32
      %ge3A_227 = vector.broadcast %ge3A_226 : i32 to vector<16xi32>
      %ge3A_228 = arith.cmpi sge, %sub3A_225, %ge3A_227 : vector<16xi32>
      %lt3A_229 = arith.constant 2000 : i32
      %lt3A_230 = vector.broadcast %lt3A_229 : i32 to vector<16xi32>
      %lt3A_231 = arith.cmpi slt, %sub3A_225, %lt3A_230 : vector<16xi32>
      %and3A_232 = arith.andi %ge3A_228, %lt3A_231 : vector<16xi1>
      %jit3A_233 = arith.constant 2000 : i32
      %broadcast_in_dim3A_234 = vector.broadcast %jit3A_233 : i32 to vector<16xi32>
      %select_n3A_235 = arith.select %and3A_232, %sub3A_225, %broadcast_in_dim3A_234 : vector<16xi1>, vector<16xi32>
      %swap3A_236 = arith.constant 32 : index
      %swap3A_237 = tpu.vector_load %arg11[%swap3A_236] {strides = array<i32>} : memref<80xi32, #tpu.memory_space<vmem>>, vector<16xi32>,
      %swap3A_238 = vector.shape_cast %swap3A_237 : vector<16xi32> to vector<16xi32>
      %swap3A_239 = vector.shape_cast %select_n3A_235 : vector<16xi32> to vector<16xi32>
      tpu.vector_store %arg11[%swap3A_236], %swap3A_239 {strides = array<i32>} : memref<80xi32, #tpu.memory_space<vmem>>, vector<16xi32>,
      %get3A_240 = arith.constant 48 : index
      %get3A_241 = tpu.vector_load %arg11[%get3A_240] {strides = array<i32>} : memref<80xi32, #tpu.memory_space<vmem>>, vector<16xi32>,
      %get3A_242 = vector.shape_cast %get3A_241 : vector<16xi32> to vector<16xi32>
      %sub3A_243 = vector.broadcast %mul3A_0 : i32 to vector<16xi32>
      %sub3A_244 = arith.subi %get3A_242, %sub3A_243 : vector<16xi32>
      %ge3A_245 = arith.constant 0 : i32
      %ge3A_246 = vector.broadcast %ge3A_245 : i32 to vector<16xi32>
      %ge3A_247 = arith.cmpi sge, %sub3A_244, %ge3A_246 : vector<16xi32>
      %lt3A_248 = arith.constant 2000 : i32
      %lt3A_249 = vector.broadcast %lt3A_248 : i32 to vector<16xi32>
      %lt3A_250 = arith.cmpi slt, %sub3A_244, %lt3A_249 : vector<16xi32>
      %and3A_251 = arith.andi %ge3A_247, %lt3A_250 : vector<16xi1>
      %jit3A_252 = arith.constant 2000 : i32
      %broadcast_in_dim3A_253 = vector.broadcast %jit3A_252 : i32 to vector<16xi32>
      %select_n3A_254 = arith.select %and3A_251, %sub3A_244, %broadcast_in_dim3A_253 : vector<16xi1>, vector<16xi32>
      %swap3A_255 = arith.constant 48 : index
      %swap3A_256 = tpu.vector_load %arg11[%swap3A_255] {strides = array<i32>} : memref<80xi32, #tpu.memory_space<vmem>>, vector<16xi32>,
      %swap3A_257 = vector.shape_cast %swap3A_256 : vector<16xi32> to vector<16xi32>
      %swap3A_258 = vector.shape_cast %select_n3A_254 : vector<16xi32> to vector<16xi32>
      tpu.vector_store %arg11[%swap3A_255], %swap3A_258 {strides = array<i32>} : memref<80xi32, #tpu.memory_space<vmem>>, vector<16xi32>,
      %get3A_259 = arith.constant 64 : index
      %get3A_260 = tpu.vector_load %arg11[%get3A_259] {strides = array<i32>} : memref<80xi32, #tpu.memory_space<vmem>>, vector<16xi32>,
      %get3A_261 = vector.shape_cast %get3A_260 : vector<16xi32> to vector<16xi32>
      %sub3A_262 = vector.broadcast %mul3A_0 : i32 to vector<16xi32>
      %sub3A_263 = arith.subi %get3A_261, %sub3A_262 : vector<16xi32>
      %ge3A_264 = arith.constant 0 : i32
      %ge3A_265 = vector.broadcast %ge3A_264 : i32 to vector<16xi32>
      %ge3A_266 = arith.cmpi sge, %sub3A_263, %ge3A_265 : vector<16xi32>
      %lt3A_267 = arith.constant 2000 : i32
      %lt3A_268 = vector.broadcast %lt3A_267 : i32 to vector<16xi32>
      %lt3A_269 = arith.cmpi slt, %sub3A_263, %lt3A_268 : vector<16xi32>
      %and3A_270 = arith.andi %ge3A_266, %lt3A_269 : vector<16xi1>
      %jit3A_271 = arith.constant 2000 : i32
      %broadcast_in_dim3A_272 = vector.broadcast %jit3A_271 : i32 to vector<16xi32>
      %select_n3A_273 = arith.select %and3A_270, %sub3A_263, %broadcast_in_dim3A_272 : vector<16xi1>, vector<16xi32>
      %swap3A_274 = arith.constant 64 : index
      %swap3A_275 = tpu.vector_load %arg11[%swap3A_274] {strides = array<i32>} : memref<80xi32, #tpu.memory_space<vmem>>, vector<16xi32>,
      %swap3A_276 = vector.shape_cast %swap3A_275 : vector<16xi32> to vector<16xi32>
      %swap3A_277 = vector.shape_cast %select_n3A_273 : vector<16xi32> to vector<16xi32>
      tpu.vector_store %arg11[%swap3A_274], %swap3A_277 {strides = array<i32>} : memref<80xi32, #tpu.memory_space<vmem>>, vector<16xi32>,
      %dma_start3A_278 = arith.constant 0 : i32
      %dma_start3A_279 = arith.constant 0 : i32
      %dma_start3A_280 = arith.constant 0 : i32
      %dma_start3A_281 = tpu.memref_slice %arg12[%dma_start3A_278, %dma_start3A_279, %dma_start3A_280] : memref<2x80x128xf32, #tpu.memory_space<vmem>> -> memref<1x80x128xf32, #tpu.memory_space<vmem>>
      %dma_start3A_282 = tpu.memref_squeeze %dma_start3A_281 : memref<1x80x128xf32, #tpu.memory_space<vmem>> -> memref<80x128xf32, #tpu.memory_space<vmem>>
      %dma_start3A_283 = arith.constant 0 : i32
      %dma_start3A_284 = tpu.memref_slice %arg9[%dma_start3A_283] : memref<160xi32, #tpu.memory_space<vmem>> -> memref<80xi32, #tpu.memory_space<vmem>>
      %dma_start3A_285 = arith.constant 0 : i32
      %dma_start3A_286 = arith.constant 0 : i32
      %dma_start3A_287 = tpu.memref_slice %arg2[%dma_start3A_285, %dma_start3A_286] : memref<16000x128xf32, #tpu.memory_space<hbm>> -> memref<16000x128xf32, #tpu.memory_space<hbm>>
      tpu.enqueue_indirect_dma source(%dma_start3A_287 : memref<16000x128xf32, #tpu.memory_space<hbm>>) target(%dma_start3A_282 : memref<80x128xf32, #tpu.memory_space<vmem>>) offsets(%dma_start3A_284 : memref<80xi32, #tpu.memory_space<vmem>>) semaphore(%arg15 : memref<!tpu.dma_semaphore, #tpu.memory_space<semaphore_mem>>)
      %dma_start3A_288 = arith.constant 1 : i32
      %dma_start3A_289 = arith.constant 0 : i32
      %dma_start3A_290 = arith.constant 0 : i32
      %dma_start3A_291 = tpu.memref_slice %arg12[%dma_start3A_288, %dma_start3A_289, %dma_start3A_290] : memref<2x80x128xf32, #tpu.memory_space<vmem>> -> memref<1x80x128xf32, #tpu.memory_space<vmem>>
      %dma_start3A_292 = tpu.memref_squeeze %dma_start3A_291 : memref<1x80x128xf32, #tpu.memory_space<vmem>> -> memref<80x128xf32, #tpu.memory_space<vmem>>
      %dma_start3A_293 = arith.constant 80 : i32
      %dma_start3A_294 = tpu.memref_slice %arg9[%dma_start3A_293] : memref<160xi32, #tpu.memory_space<vmem>> -> memref<80xi32, #tpu.memory_space<vmem>>
      %dma_start3A_295 = arith.constant 0 : i32
      %dma_start3A_296 = arith.constant 0 : i32
      %dma_start3A_297 = tpu.memref_slice %arg2[%dma_start3A_295, %dma_start3A_296] : memref<16000x128xf32, #tpu.memory_space<hbm>> -> memref<16000x128xf32, #tpu.memory_space<hbm>>
      tpu.enqueue_indirect_dma source(%dma_start3A_297 : memref<16000x128xf32, #tpu.memory_space<hbm>>) target(%dma_start3A_292 : memref<80x128xf32, #tpu.memory_space<vmem>>) offsets(%dma_start3A_294 : memref<80xi32, #tpu.memory_space<vmem>>) semaphore(%arg15 : memref<!tpu.dma_semaphore, #tpu.memory_space<semaphore_mem>>)
      %dma_wait3A_298 = arith.constant 0 : i32
      %dma_wait3A_299 = arith.constant 0 : i32
      %dma_wait3A_300 = arith.constant 0 : i32
      %dma_wait3A_301 = tpu.memref_slice %arg12[%dma_wait3A_298, %dma_wait3A_299, %dma_wait3A_300] : memref<2x80x128xf32, #tpu.memory_space<vmem>> -> memref<1x80x128xf32, #tpu.memory_space<vmem>>
      %dma_wait3A_302 = tpu.memref_squeeze %dma_wait3A_301 : memref<1x80x128xf32, #tpu.memory_space<vmem>> -> memref<80x128xf32, #tpu.memory_space<vmem>>
      %dma_wait3A_303 = arith.constant 0 : i32
      %dma_wait3A_304 = tpu.memref_slice %arg9[%dma_wait3A_303] : memref<160xi32, #tpu.memory_space<vmem>> -> memref<80xi32, #tpu.memory_space<vmem>>
      %dma_wait3A_305 = arith.constant 0 : i32
      %dma_wait3A_306 = arith.constant 0 : i32
      %dma_wait3A_307 = tpu.memref_slice %arg2[%dma_wait3A_305, %dma_wait3A_306] : memref<16000x128xf32, #tpu.memory_space<hbm>> -> memref<16000x128xf32, #tpu.memory_space<hbm>>
      tpu.wait_indirect_dma semaphore(%arg15 : memref<!tpu.dma_semaphore, #tpu.memory_space<semaphore_mem>>) src(%dma_wait3A_307 : memref<16000x128xf32, #tpu.memory_space<hbm>>) dst(%dma_wait3A_302 : memref<80x128xf32, #tpu.memory_space<vmem>>)
      %dma_wait3A_308 = arith.constant 1 : i32
      %dma_wait3A_309 = arith.constant 0 : i32
      %dma_wait3A_310 = arith.constant 0 : i32
      %dma_wait3A_311 = tpu.memref_slice %arg12[%dma_wait3A_308, %dma_wait3A_309, %dma_wait3A_310] : memref<2x80x128xf32, #tpu.memory_space<vmem>> -> memref<1x80x128xf32, #tpu.memory_space<vmem>>
      %dma_wait3A_312 = tpu.memref_squeeze %dma_wait3A_311 : memref<1x80x128xf32, #tpu.memory_space<vmem>> -> memref<80x128xf32, #tpu.memory_space<vmem>>
      %dma_wait3A_313 = arith.constant 80 : i32
      %dma_wait3A_314 = tpu.memref_slice %arg9[%dma_wait3A_313] : memref<160xi32, #tpu.memory_space<vmem>> -> memref<80xi32, #tpu.memory_space<vmem>>
      %dma_wait3A_315 = arith.constant 0 : i32
      %dma_wait3A_316 = arith.constant 0 : i32
      %dma_wait3A_317 = tpu.memref_slice %arg2[%dma_wait3A_315, %dma_wait3A_316] : memref<16000x128xf32, #tpu.memory_space<hbm>> -> memref<16000x128xf32, #tpu.memory_space<hbm>>
      tpu.wait_indirect_dma semaphore(%arg15 : memref<!tpu.dma_semaphore, #tpu.memory_space<semaphore_mem>>) src(%dma_wait3A_317 : memref<16000x128xf32, #tpu.memory_space<hbm>>) dst(%dma_wait3A_312 : memref<80x128xf32, #tpu.memory_space<vmem>>)
      %dma_start3A_318 = arith.constant 0 : i32
      %dma_start3A_319 = arith.constant 0 : i32
      %dma_start3A_320 = arith.constant 0 : i32
      %dma_start3A_321 = tpu.memref_slice %arg12[%dma_start3A_318, %dma_start3A_319, %dma_start3A_320] : memref<2x80x128xf32, #tpu.memory_space<vmem>> -> memref<1x80x128xf32, #tpu.memory_space<vmem>>
      %dma_start3A_322 = tpu.memref_squeeze %dma_start3A_321 : memref<1x80x128xf32, #tpu.memory_space<vmem>> -> memref<80x128xf32, #tpu.memory_space<vmem>>
      %dma_start3A_323 = arith.constant 0 : i32
      %dma_start3A_324 = arith.constant 0 : i32
      %dma_start3A_325 = tpu.memref_slice %arg13[%dma_start3A_323, %dma_start3A_324] : memref<2008x128xf32, #tpu.memory_space<vmem_shared>> -> memref<2008x128xf32, #tpu.memory_space<vmem_shared>>
      tpu.enqueue_indirect_dma source(%dma_start3A_322 : memref<80x128xf32, #tpu.memory_space<vmem>>) target(%dma_start3A_325 : memref<2008x128xf32, #tpu.memory_space<vmem_shared>>) offsets(%arg10 : memref<80xi32, #tpu.memory_space<vmem>>) semaphore(%arg16 : memref<!tpu.dma_semaphore, #tpu.memory_space<semaphore_mem>>) {add = true}
      %dma_start3A_326 = arith.constant 1 : i32
      %dma_start3A_327 = arith.constant 0 : i32
      %dma_start3A_328 = arith.constant 0 : i32
      %dma_start3A_329 = tpu.memref_slice %arg12[%dma_start3A_326, %dma_start3A_327, %dma_start3A_328] : memref<2x80x128xf32, #tpu.memory_space<vmem>> -> memref<1x80x128xf32, #tpu.memory_space<vmem>>
      %dma_start3A_330 = tpu.memref_squeeze %dma_start3A_329 : memref<1x80x128xf32, #tpu.memory_space<vmem>> -> memref<80x128xf32, #tpu.memory_space<vmem>>
      %dma_start3A_331 = arith.constant 0 : i32
      %dma_start3A_332 = arith.constant 0 : i32
      %dma_start3A_333 = tpu.memref_slice %arg13[%dma_start3A_331, %dma_start3A_332] : memref<2008x128xf32, #tpu.memory_space<vmem_shared>> -> memref<2008x128xf32, #tpu.memory_space<vmem_shared>>
      tpu.enqueue_indirect_dma source(%dma_start3A_330 : memref<80x128xf32, #tpu.memory_space<vmem>>) target(%dma_start3A_333 : memref<2008x128xf32, #tpu.memory_space<vmem_shared>>) offsets(%arg11 : memref<80xi32, #tpu.memory_space<vmem>>) semaphore(%arg16 : memref<!tpu.dma_semaphore, #tpu.memory_space<semaphore_mem>>) {add = true}
      %dma_wait3A_334 = arith.constant 0 : i32
      %dma_wait3A_335 = arith.constant 0 : i32
      %dma_wait3A_336 = arith.constant 0 : i32
      %dma_wait3A_337 = tpu.memref_slice %arg12[%dma_wait3A_334, %dma_wait3A_335, %dma_wait3A_336] : memref<2x80x128xf32, #tpu.memory_space<vmem>> -> memref<1x80x128xf32, #tpu.memory_space<vmem>>
      %dma_wait3A_338 = tpu.memref_squeeze %dma_wait3A_337 : memref<1x80x128xf32, #tpu.memory_space<vmem>> -> memref<80x128xf32, #tpu.memory_space<vmem>>
      %dma_wait3A_339 = arith.constant 0 : i32
      %dma_wait3A_340 = arith.constant 0 : i32
      %dma_wait3A_341 = tpu.memref_slice %arg13[%dma_wait3A_339, %dma_wait3A_340] : memref<2008x128xf32, #tpu.memory_space<vmem_shared>> -> memref<2008x128xf32, #tpu.memory_space<vmem_shared>>
      tpu.wait_indirect_dma semaphore(%arg16 : memref<!tpu.dma_semaphore, #tpu.memory_space<semaphore_mem>>) src(%dma_wait3A_338 : memref<80x128xf32, #tpu.memory_space<vmem>>) dst(%dma_wait3A_341 : memref<2008x128xf32, #tpu.memory_space<vmem_shared>>)
      %dma_wait3A_342 = arith.constant 1 : i32
      %dma_wait3A_343 = arith.constant 0 : i32
      %dma_wait3A_344 = arith.constant 0 : i32
      %dma_wait3A_345 = tpu.memref_slice %arg12[%dma_wait3A_342, %dma_wait3A_343, %dma_wait3A_344] : memref<2x80x128xf32, #tpu.memory_space<vmem>> -> memref<1x80x128xf32, #tpu.memory_space<vmem>>
      %dma_wait3A_346 = tpu.memref_squeeze %dma_wait3A_345 : memref<1x80x128xf32, #tpu.memory_space<vmem>> -> memref<80x128xf32, #tpu.memory_space<vmem>>
      %dma_wait3A_347 = arith.constant 0 : i32
      %dma_wait3A_348 = arith.constant 0 : i32
      %dma_wait3A_349 = tpu.memref_slice %arg13[%dma_wait3A_347, %dma_wait3A_348] : memref<2008x128xf32, #tpu.memory_space<vmem_shared>> -> memref<2008x128xf32, #tpu.memory_space<vmem_shared>>
      tpu.wait_indirect_dma semaphore(%arg16 : memref<!tpu.dma_semaphore, #tpu.memory_space<semaphore_mem>>) src(%dma_wait3A_346 : memref<80x128xf32, #tpu.memory_space<vmem>>) dst(%dma_wait3A_349 : memref<2008x128xf32, #tpu.memory_space<vmem_shared>>)
      %scan3A_350 = arith.constant 0 : i32
      scf.yield %scan3A_350 : i32
    }
    %scan3A_19 = arith.constant 25 : i32
    %barrier3A_20 = arith.constant 0 : index
    tpu.barrier barrier_id(%barrier3A_20)
    %add3A_21 = arith.constant 0 : i32
    %add3A_22 = arith.addi %arg1, %add3A_21 : i32
    %lt3A_23 = arith.constant 15 : i32
    %lt3A_24 = arith.cmpi slt, %add3A_22, %lt3A_23 : i32
    %convert_element_type3A_25 = arith.extui %lt3A_24 : i1 to i32
    %cond3A_26 = arith.constant 0 : i32
    %cond3A_27 = arith.cmpi ne, %convert_element_type3A_25, %cond3A_26 : i32
    scf.if %cond3A_27 {
      %add3A_75 = arith.constant 0 : i32
      %add3A_76 = arith.addi %arg1, %add3A_75 : i32
      %mul3A_77 = arith.constant 128 : i32
      %mul3A_78 = arith.muli %add3A_76, %mul3A_77 : i32
      %mul3A_79 = arith.constant 128 : i32
      %mul3A_80 = arith.muli %add3A_76, %mul3A_79 : i32
      %add3A_81 = arith.addi %mul3A_2, %mul3A_80 : i32
      "tpu.region"() ({
        %run_scoped3A = tpu.sem_alloc : memref<!tpu.dma_semaphore, #tpu.memory_space<semaphore_mem>>
        %dma_start3A = arith.constant 0 : i32
        %dma_start3A_82 = tpu.memref_slice %arg7[%add3A_81, %dma_start3A] : memref<4000x128xf32, #tpu.memory_space<hbm>> -> memref<128x128xf32, #tpu.memory_space<hbm>>
        %dma_start3A_83 = arith.constant 0 : i32
        %dma_start3A_84 = tpu.memref_slice %arg13[%mul3A_78, %dma_start3A_83] : memref<2008x128xf32, #tpu.memory_space<vmem_shared>> -> memref<128x128xf32, #tpu.memory_space<vmem_shared>>
        tpu.enqueue_dma source(%dma_start3A_84 : memref<128x128xf32, #tpu.memory_space<vmem_shared>>) target(%dma_start3A_82 : memref<128x128xf32, #tpu.memory_space<hbm>>) target_semaphore(%run_scoped3A : memref<!tpu.dma_semaphore, #tpu.memory_space<semaphore_mem>>)
        %dma_wait3A = arith.constant 0 : i32
        %dma_wait3A_85 = tpu.memref_slice %arg7[%add3A_81, %dma_wait3A] : memref<4000x128xf32, #tpu.memory_space<hbm>> -> memref<128x128xf32, #tpu.memory_space<hbm>>
        %dma_wait3A_86 = arith.constant 0 : i32
        %dma_wait3A_87 = tpu.memref_slice %arg13[%mul3A_78, %dma_wait3A_86] : memref<2008x128xf32, #tpu.memory_space<vmem_shared>> -> memref<128x128xf32, #tpu.memory_space<vmem_shared>>
        tpu.wait_dma2 semaphore(%run_scoped3A : memref<!tpu.dma_semaphore, #tpu.memory_space<semaphore_mem>>) src(%dma_wait3A_87 : memref<128x128xf32, #tpu.memory_space<vmem_shared>>) dst(%dma_wait3A_85 : memref<128x128xf32, #tpu.memory_space<hbm>>)
        tpu.yield
      }) : () -> ()
    } else {
    }
    %add3A_28 = arith.constant 0 : i32
    %add3A_29 = arith.addi %arg1, %add3A_28 : i32
    %eq3A_30 = arith.constant 15 : i32
    %eq3A_31 = arith.cmpi eq, %add3A_29, %eq3A_30 : i32
    %convert_element_type3A_32 = arith.extui %eq3A_31 : i1 to i32
    %cond3A_33 = arith.constant 0 : i32
    %cond3A_34 = arith.cmpi ne, %convert_element_type3A_32, %cond3A_33 : i32
    scf.if %cond3A_34 {
      %add3A_75 = arith.constant 1920 : i32
      %add3A_76 = arith.addi %mul3A_2, %add3A_75 : i32
      "tpu.region"() ({
        %run_scoped3A = tpu.sem_alloc : memref<!tpu.dma_semaphore, #tpu.memory_space<semaphore_mem>>
        %dma_start3A = arith.constant 0 : i32
        %dma_start3A_77 = tpu.memref_slice %arg7[%add3A_76, %dma_start3A] : memref<4000x128xf32, #tpu.memory_space<hbm>> -> memref<80x128xf32, #tpu.memory_space<hbm>>
        %dma_start3A_78 = arith.constant 1920 : i32
        %dma_start3A_79 = arith.constant 0 : i32
        %dma_start3A_80 = tpu.memref_slice %arg13[%dma_start3A_78, %dma_start3A_79] : memref<2008x128xf32, #tpu.memory_space<vmem_shared>> -> memref<80x128xf32, #tpu.memory_space<vmem_shared>>
        tpu.enqueue_dma source(%dma_start3A_80 : memref<80x128xf32, #tpu.memory_space<vmem_shared>>) target(%dma_start3A_77 : memref<80x128xf32, #tpu.memory_space<hbm>>) target_semaphore(%run_scoped3A : memref<!tpu.dma_semaphore, #tpu.memory_space<semaphore_mem>>)
        %dma_wait3A = arith.constant 0 : i32
        %dma_wait3A_81 = tpu.memref_slice %arg7[%add3A_76, %dma_wait3A] : memref<4000x128xf32, #tpu.memory_space<hbm>> -> memref<80x128xf32, #tpu.memory_space<hbm>>
        %dma_wait3A_82 = arith.constant 1920 : i32
        %dma_wait3A_83 = arith.constant 0 : i32
        %dma_wait3A_84 = tpu.memref_slice %arg13[%dma_wait3A_82, %dma_wait3A_83] : memref<2008x128xf32, #tpu.memory_space<vmem_shared>> -> memref<80x128xf32, #tpu.memory_space<vmem_shared>>
        tpu.wait_dma2 semaphore(%run_scoped3A : memref<!tpu.dma_semaphore, #tpu.memory_space<semaphore_mem>>) src(%dma_wait3A_84 : memref<80x128xf32, #tpu.memory_space<vmem_shared>>) dst(%dma_wait3A_81 : memref<80x128xf32, #tpu.memory_space<hbm>>)
        tpu.yield
      }) : () -> ()
    } else {
    }
    %barrier3A_35 = arith.constant 0 : index
    tpu.barrier barrier_id(%barrier3A_35)
    %add3A_36 = arith.constant 0 : i32
    %add3A_37 = arith.addi %arg1, %add3A_36 : i32
    %lt3A_38 = arith.constant 15 : i32
    %lt3A_39 = arith.cmpi slt, %add3A_37, %lt3A_38 : i32
    %convert_element_type3A_40 = arith.extui %lt3A_39 : i1 to i32
    %cond3A_41 = arith.constant 0 : i32
    %cond3A_42 = arith.cmpi ne, %convert_element_type3A_40, %cond3A_41 : i32
    scf.if %cond3A_42 {
      %add3A_75 = arith.constant 0 : i32
      %add3A_76 = arith.addi %arg1, %add3A_75 : i32
      %mul3A_77 = arith.constant 128 : i32
      %mul3A_78 = arith.muli %add3A_76, %mul3A_77 : i32
      "tpu.region"() ({
        %run_scoped3A = tpu.sem_alloc : memref<!tpu.dma_semaphore, #tpu.memory_space<semaphore_mem>>
        %dma_start3A = arith.constant 0 : i32
        %dma_start3A_79 = tpu.memref_slice %arg13[%mul3A_78, %dma_start3A] : memref<2008x128xf32, #tpu.memory_space<vmem_shared>> -> memref<128x128xf32, #tpu.memory_space<vmem_shared>>
        %dma_start3A_80 = arith.constant 0 : i32
        %dma_start3A_81 = arith.constant 0 : i32
        %dma_start3A_82 = tpu.memref_slice %arg6[%dma_start3A_80, %dma_start3A_81] : memref<128x128xf32, #tpu.memory_space<hbm>> -> memref<128x128xf32, #tpu.memory_space<hbm>>
        tpu.enqueue_dma source(%dma_start3A_82 : memref<128x128xf32, #tpu.memory_space<hbm>>) target(%dma_start3A_79 : memref<128x128xf32, #tpu.memory_space<vmem_shared>>) target_semaphore(%run_scoped3A : memref<!tpu.dma_semaphore, #tpu.memory_space<semaphore_mem>>)
        %dma_wait3A = arith.constant 0 : i32
        %dma_wait3A_83 = tpu.memref_slice %arg13[%mul3A_78, %dma_wait3A] : memref<2008x128xf32, #tpu.memory_space<vmem_shared>> -> memref<128x128xf32, #tpu.memory_space<vmem_shared>>
        %dma_wait3A_84 = arith.constant 0 : i32
        %dma_wait3A_85 = arith.constant 0 : i32
        %dma_wait3A_86 = tpu.memref_slice %arg6[%dma_wait3A_84, %dma_wait3A_85] : memref<128x128xf32, #tpu.memory_space<hbm>> -> memref<128x128xf32, #tpu.memory_space<hbm>>
        tpu.wait_dma2 semaphore(%run_scoped3A : memref<!tpu.dma_semaphore, #tpu.memory_space<semaphore_mem>>) src(%dma_wait3A_86 : memref<128x128xf32, #tpu.memory_space<hbm>>) dst(%dma_wait3A_83 : memref<128x128xf32, #tpu.memory_space<vmem_shared>>)
        tpu.yield
      }) : () -> ()
    } else {
    }
    %add3A_43 = arith.constant 0 : i32
    %add3A_44 = arith.addi %arg1, %add3A_43 : i32
    %eq3A_45 = arith.constant 15 : i32
    %eq3A_46 = arith.cmpi eq, %add3A_44, %eq3A_45 : i32
    %convert_element_type3A_47 = arith.extui %eq3A_46 : i1 to i32
    %cond3A_48 = arith.constant 0 : i32
    %cond3A_49 = arith.cmpi ne, %convert_element_type3A_47, %cond3A_48 : i32
    scf.if %cond3A_49 {
      "tpu.region"() ({
        %run_scoped3A = tpu.sem_alloc : memref<!tpu.dma_semaphore, #tpu.memory_space<semaphore_mem>>
        %dma_start3A = arith.constant 1920 : i32
        %dma_start3A_75 = arith.constant 0 : i32
        %dma_start3A_76 = tpu.memref_slice %arg13[%dma_start3A, %dma_start3A_75] : memref<2008x128xf32, #tpu.memory_space<vmem_shared>> -> memref<88x128xf32, #tpu.memory_space<vmem_shared>>
        %dma_start3A_77 = arith.constant 0 : i32
        %dma_start3A_78 = arith.constant 0 : i32
        %dma_start3A_79 = tpu.memref_slice %arg6[%dma_start3A_77, %dma_start3A_78] : memref<128x128xf32, #tpu.memory_space<hbm>> -> memref<88x128xf32, #tpu.memory_space<hbm>>
        tpu.enqueue_dma source(%dma_start3A_79 : memref<88x128xf32, #tpu.memory_space<hbm>>) target(%dma_start3A_76 : memref<88x128xf32, #tpu.memory_space<vmem_shared>>) target_semaphore(%run_scoped3A : memref<!tpu.dma_semaphore, #tpu.memory_space<semaphore_mem>>)
        %dma_wait3A = arith.constant 1920 : i32
        %dma_wait3A_80 = arith.constant 0 : i32
        %dma_wait3A_81 = tpu.memref_slice %arg13[%dma_wait3A, %dma_wait3A_80] : memref<2008x128xf32, #tpu.memory_space<vmem_shared>> -> memref<88x128xf32, #tpu.memory_space<vmem_shared>>
        %dma_wait3A_82 = arith.constant 0 : i32
        %dma_wait3A_83 = arith.constant 0 : i32
        %dma_wait3A_84 = tpu.memref_slice %arg6[%dma_wait3A_82, %dma_wait3A_83] : memref<128x128xf32, #tpu.memory_space<hbm>> -> memref<88x128xf32, #tpu.memory_space<hbm>>
        tpu.wait_dma2 semaphore(%run_scoped3A : memref<!tpu.dma_semaphore, #tpu.memory_space<semaphore_mem>>) src(%dma_wait3A_84 : memref<88x128xf32, #tpu.memory_space<hbm>>) dst(%dma_wait3A_81 : memref<88x128xf32, #tpu.memory_space<vmem_shared>>)
        tpu.yield
      }) : () -> ()
    } else {
    }
    %barrier3A_50 = arith.constant 0 : index
    tpu.barrier barrier_id(%barrier3A_50)
    %mul3A_51 = arith.constant 4000 : i32
    %mul3A_52 = arith.muli %arg1, %mul3A_51 : i32
    %scan3A_53 = arith.constant 0 : i32
    %scan3A_54 = arith.constant 0 : i32
    %scan3A_55 = arith.constant 25 : i32
    %scan3A_56 = arith.addi %scan3A_54, %scan3A_55 : i32
    %scan3A_57 = arith.constant 1 : i32
    %scan3A_58 = scf.for %scan3A_75 = %scan3A_54 to %scan3A_56 step %scan3A_57 iter_args(%scan3A_76 = %scan3A_53) -> (i32)  : i32 {
      %mul3A_77 = arith.constant 2 : i32
      %mul3A_78 = arith.muli %scan3A_75, %mul3A_77 : i32
      %mul3A_79 = arith.constant 80 : i32
      %mul3A_80 = arith.muli %mul3A_78, %mul3A_79 : i32
      %add3A_81 = arith.addi %mul3A_52, %mul3A_80 : i32
      %dma_start3A = tpu.memref_slice %arg4[%add3A_81] : memref<64000xi32, #tpu.memory_space<hbm>> -> memref<160xi32, #tpu.memory_space<hbm>>
      %dma_start3A_82 = tpu.memref_slice %arg4[%add3A_81] : memref<64000xi32, #tpu.memory_space<hbm>> -> memref<160xi32, #tpu.memory_space<hbm>>
      tpu.enqueue_dma source(%dma_start3A_82 : memref<160xi32, #tpu.memory_space<hbm>>) target(%arg9 : memref<160xi32, #tpu.memory_space<vmem>>) target_semaphore(%arg14 : memref<!tpu.dma_semaphore, #tpu.memory_space<semaphore_mem>>)
      %add3A_83 = arith.constant 0 : i32
      %add3A_84 = arith.addi %add3A_81, %add3A_83 : i32
      %dma_start3A_85 = tpu.memref_slice %arg5[%add3A_84] : memref<64000xi32, #tpu.memory_space<hbm>> -> memref<80xi32, #tpu.memory_space<hbm>>
      %dma_start3A_86 = tpu.memref_slice %arg5[%add3A_84] : memref<64000xi32, #tpu.memory_space<hbm>> -> memref<80xi32, #tpu.memory_space<hbm>>
      tpu.enqueue_dma source(%dma_start3A_86 : memref<80xi32, #tpu.memory_space<hbm>>) target(%arg10 : memref<80xi32, #tpu.memory_space<vmem>>) target_semaphore(%arg14 : memref<!tpu.dma_semaphore, #tpu.memory_space<semaphore_mem>>)
      %add3A_87 = arith.constant 80 : i32
      %add3A_88 = arith.addi %add3A_81, %add3A_87 : i32
      %dma_start3A_89 = tpu.memref_slice %arg5[%add3A_88] : memref<64000xi32, #tpu.memory_space<hbm>> -> memref<80xi32, #tpu.memory_space<hbm>>
      %dma_start3A_90 = tpu.memref_slice %arg5[%add3A_88] : memref<64000xi32, #tpu.memory_space<hbm>> -> memref<80xi32, #tpu.memory_space<hbm>>
      tpu.enqueue_dma source(%dma_start3A_90 : memref<80xi32, #tpu.memory_space<hbm>>) target(%arg11 : memref<80xi32, #tpu.memory_space<vmem>>) target_semaphore(%arg14 : memref<!tpu.dma_semaphore, #tpu.memory_space<semaphore_mem>>)
      %dma_wait3A = tpu.memref_slice %arg4[%add3A_81] : memref<64000xi32, #tpu.memory_space<hbm>> -> memref<160xi32, #tpu.memory_space<hbm>>
      %dma_wait3A_91 = tpu.memref_slice %arg4[%add3A_81] : memref<64000xi32, #tpu.memory_space<hbm>> -> memref<160xi32, #tpu.memory_space<hbm>>
      tpu.wait_dma2 semaphore(%arg14 : memref<!tpu.dma_semaphore, #tpu.memory_space<semaphore_mem>>) src(%dma_wait3A_91 : memref<160xi32, #tpu.memory_space<hbm>>) dst(%arg9 : memref<160xi32, #tpu.memory_space<vmem>>)
      %dma_wait3A_92 = tpu.memref_slice %arg5[%add3A_84] : memref<64000xi32, #tpu.memory_space<hbm>> -> memref<80xi32, #tpu.memory_space<hbm>>
      %dma_wait3A_93 = tpu.memref_slice %arg5[%add3A_84] : memref<64000xi32, #tpu.memory_space<hbm>> -> memref<80xi32, #tpu.memory_space<hbm>>
      tpu.wait_dma2 semaphore(%arg14 : memref<!tpu.dma_semaphore, #tpu.memory_space<semaphore_mem>>) src(%dma_wait3A_93 : memref<80xi32, #tpu.memory_space<hbm>>) dst(%arg10 : memref<80xi32, #tpu.memory_space<vmem>>)
      %dma_wait3A_94 = tpu.memref_slice %arg5[%add3A_88] : memref<64000xi32, #tpu.memory_space<hbm>> -> memref<80xi32, #tpu.memory_space<hbm>>
      %dma_wait3A_95 = tpu.memref_slice %arg5[%add3A_88] : memref<64000xi32, #tpu.memory_space<hbm>> -> memref<80xi32, #tpu.memory_space<hbm>>
      tpu.wait_dma2 semaphore(%arg14 : memref<!tpu.dma_semaphore, #tpu.memory_space<semaphore_mem>>) src(%dma_wait3A_95 : memref<80xi32, #tpu.memory_space<hbm>>) dst(%arg11 : memref<80xi32, #tpu.memory_space<vmem>>)
      %get3A = arith.constant 0 : index
      %get3A_96 = tpu.vector_load %arg10[%get3A] {strides = array<i32>} : memref<80xi32, #tpu.memory_space<vmem>>, vector<16xi32>,
      %get3A_97 = vector.shape_cast %get3A_96 : vector<16xi32> to vector<16xi32>
      %sub3A = vector.broadcast %mul3A_0 : i32 to vector<16xi32>
      %sub3A_98 = arith.subi %get3A_97, %sub3A : vector<16xi32>
      %ge3A = arith.constant 0 : i32
      %ge3A_99 = vector.broadcast %ge3A : i32 to vector<16xi32>
      %ge3A_100 = arith.cmpi sge, %sub3A_98, %ge3A_99 : vector<16xi32>
      %lt3A_101 = arith.constant 2000 : i32
      %lt3A_102 = vector.broadcast %lt3A_101 : i32 to vector<16xi32>
      %lt3A_103 = arith.cmpi slt, %sub3A_98, %lt3A_102 : vector<16xi32>
      %and3A = arith.andi %ge3A_100, %lt3A_103 : vector<16xi1>
      %jit3A = arith.constant 2000 : i32
      %broadcast_in_dim3A = vector.broadcast %jit3A : i32 to vector<16xi32>
      %select_n3A = arith.select %and3A, %sub3A_98, %broadcast_in_dim3A : vector<16xi1>, vector<16xi32>
      %swap3A = arith.constant 0 : index
      %swap3A_104 = tpu.vector_load %arg10[%swap3A] {strides = array<i32>} : memref<80xi32, #tpu.memory_space<vmem>>, vector<16xi32>,
      %swap3A_105 = vector.shape_cast %swap3A_104 : vector<16xi32> to vector<16xi32>
      %swap3A_106 = vector.shape_cast %select_n3A : vector<16xi32> to vector<16xi32>
      tpu.vector_store %arg10[%swap3A], %swap3A_106 {strides = array<i32>} : memref<80xi32, #tpu.memory_space<vmem>>, vector<16xi32>,
      %get3A_107 = arith.constant 16 : index
      %get3A_108 = tpu.vector_load %arg10[%get3A_107] {strides = array<i32>} : memref<80xi32, #tpu.memory_space<vmem>>, vector<16xi32>,
      %get3A_109 = vector.shape_cast %get3A_108 : vector<16xi32> to vector<16xi32>
      %sub3A_110 = vector.broadcast %mul3A_0 : i32 to vector<16xi32>
      %sub3A_111 = arith.subi %get3A_109, %sub3A_110 : vector<16xi32>
      %ge3A_112 = arith.constant 0 : i32
      %ge3A_113 = vector.broadcast %ge3A_112 : i32 to vector<16xi32>
      %ge3A_114 = arith.cmpi sge, %sub3A_111, %ge3A_113 : vector<16xi32>
      %lt3A_115 = arith.constant 2000 : i32
      %lt3A_116 = vector.broadcast %lt3A_115 : i32 to vector<16xi32>
      %lt3A_117 = arith.cmpi slt, %sub3A_111, %lt3A_116 : vector<16xi32>
      %and3A_118 = arith.andi %ge3A_114, %lt3A_117 : vector<16xi1>
      %jit3A_119 = arith.constant 2000 : i32
      %broadcast_in_dim3A_120 = vector.broadcast %jit3A_119 : i32 to vector<16xi32>
      %select_n3A_121 = arith.select %and3A_118, %sub3A_111, %broadcast_in_dim3A_120 : vector<16xi1>, vector<16xi32>
      %swap3A_122 = arith.constant 16 : index
      %swap3A_123 = tpu.vector_load %arg10[%swap3A_122] {strides = array<i32>} : memref<80xi32, #tpu.memory_space<vmem>>, vector<16xi32>,
      %swap3A_124 = vector.shape_cast %swap3A_123 : vector<16xi32> to vector<16xi32>
      %swap3A_125 = vector.shape_cast %select_n3A_121 : vector<16xi32> to vector<16xi32>
      tpu.vector_store %arg10[%swap3A_122], %swap3A_125 {strides = array<i32>} : memref<80xi32, #tpu.memory_space<vmem>>, vector<16xi32>,
      %get3A_126 = arith.constant 32 : index
      %get3A_127 = tpu.vector_load %arg10[%get3A_126] {strides = array<i32>} : memref<80xi32, #tpu.memory_space<vmem>>, vector<16xi32>,
      %get3A_128 = vector.shape_cast %get3A_127 : vector<16xi32> to vector<16xi32>
      %sub3A_129 = vector.broadcast %mul3A_0 : i32 to vector<16xi32>
      %sub3A_130 = arith.subi %get3A_128, %sub3A_129 : vector<16xi32>
      %ge3A_131 = arith.constant 0 : i32
      %ge3A_132 = vector.broadcast %ge3A_131 : i32 to vector<16xi32>
      %ge3A_133 = arith.cmpi sge, %sub3A_130, %ge3A_132 : vector<16xi32>
      %lt3A_134 = arith.constant 2000 : i32
      %lt3A_135 = vector.broadcast %lt3A_134 : i32 to vector<16xi32>
      %lt3A_136 = arith.cmpi slt, %sub3A_130, %lt3A_135 : vector<16xi32>
      %and3A_137 = arith.andi %ge3A_133, %lt3A_136 : vector<16xi1>
      %jit3A_138 = arith.constant 2000 : i32
      %broadcast_in_dim3A_139 = vector.broadcast %jit3A_138 : i32 to vector<16xi32>
      %select_n3A_140 = arith.select %and3A_137, %sub3A_130, %broadcast_in_dim3A_139 : vector<16xi1>, vector<16xi32>
      %swap3A_141 = arith.constant 32 : index
      %swap3A_142 = tpu.vector_load %arg10[%swap3A_141] {strides = array<i32>} : memref<80xi32, #tpu.memory_space<vmem>>, vector<16xi32>,
      %swap3A_143 = vector.shape_cast %swap3A_142 : vector<16xi32> to vector<16xi32>
      %swap3A_144 = vector.shape_cast %select_n3A_140 : vector<16xi32> to vector<16xi32>
      tpu.vector_store %arg10[%swap3A_141], %swap3A_144 {strides = array<i32>} : memref<80xi32, #tpu.memory_space<vmem>>, vector<16xi32>,
      %get3A_145 = arith.constant 48 : index
      %get3A_146 = tpu.vector_load %arg10[%get3A_145] {strides = array<i32>} : memref<80xi32, #tpu.memory_space<vmem>>, vector<16xi32>,
      %get3A_147 = vector.shape_cast %get3A_146 : vector<16xi32> to vector<16xi32>
      %sub3A_148 = vector.broadcast %mul3A_0 : i32 to vector<16xi32>
      %sub3A_149 = arith.subi %get3A_147, %sub3A_148 : vector<16xi32>
      %ge3A_150 = arith.constant 0 : i32
      %ge3A_151 = vector.broadcast %ge3A_150 : i32 to vector<16xi32>
      %ge3A_152 = arith.cmpi sge, %sub3A_149, %ge3A_151 : vector<16xi32>
      %lt3A_153 = arith.constant 2000 : i32
      %lt3A_154 = vector.broadcast %lt3A_153 : i32 to vector<16xi32>
      %lt3A_155 = arith.cmpi slt, %sub3A_149, %lt3A_154 : vector<16xi32>
      %and3A_156 = arith.andi %ge3A_152, %lt3A_155 : vector<16xi1>
      %jit3A_157 = arith.constant 2000 : i32
      %broadcast_in_dim3A_158 = vector.broadcast %jit3A_157 : i32 to vector<16xi32>
      %select_n3A_159 = arith.select %and3A_156, %sub3A_149, %broadcast_in_dim3A_158 : vector<16xi1>, vector<16xi32>
      %swap3A_160 = arith.constant 48 : index
      %swap3A_161 = tpu.vector_load %arg10[%swap3A_160] {strides = array<i32>} : memref<80xi32, #tpu.memory_space<vmem>>, vector<16xi32>,
      %swap3A_162 = vector.shape_cast %swap3A_161 : vector<16xi32> to vector<16xi32>
      %swap3A_163 = vector.shape_cast %select_n3A_159 : vector<16xi32> to vector<16xi32>
      tpu.vector_store %arg10[%swap3A_160], %swap3A_163 {strides = array<i32>} : memref<80xi32, #tpu.memory_space<vmem>>, vector<16xi32>,
      %get3A_164 = arith.constant 64 : index
      %get3A_165 = tpu.vector_load %arg10[%get3A_164] {strides = array<i32>} : memref<80xi32, #tpu.memory_space<vmem>>, vector<16xi32>,
      %get3A_166 = vector.shape_cast %get3A_165 : vector<16xi32> to vector<16xi32>
      %sub3A_167 = vector.broadcast %mul3A_0 : i32 to vector<16xi32>
      %sub3A_168 = arith.subi %get3A_166, %sub3A_167 : vector<16xi32>
      %ge3A_169 = arith.constant 0 : i32
      %ge3A_170 = vector.broadcast %ge3A_169 : i32 to vector<16xi32>
      %ge3A_171 = arith.cmpi sge, %sub3A_168, %ge3A_170 : vector<16xi32>
      %lt3A_172 = arith.constant 2000 : i32
      %lt3A_173 = vector.broadcast %lt3A_172 : i32 to vector<16xi32>
      %lt3A_174 = arith.cmpi slt, %sub3A_168, %lt3A_173 : vector<16xi32>
      %and3A_175 = arith.andi %ge3A_171, %lt3A_174 : vector<16xi1>
      %jit3A_176 = arith.constant 2000 : i32
      %broadcast_in_dim3A_177 = vector.broadcast %jit3A_176 : i32 to vector<16xi32>
      %select_n3A_178 = arith.select %and3A_175, %sub3A_168, %broadcast_in_dim3A_177 : vector<16xi1>, vector<16xi32>
      %swap3A_179 = arith.constant 64 : index
      %swap3A_180 = tpu.vector_load %arg10[%swap3A_179] {strides = array<i32>} : memref<80xi32, #tpu.memory_space<vmem>>, vector<16xi32>,
      %swap3A_181 = vector.shape_cast %swap3A_180 : vector<16xi32> to vector<16xi32>
      %swap3A_182 = vector.shape_cast %select_n3A_178 : vector<16xi32> to vector<16xi32>
      tpu.vector_store %arg10[%swap3A_179], %swap3A_182 {strides = array<i32>} : memref<80xi32, #tpu.memory_space<vmem>>, vector<16xi32>,
      %get3A_183 = arith.constant 0 : index
      %get3A_184 = tpu.vector_load %arg11[%get3A_183] {strides = array<i32>} : memref<80xi32, #tpu.memory_space<vmem>>, vector<16xi32>,
      %get3A_185 = vector.shape_cast %get3A_184 : vector<16xi32> to vector<16xi32>
      %sub3A_186 = vector.broadcast %mul3A_0 : i32 to vector<16xi32>
      %sub3A_187 = arith.subi %get3A_185, %sub3A_186 : vector<16xi32>
      %ge3A_188 = arith.constant 0 : i32
      %ge3A_189 = vector.broadcast %ge3A_188 : i32 to vector<16xi32>
      %ge3A_190 = arith.cmpi sge, %sub3A_187, %ge3A_189 : vector<16xi32>
      %lt3A_191 = arith.constant 2000 : i32
      %lt3A_192 = vector.broadcast %lt3A_191 : i32 to vector<16xi32>
      %lt3A_193 = arith.cmpi slt, %sub3A_187, %lt3A_192 : vector<16xi32>
      %and3A_194 = arith.andi %ge3A_190, %lt3A_193 : vector<16xi1>
      %jit3A_195 = arith.constant 2000 : i32
      %broadcast_in_dim3A_196 = vector.broadcast %jit3A_195 : i32 to vector<16xi32>
      %select_n3A_197 = arith.select %and3A_194, %sub3A_187, %broadcast_in_dim3A_196 : vector<16xi1>, vector<16xi32>
      %swap3A_198 = arith.constant 0 : index
      %swap3A_199 = tpu.vector_load %arg11[%swap3A_198] {strides = array<i32>} : memref<80xi32, #tpu.memory_space<vmem>>, vector<16xi32>,
      %swap3A_200 = vector.shape_cast %swap3A_199 : vector<16xi32> to vector<16xi32>
      %swap3A_201 = vector.shape_cast %select_n3A_197 : vector<16xi32> to vector<16xi32>
      tpu.vector_store %arg11[%swap3A_198], %swap3A_201 {strides = array<i32>} : memref<80xi32, #tpu.memory_space<vmem>>, vector<16xi32>,
      %get3A_202 = arith.constant 16 : index
      %get3A_203 = tpu.vector_load %arg11[%get3A_202] {strides = array<i32>} : memref<80xi32, #tpu.memory_space<vmem>>, vector<16xi32>,
      %get3A_204 = vector.shape_cast %get3A_203 : vector<16xi32> to vector<16xi32>
      %sub3A_205 = vector.broadcast %mul3A_0 : i32 to vector<16xi32>
      %sub3A_206 = arith.subi %get3A_204, %sub3A_205 : vector<16xi32>
      %ge3A_207 = arith.constant 0 : i32
      %ge3A_208 = vector.broadcast %ge3A_207 : i32 to vector<16xi32>
      %ge3A_209 = arith.cmpi sge, %sub3A_206, %ge3A_208 : vector<16xi32>
      %lt3A_210 = arith.constant 2000 : i32
      %lt3A_211 = vector.broadcast %lt3A_210 : i32 to vector<16xi32>
      %lt3A_212 = arith.cmpi slt, %sub3A_206, %lt3A_211 : vector<16xi32>
      %and3A_213 = arith.andi %ge3A_209, %lt3A_212 : vector<16xi1>
      %jit3A_214 = arith.constant 2000 : i32
      %broadcast_in_dim3A_215 = vector.broadcast %jit3A_214 : i32 to vector<16xi32>
      %select_n3A_216 = arith.select %and3A_213, %sub3A_206, %broadcast_in_dim3A_215 : vector<16xi1>, vector<16xi32>
      %swap3A_217 = arith.constant 16 : index
      %swap3A_218 = tpu.vector_load %arg11[%swap3A_217] {strides = array<i32>} : memref<80xi32, #tpu.memory_space<vmem>>, vector<16xi32>,
      %swap3A_219 = vector.shape_cast %swap3A_218 : vector<16xi32> to vector<16xi32>
      %swap3A_220 = vector.shape_cast %select_n3A_216 : vector<16xi32> to vector<16xi32>
      tpu.vector_store %arg11[%swap3A_217], %swap3A_220 {strides = array<i32>} : memref<80xi32, #tpu.memory_space<vmem>>, vector<16xi32>,
      %get3A_221 = arith.constant 32 : index
      %get3A_222 = tpu.vector_load %arg11[%get3A_221] {strides = array<i32>} : memref<80xi32, #tpu.memory_space<vmem>>, vector<16xi32>,
      %get3A_223 = vector.shape_cast %get3A_222 : vector<16xi32> to vector<16xi32>
      %sub3A_224 = vector.broadcast %mul3A_0 : i32 to vector<16xi32>
      %sub3A_225 = arith.subi %get3A_223, %sub3A_224 : vector<16xi32>
      %ge3A_226 = arith.constant 0 : i32
      %ge3A_227 = vector.broadcast %ge3A_226 : i32 to vector<16xi32>
      %ge3A_228 = arith.cmpi sge, %sub3A_225, %ge3A_227 : vector<16xi32>
      %lt3A_229 = arith.constant 2000 : i32
      %lt3A_230 = vector.broadcast %lt3A_229 : i32 to vector<16xi32>
      %lt3A_231 = arith.cmpi slt, %sub3A_225, %lt3A_230 : vector<16xi32>
      %and3A_232 = arith.andi %ge3A_228, %lt3A_231 : vector<16xi1>
      %jit3A_233 = arith.constant 2000 : i32
      %broadcast_in_dim3A_234 = vector.broadcast %jit3A_233 : i32 to vector<16xi32>
      %select_n3A_235 = arith.select %and3A_232, %sub3A_225, %broadcast_in_dim3A_234 : vector<16xi1>, vector<16xi32>
      %swap3A_236 = arith.constant 32 : index
      %swap3A_237 = tpu.vector_load %arg11[%swap3A_236] {strides = array<i32>} : memref<80xi32, #tpu.memory_space<vmem>>, vector<16xi32>,
      %swap3A_238 = vector.shape_cast %swap3A_237 : vector<16xi32> to vector<16xi32>
      %swap3A_239 = vector.shape_cast %select_n3A_235 : vector<16xi32> to vector<16xi32>
      tpu.vector_store %arg11[%swap3A_236], %swap3A_239 {strides = array<i32>} : memref<80xi32, #tpu.memory_space<vmem>>, vector<16xi32>,
      %get3A_240 = arith.constant 48 : index
      %get3A_241 = tpu.vector_load %arg11[%get3A_240] {strides = array<i32>} : memref<80xi32, #tpu.memory_space<vmem>>, vector<16xi32>,
      %get3A_242 = vector.shape_cast %get3A_241 : vector<16xi32> to vector<16xi32>
      %sub3A_243 = vector.broadcast %mul3A_0 : i32 to vector<16xi32>
      %sub3A_244 = arith.subi %get3A_242, %sub3A_243 : vector<16xi32>
      %ge3A_245 = arith.constant 0 : i32
      %ge3A_246 = vector.broadcast %ge3A_245 : i32 to vector<16xi32>
      %ge3A_247 = arith.cmpi sge, %sub3A_244, %ge3A_246 : vector<16xi32>
      %lt3A_248 = arith.constant 2000 : i32
      %lt3A_249 = vector.broadcast %lt3A_248 : i32 to vector<16xi32>
      %lt3A_250 = arith.cmpi slt, %sub3A_244, %lt3A_249 : vector<16xi32>
      %and3A_251 = arith.andi %ge3A_247, %lt3A_250 : vector<16xi1>
      %jit3A_252 = arith.constant 2000 : i32
      %broadcast_in_dim3A_253 = vector.broadcast %jit3A_252 : i32 to vector<16xi32>
      %select_n3A_254 = arith.select %and3A_251, %sub3A_244, %broadcast_in_dim3A_253 : vector<16xi1>, vector<16xi32>
      %swap3A_255 = arith.constant 48 : index
      %swap3A_256 = tpu.vector_load %arg11[%swap3A_255] {strides = array<i32>} : memref<80xi32, #tpu.memory_space<vmem>>, vector<16xi32>,
      %swap3A_257 = vector.shape_cast %swap3A_256 : vector<16xi32> to vector<16xi32>
      %swap3A_258 = vector.shape_cast %select_n3A_254 : vector<16xi32> to vector<16xi32>
      tpu.vector_store %arg11[%swap3A_255], %swap3A_258 {strides = array<i32>} : memref<80xi32, #tpu.memory_space<vmem>>, vector<16xi32>,
      %get3A_259 = arith.constant 64 : index
      %get3A_260 = tpu.vector_load %arg11[%get3A_259] {strides = array<i32>} : memref<80xi32, #tpu.memory_space<vmem>>, vector<16xi32>,
      %get3A_261 = vector.shape_cast %get3A_260 : vector<16xi32> to vector<16xi32>
      %sub3A_262 = vector.broadcast %mul3A_0 : i32 to vector<16xi32>
      %sub3A_263 = arith.subi %get3A_261, %sub3A_262 : vector<16xi32>
      %ge3A_264 = arith.constant 0 : i32
      %ge3A_265 = vector.broadcast %ge3A_264 : i32 to vector<16xi32>
      %ge3A_266 = arith.cmpi sge, %sub3A_263, %ge3A_265 : vector<16xi32>
      %lt3A_267 = arith.constant 2000 : i32
      %lt3A_268 = vector.broadcast %lt3A_267 : i32 to vector<16xi32>
      %lt3A_269 = arith.cmpi slt, %sub3A_263, %lt3A_268 : vector<16xi32>
      %and3A_270 = arith.andi %ge3A_266, %lt3A_269 : vector<16xi1>
      %jit3A_271 = arith.constant 2000 : i32
      %broadcast_in_dim3A_272 = vector.broadcast %jit3A_271 : i32 to vector<16xi32>
      %select_n3A_273 = arith.select %and3A_270, %sub3A_263, %broadcast_in_dim3A_272 : vector<16xi1>, vector<16xi32>
      %swap3A_274 = arith.constant 64 : index
      %swap3A_275 = tpu.vector_load %arg11[%swap3A_274] {strides = array<i32>} : memref<80xi32, #tpu.memory_space<vmem>>, vector<16xi32>,
      %swap3A_276 = vector.shape_cast %swap3A_275 : vector<16xi32> to vector<16xi32>
      %swap3A_277 = vector.shape_cast %select_n3A_273 : vector<16xi32> to vector<16xi32>
      tpu.vector_store %arg11[%swap3A_274], %swap3A_277 {strides = array<i32>} : memref<80xi32, #tpu.memory_space<vmem>>, vector<16xi32>,
      %dma_start3A_278 = arith.constant 0 : i32
      %dma_start3A_279 = arith.constant 0 : i32
      %dma_start3A_280 = arith.constant 0 : i32
      %dma_start3A_281 = tpu.memref_slice %arg12[%dma_start3A_278, %dma_start3A_279, %dma_start3A_280] : memref<2x80x128xf32, #tpu.memory_space<vmem>> -> memref<1x80x128xf32, #tpu.memory_space<vmem>>
      %dma_start3A_282 = tpu.memref_squeeze %dma_start3A_281 : memref<1x80x128xf32, #tpu.memory_space<vmem>> -> memref<80x128xf32, #tpu.memory_space<vmem>>
      %dma_start3A_283 = arith.constant 0 : i32
      %dma_start3A_284 = tpu.memref_slice %arg9[%dma_start3A_283] : memref<160xi32, #tpu.memory_space<vmem>> -> memref<80xi32, #tpu.memory_space<vmem>>
      %dma_start3A_285 = arith.constant 0 : i32
      %dma_start3A_286 = arith.constant 0 : i32
      %dma_start3A_287 = tpu.memref_slice %arg3[%dma_start3A_285, %dma_start3A_286] : memref<16000x128xf32, #tpu.memory_space<hbm>> -> memref<16000x128xf32, #tpu.memory_space<hbm>>
      tpu.enqueue_indirect_dma source(%dma_start3A_287 : memref<16000x128xf32, #tpu.memory_space<hbm>>) target(%dma_start3A_282 : memref<80x128xf32, #tpu.memory_space<vmem>>) offsets(%dma_start3A_284 : memref<80xi32, #tpu.memory_space<vmem>>) semaphore(%arg15 : memref<!tpu.dma_semaphore, #tpu.memory_space<semaphore_mem>>)
      %dma_start3A_288 = arith.constant 1 : i32
      %dma_start3A_289 = arith.constant 0 : i32
      %dma_start3A_290 = arith.constant 0 : i32
      %dma_start3A_291 = tpu.memref_slice %arg12[%dma_start3A_288, %dma_start3A_289, %dma_start3A_290] : memref<2x80x128xf32, #tpu.memory_space<vmem>> -> memref<1x80x128xf32, #tpu.memory_space<vmem>>
      %dma_start3A_292 = tpu.memref_squeeze %dma_start3A_291 : memref<1x80x128xf32, #tpu.memory_space<vmem>> -> memref<80x128xf32, #tpu.memory_space<vmem>>
      %dma_start3A_293 = arith.constant 80 : i32
      %dma_start3A_294 = tpu.memref_slice %arg9[%dma_start3A_293] : memref<160xi32, #tpu.memory_space<vmem>> -> memref<80xi32, #tpu.memory_space<vmem>>
      %dma_start3A_295 = arith.constant 0 : i32
      %dma_start3A_296 = arith.constant 0 : i32
      %dma_start3A_297 = tpu.memref_slice %arg3[%dma_start3A_295, %dma_start3A_296] : memref<16000x128xf32, #tpu.memory_space<hbm>> -> memref<16000x128xf32, #tpu.memory_space<hbm>>
      tpu.enqueue_indirect_dma source(%dma_start3A_297 : memref<16000x128xf32, #tpu.memory_space<hbm>>) target(%dma_start3A_292 : memref<80x128xf32, #tpu.memory_space<vmem>>) offsets(%dma_start3A_294 : memref<80xi32, #tpu.memory_space<vmem>>) semaphore(%arg15 : memref<!tpu.dma_semaphore, #tpu.memory_space<semaphore_mem>>)
      %dma_wait3A_298 = arith.constant 0 : i32
      %dma_wait3A_299 = arith.constant 0 : i32
      %dma_wait3A_300 = arith.constant 0 : i32
      %dma_wait3A_301 = tpu.memref_slice %arg12[%dma_wait3A_298, %dma_wait3A_299, %dma_wait3A_300] : memref<2x80x128xf32, #tpu.memory_space<vmem>> -> memref<1x80x128xf32, #tpu.memory_space<vmem>>
      %dma_wait3A_302 = tpu.memref_squeeze %dma_wait3A_301 : memref<1x80x128xf32, #tpu.memory_space<vmem>> -> memref<80x128xf32, #tpu.memory_space<vmem>>
      %dma_wait3A_303 = arith.constant 0 : i32
      %dma_wait3A_304 = tpu.memref_slice %arg9[%dma_wait3A_303] : memref<160xi32, #tpu.memory_space<vmem>> -> memref<80xi32, #tpu.memory_space<vmem>>
      %dma_wait3A_305 = arith.constant 0 : i32
      %dma_wait3A_306 = arith.constant 0 : i32
      %dma_wait3A_307 = tpu.memref_slice %arg3[%dma_wait3A_305, %dma_wait3A_306] : memref<16000x128xf32, #tpu.memory_space<hbm>> -> memref<16000x128xf32, #tpu.memory_space<hbm>>
      tpu.wait_indirect_dma semaphore(%arg15 : memref<!tpu.dma_semaphore, #tpu.memory_space<semaphore_mem>>) src(%dma_wait3A_307 : memref<16000x128xf32, #tpu.memory_space<hbm>>) dst(%dma_wait3A_302 : memref<80x128xf32, #tpu.memory_space<vmem>>)
      %dma_wait3A_308 = arith.constant 1 : i32
      %dma_wait3A_309 = arith.constant 0 : i32
      %dma_wait3A_310 = arith.constant 0 : i32
      %dma_wait3A_311 = tpu.memref_slice %arg12[%dma_wait3A_308, %dma_wait3A_309, %dma_wait3A_310] : memref<2x80x128xf32, #tpu.memory_space<vmem>> -> memref<1x80x128xf32, #tpu.memory_space<vmem>>
      %dma_wait3A_312 = tpu.memref_squeeze %dma_wait3A_311 : memref<1x80x128xf32, #tpu.memory_space<vmem>> -> memref<80x128xf32, #tpu.memory_space<vmem>>
      %dma_wait3A_313 = arith.constant 80 : i32
      %dma_wait3A_314 = tpu.memref_slice %arg9[%dma_wait3A_313] : memref<160xi32, #tpu.memory_space<vmem>> -> memref<80xi32, #tpu.memory_space<vmem>>
      %dma_wait3A_315 = arith.constant 0 : i32
      %dma_wait3A_316 = arith.constant 0 : i32
      %dma_wait3A_317 = tpu.memref_slice %arg3[%dma_wait3A_315, %dma_wait3A_316] : memref<16000x128xf32, #tpu.memory_space<hbm>> -> memref<16000x128xf32, #tpu.memory_space<hbm>>
      tpu.wait_indirect_dma semaphore(%arg15 : memref<!tpu.dma_semaphore, #tpu.memory_space<semaphore_mem>>) src(%dma_wait3A_317 : memref<16000x128xf32, #tpu.memory_space<hbm>>) dst(%dma_wait3A_312 : memref<80x128xf32, #tpu.memory_space<vmem>>)
      %dma_start3A_318 = arith.constant 0 : i32
      %dma_start3A_319 = arith.constant 0 : i32
      %dma_start3A_320 = arith.constant 0 : i32
      %dma_start3A_321 = tpu.memref_slice %arg12[%dma_start3A_318, %dma_start3A_319, %dma_start3A_320] : memref<2x80x128xf32, #tpu.memory_space<vmem>> -> memref<1x80x128xf32, #tpu.memory_space<vmem>>
      %dma_start3A_322 = tpu.memref_squeeze %dma_start3A_321 : memref<1x80x128xf32, #tpu.memory_space<vmem>> -> memref<80x128xf32, #tpu.memory_space<vmem>>
      %dma_start3A_323 = arith.constant 0 : i32
      %dma_start3A_324 = arith.constant 0 : i32
      %dma_start3A_325 = tpu.memref_slice %arg13[%dma_start3A_323, %dma_start3A_324] : memref<2008x128xf32, #tpu.memory_space<vmem_shared>> -> memref<2008x128xf32, #tpu.memory_space<vmem_shared>>
      tpu.enqueue_indirect_dma source(%dma_start3A_322 : memref<80x128xf32, #tpu.memory_space<vmem>>) target(%dma_start3A_325 : memref<2008x128xf32, #tpu.memory_space<vmem_shared>>) offsets(%arg10 : memref<80xi32, #tpu.memory_space<vmem>>) semaphore(%arg16 : memref<!tpu.dma_semaphore, #tpu.memory_space<semaphore_mem>>) {add = true}
      %dma_start3A_326 = arith.constant 1 : i32
      %dma_start3A_327 = arith.constant 0 : i32
      %dma_start3A_328 = arith.constant 0 : i32
      %dma_start3A_329 = tpu.memref_slice %arg12[%dma_start3A_326, %dma_start3A_327, %dma_start3A_328] : memref<2x80x128xf32, #tpu.memory_space<vmem>> -> memref<1x80x128xf32, #tpu.memory_space<vmem>>
      %dma_start3A_330 = tpu.memref_squeeze %dma_start3A_329 : memref<1x80x128xf32, #tpu.memory_space<vmem>> -> memref<80x128xf32, #tpu.memory_space<vmem>>
      %dma_start3A_331 = arith.constant 0 : i32
      %dma_start3A_332 = arith.constant 0 : i32
      %dma_start3A_333 = tpu.memref_slice %arg13[%dma_start3A_331, %dma_start3A_332] : memref<2008x128xf32, #tpu.memory_space<vmem_shared>> -> memref<2008x128xf32, #tpu.memory_space<vmem_shared>>
      tpu.enqueue_indirect_dma source(%dma_start3A_330 : memref<80x128xf32, #tpu.memory_space<vmem>>) target(%dma_start3A_333 : memref<2008x128xf32, #tpu.memory_space<vmem_shared>>) offsets(%arg11 : memref<80xi32, #tpu.memory_space<vmem>>) semaphore(%arg16 : memref<!tpu.dma_semaphore, #tpu.memory_space<semaphore_mem>>) {add = true}
      %dma_wait3A_334 = arith.constant 0 : i32
      %dma_wait3A_335 = arith.constant 0 : i32
      %dma_wait3A_336 = arith.constant 0 : i32
      %dma_wait3A_337 = tpu.memref_slice %arg12[%dma_wait3A_334, %dma_wait3A_335, %dma_wait3A_336] : memref<2x80x128xf32, #tpu.memory_space<vmem>> -> memref<1x80x128xf32, #tpu.memory_space<vmem>>
      %dma_wait3A_338 = tpu.memref_squeeze %dma_wait3A_337 : memref<1x80x128xf32, #tpu.memory_space<vmem>> -> memref<80x128xf32, #tpu.memory_space<vmem>>
      %dma_wait3A_339 = arith.constant 0 : i32
      %dma_wait3A_340 = arith.constant 0 : i32
      %dma_wait3A_341 = tpu.memref_slice %arg13[%dma_wait3A_339, %dma_wait3A_340] : memref<2008x128xf32, #tpu.memory_space<vmem_shared>> -> memref<2008x128xf32, #tpu.memory_space<vmem_shared>>
      tpu.wait_indirect_dma semaphore(%arg16 : memref<!tpu.dma_semaphore, #tpu.memory_space<semaphore_mem>>) src(%dma_wait3A_338 : memref<80x128xf32, #tpu.memory_space<vmem>>) dst(%dma_wait3A_341 : memref<2008x128xf32, #tpu.memory_space<vmem_shared>>)
      %dma_wait3A_342 = arith.constant 1 : i32
      %dma_wait3A_343 = arith.constant 0 : i32
      %dma_wait3A_344 = arith.constant 0 : i32
      %dma_wait3A_345 = tpu.memref_slice %arg12[%dma_wait3A_342, %dma_wait3A_343, %dma_wait3A_344] : memref<2x80x128xf32, #tpu.memory_space<vmem>> -> memref<1x80x128xf32, #tpu.memory_space<vmem>>
      %dma_wait3A_346 = tpu.memref_squeeze %dma_wait3A_345 : memref<1x80x128xf32, #tpu.memory_space<vmem>> -> memref<80x128xf32, #tpu.memory_space<vmem>>
      %dma_wait3A_347 = arith.constant 0 : i32
      %dma_wait3A_348 = arith.constant 0 : i32
      %dma_wait3A_349 = tpu.memref_slice %arg13[%dma_wait3A_347, %dma_wait3A_348] : memref<2008x128xf32, #tpu.memory_space<vmem_shared>> -> memref<2008x128xf32, #tpu.memory_space<vmem_shared>>
      tpu.wait_indirect_dma semaphore(%arg16 : memref<!tpu.dma_semaphore, #tpu.memory_space<semaphore_mem>>) src(%dma_wait3A_346 : memref<80x128xf32, #tpu.memory_space<vmem>>) dst(%dma_wait3A_349 : memref<2008x128xf32, #tpu.memory_space<vmem_shared>>)
      %scan3A_350 = arith.constant 0 : i32
      scf.yield %scan3A_350 : i32
    }
    %scan3A_59 = arith.constant 25 : i32
    %barrier3A_60 = arith.constant 0 : index
    tpu.barrier barrier_id(%barrier3A_60)
    %add3A_61 = arith.constant 0 : i32
    %add3A_62 = arith.addi %arg1, %add3A_61 : i32
    %lt3A_63 = arith.constant 15 : i32
    %lt3A_64 = arith.cmpi slt, %add3A_62, %lt3A_63 : i32
    %convert_element_type3A_65 = arith.extui %lt3A_64 : i1 to i32
    %cond3A_66 = arith.constant 0 : i32
    %cond3A_67 = arith.cmpi ne, %convert_element_type3A_65, %cond3A_66 : i32
    scf.if %cond3A_67 {
      %add3A_75 = arith.constant 0 : i32
      %add3A_76 = arith.addi %arg1, %add3A_75 : i32
      %mul3A_77 = arith.constant 128 : i32
      %mul3A_78 = arith.muli %add3A_76, %mul3A_77 : i32
      %mul3A_79 = arith.constant 128 : i32
      %mul3A_80 = arith.muli %add3A_76, %mul3A_79 : i32
      %add3A_81 = arith.addi %mul3A_2, %mul3A_80 : i32
      "tpu.region"() ({
        %run_scoped3A = tpu.sem_alloc : memref<!tpu.dma_semaphore, #tpu.memory_space<semaphore_mem>>
        %dma_start3A = arith.constant 0 : i32
        %dma_start3A_82 = tpu.memref_slice %arg8[%add3A_81, %dma_start3A] : memref<4000x128xf32, #tpu.memory_space<hbm>> -> memref<128x128xf32, #tpu.memory_space<hbm>>
        %dma_start3A_83 = arith.constant 0 : i32
        %dma_start3A_84 = tpu.memref_slice %arg13[%mul3A_78, %dma_start3A_83] : memref<2008x128xf32, #tpu.memory_space<vmem_shared>> -> memref<128x128xf32, #tpu.memory_space<vmem_shared>>
        tpu.enqueue_dma source(%dma_start3A_84 : memref<128x128xf32, #tpu.memory_space<vmem_shared>>) target(%dma_start3A_82 : memref<128x128xf32, #tpu.memory_space<hbm>>) target_semaphore(%run_scoped3A : memref<!tpu.dma_semaphore, #tpu.memory_space<semaphore_mem>>)
        %dma_wait3A = arith.constant 0 : i32
        %dma_wait3A_85 = tpu.memref_slice %arg8[%add3A_81, %dma_wait3A] : memref<4000x128xf32, #tpu.memory_space<hbm>> -> memref<128x128xf32, #tpu.memory_space<hbm>>
        %dma_wait3A_86 = arith.constant 0 : i32
        %dma_wait3A_87 = tpu.memref_slice %arg13[%mul3A_78, %dma_wait3A_86] : memref<2008x128xf32, #tpu.memory_space<vmem_shared>> -> memref<128x128xf32, #tpu.memory_space<vmem_shared>>
        tpu.wait_dma2 semaphore(%run_scoped3A : memref<!tpu.dma_semaphore, #tpu.memory_space<semaphore_mem>>) src(%dma_wait3A_87 : memref<128x128xf32, #tpu.memory_space<vmem_shared>>) dst(%dma_wait3A_85 : memref<128x128xf32, #tpu.memory_space<hbm>>)
        tpu.yield
      }) : () -> ()
    } else {
    }
    %add3A_68 = arith.constant 0 : i32
    %add3A_69 = arith.addi %arg1, %add3A_68 : i32
    %eq3A_70 = arith.constant 15 : i32
    %eq3A_71 = arith.cmpi eq, %add3A_69, %eq3A_70 : i32
    %convert_element_type3A_72 = arith.extui %eq3A_71 : i1 to i32
    %cond3A_73 = arith.constant 0 : i32
    %cond3A_74 = arith.cmpi ne, %convert_element_type3A_72, %cond3A_73 : i32
    scf.if %cond3A_74 {
      %add3A_75 = arith.constant 1920 : i32
      %add3A_76 = arith.addi %mul3A_2, %add3A_75 : i32
      "tpu.region"() ({
        %run_scoped3A = tpu.sem_alloc : memref<!tpu.dma_semaphore, #tpu.memory_space<semaphore_mem>>
        %dma_start3A = arith.constant 0 : i32
        %dma_start3A_77 = tpu.memref_slice %arg8[%add3A_76, %dma_start3A] : memref<4000x128xf32, #tpu.memory_space<hbm>> -> memref<80x128xf32, #tpu.memory_space<hbm>>
        %dma_start3A_78 = arith.constant 1920 : i32
        %dma_start3A_79 = arith.constant 0 : i32
        %dma_start3A_80 = tpu.memref_slice %arg13[%dma_start3A_78, %dma_start3A_79] : memref<2008x128xf32, #tpu.memory_space<vmem_shared>> -> memref<80x128xf32, #tpu.memory_space<vmem_shared>>
        tpu.enqueue_dma source(%dma_start3A_80 : memref<80x128xf32, #tpu.memory_space<vmem_shared>>) target(%dma_start3A_77 : memref<80x128xf32, #tpu.memory_space<hbm>>) target_semaphore(%run_scoped3A : memref<!tpu.dma_semaphore, #tpu.memory_space<semaphore_mem>>)
        %dma_wait3A = arith.constant 0 : i32
        %dma_wait3A_81 = tpu.memref_slice %arg8[%add3A_76, %dma_wait3A] : memref<4000x128xf32, #tpu.memory_space<hbm>> -> memref<80x128xf32, #tpu.memory_space<hbm>>
        %dma_wait3A_82 = arith.constant 1920 : i32
        %dma_wait3A_83 = arith.constant 0 : i32
        %dma_wait3A_84 = tpu.memref_slice %arg13[%dma_wait3A_82, %dma_wait3A_83] : memref<2008x128xf32, #tpu.memory_space<vmem_shared>> -> memref<80x128xf32, #tpu.memory_space<vmem_shared>>
        tpu.wait_dma2 semaphore(%run_scoped3A : memref<!tpu.dma_semaphore, #tpu.memory_space<semaphore_mem>>) src(%dma_wait3A_84 : memref<80x128xf32, #tpu.memory_space<vmem_shared>>) dst(%dma_wait3A_81 : memref<80x128xf32, #tpu.memory_space<hbm>>)
        tpu.yield
      }) : () -> ()
    } else {
    }
    return
  }
}

#map = affine_map<(d0, d1) -> (0, 0)>
#map1 = affine_map<(d0, d1) -> (0)>
module attributes {stable_mosaic.version = 14 : i64} {
  func.func @seg(%arg0: i32, %arg1: i32, %arg2: memref<100000x128xf32, #tpu.memory_space<hbm>>, %arg3: memref<100000x128xf32, #tpu.memory_space<hbm>>, %arg4: memref<256000xi32, #tpu.memory_space<hbm>>, %arg5: memref<256000xi32, #tpu.memory_space<hbm>>, %arg6: memref<128x128xf32, #tpu.memory_space<hbm>>, %arg7: memref<64000xi32, #tpu.memory_space<hbm>>, %arg8: memref<16000x128xf32, #tpu.memory_space<hbm>>, %arg9: memref<16000x128xf32, #tpu.memory_space<hbm>>, %arg10: memref<16000x128xf32, #tpu.memory_space<hbm>>, %arg11: memref<8000x128xf32, #tpu.memory_space<hbm>>, %arg12: memref<128xi32, #tpu.memory_space<vmem>>, %arg13: memref<64xi32, #tpu.memory_space<vmem>>, %arg14: memref<64xi32, #tpu.memory_space<vmem>>, %arg15: memref<2x64x128xf32, #tpu.memory_space<vmem>>, %arg16: memref<8008x128xf32, #tpu.memory_space<vmem_shared>>, %arg17: memref<!tpu.dma_semaphore, #tpu.memory_space<semaphore_mem>>, %arg18: memref<!tpu.dma_semaphore, #tpu.memory_space<semaphore_mem>>, %arg19: memref<!tpu.dma_semaphore, #tpu.memory_space<semaphore_mem>>, %arg20: memref<40x128xf32, #tpu.memory_space<vmem>>, %arg21: memref<32xi32, #tpu.memory_space<vmem>>, %arg22: memref<32xi32, #tpu.memory_space<vmem>>, %arg23: memref<40xi32, #tpu.memory_space<vmem>>, %arg24: memref<40xi32, #tpu.memory_space<vmem>>) attributes {dimension_semantics = [#tpu.dimension_semantics<core_parallel>, #tpu.dimension_semantics<subcore_parallel>], iteration_bounds = array<i64: 2, 16>, scalar_prefetch = 0 : i64, scratch_operands = 13 : i64, tpu.core_type = #tpu.core_type<sc_vector_subcore>, window_params = [{transform_indices = #map}, {transform_indices = #map}, {transform_indices = #map1}, {transform_indices = #map1}, {transform_indices = #map}, {transform_indices = #map1}, {transform_indices = #map}, {transform_indices = #map}, {transform_indices = #map}, {transform_indices = #map}]} {
    %broadcast_in_dim3A = arith.constant 1.000000e+00 : f32
    %broadcast_in_dim3A_0 = vector.broadcast %broadcast_in_dim3A : f32 to vector<16xf32>
    %scan3A = arith.constant 0 : i32
    %scan3A_1 = arith.constant 0 : i32
    %scan3A_2 = arith.constant 320 : i32
    %scan3A_3 = arith.addi %scan3A_1, %scan3A_2 : i32
    %scan3A_4 = arith.constant 1 : i32
    %scan3A_5 = scf.for %scan3A_286 = %scan3A_1 to %scan3A_3 step %scan3A_4 iter_args(%scan3A_287 = %scan3A) -> (i32)  : i32 {
      %jit3A = arith.constant 8 : i32
      %div3A = arith.divsi %scan3A_286, %jit3A : i32
      %sign3A = arith.constant 0 : i32
      %sign3A_288 = arith.cmpi sgt, %scan3A_286, %sign3A : i32
      %sign3A_289 = arith.extui %sign3A_288 : i1 to i32
      %sign3A_290 = arith.constant 0 : i32
      %sign3A_291 = arith.cmpi slt, %scan3A_286, %sign3A_290 : i32
      %sign3A_292 = arith.extui %sign3A_291 : i1 to i32
      %sign3A_293 = arith.subi %sign3A_289, %sign3A_292 : i32
      %sign3A_294 = arith.constant 0 : i32
      %sign3A_295 = arith.cmpi sgt, %jit3A, %sign3A_294 : i32
      %sign3A_296 = arith.extui %sign3A_295 : i1 to i32
      %sign3A_297 = arith.constant 0 : i32
      %sign3A_298 = arith.cmpi slt, %jit3A, %sign3A_297 : i32
      %sign3A_299 = arith.extui %sign3A_298 : i1 to i32
      %sign3A_300 = arith.subi %sign3A_296, %sign3A_299 : i32
      %ne3A = arith.cmpi ne, %sign3A_293, %sign3A_300 : i32
      %rem3A = arith.remsi %scan3A_286, %jit3A : i32
      %ne3A_301 = arith.constant 0 : i32
      %ne3A_302 = arith.cmpi ne, %rem3A, %ne3A_301 : i32
      %and3A = arith.andi %ne3A, %ne3A_302 : i1
      %sub3A = arith.constant 1 : i32
      %sub3A_303 = arith.subi %div3A, %sub3A : i32
      %select_n3A = arith.select %and3A, %sub3A_303, %div3A : i32
      %jit3A_304 = arith.constant 8 : i32
      %eq3A_305 = arith.constant 0 : i32
      %eq3A_306 = arith.cmpi eq, %jit3A_304, %eq3A_305 : i32
      %jit3A_307 = arith.constant 1 : i32
      %select_n3A_308 = arith.select %eq3A_306, %jit3A_307, %jit3A_304 : i32
      %rem3A_309 = arith.remsi %scan3A_286, %select_n3A_308 : i32
      %ne3A_310 = arith.constant 0 : i32
      %ne3A_311 = arith.cmpi ne, %rem3A_309, %ne3A_310 : i32
      %lt3A_312 = arith.constant 0 : i32
      %lt3A_313 = arith.cmpi slt, %rem3A_309, %lt3A_312 : i32
      %lt3A_314 = arith.constant 0 : i32
      %lt3A_315 = arith.cmpi slt, %select_n3A_308, %lt3A_314 : i32
      %ne3A_316 = arith.xori %lt3A_313, %lt3A_315 : i1
      %and3A_317 = arith.andi %ne3A_316, %ne3A_311 : i1
      %add3A_318 = arith.addi %rem3A_309, %select_n3A_308 : i32
      %select_n3A_319 = arith.select %and3A_317, %add3A_318, %rem3A_309 : i32
      %mul3A_320 = arith.constant 16 : i32
      %mul3A_321 = arith.muli %select_n3A_319, %mul3A_320 : i32
      %swap3A = arith.index_cast %select_n3A : i32 to index
      %swap3A_322 = arith.index_cast %mul3A_321 : i32 to index
      %swap3A_323 = tpu.vector_load %arg20[%swap3A, %swap3A_322] {strides = array<i32>} : memref<40x128xf32, #tpu.memory_space<vmem>>, vector<1x16xf32>,
      %swap3A_324 = vector.shape_cast %swap3A_323 : vector<1x16xf32> to vector<16xf32>
      %swap3A_325 = vector.shape_cast %broadcast_in_dim3A_0 : vector<16xf32> to vector<1x16xf32>
      tpu.vector_store %arg20[%swap3A, %swap3A_322], %swap3A_325 {strides = array<i32>} : memref<40x128xf32, #tpu.memory_space<vmem>>, vector<1x16xf32>,
      %scan3A_326 = arith.constant 0 : i32
      scf.yield %scan3A_326 : i32
    }
    %scan3A_6 = arith.constant 320 : i32
    %mul3A = arith.constant 8000 : i32
    %mul3A_7 = arith.muli %arg0, %mul3A : i32
    %mul3A_8 = arith.constant 8000 : i32
    %mul3A_9 = arith.muli %arg0, %mul3A_8 : i32
    %add3A = arith.constant 0 : i32
    %add3A_10 = arith.addi %arg1, %add3A : i32
    %mul3A_11 = arith.constant 128 : i32
    %mul3A_12 = arith.muli %add3A_10, %mul3A_11 : i32
    "tpu.region"() ({
      %run_scoped3A = tpu.sem_alloc : memref<!tpu.dma_semaphore, #tpu.memory_space<semaphore_mem>>
      %dma_start3A = arith.constant 0 : i32
      %dma_start3A_286 = tpu.memref_slice %arg16[%mul3A_12, %dma_start3A] : memref<8008x128xf32, #tpu.memory_space<vmem_shared>> -> memref<128x128xf32, #tpu.memory_space<vmem_shared>>
      %dma_start3A_287 = arith.constant 0 : i32
      %dma_start3A_288 = arith.constant 0 : i32
      %dma_start3A_289 = tpu.memref_slice %arg6[%dma_start3A_287, %dma_start3A_288] : memref<128x128xf32, #tpu.memory_space<hbm>> -> memref<128x128xf32, #tpu.memory_space<hbm>>
      tpu.enqueue_dma source(%dma_start3A_289 : memref<128x128xf32, #tpu.memory_space<hbm>>) target(%dma_start3A_286 : memref<128x128xf32, #tpu.memory_space<vmem_shared>>) target_semaphore(%run_scoped3A : memref<!tpu.dma_semaphore, #tpu.memory_space<semaphore_mem>>)
      %dma_wait3A = arith.constant 0 : i32
      %dma_wait3A_290 = tpu.memref_slice %arg16[%mul3A_12, %dma_wait3A] : memref<8008x128xf32, #tpu.memory_space<vmem_shared>> -> memref<128x128xf32, #tpu.memory_space<vmem_shared>>
      %dma_wait3A_291 = arith.constant 0 : i32
      %dma_wait3A_292 = arith.constant 0 : i32
      %dma_wait3A_293 = tpu.memref_slice %arg6[%dma_wait3A_291, %dma_wait3A_292] : memref<128x128xf32, #tpu.memory_space<hbm>> -> memref<128x128xf32, #tpu.memory_space<hbm>>
      tpu.wait_dma2 semaphore(%run_scoped3A : memref<!tpu.dma_semaphore, #tpu.memory_space<semaphore_mem>>) src(%dma_wait3A_293 : memref<128x128xf32, #tpu.memory_space<hbm>>) dst(%dma_wait3A_290 : memref<128x128xf32, #tpu.memory_space<vmem_shared>>)
      tpu.yield
    }) : () -> ()
    %add3A_13 = arith.constant 16 : i32
    %add3A_14 = arith.addi %arg1, %add3A_13 : i32
    %mul3A_15 = arith.constant 128 : i32
    %mul3A_16 = arith.muli %add3A_14, %mul3A_15 : i32
    "tpu.region"() ({
      %run_scoped3A = tpu.sem_alloc : memref<!tpu.dma_semaphore, #tpu.memory_space<semaphore_mem>>
      %dma_start3A = arith.constant 0 : i32
      %dma_start3A_286 = tpu.memref_slice %arg16[%mul3A_16, %dma_start3A] : memref<8008x128xf32, #tpu.memory_space<vmem_shared>> -> memref<128x128xf32, #tpu.memory_space<vmem_shared>>
      %dma_start3A_287 = arith.constant 0 : i32
      %dma_start3A_288 = arith.constant 0 : i32
      %dma_start3A_289 = tpu.memref_slice %arg6[%dma_start3A_287, %dma_start3A_288] : memref<128x128xf32, #tpu.memory_space<hbm>> -> memref<128x128xf32, #tpu.memory_space<hbm>>
      tpu.enqueue_dma source(%dma_start3A_289 : memref<128x128xf32, #tpu.memory_space<hbm>>) target(%dma_start3A_286 : memref<128x128xf32, #tpu.memory_space<vmem_shared>>) target_semaphore(%run_scoped3A : memref<!tpu.dma_semaphore, #tpu.memory_space<semaphore_mem>>)
      %dma_wait3A = arith.constant 0 : i32
      %dma_wait3A_290 = tpu.memref_slice %arg16[%mul3A_16, %dma_wait3A] : memref<8008x128xf32, #tpu.memory_space<vmem_shared>> -> memref<128x128xf32, #tpu.memory_space<vmem_shared>>
      %dma_wait3A_291 = arith.constant 0 : i32
      %dma_wait3A_292 = arith.constant 0 : i32
      %dma_wait3A_293 = tpu.memref_slice %arg6[%dma_wait3A_291, %dma_wait3A_292] : memref<128x128xf32, #tpu.memory_space<hbm>> -> memref<128x128xf32, #tpu.memory_space<hbm>>
      tpu.wait_dma2 semaphore(%run_scoped3A : memref<!tpu.dma_semaphore, #tpu.memory_space<semaphore_mem>>) src(%dma_wait3A_293 : memref<128x128xf32, #tpu.memory_space<hbm>>) dst(%dma_wait3A_290 : memref<128x128xf32, #tpu.memory_space<vmem_shared>>)
      tpu.yield
    }) : () -> ()
    %add3A_17 = arith.constant 32 : i32
    %add3A_18 = arith.addi %arg1, %add3A_17 : i32
    %mul3A_19 = arith.constant 128 : i32
    %mul3A_20 = arith.muli %add3A_18, %mul3A_19 : i32
    "tpu.region"() ({
      %run_scoped3A = tpu.sem_alloc : memref<!tpu.dma_semaphore, #tpu.memory_space<semaphore_mem>>
      %dma_start3A = arith.constant 0 : i32
      %dma_start3A_286 = tpu.memref_slice %arg16[%mul3A_20, %dma_start3A] : memref<8008x128xf32, #tpu.memory_space<vmem_shared>> -> memref<128x128xf32, #tpu.memory_space<vmem_shared>>
      %dma_start3A_287 = arith.constant 0 : i32
      %dma_start3A_288 = arith.constant 0 : i32
      %dma_start3A_289 = tpu.memref_slice %arg6[%dma_start3A_287, %dma_start3A_288] : memref<128x128xf32, #tpu.memory_space<hbm>> -> memref<128x128xf32, #tpu.memory_space<hbm>>
      tpu.enqueue_dma source(%dma_start3A_289 : memref<128x128xf32, #tpu.memory_space<hbm>>) target(%dma_start3A_286 : memref<128x128xf32, #tpu.memory_space<vmem_shared>>) target_semaphore(%run_scoped3A : memref<!tpu.dma_semaphore, #tpu.memory_space<semaphore_mem>>)
      %dma_wait3A = arith.constant 0 : i32
      %dma_wait3A_290 = tpu.memref_slice %arg16[%mul3A_20, %dma_wait3A] : memref<8008x128xf32, #tpu.memory_space<vmem_shared>> -> memref<128x128xf32, #tpu.memory_space<vmem_shared>>
      %dma_wait3A_291 = arith.constant 0 : i32
      %dma_wait3A_292 = arith.constant 0 : i32
      %dma_wait3A_293 = tpu.memref_slice %arg6[%dma_wait3A_291, %dma_wait3A_292] : memref<128x128xf32, #tpu.memory_space<hbm>> -> memref<128x128xf32, #tpu.memory_space<hbm>>
      tpu.wait_dma2 semaphore(%run_scoped3A : memref<!tpu.dma_semaphore, #tpu.memory_space<semaphore_mem>>) src(%dma_wait3A_293 : memref<128x128xf32, #tpu.memory_space<hbm>>) dst(%dma_wait3A_290 : memref<128x128xf32, #tpu.memory_space<vmem_shared>>)
      tpu.yield
    }) : () -> ()
    %add3A_21 = arith.constant 48 : i32
    %add3A_22 = arith.addi %arg1, %add3A_21 : i32
    %lt3A = arith.constant 62 : i32
    %lt3A_23 = arith.cmpi slt, %add3A_22, %lt3A : i32
    %convert_element_type3A = arith.extui %lt3A_23 : i1 to i32
    %cond3A = arith.constant 0 : i32
    %cond3A_24 = arith.cmpi ne, %convert_element_type3A, %cond3A : i32
    scf.if %cond3A_24 {
      %add3A_286 = arith.constant 48 : i32
      %add3A_287 = arith.addi %arg1, %add3A_286 : i32
      %mul3A_288 = arith.constant 128 : i32
      %mul3A_289 = arith.muli %add3A_287, %mul3A_288 : i32
      "tpu.region"() ({
        %run_scoped3A = tpu.sem_alloc : memref<!tpu.dma_semaphore, #tpu.memory_space<semaphore_mem>>
        %dma_start3A = arith.constant 0 : i32
        %dma_start3A_290 = tpu.memref_slice %arg16[%mul3A_289, %dma_start3A] : memref<8008x128xf32, #tpu.memory_space<vmem_shared>> -> memref<128x128xf32, #tpu.memory_space<vmem_shared>>
        %dma_start3A_291 = arith.constant 0 : i32
        %dma_start3A_292 = arith.constant 0 : i32
        %dma_start3A_293 = tpu.memref_slice %arg6[%dma_start3A_291, %dma_start3A_292] : memref<128x128xf32, #tpu.memory_space<hbm>> -> memref<128x128xf32, #tpu.memory_space<hbm>>
        tpu.enqueue_dma source(%dma_start3A_293 : memref<128x128xf32, #tpu.memory_space<hbm>>) target(%dma_start3A_290 : memref<128x128xf32, #tpu.memory_space<vmem_shared>>) target_semaphore(%run_scoped3A : memref<!tpu.dma_semaphore, #tpu.memory_space<semaphore_mem>>)
        %dma_wait3A = arith.constant 0 : i32
        %dma_wait3A_294 = tpu.memref_slice %arg16[%mul3A_289, %dma_wait3A] : memref<8008x128xf32, #tpu.memory_space<vmem_shared>> -> memref<128x128xf32, #tpu.memory_space<vmem_shared>>
        %dma_wait3A_295 = arith.constant 0 : i32
        %dma_wait3A_296 = arith.constant 0 : i32
        %dma_wait3A_297 = tpu.memref_slice %arg6[%dma_wait3A_295, %dma_wait3A_296] : memref<128x128xf32, #tpu.memory_space<hbm>> -> memref<128x128xf32, #tpu.memory_space<hbm>>
        tpu.wait_dma2 semaphore(%run_scoped3A : memref<!tpu.dma_semaphore, #tpu.memory_space<semaphore_mem>>) src(%dma_wait3A_297 : memref<128x128xf32, #tpu.memory_space<hbm>>) dst(%dma_wait3A_294 : memref<128x128xf32, #tpu.memory_space<vmem_shared>>)
        tpu.yield
      }) : () -> ()
    } else {
    }
    %add3A_25 = arith.constant 48 : i32
    %add3A_26 = arith.addi %arg1, %add3A_25 : i32
    %eq3A = arith.constant 62 : i32
    %eq3A_27 = arith.cmpi eq, %add3A_26, %eq3A : i32
    %convert_element_type3A_28 = arith.extui %eq3A_27 : i1 to i32
    %cond3A_29 = arith.constant 0 : i32
    %cond3A_30 = arith.cmpi ne, %convert_element_type3A_28, %cond3A_29 : i32
    scf.if %cond3A_30 {
      "tpu.region"() ({
        %run_scoped3A = tpu.sem_alloc : memref<!tpu.dma_semaphore, #tpu.memory_space<semaphore_mem>>
        %dma_start3A = arith.constant 7936 : i32
        %dma_start3A_286 = arith.constant 0 : i32
        %dma_start3A_287 = tpu.memref_slice %arg16[%dma_start3A, %dma_start3A_286] : memref<8008x128xf32, #tpu.memory_space<vmem_shared>> -> memref<72x128xf32, #tpu.memory_space<vmem_shared>>
        %dma_start3A_288 = arith.constant 0 : i32
        %dma_start3A_289 = arith.constant 0 : i32
        %dma_start3A_290 = tpu.memref_slice %arg6[%dma_start3A_288, %dma_start3A_289] : memref<128x128xf32, #tpu.memory_space<hbm>> -> memref<72x128xf32, #tpu.memory_space<hbm>>
        tpu.enqueue_dma source(%dma_start3A_290 : memref<72x128xf32, #tpu.memory_space<hbm>>) target(%dma_start3A_287 : memref<72x128xf32, #tpu.memory_space<vmem_shared>>) target_semaphore(%run_scoped3A : memref<!tpu.dma_semaphore, #tpu.memory_space<semaphore_mem>>)
        %dma_wait3A = arith.constant 7936 : i32
        %dma_wait3A_291 = arith.constant 0 : i32
        %dma_wait3A_292 = tpu.memref_slice %arg16[%dma_wait3A, %dma_wait3A_291] : memref<8008x128xf32, #tpu.memory_space<vmem_shared>> -> memref<72x128xf32, #tpu.memory_space<vmem_shared>>
        %dma_wait3A_293 = arith.constant 0 : i32
        %dma_wait3A_294 = arith.constant 0 : i32
        %dma_wait3A_295 = tpu.memref_slice %arg6[%dma_wait3A_293, %dma_wait3A_294] : memref<128x128xf32, #tpu.memory_space<hbm>> -> memref<72x128xf32, #tpu.memory_space<hbm>>
        tpu.wait_dma2 semaphore(%run_scoped3A : memref<!tpu.dma_semaphore, #tpu.memory_space<semaphore_mem>>) src(%dma_wait3A_295 : memref<72x128xf32, #tpu.memory_space<hbm>>) dst(%dma_wait3A_292 : memref<72x128xf32, #tpu.memory_space<vmem_shared>>)
        tpu.yield
      }) : () -> ()
    } else {
    }
    %barrier3A = arith.constant 0 : index
    tpu.barrier barrier_id(%barrier3A)
    %mul3A_31 = arith.constant 16000 : i32
    %mul3A_32 = arith.muli %arg1, %mul3A_31 : i32
    %scan3A_33 = arith.constant 0 : i32
    %scan3A_34 = arith.constant 0 : i32
    %scan3A_35 = arith.constant 125 : i32
    %scan3A_36 = arith.addi %scan3A_34, %scan3A_35 : i32
    %scan3A_37 = arith.constant 1 : i32
    %scan3A_38 = scf.for %scan3A_286 = %scan3A_34 to %scan3A_36 step %scan3A_37 iter_args(%scan3A_287 = %scan3A_33) -> (i32)  : i32 {
      %mul3A_288 = arith.constant 2 : i32
      %mul3A_289 = arith.muli %scan3A_286, %mul3A_288 : i32
      %mul3A_290 = arith.constant 64 : i32
      %mul3A_291 = arith.muli %mul3A_289, %mul3A_290 : i32
      %add3A_292 = arith.addi %mul3A_32, %mul3A_291 : i32
      %dma_start3A = tpu.memref_slice %arg4[%add3A_292] : memref<256000xi32, #tpu.memory_space<hbm>> -> memref<128xi32, #tpu.memory_space<hbm>>
      %dma_start3A_293 = tpu.memref_slice %arg4[%add3A_292] : memref<256000xi32, #tpu.memory_space<hbm>> -> memref<128xi32, #tpu.memory_space<hbm>>
      tpu.enqueue_dma source(%dma_start3A_293 : memref<128xi32, #tpu.memory_space<hbm>>) target(%arg12 : memref<128xi32, #tpu.memory_space<vmem>>) target_semaphore(%arg17 : memref<!tpu.dma_semaphore, #tpu.memory_space<semaphore_mem>>)
      %add3A_294 = arith.constant 0 : i32
      %add3A_295 = arith.addi %add3A_292, %add3A_294 : i32
      %dma_start3A_296 = tpu.memref_slice %arg5[%add3A_295] : memref<256000xi32, #tpu.memory_space<hbm>> -> memref<64xi32, #tpu.memory_space<hbm>>
      %dma_start3A_297 = tpu.memref_slice %arg5[%add3A_295] : memref<256000xi32, #tpu.memory_space<hbm>> -> memref<64xi32, #tpu.memory_space<hbm>>
      tpu.enqueue_dma source(%dma_start3A_297 : memref<64xi32, #tpu.memory_space<hbm>>) target(%arg13 : memref<64xi32, #tpu.memory_space<vmem>>) target_semaphore(%arg17 : memref<!tpu.dma_semaphore, #tpu.memory_space<semaphore_mem>>)
      %add3A_298 = arith.constant 64 : i32
      %add3A_299 = arith.addi %add3A_292, %add3A_298 : i32
      %dma_start3A_300 = tpu.memref_slice %arg5[%add3A_299] : memref<256000xi32, #tpu.memory_space<hbm>> -> memref<64xi32, #tpu.memory_space<hbm>>
      %dma_start3A_301 = tpu.memref_slice %arg5[%add3A_299] : memref<256000xi32, #tpu.memory_space<hbm>> -> memref<64xi32, #tpu.memory_space<hbm>>
      tpu.enqueue_dma source(%dma_start3A_301 : memref<64xi32, #tpu.memory_space<hbm>>) target(%arg14 : memref<64xi32, #tpu.memory_space<vmem>>) target_semaphore(%arg17 : memref<!tpu.dma_semaphore, #tpu.memory_space<semaphore_mem>>)
      %dma_wait3A = tpu.memref_slice %arg4[%add3A_292] : memref<256000xi32, #tpu.memory_space<hbm>> -> memref<128xi32, #tpu.memory_space<hbm>>
      %dma_wait3A_302 = tpu.memref_slice %arg4[%add3A_292] : memref<256000xi32, #tpu.memory_space<hbm>> -> memref<128xi32, #tpu.memory_space<hbm>>
      tpu.wait_dma2 semaphore(%arg17 : memref<!tpu.dma_semaphore, #tpu.memory_space<semaphore_mem>>) src(%dma_wait3A_302 : memref<128xi32, #tpu.memory_space<hbm>>) dst(%arg12 : memref<128xi32, #tpu.memory_space<vmem>>)
      %dma_wait3A_303 = tpu.memref_slice %arg5[%add3A_295] : memref<256000xi32, #tpu.memory_space<hbm>> -> memref<64xi32, #tpu.memory_space<hbm>>
      %dma_wait3A_304 = tpu.memref_slice %arg5[%add3A_295] : memref<256000xi32, #tpu.memory_space<hbm>> -> memref<64xi32, #tpu.memory_space<hbm>>
      tpu.wait_dma2 semaphore(%arg17 : memref<!tpu.dma_semaphore, #tpu.memory_space<semaphore_mem>>) src(%dma_wait3A_304 : memref<64xi32, #tpu.memory_space<hbm>>) dst(%arg13 : memref<64xi32, #tpu.memory_space<vmem>>)
      %dma_wait3A_305 = tpu.memref_slice %arg5[%add3A_299] : memref<256000xi32, #tpu.memory_space<hbm>> -> memref<64xi32, #tpu.memory_space<hbm>>
      %dma_wait3A_306 = tpu.memref_slice %arg5[%add3A_299] : memref<256000xi32, #tpu.memory_space<hbm>> -> memref<64xi32, #tpu.memory_space<hbm>>
      tpu.wait_dma2 semaphore(%arg17 : memref<!tpu.dma_semaphore, #tpu.memory_space<semaphore_mem>>) src(%dma_wait3A_306 : memref<64xi32, #tpu.memory_space<hbm>>) dst(%arg14 : memref<64xi32, #tpu.memory_space<vmem>>)
      %get3A = arith.constant 0 : index
      %get3A_307 = tpu.vector_load %arg13[%get3A] {strides = array<i32>} : memref<64xi32, #tpu.memory_space<vmem>>, vector<16xi32>,
      %get3A_308 = vector.shape_cast %get3A_307 : vector<16xi32> to vector<16xi32>
      %sub3A = vector.broadcast %mul3A_7 : i32 to vector<16xi32>
      %sub3A_309 = arith.subi %get3A_308, %sub3A : vector<16xi32>
      %ge3A = arith.constant 0 : i32
      %ge3A_310 = vector.broadcast %ge3A : i32 to vector<16xi32>
      %ge3A_311 = arith.cmpi sge, %sub3A_309, %ge3A_310 : vector<16xi32>
      %lt3A_312 = arith.constant 8000 : i32
      %lt3A_313 = vector.broadcast %lt3A_312 : i32 to vector<16xi32>
      %lt3A_314 = arith.cmpi slt, %sub3A_309, %lt3A_313 : vector<16xi32>
      %and3A = arith.andi %ge3A_311, %lt3A_314 : vector<16xi1>
      %jit3A = arith.constant 8000 : i32
      %broadcast_in_dim3A_315 = vector.broadcast %jit3A : i32 to vector<16xi32>
      %select_n3A = arith.select %and3A, %sub3A_309, %broadcast_in_dim3A_315 : vector<16xi1>, vector<16xi32>
      %swap3A = arith.constant 0 : index
      %swap3A_316 = tpu.vector_load %arg13[%swap3A] {strides = array<i32>} : memref<64xi32, #tpu.memory_space<vmem>>, vector<16xi32>,
      %swap3A_317 = vector.shape_cast %swap3A_316 : vector<16xi32> to vector<16xi32>
      %swap3A_318 = vector.shape_cast %select_n3A : vector<16xi32> to vector<16xi32>
      tpu.vector_store %arg13[%swap3A], %swap3A_318 {strides = array<i32>} : memref<64xi32, #tpu.memory_space<vmem>>, vector<16xi32>,
      %get3A_319 = arith.constant 16 : index
      %get3A_320 = tpu.vector_load %arg13[%get3A_319] {strides = array<i32>} : memref<64xi32, #tpu.memory_space<vmem>>, vector<16xi32>,
      %get3A_321 = vector.shape_cast %get3A_320 : vector<16xi32> to vector<16xi32>
      %sub3A_322 = vector.broadcast %mul3A_7 : i32 to vector<16xi32>
      %sub3A_323 = arith.subi %get3A_321, %sub3A_322 : vector<16xi32>
      %ge3A_324 = arith.constant 0 : i32
      %ge3A_325 = vector.broadcast %ge3A_324 : i32 to vector<16xi32>
      %ge3A_326 = arith.cmpi sge, %sub3A_323, %ge3A_325 : vector<16xi32>
      %lt3A_327 = arith.constant 8000 : i32
      %lt3A_328 = vector.broadcast %lt3A_327 : i32 to vector<16xi32>
      %lt3A_329 = arith.cmpi slt, %sub3A_323, %lt3A_328 : vector<16xi32>
      %and3A_330 = arith.andi %ge3A_326, %lt3A_329 : vector<16xi1>
      %jit3A_331 = arith.constant 8000 : i32
      %broadcast_in_dim3A_332 = vector.broadcast %jit3A_331 : i32 to vector<16xi32>
      %select_n3A_333 = arith.select %and3A_330, %sub3A_323, %broadcast_in_dim3A_332 : vector<16xi1>, vector<16xi32>
      %swap3A_334 = arith.constant 16 : index
      %swap3A_335 = tpu.vector_load %arg13[%swap3A_334] {strides = array<i32>} : memref<64xi32, #tpu.memory_space<vmem>>, vector<16xi32>,
      %swap3A_336 = vector.shape_cast %swap3A_335 : vector<16xi32> to vector<16xi32>
      %swap3A_337 = vector.shape_cast %select_n3A_333 : vector<16xi32> to vector<16xi32>
      tpu.vector_store %arg13[%swap3A_334], %swap3A_337 {strides = array<i32>} : memref<64xi32, #tpu.memory_space<vmem>>, vector<16xi32>,
      %get3A_338 = arith.constant 32 : index
      %get3A_339 = tpu.vector_load %arg13[%get3A_338] {strides = array<i32>} : memref<64xi32, #tpu.memory_space<vmem>>, vector<16xi32>,
      %get3A_340 = vector.shape_cast %get3A_339 : vector<16xi32> to vector<16xi32>
      %sub3A_341 = vector.broadcast %mul3A_7 : i32 to vector<16xi32>
      %sub3A_342 = arith.subi %get3A_340, %sub3A_341 : vector<16xi32>
      %ge3A_343 = arith.constant 0 : i32
      %ge3A_344 = vector.broadcast %ge3A_343 : i32 to vector<16xi32>
      %ge3A_345 = arith.cmpi sge, %sub3A_342, %ge3A_344 : vector<16xi32>
      %lt3A_346 = arith.constant 8000 : i32
      %lt3A_347 = vector.broadcast %lt3A_346 : i32 to vector<16xi32>
      %lt3A_348 = arith.cmpi slt, %sub3A_342, %lt3A_347 : vector<16xi32>
      %and3A_349 = arith.andi %ge3A_345, %lt3A_348 : vector<16xi1>
      %jit3A_350 = arith.constant 8000 : i32
      %broadcast_in_dim3A_351 = vector.broadcast %jit3A_350 : i32 to vector<16xi32>
      %select_n3A_352 = arith.select %and3A_349, %sub3A_342, %broadcast_in_dim3A_351 : vector<16xi1>, vector<16xi32>
      %swap3A_353 = arith.constant 32 : index
      %swap3A_354 = tpu.vector_load %arg13[%swap3A_353] {strides = array<i32>} : memref<64xi32, #tpu.memory_space<vmem>>, vector<16xi32>,
      %swap3A_355 = vector.shape_cast %swap3A_354 : vector<16xi32> to vector<16xi32>
      %swap3A_356 = vector.shape_cast %select_n3A_352 : vector<16xi32> to vector<16xi32>
      tpu.vector_store %arg13[%swap3A_353], %swap3A_356 {strides = array<i32>} : memref<64xi32, #tpu.memory_space<vmem>>, vector<16xi32>,
      %get3A_357 = arith.constant 48 : index
      %get3A_358 = tpu.vector_load %arg13[%get3A_357] {strides = array<i32>} : memref<64xi32, #tpu.memory_space<vmem>>, vector<16xi32>,
      %get3A_359 = vector.shape_cast %get3A_358 : vector<16xi32> to vector<16xi32>
      %sub3A_360 = vector.broadcast %mul3A_7 : i32 to vector<16xi32>
      %sub3A_361 = arith.subi %get3A_359, %sub3A_360 : vector<16xi32>
      %ge3A_362 = arith.constant 0 : i32
      %ge3A_363 = vector.broadcast %ge3A_362 : i32 to vector<16xi32>
      %ge3A_364 = arith.cmpi sge, %sub3A_361, %ge3A_363 : vector<16xi32>
      %lt3A_365 = arith.constant 8000 : i32
      %lt3A_366 = vector.broadcast %lt3A_365 : i32 to vector<16xi32>
      %lt3A_367 = arith.cmpi slt, %sub3A_361, %lt3A_366 : vector<16xi32>
      %and3A_368 = arith.andi %ge3A_364, %lt3A_367 : vector<16xi1>
      %jit3A_369 = arith.constant 8000 : i32
      %broadcast_in_dim3A_370 = vector.broadcast %jit3A_369 : i32 to vector<16xi32>
      %select_n3A_371 = arith.select %and3A_368, %sub3A_361, %broadcast_in_dim3A_370 : vector<16xi1>, vector<16xi32>
      %swap3A_372 = arith.constant 48 : index
      %swap3A_373 = tpu.vector_load %arg13[%swap3A_372] {strides = array<i32>} : memref<64xi32, #tpu.memory_space<vmem>>, vector<16xi32>,
      %swap3A_374 = vector.shape_cast %swap3A_373 : vector<16xi32> to vector<16xi32>
      %swap3A_375 = vector.shape_cast %select_n3A_371 : vector<16xi32> to vector<16xi32>
      tpu.vector_store %arg13[%swap3A_372], %swap3A_375 {strides = array<i32>} : memref<64xi32, #tpu.memory_space<vmem>>, vector<16xi32>,
      %get3A_376 = arith.constant 0 : index
      %get3A_377 = tpu.vector_load %arg14[%get3A_376] {strides = array<i32>} : memref<64xi32, #tpu.memory_space<vmem>>, vector<16xi32>,
      %get3A_378 = vector.shape_cast %get3A_377 : vector<16xi32> to vector<16xi32>
      %sub3A_379 = vector.broadcast %mul3A_7 : i32 to vector<16xi32>
      %sub3A_380 = arith.subi %get3A_378, %sub3A_379 : vector<16xi32>
      %ge3A_381 = arith.constant 0 : i32
      %ge3A_382 = vector.broadcast %ge3A_381 : i32 to vector<16xi32>
      %ge3A_383 = arith.cmpi sge, %sub3A_380, %ge3A_382 : vector<16xi32>
      %lt3A_384 = arith.constant 8000 : i32
      %lt3A_385 = vector.broadcast %lt3A_384 : i32 to vector<16xi32>
      %lt3A_386 = arith.cmpi slt, %sub3A_380, %lt3A_385 : vector<16xi32>
      %and3A_387 = arith.andi %ge3A_383, %lt3A_386 : vector<16xi1>
      %jit3A_388 = arith.constant 8000 : i32
      %broadcast_in_dim3A_389 = vector.broadcast %jit3A_388 : i32 to vector<16xi32>
      %select_n3A_390 = arith.select %and3A_387, %sub3A_380, %broadcast_in_dim3A_389 : vector<16xi1>, vector<16xi32>
      %swap3A_391 = arith.constant 0 : index
      %swap3A_392 = tpu.vector_load %arg14[%swap3A_391] {strides = array<i32>} : memref<64xi32, #tpu.memory_space<vmem>>, vector<16xi32>,
      %swap3A_393 = vector.shape_cast %swap3A_392 : vector<16xi32> to vector<16xi32>
      %swap3A_394 = vector.shape_cast %select_n3A_390 : vector<16xi32> to vector<16xi32>
      tpu.vector_store %arg14[%swap3A_391], %swap3A_394 {strides = array<i32>} : memref<64xi32, #tpu.memory_space<vmem>>, vector<16xi32>,
      %get3A_395 = arith.constant 16 : index
      %get3A_396 = tpu.vector_load %arg14[%get3A_395] {strides = array<i32>} : memref<64xi32, #tpu.memory_space<vmem>>, vector<16xi32>,
      %get3A_397 = vector.shape_cast %get3A_396 : vector<16xi32> to vector<16xi32>
      %sub3A_398 = vector.broadcast %mul3A_7 : i32 to vector<16xi32>
      %sub3A_399 = arith.subi %get3A_397, %sub3A_398 : vector<16xi32>
      %ge3A_400 = arith.constant 0 : i32
      %ge3A_401 = vector.broadcast %ge3A_400 : i32 to vector<16xi32>
      %ge3A_402 = arith.cmpi sge, %sub3A_399, %ge3A_401 : vector<16xi32>
      %lt3A_403 = arith.constant 8000 : i32
      %lt3A_404 = vector.broadcast %lt3A_403 : i32 to vector<16xi32>
      %lt3A_405 = arith.cmpi slt, %sub3A_399, %lt3A_404 : vector<16xi32>
      %and3A_406 = arith.andi %ge3A_402, %lt3A_405 : vector<16xi1>
      %jit3A_407 = arith.constant 8000 : i32
      %broadcast_in_dim3A_408 = vector.broadcast %jit3A_407 : i32 to vector<16xi32>
      %select_n3A_409 = arith.select %and3A_406, %sub3A_399, %broadcast_in_dim3A_408 : vector<16xi1>, vector<16xi32>
      %swap3A_410 = arith.constant 16 : index
      %swap3A_411 = tpu.vector_load %arg14[%swap3A_410] {strides = array<i32>} : memref<64xi32, #tpu.memory_space<vmem>>, vector<16xi32>,
      %swap3A_412 = vector.shape_cast %swap3A_411 : vector<16xi32> to vector<16xi32>
      %swap3A_413 = vector.shape_cast %select_n3A_409 : vector<16xi32> to vector<16xi32>
      tpu.vector_store %arg14[%swap3A_410], %swap3A_413 {strides = array<i32>} : memref<64xi32, #tpu.memory_space<vmem>>, vector<16xi32>,
      %get3A_414 = arith.constant 32 : index
      %get3A_415 = tpu.vector_load %arg14[%get3A_414] {strides = array<i32>} : memref<64xi32, #tpu.memory_space<vmem>>, vector<16xi32>,
      %get3A_416 = vector.shape_cast %get3A_415 : vector<16xi32> to vector<16xi32>
      %sub3A_417 = vector.broadcast %mul3A_7 : i32 to vector<16xi32>
      %sub3A_418 = arith.subi %get3A_416, %sub3A_417 : vector<16xi32>
      %ge3A_419 = arith.constant 0 : i32
      %ge3A_420 = vector.broadcast %ge3A_419 : i32 to vector<16xi32>
      %ge3A_421 = arith.cmpi sge, %sub3A_418, %ge3A_420 : vector<16xi32>
      %lt3A_422 = arith.constant 8000 : i32
      %lt3A_423 = vector.broadcast %lt3A_422 : i32 to vector<16xi32>
      %lt3A_424 = arith.cmpi slt, %sub3A_418, %lt3A_423 : vector<16xi32>
      %and3A_425 = arith.andi %ge3A_421, %lt3A_424 : vector<16xi1>
      %jit3A_426 = arith.constant 8000 : i32
      %broadcast_in_dim3A_427 = vector.broadcast %jit3A_426 : i32 to vector<16xi32>
      %select_n3A_428 = arith.select %and3A_425, %sub3A_418, %broadcast_in_dim3A_427 : vector<16xi1>, vector<16xi32>
      %swap3A_429 = arith.constant 32 : index
      %swap3A_430 = tpu.vector_load %arg14[%swap3A_429] {strides = array<i32>} : memref<64xi32, #tpu.memory_space<vmem>>, vector<16xi32>,
      %swap3A_431 = vector.shape_cast %swap3A_430 : vector<16xi32> to vector<16xi32>
      %swap3A_432 = vector.shape_cast %select_n3A_428 : vector<16xi32> to vector<16xi32>
      tpu.vector_store %arg14[%swap3A_429], %swap3A_432 {strides = array<i32>} : memref<64xi32, #tpu.memory_space<vmem>>, vector<16xi32>,
      %get3A_433 = arith.constant 48 : index
      %get3A_434 = tpu.vector_load %arg14[%get3A_433] {strides = array<i32>} : memref<64xi32, #tpu.memory_space<vmem>>, vector<16xi32>,
      %get3A_435 = vector.shape_cast %get3A_434 : vector<16xi32> to vector<16xi32>
      %sub3A_436 = vector.broadcast %mul3A_7 : i32 to vector<16xi32>
      %sub3A_437 = arith.subi %get3A_435, %sub3A_436 : vector<16xi32>
      %ge3A_438 = arith.constant 0 : i32
      %ge3A_439 = vector.broadcast %ge3A_438 : i32 to vector<16xi32>
      %ge3A_440 = arith.cmpi sge, %sub3A_437, %ge3A_439 : vector<16xi32>
      %lt3A_441 = arith.constant 8000 : i32
      %lt3A_442 = vector.broadcast %lt3A_441 : i32 to vector<16xi32>
      %lt3A_443 = arith.cmpi slt, %sub3A_437, %lt3A_442 : vector<16xi32>
      %and3A_444 = arith.andi %ge3A_440, %lt3A_443 : vector<16xi1>
      %jit3A_445 = arith.constant 8000 : i32
      %broadcast_in_dim3A_446 = vector.broadcast %jit3A_445 : i32 to vector<16xi32>
      %select_n3A_447 = arith.select %and3A_444, %sub3A_437, %broadcast_in_dim3A_446 : vector<16xi1>, vector<16xi32>
      %swap3A_448 = arith.constant 48 : index
      %swap3A_449 = tpu.vector_load %arg14[%swap3A_448] {strides = array<i32>} : memref<64xi32, #tpu.memory_space<vmem>>, vector<16xi32>,
      %swap3A_450 = vector.shape_cast %swap3A_449 : vector<16xi32> to vector<16xi32>
      %swap3A_451 = vector.shape_cast %select_n3A_447 : vector<16xi32> to vector<16xi32>
      tpu.vector_store %arg14[%swap3A_448], %swap3A_451 {strides = array<i32>} : memref<64xi32, #tpu.memory_space<vmem>>, vector<16xi32>,
      %dma_start3A_452 = arith.constant 0 : i32
      %dma_start3A_453 = arith.constant 0 : i32
      %dma_start3A_454 = arith.constant 0 : i32
      %dma_start3A_455 = tpu.memref_slice %arg15[%dma_start3A_452, %dma_start3A_453, %dma_start3A_454] : memref<2x64x128xf32, #tpu.memory_space<vmem>> -> memref<1x64x128xf32, #tpu.memory_space<vmem>>
      %dma_start3A_456 = tpu.memref_squeeze %dma_start3A_455 : memref<1x64x128xf32, #tpu.memory_space<vmem>> -> memref<64x128xf32, #tpu.memory_space<vmem>>
      %dma_start3A_457 = arith.constant 0 : i32
      %dma_start3A_458 = tpu.memref_slice %arg12[%dma_start3A_457] : memref<128xi32, #tpu.memory_space<vmem>> -> memref<64xi32, #tpu.memory_space<vmem>>
      %dma_start3A_459 = arith.constant 0 : i32
      %dma_start3A_460 = arith.constant 0 : i32
      %dma_start3A_461 = tpu.memref_slice %arg2[%dma_start3A_459, %dma_start3A_460] : memref<100000x128xf32, #tpu.memory_space<hbm>> -> memref<100000x128xf32, #tpu.memory_space<hbm>>
      tpu.enqueue_indirect_dma source(%dma_start3A_461 : memref<100000x128xf32, #tpu.memory_space<hbm>>) target(%dma_start3A_456 : memref<64x128xf32, #tpu.memory_space<vmem>>) offsets(%dma_start3A_458 : memref<64xi32, #tpu.memory_space<vmem>>) semaphore(%arg18 : memref<!tpu.dma_semaphore, #tpu.memory_space<semaphore_mem>>)
      %dma_start3A_462 = arith.constant 1 : i32
      %dma_start3A_463 = arith.constant 0 : i32
      %dma_start3A_464 = arith.constant 0 : i32
      %dma_start3A_465 = tpu.memref_slice %arg15[%dma_start3A_462, %dma_start3A_463, %dma_start3A_464] : memref<2x64x128xf32, #tpu.memory_space<vmem>> -> memref<1x64x128xf32, #tpu.memory_space<vmem>>
      %dma_start3A_466 = tpu.memref_squeeze %dma_start3A_465 : memref<1x64x128xf32, #tpu.memory_space<vmem>> -> memref<64x128xf32, #tpu.memory_space<vmem>>
      %dma_start3A_467 = arith.constant 64 : i32
      %dma_start3A_468 = tpu.memref_slice %arg12[%dma_start3A_467] : memref<128xi32, #tpu.memory_space<vmem>> -> memref<64xi32, #tpu.memory_space<vmem>>
      %dma_start3A_469 = arith.constant 0 : i32
      %dma_start3A_470 = arith.constant 0 : i32
      %dma_start3A_471 = tpu.memref_slice %arg2[%dma_start3A_469, %dma_start3A_470] : memref<100000x128xf32, #tpu.memory_space<hbm>> -> memref<100000x128xf32, #tpu.memory_space<hbm>>
      tpu.enqueue_indirect_dma source(%dma_start3A_471 : memref<100000x128xf32, #tpu.memory_space<hbm>>) target(%dma_start3A_466 : memref<64x128xf32, #tpu.memory_space<vmem>>) offsets(%dma_start3A_468 : memref<64xi32, #tpu.memory_space<vmem>>) semaphore(%arg18 : memref<!tpu.dma_semaphore, #tpu.memory_space<semaphore_mem>>)
      %dma_wait3A_472 = arith.constant 0 : i32
      %dma_wait3A_473 = arith.constant 0 : i32
      %dma_wait3A_474 = arith.constant 0 : i32
      %dma_wait3A_475 = tpu.memref_slice %arg15[%dma_wait3A_472, %dma_wait3A_473, %dma_wait3A_474] : memref<2x64x128xf32, #tpu.memory_space<vmem>> -> memref<1x64x128xf32, #tpu.memory_space<vmem>>
      %dma_wait3A_476 = tpu.memref_squeeze %dma_wait3A_475 : memref<1x64x128xf32, #tpu.memory_space<vmem>> -> memref<64x128xf32, #tpu.memory_space<vmem>>
      %dma_wait3A_477 = arith.constant 0 : i32
      %dma_wait3A_478 = tpu.memref_slice %arg12[%dma_wait3A_477] : memref<128xi32, #tpu.memory_space<vmem>> -> memref<64xi32, #tpu.memory_space<vmem>>
      %dma_wait3A_479 = arith.constant 0 : i32
      %dma_wait3A_480 = arith.constant 0 : i32
      %dma_wait3A_481 = tpu.memref_slice %arg2[%dma_wait3A_479, %dma_wait3A_480] : memref<100000x128xf32, #tpu.memory_space<hbm>> -> memref<100000x128xf32, #tpu.memory_space<hbm>>
      tpu.wait_indirect_dma semaphore(%arg18 : memref<!tpu.dma_semaphore, #tpu.memory_space<semaphore_mem>>) src(%dma_wait3A_481 : memref<100000x128xf32, #tpu.memory_space<hbm>>) dst(%dma_wait3A_476 : memref<64x128xf32, #tpu.memory_space<vmem>>)
      %dma_wait3A_482 = arith.constant 1 : i32
      %dma_wait3A_483 = arith.constant 0 : i32
      %dma_wait3A_484 = arith.constant 0 : i32
      %dma_wait3A_485 = tpu.memref_slice %arg15[%dma_wait3A_482, %dma_wait3A_483, %dma_wait3A_484] : memref<2x64x128xf32, #tpu.memory_space<vmem>> -> memref<1x64x128xf32, #tpu.memory_space<vmem>>
      %dma_wait3A_486 = tpu.memref_squeeze %dma_wait3A_485 : memref<1x64x128xf32, #tpu.memory_space<vmem>> -> memref<64x128xf32, #tpu.memory_space<vmem>>
      %dma_wait3A_487 = arith.constant 64 : i32
      %dma_wait3A_488 = tpu.memref_slice %arg12[%dma_wait3A_487] : memref<128xi32, #tpu.memory_space<vmem>> -> memref<64xi32, #tpu.memory_space<vmem>>
      %dma_wait3A_489 = arith.constant 0 : i32
      %dma_wait3A_490 = arith.constant 0 : i32
      %dma_wait3A_491 = tpu.memref_slice %arg2[%dma_wait3A_489, %dma_wait3A_490] : memref<100000x128xf32, #tpu.memory_space<hbm>> -> memref<100000x128xf32, #tpu.memory_space<hbm>>
      tpu.wait_indirect_dma semaphore(%arg18 : memref<!tpu.dma_semaphore, #tpu.memory_space<semaphore_mem>>) src(%dma_wait3A_491 : memref<100000x128xf32, #tpu.memory_space<hbm>>) dst(%dma_wait3A_486 : memref<64x128xf32, #tpu.memory_space<vmem>>)
      %dma_start3A_492 = arith.constant 0 : i32
      %dma_start3A_493 = arith.constant 0 : i32
      %dma_start3A_494 = arith.constant 0 : i32
      %dma_start3A_495 = tpu.memref_slice %arg15[%dma_start3A_492, %dma_start3A_493, %dma_start3A_494] : memref<2x64x128xf32, #tpu.memory_space<vmem>> -> memref<1x64x128xf32, #tpu.memory_space<vmem>>
      %dma_start3A_496 = tpu.memref_squeeze %dma_start3A_495 : memref<1x64x128xf32, #tpu.memory_space<vmem>> -> memref<64x128xf32, #tpu.memory_space<vmem>>
      %dma_start3A_497 = arith.constant 0 : i32
      %dma_start3A_498 = arith.constant 0 : i32
      %dma_start3A_499 = tpu.memref_slice %arg16[%dma_start3A_497, %dma_start3A_498] : memref<8008x128xf32, #tpu.memory_space<vmem_shared>> -> memref<8008x128xf32, #tpu.memory_space<vmem_shared>>
      tpu.enqueue_indirect_dma source(%dma_start3A_496 : memref<64x128xf32, #tpu.memory_space<vmem>>) target(%dma_start3A_499 : memref<8008x128xf32, #tpu.memory_space<vmem_shared>>) offsets(%arg13 : memref<64xi32, #tpu.memory_space<vmem>>) semaphore(%arg19 : memref<!tpu.dma_semaphore, #tpu.memory_space<semaphore_mem>>) {add = true}
      %dma_start3A_500 = arith.constant 1 : i32
      %dma_start3A_501 = arith.constant 0 : i32
      %dma_start3A_502 = arith.constant 0 : i32
      %dma_start3A_503 = tpu.memref_slice %arg15[%dma_start3A_500, %dma_start3A_501, %dma_start3A_502] : memref<2x64x128xf32, #tpu.memory_space<vmem>> -> memref<1x64x128xf32, #tpu.memory_space<vmem>>
      %dma_start3A_504 = tpu.memref_squeeze %dma_start3A_503 : memref<1x64x128xf32, #tpu.memory_space<vmem>> -> memref<64x128xf32, #tpu.memory_space<vmem>>
      %dma_start3A_505 = arith.constant 0 : i32
      %dma_start3A_506 = arith.constant 0 : i32
      %dma_start3A_507 = tpu.memref_slice %arg16[%dma_start3A_505, %dma_start3A_506] : memref<8008x128xf32, #tpu.memory_space<vmem_shared>> -> memref<8008x128xf32, #tpu.memory_space<vmem_shared>>
      tpu.enqueue_indirect_dma source(%dma_start3A_504 : memref<64x128xf32, #tpu.memory_space<vmem>>) target(%dma_start3A_507 : memref<8008x128xf32, #tpu.memory_space<vmem_shared>>) offsets(%arg14 : memref<64xi32, #tpu.memory_space<vmem>>) semaphore(%arg19 : memref<!tpu.dma_semaphore, #tpu.memory_space<semaphore_mem>>) {add = true}
      %dma_wait3A_508 = arith.constant 0 : i32
      %dma_wait3A_509 = arith.constant 0 : i32
      %dma_wait3A_510 = arith.constant 0 : i32
      %dma_wait3A_511 = tpu.memref_slice %arg15[%dma_wait3A_508, %dma_wait3A_509, %dma_wait3A_510] : memref<2x64x128xf32, #tpu.memory_space<vmem>> -> memref<1x64x128xf32, #tpu.memory_space<vmem>>
      %dma_wait3A_512 = tpu.memref_squeeze %dma_wait3A_511 : memref<1x64x128xf32, #tpu.memory_space<vmem>> -> memref<64x128xf32, #tpu.memory_space<vmem>>
      %dma_wait3A_513 = arith.constant 0 : i32
      %dma_wait3A_514 = arith.constant 0 : i32
      %dma_wait3A_515 = tpu.memref_slice %arg16[%dma_wait3A_513, %dma_wait3A_514] : memref<8008x128xf32, #tpu.memory_space<vmem_shared>> -> memref<8008x128xf32, #tpu.memory_space<vmem_shared>>
      tpu.wait_indirect_dma semaphore(%arg19 : memref<!tpu.dma_semaphore, #tpu.memory_space<semaphore_mem>>) src(%dma_wait3A_512 : memref<64x128xf32, #tpu.memory_space<vmem>>) dst(%dma_wait3A_515 : memref<8008x128xf32, #tpu.memory_space<vmem_shared>>)
      %dma_wait3A_516 = arith.constant 1 : i32
      %dma_wait3A_517 = arith.constant 0 : i32
      %dma_wait3A_518 = arith.constant 0 : i32
      %dma_wait3A_519 = tpu.memref_slice %arg15[%dma_wait3A_516, %dma_wait3A_517, %dma_wait3A_518] : memref<2x64x128xf32, #tpu.memory_space<vmem>> -> memref<1x64x128xf32, #tpu.memory_space<vmem>>
      %dma_wait3A_520 = tpu.memref_squeeze %dma_wait3A_519 : memref<1x64x128xf32, #tpu.memory_space<vmem>> -> memref<64x128xf32, #tpu.memory_space<vmem>>
      %dma_wait3A_521 = arith.constant 0 : i32
      %dma_wait3A_522 = arith.constant 0 : i32
      %dma_wait3A_523 = tpu.memref_slice %arg16[%dma_wait3A_521, %dma_wait3A_522] : memref<8008x128xf32, #tpu.memory_space<vmem_shared>> -> memref<8008x128xf32, #tpu.memory_space<vmem_shared>>
      tpu.wait_indirect_dma semaphore(%arg19 : memref<!tpu.dma_semaphore, #tpu.memory_space<semaphore_mem>>) src(%dma_wait3A_520 : memref<64x128xf32, #tpu.memory_space<vmem>>) dst(%dma_wait3A_523 : memref<8008x128xf32, #tpu.memory_space<vmem_shared>>)
      %scan3A_524 = arith.constant 0 : i32
      scf.yield %scan3A_524 : i32
    }
    %scan3A_39 = arith.constant 125 : i32
    %barrier3A_40 = arith.constant 0 : index
    tpu.barrier barrier_id(%barrier3A_40)
    %add3A_41 = arith.constant 0 : i32
    %add3A_42 = arith.addi %arg1, %add3A_41 : i32
    %mul3A_43 = arith.constant 128 : i32
    %mul3A_44 = arith.muli %add3A_42, %mul3A_43 : i32
    %mul3A_45 = arith.constant 128 : i32
    %mul3A_46 = arith.muli %add3A_42, %mul3A_45 : i32
    %add3A_47 = arith.addi %mul3A_9, %mul3A_46 : i32
    "tpu.region"() ({
      %run_scoped3A = tpu.sem_alloc : memref<!tpu.dma_semaphore, #tpu.memory_space<semaphore_mem>>
      %dma_start3A = arith.constant 0 : i32
      %dma_start3A_286 = tpu.memref_slice %arg8[%add3A_47, %dma_start3A] : memref<16000x128xf32, #tpu.memory_space<hbm>> -> memref<128x128xf32, #tpu.memory_space<hbm>>
      %dma_start3A_287 = arith.constant 0 : i32
      %dma_start3A_288 = tpu.memref_slice %arg16[%mul3A_44, %dma_start3A_287] : memref<8008x128xf32, #tpu.memory_space<vmem_shared>> -> memref<128x128xf32, #tpu.memory_space<vmem_shared>>
      tpu.enqueue_dma source(%dma_start3A_288 : memref<128x128xf32, #tpu.memory_space<vmem_shared>>) target(%dma_start3A_286 : memref<128x128xf32, #tpu.memory_space<hbm>>) target_semaphore(%run_scoped3A : memref<!tpu.dma_semaphore, #tpu.memory_space<semaphore_mem>>)
      %dma_wait3A = arith.constant 0 : i32
      %dma_wait3A_289 = tpu.memref_slice %arg8[%add3A_47, %dma_wait3A] : memref<16000x128xf32, #tpu.memory_space<hbm>> -> memref<128x128xf32, #tpu.memory_space<hbm>>
      %dma_wait3A_290 = arith.constant 0 : i32
      %dma_wait3A_291 = tpu.memref_slice %arg16[%mul3A_44, %dma_wait3A_290] : memref<8008x128xf32, #tpu.memory_space<vmem_shared>> -> memref<128x128xf32, #tpu.memory_space<vmem_shared>>
      tpu.wait_dma2 semaphore(%run_scoped3A : memref<!tpu.dma_semaphore, #tpu.memory_space<semaphore_mem>>) src(%dma_wait3A_291 : memref<128x128xf32, #tpu.memory_space<vmem_shared>>) dst(%dma_wait3A_289 : memref<128x128xf32, #tpu.memory_space<hbm>>)
      tpu.yield
    }) : () -> ()
    %add3A_48 = arith.constant 16 : i32
    %add3A_49 = arith.addi %arg1, %add3A_48 : i32
    %mul3A_50 = arith.constant 128 : i32
    %mul3A_51 = arith.muli %add3A_49, %mul3A_50 : i32
    %mul3A_52 = arith.constant 128 : i32
    %mul3A_53 = arith.muli %add3A_49, %mul3A_52 : i32
    %add3A_54 = arith.addi %mul3A_9, %mul3A_53 : i32
    "tpu.region"() ({
      %run_scoped3A = tpu.sem_alloc : memref<!tpu.dma_semaphore, #tpu.memory_space<semaphore_mem>>
      %dma_start3A = arith.constant 0 : i32
      %dma_start3A_286 = tpu.memref_slice %arg8[%add3A_54, %dma_start3A] : memref<16000x128xf32, #tpu.memory_space<hbm>> -> memref<128x128xf32, #tpu.memory_space<hbm>>
      %dma_start3A_287 = arith.constant 0 : i32
      %dma_start3A_288 = tpu.memref_slice %arg16[%mul3A_51, %dma_start3A_287] : memref<8008x128xf32, #tpu.memory_space<vmem_shared>> -> memref<128x128xf32, #tpu.memory_space<vmem_shared>>
      tpu.enqueue_dma source(%dma_start3A_288 : memref<128x128xf32, #tpu.memory_space<vmem_shared>>) target(%dma_start3A_286 : memref<128x128xf32, #tpu.memory_space<hbm>>) target_semaphore(%run_scoped3A : memref<!tpu.dma_semaphore, #tpu.memory_space<semaphore_mem>>)
      %dma_wait3A = arith.constant 0 : i32
      %dma_wait3A_289 = tpu.memref_slice %arg8[%add3A_54, %dma_wait3A] : memref<16000x128xf32, #tpu.memory_space<hbm>> -> memref<128x128xf32, #tpu.memory_space<hbm>>
      %dma_wait3A_290 = arith.constant 0 : i32
      %dma_wait3A_291 = tpu.memref_slice %arg16[%mul3A_51, %dma_wait3A_290] : memref<8008x128xf32, #tpu.memory_space<vmem_shared>> -> memref<128x128xf32, #tpu.memory_space<vmem_shared>>
      tpu.wait_dma2 semaphore(%run_scoped3A : memref<!tpu.dma_semaphore, #tpu.memory_space<semaphore_mem>>) src(%dma_wait3A_291 : memref<128x128xf32, #tpu.memory_space<vmem_shared>>) dst(%dma_wait3A_289 : memref<128x128xf32, #tpu.memory_space<hbm>>)
      tpu.yield
    }) : () -> ()
    %add3A_55 = arith.constant 32 : i32
    %add3A_56 = arith.addi %arg1, %add3A_55 : i32
    %mul3A_57 = arith.constant 128 : i32
    %mul3A_58 = arith.muli %add3A_56, %mul3A_57 : i32
    %mul3A_59 = arith.constant 128 : i32
    %mul3A_60 = arith.muli %add3A_56, %mul3A_59 : i32
    %add3A_61 = arith.addi %mul3A_9, %mul3A_60 : i32
    "tpu.region"() ({
      %run_scoped3A = tpu.sem_alloc : memref<!tpu.dma_semaphore, #tpu.memory_space<semaphore_mem>>
      %dma_start3A = arith.constant 0 : i32
      %dma_start3A_286 = tpu.memref_slice %arg8[%add3A_61, %dma_start3A] : memref<16000x128xf32, #tpu.memory_space<hbm>> -> memref<128x128xf32, #tpu.memory_space<hbm>>
      %dma_start3A_287 = arith.constant 0 : i32
      %dma_start3A_288 = tpu.memref_slice %arg16[%mul3A_58, %dma_start3A_287] : memref<8008x128xf32, #tpu.memory_space<vmem_shared>> -> memref<128x128xf32, #tpu.memory_space<vmem_shared>>
      tpu.enqueue_dma source(%dma_start3A_288 : memref<128x128xf32, #tpu.memory_space<vmem_shared>>) target(%dma_start3A_286 : memref<128x128xf32, #tpu.memory_space<hbm>>) target_semaphore(%run_scoped3A : memref<!tpu.dma_semaphore, #tpu.memory_space<semaphore_mem>>)
      %dma_wait3A = arith.constant 0 : i32
      %dma_wait3A_289 = tpu.memref_slice %arg8[%add3A_61, %dma_wait3A] : memref<16000x128xf32, #tpu.memory_space<hbm>> -> memref<128x128xf32, #tpu.memory_space<hbm>>
      %dma_wait3A_290 = arith.constant 0 : i32
      %dma_wait3A_291 = tpu.memref_slice %arg16[%mul3A_58, %dma_wait3A_290] : memref<8008x128xf32, #tpu.memory_space<vmem_shared>> -> memref<128x128xf32, #tpu.memory_space<vmem_shared>>
      tpu.wait_dma2 semaphore(%run_scoped3A : memref<!tpu.dma_semaphore, #tpu.memory_space<semaphore_mem>>) src(%dma_wait3A_291 : memref<128x128xf32, #tpu.memory_space<vmem_shared>>) dst(%dma_wait3A_289 : memref<128x128xf32, #tpu.memory_space<hbm>>)
      tpu.yield
    }) : () -> ()
    %add3A_62 = arith.constant 48 : i32
    %add3A_63 = arith.addi %arg1, %add3A_62 : i32
    %lt3A_64 = arith.constant 62 : i32
    %lt3A_65 = arith.cmpi slt, %add3A_63, %lt3A_64 : i32
    %convert_element_type3A_66 = arith.extui %lt3A_65 : i1 to i32
    %cond3A_67 = arith.constant 0 : i32
    %cond3A_68 = arith.cmpi ne, %convert_element_type3A_66, %cond3A_67 : i32
    scf.if %cond3A_68 {
      %add3A_286 = arith.constant 48 : i32
      %add3A_287 = arith.addi %arg1, %add3A_286 : i32
      %mul3A_288 = arith.constant 128 : i32
      %mul3A_289 = arith.muli %add3A_287, %mul3A_288 : i32
      %mul3A_290 = arith.constant 128 : i32
      %mul3A_291 = arith.muli %add3A_287, %mul3A_290 : i32
      %add3A_292 = arith.addi %mul3A_9, %mul3A_291 : i32
      "tpu.region"() ({
        %run_scoped3A = tpu.sem_alloc : memref<!tpu.dma_semaphore, #tpu.memory_space<semaphore_mem>>
        %dma_start3A = arith.constant 0 : i32
        %dma_start3A_293 = tpu.memref_slice %arg8[%add3A_292, %dma_start3A] : memref<16000x128xf32, #tpu.memory_space<hbm>> -> memref<128x128xf32, #tpu.memory_space<hbm>>
        %dma_start3A_294 = arith.constant 0 : i32
        %dma_start3A_295 = tpu.memref_slice %arg16[%mul3A_289, %dma_start3A_294] : memref<8008x128xf32, #tpu.memory_space<vmem_shared>> -> memref<128x128xf32, #tpu.memory_space<vmem_shared>>
        tpu.enqueue_dma source(%dma_start3A_295 : memref<128x128xf32, #tpu.memory_space<vmem_shared>>) target(%dma_start3A_293 : memref<128x128xf32, #tpu.memory_space<hbm>>) target_semaphore(%run_scoped3A : memref<!tpu.dma_semaphore, #tpu.memory_space<semaphore_mem>>)
        %dma_wait3A = arith.constant 0 : i32
        %dma_wait3A_296 = tpu.memref_slice %arg8[%add3A_292, %dma_wait3A] : memref<16000x128xf32, #tpu.memory_space<hbm>> -> memref<128x128xf32, #tpu.memory_space<hbm>>
        %dma_wait3A_297 = arith.constant 0 : i32
        %dma_wait3A_298 = tpu.memref_slice %arg16[%mul3A_289, %dma_wait3A_297] : memref<8008x128xf32, #tpu.memory_space<vmem_shared>> -> memref<128x128xf32, #tpu.memory_space<vmem_shared>>
        tpu.wait_dma2 semaphore(%run_scoped3A : memref<!tpu.dma_semaphore, #tpu.memory_space<semaphore_mem>>) src(%dma_wait3A_298 : memref<128x128xf32, #tpu.memory_space<vmem_shared>>) dst(%dma_wait3A_296 : memref<128x128xf32, #tpu.memory_space<hbm>>)
        tpu.yield
      }) : () -> ()
    } else {
    }
    %add3A_69 = arith.constant 48 : i32
    %add3A_70 = arith.addi %arg1, %add3A_69 : i32
    %eq3A_71 = arith.constant 62 : i32
    %eq3A_72 = arith.cmpi eq, %add3A_70, %eq3A_71 : i32
    %convert_element_type3A_73 = arith.extui %eq3A_72 : i1 to i32
    %cond3A_74 = arith.constant 0 : i32
    %cond3A_75 = arith.cmpi ne, %convert_element_type3A_73, %cond3A_74 : i32
    scf.if %cond3A_75 {
      %add3A_286 = arith.constant 7936 : i32
      %add3A_287 = arith.addi %mul3A_9, %add3A_286 : i32
      "tpu.region"() ({
        %run_scoped3A = tpu.sem_alloc : memref<!tpu.dma_semaphore, #tpu.memory_space<semaphore_mem>>
        %dma_start3A = arith.constant 0 : i32
        %dma_start3A_288 = tpu.memref_slice %arg8[%add3A_287, %dma_start3A] : memref<16000x128xf32, #tpu.memory_space<hbm>> -> memref<64x128xf32, #tpu.memory_space<hbm>>
        %dma_start3A_289 = arith.constant 7936 : i32
        %dma_start3A_290 = arith.constant 0 : i32
        %dma_start3A_291 = tpu.memref_slice %arg16[%dma_start3A_289, %dma_start3A_290] : memref<8008x128xf32, #tpu.memory_space<vmem_shared>> -> memref<64x128xf32, #tpu.memory_space<vmem_shared>>
        tpu.enqueue_dma source(%dma_start3A_291 : memref<64x128xf32, #tpu.memory_space<vmem_shared>>) target(%dma_start3A_288 : memref<64x128xf32, #tpu.memory_space<hbm>>) target_semaphore(%run_scoped3A : memref<!tpu.dma_semaphore, #tpu.memory_space<semaphore_mem>>)
        %dma_wait3A = arith.constant 0 : i32
        %dma_wait3A_292 = tpu.memref_slice %arg8[%add3A_287, %dma_wait3A] : memref<16000x128xf32, #tpu.memory_space<hbm>> -> memref<64x128xf32, #tpu.memory_space<hbm>>
        %dma_wait3A_293 = arith.constant 7936 : i32
        %dma_wait3A_294 = arith.constant 0 : i32
        %dma_wait3A_295 = tpu.memref_slice %arg16[%dma_wait3A_293, %dma_wait3A_294] : memref<8008x128xf32, #tpu.memory_space<vmem_shared>> -> memref<64x128xf32, #tpu.memory_space<vmem_shared>>
        tpu.wait_dma2 semaphore(%run_scoped3A : memref<!tpu.dma_semaphore, #tpu.memory_space<semaphore_mem>>) src(%dma_wait3A_295 : memref<64x128xf32, #tpu.memory_space<vmem_shared>>) dst(%dma_wait3A_292 : memref<64x128xf32, #tpu.memory_space<hbm>>)
        tpu.yield
      }) : () -> ()
    } else {
    }
    %barrier3A_76 = arith.constant 0 : index
    tpu.barrier barrier_id(%barrier3A_76)
    %add3A_77 = arith.constant 0 : i32
    %add3A_78 = arith.addi %arg1, %add3A_77 : i32
    %mul3A_79 = arith.constant 128 : i32
    %mul3A_80 = arith.muli %add3A_78, %mul3A_79 : i32
    "tpu.region"() ({
      %run_scoped3A = tpu.sem_alloc : memref<!tpu.dma_semaphore, #tpu.memory_space<semaphore_mem>>
      %dma_start3A = arith.constant 0 : i32
      %dma_start3A_286 = tpu.memref_slice %arg16[%mul3A_80, %dma_start3A] : memref<8008x128xf32, #tpu.memory_space<vmem_shared>> -> memref<128x128xf32, #tpu.memory_space<vmem_shared>>
      %dma_start3A_287 = arith.constant 0 : i32
      %dma_start3A_288 = arith.constant 0 : i32
      %dma_start3A_289 = tpu.memref_slice %arg6[%dma_start3A_287, %dma_start3A_288] : memref<128x128xf32, #tpu.memory_space<hbm>> -> memref<128x128xf32, #tpu.memory_space<hbm>>
      tpu.enqueue_dma source(%dma_start3A_289 : memref<128x128xf32, #tpu.memory_space<hbm>>) target(%dma_start3A_286 : memref<128x128xf32, #tpu.memory_space<vmem_shared>>) target_semaphore(%run_scoped3A : memref<!tpu.dma_semaphore, #tpu.memory_space<semaphore_mem>>)
      %dma_wait3A = arith.constant 0 : i32
      %dma_wait3A_290 = tpu.memref_slice %arg16[%mul3A_80, %dma_wait3A] : memref<8008x128xf32, #tpu.memory_space<vmem_shared>> -> memref<128x128xf32, #tpu.memory_space<vmem_shared>>
      %dma_wait3A_291 = arith.constant 0 : i32
      %dma_wait3A_292 = arith.constant 0 : i32
      %dma_wait3A_293 = tpu.memref_slice %arg6[%dma_wait3A_291, %dma_wait3A_292] : memref<128x128xf32, #tpu.memory_space<hbm>> -> memref<128x128xf32, #tpu.memory_space<hbm>>
      tpu.wait_dma2 semaphore(%run_scoped3A : memref<!tpu.dma_semaphore, #tpu.memory_space<semaphore_mem>>) src(%dma_wait3A_293 : memref<128x128xf32, #tpu.memory_space<hbm>>) dst(%dma_wait3A_290 : memref<128x128xf32, #tpu.memory_space<vmem_shared>>)
      tpu.yield
    }) : () -> ()
    %add3A_81 = arith.constant 16 : i32
    %add3A_82 = arith.addi %arg1, %add3A_81 : i32
    %mul3A_83 = arith.constant 128 : i32
    %mul3A_84 = arith.muli %add3A_82, %mul3A_83 : i32
    "tpu.region"() ({
      %run_scoped3A = tpu.sem_alloc : memref<!tpu.dma_semaphore, #tpu.memory_space<semaphore_mem>>
      %dma_start3A = arith.constant 0 : i32
      %dma_start3A_286 = tpu.memref_slice %arg16[%mul3A_84, %dma_start3A] : memref<8008x128xf32, #tpu.memory_space<vmem_shared>> -> memref<128x128xf32, #tpu.memory_space<vmem_shared>>
      %dma_start3A_287 = arith.constant 0 : i32
      %dma_start3A_288 = arith.constant 0 : i32
      %dma_start3A_289 = tpu.memref_slice %arg6[%dma_start3A_287, %dma_start3A_288] : memref<128x128xf32, #tpu.memory_space<hbm>> -> memref<128x128xf32, #tpu.memory_space<hbm>>
      tpu.enqueue_dma source(%dma_start3A_289 : memref<128x128xf32, #tpu.memory_space<hbm>>) target(%dma_start3A_286 : memref<128x128xf32, #tpu.memory_space<vmem_shared>>) target_semaphore(%run_scoped3A : memref<!tpu.dma_semaphore, #tpu.memory_space<semaphore_mem>>)
      %dma_wait3A = arith.constant 0 : i32
      %dma_wait3A_290 = tpu.memref_slice %arg16[%mul3A_84, %dma_wait3A] : memref<8008x128xf32, #tpu.memory_space<vmem_shared>> -> memref<128x128xf32, #tpu.memory_space<vmem_shared>>
      %dma_wait3A_291 = arith.constant 0 : i32
      %dma_wait3A_292 = arith.constant 0 : i32
      %dma_wait3A_293 = tpu.memref_slice %arg6[%dma_wait3A_291, %dma_wait3A_292] : memref<128x128xf32, #tpu.memory_space<hbm>> -> memref<128x128xf32, #tpu.memory_space<hbm>>
      tpu.wait_dma2 semaphore(%run_scoped3A : memref<!tpu.dma_semaphore, #tpu.memory_space<semaphore_mem>>) src(%dma_wait3A_293 : memref<128x128xf32, #tpu.memory_space<hbm>>) dst(%dma_wait3A_290 : memref<128x128xf32, #tpu.memory_space<vmem_shared>>)
      tpu.yield
    }) : () -> ()
    %add3A_85 = arith.constant 32 : i32
    %add3A_86 = arith.addi %arg1, %add3A_85 : i32
    %mul3A_87 = arith.constant 128 : i32
    %mul3A_88 = arith.muli %add3A_86, %mul3A_87 : i32
    "tpu.region"() ({
      %run_scoped3A = tpu.sem_alloc : memref<!tpu.dma_semaphore, #tpu.memory_space<semaphore_mem>>
      %dma_start3A = arith.constant 0 : i32
      %dma_start3A_286 = tpu.memref_slice %arg16[%mul3A_88, %dma_start3A] : memref<8008x128xf32, #tpu.memory_space<vmem_shared>> -> memref<128x128xf32, #tpu.memory_space<vmem_shared>>
      %dma_start3A_287 = arith.constant 0 : i32
      %dma_start3A_288 = arith.constant 0 : i32
      %dma_start3A_289 = tpu.memref_slice %arg6[%dma_start3A_287, %dma_start3A_288] : memref<128x128xf32, #tpu.memory_space<hbm>> -> memref<128x128xf32, #tpu.memory_space<hbm>>
      tpu.enqueue_dma source(%dma_start3A_289 : memref<128x128xf32, #tpu.memory_space<hbm>>) target(%dma_start3A_286 : memref<128x128xf32, #tpu.memory_space<vmem_shared>>) target_semaphore(%run_scoped3A : memref<!tpu.dma_semaphore, #tpu.memory_space<semaphore_mem>>)
      %dma_wait3A = arith.constant 0 : i32
      %dma_wait3A_290 = tpu.memref_slice %arg16[%mul3A_88, %dma_wait3A] : memref<8008x128xf32, #tpu.memory_space<vmem_shared>> -> memref<128x128xf32, #tpu.memory_space<vmem_shared>>
      %dma_wait3A_291 = arith.constant 0 : i32
      %dma_wait3A_292 = arith.constant 0 : i32
      %dma_wait3A_293 = tpu.memref_slice %arg6[%dma_wait3A_291, %dma_wait3A_292] : memref<128x128xf32, #tpu.memory_space<hbm>> -> memref<128x128xf32, #tpu.memory_space<hbm>>
      tpu.wait_dma2 semaphore(%run_scoped3A : memref<!tpu.dma_semaphore, #tpu.memory_space<semaphore_mem>>) src(%dma_wait3A_293 : memref<128x128xf32, #tpu.memory_space<hbm>>) dst(%dma_wait3A_290 : memref<128x128xf32, #tpu.memory_space<vmem_shared>>)
      tpu.yield
    }) : () -> ()
    %add3A_89 = arith.constant 48 : i32
    %add3A_90 = arith.addi %arg1, %add3A_89 : i32
    %lt3A_91 = arith.constant 62 : i32
    %lt3A_92 = arith.cmpi slt, %add3A_90, %lt3A_91 : i32
    %convert_element_type3A_93 = arith.extui %lt3A_92 : i1 to i32
    %cond3A_94 = arith.constant 0 : i32
    %cond3A_95 = arith.cmpi ne, %convert_element_type3A_93, %cond3A_94 : i32
    scf.if %cond3A_95 {
      %add3A_286 = arith.constant 48 : i32
      %add3A_287 = arith.addi %arg1, %add3A_286 : i32
      %mul3A_288 = arith.constant 128 : i32
      %mul3A_289 = arith.muli %add3A_287, %mul3A_288 : i32
      "tpu.region"() ({
        %run_scoped3A = tpu.sem_alloc : memref<!tpu.dma_semaphore, #tpu.memory_space<semaphore_mem>>
        %dma_start3A = arith.constant 0 : i32
        %dma_start3A_290 = tpu.memref_slice %arg16[%mul3A_289, %dma_start3A] : memref<8008x128xf32, #tpu.memory_space<vmem_shared>> -> memref<128x128xf32, #tpu.memory_space<vmem_shared>>
        %dma_start3A_291 = arith.constant 0 : i32
        %dma_start3A_292 = arith.constant 0 : i32
        %dma_start3A_293 = tpu.memref_slice %arg6[%dma_start3A_291, %dma_start3A_292] : memref<128x128xf32, #tpu.memory_space<hbm>> -> memref<128x128xf32, #tpu.memory_space<hbm>>
        tpu.enqueue_dma source(%dma_start3A_293 : memref<128x128xf32, #tpu.memory_space<hbm>>) target(%dma_start3A_290 : memref<128x128xf32, #tpu.memory_space<vmem_shared>>) target_semaphore(%run_scoped3A : memref<!tpu.dma_semaphore, #tpu.memory_space<semaphore_mem>>)
        %dma_wait3A = arith.constant 0 : i32
        %dma_wait3A_294 = tpu.memref_slice %arg16[%mul3A_289, %dma_wait3A] : memref<8008x128xf32, #tpu.memory_space<vmem_shared>> -> memref<128x128xf32, #tpu.memory_space<vmem_shared>>
        %dma_wait3A_295 = arith.constant 0 : i32
        %dma_wait3A_296 = arith.constant 0 : i32
        %dma_wait3A_297 = tpu.memref_slice %arg6[%dma_wait3A_295, %dma_wait3A_296] : memref<128x128xf32, #tpu.memory_space<hbm>> -> memref<128x128xf32, #tpu.memory_space<hbm>>
        tpu.wait_dma2 semaphore(%run_scoped3A : memref<!tpu.dma_semaphore, #tpu.memory_space<semaphore_mem>>) src(%dma_wait3A_297 : memref<128x128xf32, #tpu.memory_space<hbm>>) dst(%dma_wait3A_294 : memref<128x128xf32, #tpu.memory_space<vmem_shared>>)
        tpu.yield
      }) : () -> ()
    } else {
    }
    %add3A_96 = arith.constant 48 : i32
    %add3A_97 = arith.addi %arg1, %add3A_96 : i32
    %eq3A_98 = arith.constant 62 : i32
    %eq3A_99 = arith.cmpi eq, %add3A_97, %eq3A_98 : i32
    %convert_element_type3A_100 = arith.extui %eq3A_99 : i1 to i32
    %cond3A_101 = arith.constant 0 : i32
    %cond3A_102 = arith.cmpi ne, %convert_element_type3A_100, %cond3A_101 : i32
    scf.if %cond3A_102 {
      "tpu.region"() ({
        %run_scoped3A = tpu.sem_alloc : memref<!tpu.dma_semaphore, #tpu.memory_space<semaphore_mem>>
        %dma_start3A = arith.constant 7936 : i32
        %dma_start3A_286 = arith.constant 0 : i32
        %dma_start3A_287 = tpu.memref_slice %arg16[%dma_start3A, %dma_start3A_286] : memref<8008x128xf32, #tpu.memory_space<vmem_shared>> -> memref<72x128xf32, #tpu.memory_space<vmem_shared>>
        %dma_start3A_288 = arith.constant 0 : i32
        %dma_start3A_289 = arith.constant 0 : i32
        %dma_start3A_290 = tpu.memref_slice %arg6[%dma_start3A_288, %dma_start3A_289] : memref<128x128xf32, #tpu.memory_space<hbm>> -> memref<72x128xf32, #tpu.memory_space<hbm>>
        tpu.enqueue_dma source(%dma_start3A_290 : memref<72x128xf32, #tpu.memory_space<hbm>>) target(%dma_start3A_287 : memref<72x128xf32, #tpu.memory_space<vmem_shared>>) target_semaphore(%run_scoped3A : memref<!tpu.dma_semaphore, #tpu.memory_space<semaphore_mem>>)
        %dma_wait3A = arith.constant 7936 : i32
        %dma_wait3A_291 = arith.constant 0 : i32
        %dma_wait3A_292 = tpu.memref_slice %arg16[%dma_wait3A, %dma_wait3A_291] : memref<8008x128xf32, #tpu.memory_space<vmem_shared>> -> memref<72x128xf32, #tpu.memory_space<vmem_shared>>
        %dma_wait3A_293 = arith.constant 0 : i32
        %dma_wait3A_294 = arith.constant 0 : i32
        %dma_wait3A_295 = tpu.memref_slice %arg6[%dma_wait3A_293, %dma_wait3A_294] : memref<128x128xf32, #tpu.memory_space<hbm>> -> memref<72x128xf32, #tpu.memory_space<hbm>>
        tpu.wait_dma2 semaphore(%run_scoped3A : memref<!tpu.dma_semaphore, #tpu.memory_space<semaphore_mem>>) src(%dma_wait3A_295 : memref<72x128xf32, #tpu.memory_space<hbm>>) dst(%dma_wait3A_292 : memref<72x128xf32, #tpu.memory_space<vmem_shared>>)
        tpu.yield
      }) : () -> ()
    } else {
    }
    %barrier3A_103 = arith.constant 0 : index
    tpu.barrier barrier_id(%barrier3A_103)
    %mul3A_104 = arith.constant 16000 : i32
    %mul3A_105 = arith.muli %arg1, %mul3A_104 : i32
    %scan3A_106 = arith.constant 0 : i32
    %scan3A_107 = arith.constant 0 : i32
    %scan3A_108 = arith.constant 125 : i32
    %scan3A_109 = arith.addi %scan3A_107, %scan3A_108 : i32
    %scan3A_110 = arith.constant 1 : i32
    %scan3A_111 = scf.for %scan3A_286 = %scan3A_107 to %scan3A_109 step %scan3A_110 iter_args(%scan3A_287 = %scan3A_106) -> (i32)  : i32 {
      %mul3A_288 = arith.constant 2 : i32
      %mul3A_289 = arith.muli %scan3A_286, %mul3A_288 : i32
      %mul3A_290 = arith.constant 64 : i32
      %mul3A_291 = arith.muli %mul3A_289, %mul3A_290 : i32
      %add3A_292 = arith.addi %mul3A_105, %mul3A_291 : i32
      %dma_start3A = tpu.memref_slice %arg4[%add3A_292] : memref<256000xi32, #tpu.memory_space<hbm>> -> memref<128xi32, #tpu.memory_space<hbm>>
      %dma_start3A_293 = tpu.memref_slice %arg4[%add3A_292] : memref<256000xi32, #tpu.memory_space<hbm>> -> memref<128xi32, #tpu.memory_space<hbm>>
      tpu.enqueue_dma source(%dma_start3A_293 : memref<128xi32, #tpu.memory_space<hbm>>) target(%arg12 : memref<128xi32, #tpu.memory_space<vmem>>) target_semaphore(%arg17 : memref<!tpu.dma_semaphore, #tpu.memory_space<semaphore_mem>>)
      %add3A_294 = arith.constant 0 : i32
      %add3A_295 = arith.addi %add3A_292, %add3A_294 : i32
      %dma_start3A_296 = tpu.memref_slice %arg5[%add3A_295] : memref<256000xi32, #tpu.memory_space<hbm>> -> memref<64xi32, #tpu.memory_space<hbm>>
      %dma_start3A_297 = tpu.memref_slice %arg5[%add3A_295] : memref<256000xi32, #tpu.memory_space<hbm>> -> memref<64xi32, #tpu.memory_space<hbm>>
      tpu.enqueue_dma source(%dma_start3A_297 : memref<64xi32, #tpu.memory_space<hbm>>) target(%arg13 : memref<64xi32, #tpu.memory_space<vmem>>) target_semaphore(%arg17 : memref<!tpu.dma_semaphore, #tpu.memory_space<semaphore_mem>>)
      %add3A_298 = arith.constant 64 : i32
      %add3A_299 = arith.addi %add3A_292, %add3A_298 : i32
      %dma_start3A_300 = tpu.memref_slice %arg5[%add3A_299] : memref<256000xi32, #tpu.memory_space<hbm>> -> memref<64xi32, #tpu.memory_space<hbm>>
      %dma_start3A_301 = tpu.memref_slice %arg5[%add3A_299] : memref<256000xi32, #tpu.memory_space<hbm>> -> memref<64xi32, #tpu.memory_space<hbm>>
      tpu.enqueue_dma source(%dma_start3A_301 : memref<64xi32, #tpu.memory_space<hbm>>) target(%arg14 : memref<64xi32, #tpu.memory_space<vmem>>) target_semaphore(%arg17 : memref<!tpu.dma_semaphore, #tpu.memory_space<semaphore_mem>>)
      %dma_wait3A = tpu.memref_slice %arg4[%add3A_292] : memref<256000xi32, #tpu.memory_space<hbm>> -> memref<128xi32, #tpu.memory_space<hbm>>
      %dma_wait3A_302 = tpu.memref_slice %arg4[%add3A_292] : memref<256000xi32, #tpu.memory_space<hbm>> -> memref<128xi32, #tpu.memory_space<hbm>>
      tpu.wait_dma2 semaphore(%arg17 : memref<!tpu.dma_semaphore, #tpu.memory_space<semaphore_mem>>) src(%dma_wait3A_302 : memref<128xi32, #tpu.memory_space<hbm>>) dst(%arg12 : memref<128xi32, #tpu.memory_space<vmem>>)
      %dma_wait3A_303 = tpu.memref_slice %arg5[%add3A_295] : memref<256000xi32, #tpu.memory_space<hbm>> -> memref<64xi32, #tpu.memory_space<hbm>>
      %dma_wait3A_304 = tpu.memref_slice %arg5[%add3A_295] : memref<256000xi32, #tpu.memory_space<hbm>> -> memref<64xi32, #tpu.memory_space<hbm>>
      tpu.wait_dma2 semaphore(%arg17 : memref<!tpu.dma_semaphore, #tpu.memory_space<semaphore_mem>>) src(%dma_wait3A_304 : memref<64xi32, #tpu.memory_space<hbm>>) dst(%arg13 : memref<64xi32, #tpu.memory_space<vmem>>)
      %dma_wait3A_305 = tpu.memref_slice %arg5[%add3A_299] : memref<256000xi32, #tpu.memory_space<hbm>> -> memref<64xi32, #tpu.memory_space<hbm>>
      %dma_wait3A_306 = tpu.memref_slice %arg5[%add3A_299] : memref<256000xi32, #tpu.memory_space<hbm>> -> memref<64xi32, #tpu.memory_space<hbm>>
      tpu.wait_dma2 semaphore(%arg17 : memref<!tpu.dma_semaphore, #tpu.memory_space<semaphore_mem>>) src(%dma_wait3A_306 : memref<64xi32, #tpu.memory_space<hbm>>) dst(%arg14 : memref<64xi32, #tpu.memory_space<vmem>>)
      %get3A = arith.constant 0 : index
      %get3A_307 = tpu.vector_load %arg13[%get3A] {strides = array<i32>} : memref<64xi32, #tpu.memory_space<vmem>>, vector<16xi32>,
      %get3A_308 = vector.shape_cast %get3A_307 : vector<16xi32> to vector<16xi32>
      %sub3A = vector.broadcast %mul3A_7 : i32 to vector<16xi32>
      %sub3A_309 = arith.subi %get3A_308, %sub3A : vector<16xi32>
      %ge3A = arith.constant 0 : i32
      %ge3A_310 = vector.broadcast %ge3A : i32 to vector<16xi32>
      %ge3A_311 = arith.cmpi sge, %sub3A_309, %ge3A_310 : vector<16xi32>
      %lt3A_312 = arith.constant 8000 : i32
      %lt3A_313 = vector.broadcast %lt3A_312 : i32 to vector<16xi32>
      %lt3A_314 = arith.cmpi slt, %sub3A_309, %lt3A_313 : vector<16xi32>
      %and3A = arith.andi %ge3A_311, %lt3A_314 : vector<16xi1>
      %jit3A = arith.constant 8000 : i32
      %broadcast_in_dim3A_315 = vector.broadcast %jit3A : i32 to vector<16xi32>
      %select_n3A = arith.select %and3A, %sub3A_309, %broadcast_in_dim3A_315 : vector<16xi1>, vector<16xi32>
      %swap3A = arith.constant 0 : index
      %swap3A_316 = tpu.vector_load %arg13[%swap3A] {strides = array<i32>} : memref<64xi32, #tpu.memory_space<vmem>>, vector<16xi32>,
      %swap3A_317 = vector.shape_cast %swap3A_316 : vector<16xi32> to vector<16xi32>
      %swap3A_318 = vector.shape_cast %select_n3A : vector<16xi32> to vector<16xi32>
      tpu.vector_store %arg13[%swap3A], %swap3A_318 {strides = array<i32>} : memref<64xi32, #tpu.memory_space<vmem>>, vector<16xi32>,
      %get3A_319 = arith.constant 16 : index
      %get3A_320 = tpu.vector_load %arg13[%get3A_319] {strides = array<i32>} : memref<64xi32, #tpu.memory_space<vmem>>, vector<16xi32>,
      %get3A_321 = vector.shape_cast %get3A_320 : vector<16xi32> to vector<16xi32>
      %sub3A_322 = vector.broadcast %mul3A_7 : i32 to vector<16xi32>
      %sub3A_323 = arith.subi %get3A_321, %sub3A_322 : vector<16xi32>
      %ge3A_324 = arith.constant 0 : i32
      %ge3A_325 = vector.broadcast %ge3A_324 : i32 to vector<16xi32>
      %ge3A_326 = arith.cmpi sge, %sub3A_323, %ge3A_325 : vector<16xi32>
      %lt3A_327 = arith.constant 8000 : i32
      %lt3A_328 = vector.broadcast %lt3A_327 : i32 to vector<16xi32>
      %lt3A_329 = arith.cmpi slt, %sub3A_323, %lt3A_328 : vector<16xi32>
      %and3A_330 = arith.andi %ge3A_326, %lt3A_329 : vector<16xi1>
      %jit3A_331 = arith.constant 8000 : i32
      %broadcast_in_dim3A_332 = vector.broadcast %jit3A_331 : i32 to vector<16xi32>
      %select_n3A_333 = arith.select %and3A_330, %sub3A_323, %broadcast_in_dim3A_332 : vector<16xi1>, vector<16xi32>
      %swap3A_334 = arith.constant 16 : index
      %swap3A_335 = tpu.vector_load %arg13[%swap3A_334] {strides = array<i32>} : memref<64xi32, #tpu.memory_space<vmem>>, vector<16xi32>,
      %swap3A_336 = vector.shape_cast %swap3A_335 : vector<16xi32> to vector<16xi32>
      %swap3A_337 = vector.shape_cast %select_n3A_333 : vector<16xi32> to vector<16xi32>
      tpu.vector_store %arg13[%swap3A_334], %swap3A_337 {strides = array<i32>} : memref<64xi32, #tpu.memory_space<vmem>>, vector<16xi32>,
      %get3A_338 = arith.constant 32 : index
      %get3A_339 = tpu.vector_load %arg13[%get3A_338] {strides = array<i32>} : memref<64xi32, #tpu.memory_space<vmem>>, vector<16xi32>,
      %get3A_340 = vector.shape_cast %get3A_339 : vector<16xi32> to vector<16xi32>
      %sub3A_341 = vector.broadcast %mul3A_7 : i32 to vector<16xi32>
      %sub3A_342 = arith.subi %get3A_340, %sub3A_341 : vector<16xi32>
      %ge3A_343 = arith.constant 0 : i32
      %ge3A_344 = vector.broadcast %ge3A_343 : i32 to vector<16xi32>
      %ge3A_345 = arith.cmpi sge, %sub3A_342, %ge3A_344 : vector<16xi32>
      %lt3A_346 = arith.constant 8000 : i32
      %lt3A_347 = vector.broadcast %lt3A_346 : i32 to vector<16xi32>
      %lt3A_348 = arith.cmpi slt, %sub3A_342, %lt3A_347 : vector<16xi32>
      %and3A_349 = arith.andi %ge3A_345, %lt3A_348 : vector<16xi1>
      %jit3A_350 = arith.constant 8000 : i32
      %broadcast_in_dim3A_351 = vector.broadcast %jit3A_350 : i32 to vector<16xi32>
      %select_n3A_352 = arith.select %and3A_349, %sub3A_342, %broadcast_in_dim3A_351 : vector<16xi1>, vector<16xi32>
      %swap3A_353 = arith.constant 32 : index
      %swap3A_354 = tpu.vector_load %arg13[%swap3A_353] {strides = array<i32>} : memref<64xi32, #tpu.memory_space<vmem>>, vector<16xi32>,
      %swap3A_355 = vector.shape_cast %swap3A_354 : vector<16xi32> to vector<16xi32>
      %swap3A_356 = vector.shape_cast %select_n3A_352 : vector<16xi32> to vector<16xi32>
      tpu.vector_store %arg13[%swap3A_353], %swap3A_356 {strides = array<i32>} : memref<64xi32, #tpu.memory_space<vmem>>, vector<16xi32>,
      %get3A_357 = arith.constant 48 : index
      %get3A_358 = tpu.vector_load %arg13[%get3A_357] {strides = array<i32>} : memref<64xi32, #tpu.memory_space<vmem>>, vector<16xi32>,
      %get3A_359 = vector.shape_cast %get3A_358 : vector<16xi32> to vector<16xi32>
      %sub3A_360 = vector.broadcast %mul3A_7 : i32 to vector<16xi32>
      %sub3A_361 = arith.subi %get3A_359, %sub3A_360 : vector<16xi32>
      %ge3A_362 = arith.constant 0 : i32
      %ge3A_363 = vector.broadcast %ge3A_362 : i32 to vector<16xi32>
      %ge3A_364 = arith.cmpi sge, %sub3A_361, %ge3A_363 : vector<16xi32>
      %lt3A_365 = arith.constant 8000 : i32
      %lt3A_366 = vector.broadcast %lt3A_365 : i32 to vector<16xi32>
      %lt3A_367 = arith.cmpi slt, %sub3A_361, %lt3A_366 : vector<16xi32>
      %and3A_368 = arith.andi %ge3A_364, %lt3A_367 : vector<16xi1>
      %jit3A_369 = arith.constant 8000 : i32
      %broadcast_in_dim3A_370 = vector.broadcast %jit3A_369 : i32 to vector<16xi32>
      %select_n3A_371 = arith.select %and3A_368, %sub3A_361, %broadcast_in_dim3A_370 : vector<16xi1>, vector<16xi32>
      %swap3A_372 = arith.constant 48 : index
      %swap3A_373 = tpu.vector_load %arg13[%swap3A_372] {strides = array<i32>} : memref<64xi32, #tpu.memory_space<vmem>>, vector<16xi32>,
      %swap3A_374 = vector.shape_cast %swap3A_373 : vector<16xi32> to vector<16xi32>
      %swap3A_375 = vector.shape_cast %select_n3A_371 : vector<16xi32> to vector<16xi32>
      tpu.vector_store %arg13[%swap3A_372], %swap3A_375 {strides = array<i32>} : memref<64xi32, #tpu.memory_space<vmem>>, vector<16xi32>,
      %get3A_376 = arith.constant 0 : index
      %get3A_377 = tpu.vector_load %arg14[%get3A_376] {strides = array<i32>} : memref<64xi32, #tpu.memory_space<vmem>>, vector<16xi32>,
      %get3A_378 = vector.shape_cast %get3A_377 : vector<16xi32> to vector<16xi32>
      %sub3A_379 = vector.broadcast %mul3A_7 : i32 to vector<16xi32>
      %sub3A_380 = arith.subi %get3A_378, %sub3A_379 : vector<16xi32>
      %ge3A_381 = arith.constant 0 : i32
      %ge3A_382 = vector.broadcast %ge3A_381 : i32 to vector<16xi32>
      %ge3A_383 = arith.cmpi sge, %sub3A_380, %ge3A_382 : vector<16xi32>
      %lt3A_384 = arith.constant 8000 : i32
      %lt3A_385 = vector.broadcast %lt3A_384 : i32 to vector<16xi32>
      %lt3A_386 = arith.cmpi slt, %sub3A_380, %lt3A_385 : vector<16xi32>
      %and3A_387 = arith.andi %ge3A_383, %lt3A_386 : vector<16xi1>
      %jit3A_388 = arith.constant 8000 : i32
      %broadcast_in_dim3A_389 = vector.broadcast %jit3A_388 : i32 to vector<16xi32>
      %select_n3A_390 = arith.select %and3A_387, %sub3A_380, %broadcast_in_dim3A_389 : vector<16xi1>, vector<16xi32>
      %swap3A_391 = arith.constant 0 : index
      %swap3A_392 = tpu.vector_load %arg14[%swap3A_391] {strides = array<i32>} : memref<64xi32, #tpu.memory_space<vmem>>, vector<16xi32>,
      %swap3A_393 = vector.shape_cast %swap3A_392 : vector<16xi32> to vector<16xi32>
      %swap3A_394 = vector.shape_cast %select_n3A_390 : vector<16xi32> to vector<16xi32>
      tpu.vector_store %arg14[%swap3A_391], %swap3A_394 {strides = array<i32>} : memref<64xi32, #tpu.memory_space<vmem>>, vector<16xi32>,
      %get3A_395 = arith.constant 16 : index
      %get3A_396 = tpu.vector_load %arg14[%get3A_395] {strides = array<i32>} : memref<64xi32, #tpu.memory_space<vmem>>, vector<16xi32>,
      %get3A_397 = vector.shape_cast %get3A_396 : vector<16xi32> to vector<16xi32>
      %sub3A_398 = vector.broadcast %mul3A_7 : i32 to vector<16xi32>
      %sub3A_399 = arith.subi %get3A_397, %sub3A_398 : vector<16xi32>
      %ge3A_400 = arith.constant 0 : i32
      %ge3A_401 = vector.broadcast %ge3A_400 : i32 to vector<16xi32>
      %ge3A_402 = arith.cmpi sge, %sub3A_399, %ge3A_401 : vector<16xi32>
      %lt3A_403 = arith.constant 8000 : i32
      %lt3A_404 = vector.broadcast %lt3A_403 : i32 to vector<16xi32>
      %lt3A_405 = arith.cmpi slt, %sub3A_399, %lt3A_404 : vector<16xi32>
      %and3A_406 = arith.andi %ge3A_402, %lt3A_405 : vector<16xi1>
      %jit3A_407 = arith.constant 8000 : i32
      %broadcast_in_dim3A_408 = vector.broadcast %jit3A_407 : i32 to vector<16xi32>
      %select_n3A_409 = arith.select %and3A_406, %sub3A_399, %broadcast_in_dim3A_408 : vector<16xi1>, vector<16xi32>
      %swap3A_410 = arith.constant 16 : index
      %swap3A_411 = tpu.vector_load %arg14[%swap3A_410] {strides = array<i32>} : memref<64xi32, #tpu.memory_space<vmem>>, vector<16xi32>,
      %swap3A_412 = vector.shape_cast %swap3A_411 : vector<16xi32> to vector<16xi32>
      %swap3A_413 = vector.shape_cast %select_n3A_409 : vector<16xi32> to vector<16xi32>
      tpu.vector_store %arg14[%swap3A_410], %swap3A_413 {strides = array<i32>} : memref<64xi32, #tpu.memory_space<vmem>>, vector<16xi32>,
      %get3A_414 = arith.constant 32 : index
      %get3A_415 = tpu.vector_load %arg14[%get3A_414] {strides = array<i32>} : memref<64xi32, #tpu.memory_space<vmem>>, vector<16xi32>,
      %get3A_416 = vector.shape_cast %get3A_415 : vector<16xi32> to vector<16xi32>
      %sub3A_417 = vector.broadcast %mul3A_7 : i32 to vector<16xi32>
      %sub3A_418 = arith.subi %get3A_416, %sub3A_417 : vector<16xi32>
      %ge3A_419 = arith.constant 0 : i32
      %ge3A_420 = vector.broadcast %ge3A_419 : i32 to vector<16xi32>
      %ge3A_421 = arith.cmpi sge, %sub3A_418, %ge3A_420 : vector<16xi32>
      %lt3A_422 = arith.constant 8000 : i32
      %lt3A_423 = vector.broadcast %lt3A_422 : i32 to vector<16xi32>
      %lt3A_424 = arith.cmpi slt, %sub3A_418, %lt3A_423 : vector<16xi32>
      %and3A_425 = arith.andi %ge3A_421, %lt3A_424 : vector<16xi1>
      %jit3A_426 = arith.constant 8000 : i32
      %broadcast_in_dim3A_427 = vector.broadcast %jit3A_426 : i32 to vector<16xi32>
      %select_n3A_428 = arith.select %and3A_425, %sub3A_418, %broadcast_in_dim3A_427 : vector<16xi1>, vector<16xi32>
      %swap3A_429 = arith.constant 32 : index
      %swap3A_430 = tpu.vector_load %arg14[%swap3A_429] {strides = array<i32>} : memref<64xi32, #tpu.memory_space<vmem>>, vector<16xi32>,
      %swap3A_431 = vector.shape_cast %swap3A_430 : vector<16xi32> to vector<16xi32>
      %swap3A_432 = vector.shape_cast %select_n3A_428 : vector<16xi32> to vector<16xi32>
      tpu.vector_store %arg14[%swap3A_429], %swap3A_432 {strides = array<i32>} : memref<64xi32, #tpu.memory_space<vmem>>, vector<16xi32>,
      %get3A_433 = arith.constant 48 : index
      %get3A_434 = tpu.vector_load %arg14[%get3A_433] {strides = array<i32>} : memref<64xi32, #tpu.memory_space<vmem>>, vector<16xi32>,
      %get3A_435 = vector.shape_cast %get3A_434 : vector<16xi32> to vector<16xi32>
      %sub3A_436 = vector.broadcast %mul3A_7 : i32 to vector<16xi32>
      %sub3A_437 = arith.subi %get3A_435, %sub3A_436 : vector<16xi32>
      %ge3A_438 = arith.constant 0 : i32
      %ge3A_439 = vector.broadcast %ge3A_438 : i32 to vector<16xi32>
      %ge3A_440 = arith.cmpi sge, %sub3A_437, %ge3A_439 : vector<16xi32>
      %lt3A_441 = arith.constant 8000 : i32
      %lt3A_442 = vector.broadcast %lt3A_441 : i32 to vector<16xi32>
      %lt3A_443 = arith.cmpi slt, %sub3A_437, %lt3A_442 : vector<16xi32>
      %and3A_444 = arith.andi %ge3A_440, %lt3A_443 : vector<16xi1>
      %jit3A_445 = arith.constant 8000 : i32
      %broadcast_in_dim3A_446 = vector.broadcast %jit3A_445 : i32 to vector<16xi32>
      %select_n3A_447 = arith.select %and3A_444, %sub3A_437, %broadcast_in_dim3A_446 : vector<16xi1>, vector<16xi32>
      %swap3A_448 = arith.constant 48 : index
      %swap3A_449 = tpu.vector_load %arg14[%swap3A_448] {strides = array<i32>} : memref<64xi32, #tpu.memory_space<vmem>>, vector<16xi32>,
      %swap3A_450 = vector.shape_cast %swap3A_449 : vector<16xi32> to vector<16xi32>
      %swap3A_451 = vector.shape_cast %select_n3A_447 : vector<16xi32> to vector<16xi32>
      tpu.vector_store %arg14[%swap3A_448], %swap3A_451 {strides = array<i32>} : memref<64xi32, #tpu.memory_space<vmem>>, vector<16xi32>,
      %dma_start3A_452 = arith.constant 0 : i32
      %dma_start3A_453 = arith.constant 0 : i32
      %dma_start3A_454 = arith.constant 0 : i32
      %dma_start3A_455 = tpu.memref_slice %arg15[%dma_start3A_452, %dma_start3A_453, %dma_start3A_454] : memref<2x64x128xf32, #tpu.memory_space<vmem>> -> memref<1x64x128xf32, #tpu.memory_space<vmem>>
      %dma_start3A_456 = tpu.memref_squeeze %dma_start3A_455 : memref<1x64x128xf32, #tpu.memory_space<vmem>> -> memref<64x128xf32, #tpu.memory_space<vmem>>
      %dma_start3A_457 = arith.constant 0 : i32
      %dma_start3A_458 = tpu.memref_slice %arg12[%dma_start3A_457] : memref<128xi32, #tpu.memory_space<vmem>> -> memref<64xi32, #tpu.memory_space<vmem>>
      %dma_start3A_459 = arith.constant 0 : i32
      %dma_start3A_460 = arith.constant 0 : i32
      %dma_start3A_461 = tpu.memref_slice %arg3[%dma_start3A_459, %dma_start3A_460] : memref<100000x128xf32, #tpu.memory_space<hbm>> -> memref<100000x128xf32, #tpu.memory_space<hbm>>
      tpu.enqueue_indirect_dma source(%dma_start3A_461 : memref<100000x128xf32, #tpu.memory_space<hbm>>) target(%dma_start3A_456 : memref<64x128xf32, #tpu.memory_space<vmem>>) offsets(%dma_start3A_458 : memref<64xi32, #tpu.memory_space<vmem>>) semaphore(%arg18 : memref<!tpu.dma_semaphore, #tpu.memory_space<semaphore_mem>>)
      %dma_start3A_462 = arith.constant 1 : i32
      %dma_start3A_463 = arith.constant 0 : i32
      %dma_start3A_464 = arith.constant 0 : i32
      %dma_start3A_465 = tpu.memref_slice %arg15[%dma_start3A_462, %dma_start3A_463, %dma_start3A_464] : memref<2x64x128xf32, #tpu.memory_space<vmem>> -> memref<1x64x128xf32, #tpu.memory_space<vmem>>
      %dma_start3A_466 = tpu.memref_squeeze %dma_start3A_465 : memref<1x64x128xf32, #tpu.memory_space<vmem>> -> memref<64x128xf32, #tpu.memory_space<vmem>>
      %dma_start3A_467 = arith.constant 64 : i32
      %dma_start3A_468 = tpu.memref_slice %arg12[%dma_start3A_467] : memref<128xi32, #tpu.memory_space<vmem>> -> memref<64xi32, #tpu.memory_space<vmem>>
      %dma_start3A_469 = arith.constant 0 : i32
      %dma_start3A_470 = arith.constant 0 : i32
      %dma_start3A_471 = tpu.memref_slice %arg3[%dma_start3A_469, %dma_start3A_470] : memref<100000x128xf32, #tpu.memory_space<hbm>> -> memref<100000x128xf32, #tpu.memory_space<hbm>>
      tpu.enqueue_indirect_dma source(%dma_start3A_471 : memref<100000x128xf32, #tpu.memory_space<hbm>>) target(%dma_start3A_466 : memref<64x128xf32, #tpu.memory_space<vmem>>) offsets(%dma_start3A_468 : memref<64xi32, #tpu.memory_space<vmem>>) semaphore(%arg18 : memref<!tpu.dma_semaphore, #tpu.memory_space<semaphore_mem>>)
      %dma_wait3A_472 = arith.constant 0 : i32
      %dma_wait3A_473 = arith.constant 0 : i32
      %dma_wait3A_474 = arith.constant 0 : i32
      %dma_wait3A_475 = tpu.memref_slice %arg15[%dma_wait3A_472, %dma_wait3A_473, %dma_wait3A_474] : memref<2x64x128xf32, #tpu.memory_space<vmem>> -> memref<1x64x128xf32, #tpu.memory_space<vmem>>
      %dma_wait3A_476 = tpu.memref_squeeze %dma_wait3A_475 : memref<1x64x128xf32, #tpu.memory_space<vmem>> -> memref<64x128xf32, #tpu.memory_space<vmem>>
      %dma_wait3A_477 = arith.constant 0 : i32
      %dma_wait3A_478 = tpu.memref_slice %arg12[%dma_wait3A_477] : memref<128xi32, #tpu.memory_space<vmem>> -> memref<64xi32, #tpu.memory_space<vmem>>
      %dma_wait3A_479 = arith.constant 0 : i32
      %dma_wait3A_480 = arith.constant 0 : i32
      %dma_wait3A_481 = tpu.memref_slice %arg3[%dma_wait3A_479, %dma_wait3A_480] : memref<100000x128xf32, #tpu.memory_space<hbm>> -> memref<100000x128xf32, #tpu.memory_space<hbm>>
      tpu.wait_indirect_dma semaphore(%arg18 : memref<!tpu.dma_semaphore, #tpu.memory_space<semaphore_mem>>) src(%dma_wait3A_481 : memref<100000x128xf32, #tpu.memory_space<hbm>>) dst(%dma_wait3A_476 : memref<64x128xf32, #tpu.memory_space<vmem>>)
      %dma_wait3A_482 = arith.constant 1 : i32
      %dma_wait3A_483 = arith.constant 0 : i32
      %dma_wait3A_484 = arith.constant 0 : i32
      %dma_wait3A_485 = tpu.memref_slice %arg15[%dma_wait3A_482, %dma_wait3A_483, %dma_wait3A_484] : memref<2x64x128xf32, #tpu.memory_space<vmem>> -> memref<1x64x128xf32, #tpu.memory_space<vmem>>
      %dma_wait3A_486 = tpu.memref_squeeze %dma_wait3A_485 : memref<1x64x128xf32, #tpu.memory_space<vmem>> -> memref<64x128xf32, #tpu.memory_space<vmem>>
      %dma_wait3A_487 = arith.constant 64 : i32
      %dma_wait3A_488 = tpu.memref_slice %arg12[%dma_wait3A_487] : memref<128xi32, #tpu.memory_space<vmem>> -> memref<64xi32, #tpu.memory_space<vmem>>
      %dma_wait3A_489 = arith.constant 0 : i32
      %dma_wait3A_490 = arith.constant 0 : i32
      %dma_wait3A_491 = tpu.memref_slice %arg3[%dma_wait3A_489, %dma_wait3A_490] : memref<100000x128xf32, #tpu.memory_space<hbm>> -> memref<100000x128xf32, #tpu.memory_space<hbm>>
      tpu.wait_indirect_dma semaphore(%arg18 : memref<!tpu.dma_semaphore, #tpu.memory_space<semaphore_mem>>) src(%dma_wait3A_491 : memref<100000x128xf32, #tpu.memory_space<hbm>>) dst(%dma_wait3A_486 : memref<64x128xf32, #tpu.memory_space<vmem>>)
      %dma_start3A_492 = arith.constant 0 : i32
      %dma_start3A_493 = arith.constant 0 : i32
      %dma_start3A_494 = arith.constant 0 : i32
      %dma_start3A_495 = tpu.memref_slice %arg15[%dma_start3A_492, %dma_start3A_493, %dma_start3A_494] : memref<2x64x128xf32, #tpu.memory_space<vmem>> -> memref<1x64x128xf32, #tpu.memory_space<vmem>>
      %dma_start3A_496 = tpu.memref_squeeze %dma_start3A_495 : memref<1x64x128xf32, #tpu.memory_space<vmem>> -> memref<64x128xf32, #tpu.memory_space<vmem>>
      %dma_start3A_497 = arith.constant 0 : i32
      %dma_start3A_498 = arith.constant 0 : i32
      %dma_start3A_499 = tpu.memref_slice %arg16[%dma_start3A_497, %dma_start3A_498] : memref<8008x128xf32, #tpu.memory_space<vmem_shared>> -> memref<8008x128xf32, #tpu.memory_space<vmem_shared>>
      tpu.enqueue_indirect_dma source(%dma_start3A_496 : memref<64x128xf32, #tpu.memory_space<vmem>>) target(%dma_start3A_499 : memref<8008x128xf32, #tpu.memory_space<vmem_shared>>) offsets(%arg13 : memref<64xi32, #tpu.memory_space<vmem>>) semaphore(%arg19 : memref<!tpu.dma_semaphore, #tpu.memory_space<semaphore_mem>>) {add = true}
      %dma_start3A_500 = arith.constant 1 : i32
      %dma_start3A_501 = arith.constant 0 : i32
      %dma_start3A_502 = arith.constant 0 : i32
      %dma_start3A_503 = tpu.memref_slice %arg15[%dma_start3A_500, %dma_start3A_501, %dma_start3A_502] : memref<2x64x128xf32, #tpu.memory_space<vmem>> -> memref<1x64x128xf32, #tpu.memory_space<vmem>>
      %dma_start3A_504 = tpu.memref_squeeze %dma_start3A_503 : memref<1x64x128xf32, #tpu.memory_space<vmem>> -> memref<64x128xf32, #tpu.memory_space<vmem>>
      %dma_start3A_505 = arith.constant 0 : i32
      %dma_start3A_506 = arith.constant 0 : i32
      %dma_start3A_507 = tpu.memref_slice %arg16[%dma_start3A_505, %dma_start3A_506] : memref<8008x128xf32, #tpu.memory_space<vmem_shared>> -> memref<8008x128xf32, #tpu.memory_space<vmem_shared>>
      tpu.enqueue_indirect_dma source(%dma_start3A_504 : memref<64x128xf32, #tpu.memory_space<vmem>>) target(%dma_start3A_507 : memref<8008x128xf32, #tpu.memory_space<vmem_shared>>) offsets(%arg14 : memref<64xi32, #tpu.memory_space<vmem>>) semaphore(%arg19 : memref<!tpu.dma_semaphore, #tpu.memory_space<semaphore_mem>>) {add = true}
      %dma_wait3A_508 = arith.constant 0 : i32
      %dma_wait3A_509 = arith.constant 0 : i32
      %dma_wait3A_510 = arith.constant 0 : i32
      %dma_wait3A_511 = tpu.memref_slice %arg15[%dma_wait3A_508, %dma_wait3A_509, %dma_wait3A_510] : memref<2x64x128xf32, #tpu.memory_space<vmem>> -> memref<1x64x128xf32, #tpu.memory_space<vmem>>
      %dma_wait3A_512 = tpu.memref_squeeze %dma_wait3A_511 : memref<1x64x128xf32, #tpu.memory_space<vmem>> -> memref<64x128xf32, #tpu.memory_space<vmem>>
      %dma_wait3A_513 = arith.constant 0 : i32
      %dma_wait3A_514 = arith.constant 0 : i32
      %dma_wait3A_515 = tpu.memref_slice %arg16[%dma_wait3A_513, %dma_wait3A_514] : memref<8008x128xf32, #tpu.memory_space<vmem_shared>> -> memref<8008x128xf32, #tpu.memory_space<vmem_shared>>
      tpu.wait_indirect_dma semaphore(%arg19 : memref<!tpu.dma_semaphore, #tpu.memory_space<semaphore_mem>>) src(%dma_wait3A_512 : memref<64x128xf32, #tpu.memory_space<vmem>>) dst(%dma_wait3A_515 : memref<8008x128xf32, #tpu.memory_space<vmem_shared>>)
      %dma_wait3A_516 = arith.constant 1 : i32
      %dma_wait3A_517 = arith.constant 0 : i32
      %dma_wait3A_518 = arith.constant 0 : i32
      %dma_wait3A_519 = tpu.memref_slice %arg15[%dma_wait3A_516, %dma_wait3A_517, %dma_wait3A_518] : memref<2x64x128xf32, #tpu.memory_space<vmem>> -> memref<1x64x128xf32, #tpu.memory_space<vmem>>
      %dma_wait3A_520 = tpu.memref_squeeze %dma_wait3A_519 : memref<1x64x128xf32, #tpu.memory_space<vmem>> -> memref<64x128xf32, #tpu.memory_space<vmem>>
      %dma_wait3A_521 = arith.constant 0 : i32
      %dma_wait3A_522 = arith.constant 0 : i32
      %dma_wait3A_523 = tpu.memref_slice %arg16[%dma_wait3A_521, %dma_wait3A_522] : memref<8008x128xf32, #tpu.memory_space<vmem_shared>> -> memref<8008x128xf32, #tpu.memory_space<vmem_shared>>
      tpu.wait_indirect_dma semaphore(%arg19 : memref<!tpu.dma_semaphore, #tpu.memory_space<semaphore_mem>>) src(%dma_wait3A_520 : memref<64x128xf32, #tpu.memory_space<vmem>>) dst(%dma_wait3A_523 : memref<8008x128xf32, #tpu.memory_space<vmem_shared>>)
      %scan3A_524 = arith.constant 0 : i32
      scf.yield %scan3A_524 : i32
    }
    %scan3A_112 = arith.constant 125 : i32
    %barrier3A_113 = arith.constant 0 : index
    tpu.barrier barrier_id(%barrier3A_113)
    %add3A_114 = arith.constant 0 : i32
    %add3A_115 = arith.addi %arg1, %add3A_114 : i32
    %mul3A_116 = arith.constant 128 : i32
    %mul3A_117 = arith.muli %add3A_115, %mul3A_116 : i32
    %mul3A_118 = arith.constant 128 : i32
    %mul3A_119 = arith.muli %add3A_115, %mul3A_118 : i32
    %add3A_120 = arith.addi %mul3A_9, %mul3A_119 : i32
    "tpu.region"() ({
      %run_scoped3A = tpu.sem_alloc : memref<!tpu.dma_semaphore, #tpu.memory_space<semaphore_mem>>
      %dma_start3A = arith.constant 0 : i32
      %dma_start3A_286 = tpu.memref_slice %arg9[%add3A_120, %dma_start3A] : memref<16000x128xf32, #tpu.memory_space<hbm>> -> memref<128x128xf32, #tpu.memory_space<hbm>>
      %dma_start3A_287 = arith.constant 0 : i32
      %dma_start3A_288 = tpu.memref_slice %arg16[%mul3A_117, %dma_start3A_287] : memref<8008x128xf32, #tpu.memory_space<vmem_shared>> -> memref<128x128xf32, #tpu.memory_space<vmem_shared>>
      tpu.enqueue_dma source(%dma_start3A_288 : memref<128x128xf32, #tpu.memory_space<vmem_shared>>) target(%dma_start3A_286 : memref<128x128xf32, #tpu.memory_space<hbm>>) target_semaphore(%run_scoped3A : memref<!tpu.dma_semaphore, #tpu.memory_space<semaphore_mem>>)
      %dma_wait3A = arith.constant 0 : i32
      %dma_wait3A_289 = tpu.memref_slice %arg9[%add3A_120, %dma_wait3A] : memref<16000x128xf32, #tpu.memory_space<hbm>> -> memref<128x128xf32, #tpu.memory_space<hbm>>
      %dma_wait3A_290 = arith.constant 0 : i32
      %dma_wait3A_291 = tpu.memref_slice %arg16[%mul3A_117, %dma_wait3A_290] : memref<8008x128xf32, #tpu.memory_space<vmem_shared>> -> memref<128x128xf32, #tpu.memory_space<vmem_shared>>
      tpu.wait_dma2 semaphore(%run_scoped3A : memref<!tpu.dma_semaphore, #tpu.memory_space<semaphore_mem>>) src(%dma_wait3A_291 : memref<128x128xf32, #tpu.memory_space<vmem_shared>>) dst(%dma_wait3A_289 : memref<128x128xf32, #tpu.memory_space<hbm>>)
      tpu.yield
    }) : () -> ()
    %add3A_121 = arith.constant 16 : i32
    %add3A_122 = arith.addi %arg1, %add3A_121 : i32
    %mul3A_123 = arith.constant 128 : i32
    %mul3A_124 = arith.muli %add3A_122, %mul3A_123 : i32
    %mul3A_125 = arith.constant 128 : i32
    %mul3A_126 = arith.muli %add3A_122, %mul3A_125 : i32
    %add3A_127 = arith.addi %mul3A_9, %mul3A_126 : i32
    "tpu.region"() ({
      %run_scoped3A = tpu.sem_alloc : memref<!tpu.dma_semaphore, #tpu.memory_space<semaphore_mem>>
      %dma_start3A = arith.constant 0 : i32
      %dma_start3A_286 = tpu.memref_slice %arg9[%add3A_127, %dma_start3A] : memref<16000x128xf32, #tpu.memory_space<hbm>> -> memref<128x128xf32, #tpu.memory_space<hbm>>
      %dma_start3A_287 = arith.constant 0 : i32
      %dma_start3A_288 = tpu.memref_slice %arg16[%mul3A_124, %dma_start3A_287] : memref<8008x128xf32, #tpu.memory_space<vmem_shared>> -> memref<128x128xf32, #tpu.memory_space<vmem_shared>>
      tpu.enqueue_dma source(%dma_start3A_288 : memref<128x128xf32, #tpu.memory_space<vmem_shared>>) target(%dma_start3A_286 : memref<128x128xf32, #tpu.memory_space<hbm>>) target_semaphore(%run_scoped3A : memref<!tpu.dma_semaphore, #tpu.memory_space<semaphore_mem>>)
      %dma_wait3A = arith.constant 0 : i32
      %dma_wait3A_289 = tpu.memref_slice %arg9[%add3A_127, %dma_wait3A] : memref<16000x128xf32, #tpu.memory_space<hbm>> -> memref<128x128xf32, #tpu.memory_space<hbm>>
      %dma_wait3A_290 = arith.constant 0 : i32
      %dma_wait3A_291 = tpu.memref_slice %arg16[%mul3A_124, %dma_wait3A_290] : memref<8008x128xf32, #tpu.memory_space<vmem_shared>> -> memref<128x128xf32, #tpu.memory_space<vmem_shared>>
      tpu.wait_dma2 semaphore(%run_scoped3A : memref<!tpu.dma_semaphore, #tpu.memory_space<semaphore_mem>>) src(%dma_wait3A_291 : memref<128x128xf32, #tpu.memory_space<vmem_shared>>) dst(%dma_wait3A_289 : memref<128x128xf32, #tpu.memory_space<hbm>>)
      tpu.yield
    }) : () -> ()
    %add3A_128 = arith.constant 32 : i32
    %add3A_129 = arith.addi %arg1, %add3A_128 : i32
    %mul3A_130 = arith.constant 128 : i32
    %mul3A_131 = arith.muli %add3A_129, %mul3A_130 : i32
    %mul3A_132 = arith.constant 128 : i32
    %mul3A_133 = arith.muli %add3A_129, %mul3A_132 : i32
    %add3A_134 = arith.addi %mul3A_9, %mul3A_133 : i32
    "tpu.region"() ({
      %run_scoped3A = tpu.sem_alloc : memref<!tpu.dma_semaphore, #tpu.memory_space<semaphore_mem>>
      %dma_start3A = arith.constant 0 : i32
      %dma_start3A_286 = tpu.memref_slice %arg9[%add3A_134, %dma_start3A] : memref<16000x128xf32, #tpu.memory_space<hbm>> -> memref<128x128xf32, #tpu.memory_space<hbm>>
      %dma_start3A_287 = arith.constant 0 : i32
      %dma_start3A_288 = tpu.memref_slice %arg16[%mul3A_131, %dma_start3A_287] : memref<8008x128xf32, #tpu.memory_space<vmem_shared>> -> memref<128x128xf32, #tpu.memory_space<vmem_shared>>
      tpu.enqueue_dma source(%dma_start3A_288 : memref<128x128xf32, #tpu.memory_space<vmem_shared>>) target(%dma_start3A_286 : memref<128x128xf32, #tpu.memory_space<hbm>>) target_semaphore(%run_scoped3A : memref<!tpu.dma_semaphore, #tpu.memory_space<semaphore_mem>>)
      %dma_wait3A = arith.constant 0 : i32
      %dma_wait3A_289 = tpu.memref_slice %arg9[%add3A_134, %dma_wait3A] : memref<16000x128xf32, #tpu.memory_space<hbm>> -> memref<128x128xf32, #tpu.memory_space<hbm>>
      %dma_wait3A_290 = arith.constant 0 : i32
      %dma_wait3A_291 = tpu.memref_slice %arg16[%mul3A_131, %dma_wait3A_290] : memref<8008x128xf32, #tpu.memory_space<vmem_shared>> -> memref<128x128xf32, #tpu.memory_space<vmem_shared>>
      tpu.wait_dma2 semaphore(%run_scoped3A : memref<!tpu.dma_semaphore, #tpu.memory_space<semaphore_mem>>) src(%dma_wait3A_291 : memref<128x128xf32, #tpu.memory_space<vmem_shared>>) dst(%dma_wait3A_289 : memref<128x128xf32, #tpu.memory_space<hbm>>)
      tpu.yield
    }) : () -> ()
    %add3A_135 = arith.constant 48 : i32
    %add3A_136 = arith.addi %arg1, %add3A_135 : i32
    %lt3A_137 = arith.constant 62 : i32
    %lt3A_138 = arith.cmpi slt, %add3A_136, %lt3A_137 : i32
    %convert_element_type3A_139 = arith.extui %lt3A_138 : i1 to i32
    %cond3A_140 = arith.constant 0 : i32
    %cond3A_141 = arith.cmpi ne, %convert_element_type3A_139, %cond3A_140 : i32
    scf.if %cond3A_141 {
      %add3A_286 = arith.constant 48 : i32
      %add3A_287 = arith.addi %arg1, %add3A_286 : i32
      %mul3A_288 = arith.constant 128 : i32
      %mul3A_289 = arith.muli %add3A_287, %mul3A_288 : i32
      %mul3A_290 = arith.constant 128 : i32
      %mul3A_291 = arith.muli %add3A_287, %mul3A_290 : i32
      %add3A_292 = arith.addi %mul3A_9, %mul3A_291 : i32
      "tpu.region"() ({
        %run_scoped3A = tpu.sem_alloc : memref<!tpu.dma_semaphore, #tpu.memory_space<semaphore_mem>>
        %dma_start3A = arith.constant 0 : i32
        %dma_start3A_293 = tpu.memref_slice %arg9[%add3A_292, %dma_start3A] : memref<16000x128xf32, #tpu.memory_space<hbm>> -> memref<128x128xf32, #tpu.memory_space<hbm>>
        %dma_start3A_294 = arith.constant 0 : i32
        %dma_start3A_295 = tpu.memref_slice %arg16[%mul3A_289, %dma_start3A_294] : memref<8008x128xf32, #tpu.memory_space<vmem_shared>> -> memref<128x128xf32, #tpu.memory_space<vmem_shared>>
        tpu.enqueue_dma source(%dma_start3A_295 : memref<128x128xf32, #tpu.memory_space<vmem_shared>>) target(%dma_start3A_293 : memref<128x128xf32, #tpu.memory_space<hbm>>) target_semaphore(%run_scoped3A : memref<!tpu.dma_semaphore, #tpu.memory_space<semaphore_mem>>)
        %dma_wait3A = arith.constant 0 : i32
        %dma_wait3A_296 = tpu.memref_slice %arg9[%add3A_292, %dma_wait3A] : memref<16000x128xf32, #tpu.memory_space<hbm>> -> memref<128x128xf32, #tpu.memory_space<hbm>>
        %dma_wait3A_297 = arith.constant 0 : i32
        %dma_wait3A_298 = tpu.memref_slice %arg16[%mul3A_289, %dma_wait3A_297] : memref<8008x128xf32, #tpu.memory_space<vmem_shared>> -> memref<128x128xf32, #tpu.memory_space<vmem_shared>>
        tpu.wait_dma2 semaphore(%run_scoped3A : memref<!tpu.dma_semaphore, #tpu.memory_space<semaphore_mem>>) src(%dma_wait3A_298 : memref<128x128xf32, #tpu.memory_space<vmem_shared>>) dst(%dma_wait3A_296 : memref<128x128xf32, #tpu.memory_space<hbm>>)
        tpu.yield
      }) : () -> ()
    } else {
    }
    %add3A_142 = arith.constant 48 : i32
    %add3A_143 = arith.addi %arg1, %add3A_142 : i32
    %eq3A_144 = arith.constant 62 : i32
    %eq3A_145 = arith.cmpi eq, %add3A_143, %eq3A_144 : i32
    %convert_element_type3A_146 = arith.extui %eq3A_145 : i1 to i32
    %cond3A_147 = arith.constant 0 : i32
    %cond3A_148 = arith.cmpi ne, %convert_element_type3A_146, %cond3A_147 : i32
    scf.if %cond3A_148 {
      %add3A_286 = arith.constant 7936 : i32
      %add3A_287 = arith.addi %mul3A_9, %add3A_286 : i32
      "tpu.region"() ({
        %run_scoped3A = tpu.sem_alloc : memref<!tpu.dma_semaphore, #tpu.memory_space<semaphore_mem>>
        %dma_start3A = arith.constant 0 : i32
        %dma_start3A_288 = tpu.memref_slice %arg9[%add3A_287, %dma_start3A] : memref<16000x128xf32, #tpu.memory_space<hbm>> -> memref<64x128xf32, #tpu.memory_space<hbm>>
        %dma_start3A_289 = arith.constant 7936 : i32
        %dma_start3A_290 = arith.constant 0 : i32
        %dma_start3A_291 = tpu.memref_slice %arg16[%dma_start3A_289, %dma_start3A_290] : memref<8008x128xf32, #tpu.memory_space<vmem_shared>> -> memref<64x128xf32, #tpu.memory_space<vmem_shared>>
        tpu.enqueue_dma source(%dma_start3A_291 : memref<64x128xf32, #tpu.memory_space<vmem_shared>>) target(%dma_start3A_288 : memref<64x128xf32, #tpu.memory_space<hbm>>) target_semaphore(%run_scoped3A : memref<!tpu.dma_semaphore, #tpu.memory_space<semaphore_mem>>)
        %dma_wait3A = arith.constant 0 : i32
        %dma_wait3A_292 = tpu.memref_slice %arg9[%add3A_287, %dma_wait3A] : memref<16000x128xf32, #tpu.memory_space<hbm>> -> memref<64x128xf32, #tpu.memory_space<hbm>>
        %dma_wait3A_293 = arith.constant 7936 : i32
        %dma_wait3A_294 = arith.constant 0 : i32
        %dma_wait3A_295 = tpu.memref_slice %arg16[%dma_wait3A_293, %dma_wait3A_294] : memref<8008x128xf32, #tpu.memory_space<vmem_shared>> -> memref<64x128xf32, #tpu.memory_space<vmem_shared>>
        tpu.wait_dma2 semaphore(%run_scoped3A : memref<!tpu.dma_semaphore, #tpu.memory_space<semaphore_mem>>) src(%dma_wait3A_295 : memref<64x128xf32, #tpu.memory_space<vmem_shared>>) dst(%dma_wait3A_292 : memref<64x128xf32, #tpu.memory_space<hbm>>)
        tpu.yield
      }) : () -> ()
    } else {
    }
    %barrier3A_149 = arith.constant 0 : index
    tpu.barrier barrier_id(%barrier3A_149)
    %add3A_150 = arith.constant 0 : i32
    %add3A_151 = arith.addi %arg1, %add3A_150 : i32
    %mul3A_152 = arith.constant 128 : i32
    %mul3A_153 = arith.muli %add3A_151, %mul3A_152 : i32
    "tpu.region"() ({
      %run_scoped3A = tpu.sem_alloc : memref<!tpu.dma_semaphore, #tpu.memory_space<semaphore_mem>>
      %dma_start3A = arith.constant 0 : i32
      %dma_start3A_286 = tpu.memref_slice %arg16[%mul3A_153, %dma_start3A] : memref<8008x128xf32, #tpu.memory_space<vmem_shared>> -> memref<128x128xf32, #tpu.memory_space<vmem_shared>>
      %dma_start3A_287 = arith.constant 0 : i32
      %dma_start3A_288 = arith.constant 0 : i32
      %dma_start3A_289 = tpu.memref_slice %arg6[%dma_start3A_287, %dma_start3A_288] : memref<128x128xf32, #tpu.memory_space<hbm>> -> memref<128x128xf32, #tpu.memory_space<hbm>>
      tpu.enqueue_dma source(%dma_start3A_289 : memref<128x128xf32, #tpu.memory_space<hbm>>) target(%dma_start3A_286 : memref<128x128xf32, #tpu.memory_space<vmem_shared>>) target_semaphore(%run_scoped3A : memref<!tpu.dma_semaphore, #tpu.memory_space<semaphore_mem>>)
      %dma_wait3A = arith.constant 0 : i32
      %dma_wait3A_290 = tpu.memref_slice %arg16[%mul3A_153, %dma_wait3A] : memref<8008x128xf32, #tpu.memory_space<vmem_shared>> -> memref<128x128xf32, #tpu.memory_space<vmem_shared>>
      %dma_wait3A_291 = arith.constant 0 : i32
      %dma_wait3A_292 = arith.constant 0 : i32
      %dma_wait3A_293 = tpu.memref_slice %arg6[%dma_wait3A_291, %dma_wait3A_292] : memref<128x128xf32, #tpu.memory_space<hbm>> -> memref<128x128xf32, #tpu.memory_space<hbm>>
      tpu.wait_dma2 semaphore(%run_scoped3A : memref<!tpu.dma_semaphore, #tpu.memory_space<semaphore_mem>>) src(%dma_wait3A_293 : memref<128x128xf32, #tpu.memory_space<hbm>>) dst(%dma_wait3A_290 : memref<128x128xf32, #tpu.memory_space<vmem_shared>>)
      tpu.yield
    }) : () -> ()
    %add3A_154 = arith.constant 16 : i32
    %add3A_155 = arith.addi %arg1, %add3A_154 : i32
    %mul3A_156 = arith.constant 128 : i32
    %mul3A_157 = arith.muli %add3A_155, %mul3A_156 : i32
    "tpu.region"() ({
      %run_scoped3A = tpu.sem_alloc : memref<!tpu.dma_semaphore, #tpu.memory_space<semaphore_mem>>
      %dma_start3A = arith.constant 0 : i32
      %dma_start3A_286 = tpu.memref_slice %arg16[%mul3A_157, %dma_start3A] : memref<8008x128xf32, #tpu.memory_space<vmem_shared>> -> memref<128x128xf32, #tpu.memory_space<vmem_shared>>
      %dma_start3A_287 = arith.constant 0 : i32
      %dma_start3A_288 = arith.constant 0 : i32
      %dma_start3A_289 = tpu.memref_slice %arg6[%dma_start3A_287, %dma_start3A_288] : memref<128x128xf32, #tpu.memory_space<hbm>> -> memref<128x128xf32, #tpu.memory_space<hbm>>
      tpu.enqueue_dma source(%dma_start3A_289 : memref<128x128xf32, #tpu.memory_space<hbm>>) target(%dma_start3A_286 : memref<128x128xf32, #tpu.memory_space<vmem_shared>>) target_semaphore(%run_scoped3A : memref<!tpu.dma_semaphore, #tpu.memory_space<semaphore_mem>>)
      %dma_wait3A = arith.constant 0 : i32
      %dma_wait3A_290 = tpu.memref_slice %arg16[%mul3A_157, %dma_wait3A] : memref<8008x128xf32, #tpu.memory_space<vmem_shared>> -> memref<128x128xf32, #tpu.memory_space<vmem_shared>>
      %dma_wait3A_291 = arith.constant 0 : i32
      %dma_wait3A_292 = arith.constant 0 : i32
      %dma_wait3A_293 = tpu.memref_slice %arg6[%dma_wait3A_291, %dma_wait3A_292] : memref<128x128xf32, #tpu.memory_space<hbm>> -> memref<128x128xf32, #tpu.memory_space<hbm>>
      tpu.wait_dma2 semaphore(%run_scoped3A : memref<!tpu.dma_semaphore, #tpu.memory_space<semaphore_mem>>) src(%dma_wait3A_293 : memref<128x128xf32, #tpu.memory_space<hbm>>) dst(%dma_wait3A_290 : memref<128x128xf32, #tpu.memory_space<vmem_shared>>)
      tpu.yield
    }) : () -> ()
    %add3A_158 = arith.constant 32 : i32
    %add3A_159 = arith.addi %arg1, %add3A_158 : i32
    %mul3A_160 = arith.constant 128 : i32
    %mul3A_161 = arith.muli %add3A_159, %mul3A_160 : i32
    "tpu.region"() ({
      %run_scoped3A = tpu.sem_alloc : memref<!tpu.dma_semaphore, #tpu.memory_space<semaphore_mem>>
      %dma_start3A = arith.constant 0 : i32
      %dma_start3A_286 = tpu.memref_slice %arg16[%mul3A_161, %dma_start3A] : memref<8008x128xf32, #tpu.memory_space<vmem_shared>> -> memref<128x128xf32, #tpu.memory_space<vmem_shared>>
      %dma_start3A_287 = arith.constant 0 : i32
      %dma_start3A_288 = arith.constant 0 : i32
      %dma_start3A_289 = tpu.memref_slice %arg6[%dma_start3A_287, %dma_start3A_288] : memref<128x128xf32, #tpu.memory_space<hbm>> -> memref<128x128xf32, #tpu.memory_space<hbm>>
      tpu.enqueue_dma source(%dma_start3A_289 : memref<128x128xf32, #tpu.memory_space<hbm>>) target(%dma_start3A_286 : memref<128x128xf32, #tpu.memory_space<vmem_shared>>) target_semaphore(%run_scoped3A : memref<!tpu.dma_semaphore, #tpu.memory_space<semaphore_mem>>)
      %dma_wait3A = arith.constant 0 : i32
      %dma_wait3A_290 = tpu.memref_slice %arg16[%mul3A_161, %dma_wait3A] : memref<8008x128xf32, #tpu.memory_space<vmem_shared>> -> memref<128x128xf32, #tpu.memory_space<vmem_shared>>
      %dma_wait3A_291 = arith.constant 0 : i32
      %dma_wait3A_292 = arith.constant 0 : i32
      %dma_wait3A_293 = tpu.memref_slice %arg6[%dma_wait3A_291, %dma_wait3A_292] : memref<128x128xf32, #tpu.memory_space<hbm>> -> memref<128x128xf32, #tpu.memory_space<hbm>>
      tpu.wait_dma2 semaphore(%run_scoped3A : memref<!tpu.dma_semaphore, #tpu.memory_space<semaphore_mem>>) src(%dma_wait3A_293 : memref<128x128xf32, #tpu.memory_space<hbm>>) dst(%dma_wait3A_290 : memref<128x128xf32, #tpu.memory_space<vmem_shared>>)
      tpu.yield
    }) : () -> ()
    %add3A_162 = arith.constant 48 : i32
    %add3A_163 = arith.addi %arg1, %add3A_162 : i32
    %lt3A_164 = arith.constant 62 : i32
    %lt3A_165 = arith.cmpi slt, %add3A_163, %lt3A_164 : i32
    %convert_element_type3A_166 = arith.extui %lt3A_165 : i1 to i32
    %cond3A_167 = arith.constant 0 : i32
    %cond3A_168 = arith.cmpi ne, %convert_element_type3A_166, %cond3A_167 : i32
    scf.if %cond3A_168 {
      %add3A_286 = arith.constant 48 : i32
      %add3A_287 = arith.addi %arg1, %add3A_286 : i32
      %mul3A_288 = arith.constant 128 : i32
      %mul3A_289 = arith.muli %add3A_287, %mul3A_288 : i32
      "tpu.region"() ({
        %run_scoped3A = tpu.sem_alloc : memref<!tpu.dma_semaphore, #tpu.memory_space<semaphore_mem>>
        %dma_start3A = arith.constant 0 : i32
        %dma_start3A_290 = tpu.memref_slice %arg16[%mul3A_289, %dma_start3A] : memref<8008x128xf32, #tpu.memory_space<vmem_shared>> -> memref<128x128xf32, #tpu.memory_space<vmem_shared>>
        %dma_start3A_291 = arith.constant 0 : i32
        %dma_start3A_292 = arith.constant 0 : i32
        %dma_start3A_293 = tpu.memref_slice %arg6[%dma_start3A_291, %dma_start3A_292] : memref<128x128xf32, #tpu.memory_space<hbm>> -> memref<128x128xf32, #tpu.memory_space<hbm>>
        tpu.enqueue_dma source(%dma_start3A_293 : memref<128x128xf32, #tpu.memory_space<hbm>>) target(%dma_start3A_290 : memref<128x128xf32, #tpu.memory_space<vmem_shared>>) target_semaphore(%run_scoped3A : memref<!tpu.dma_semaphore, #tpu.memory_space<semaphore_mem>>)
        %dma_wait3A = arith.constant 0 : i32
        %dma_wait3A_294 = tpu.memref_slice %arg16[%mul3A_289, %dma_wait3A] : memref<8008x128xf32, #tpu.memory_space<vmem_shared>> -> memref<128x128xf32, #tpu.memory_space<vmem_shared>>
        %dma_wait3A_295 = arith.constant 0 : i32
        %dma_wait3A_296 = arith.constant 0 : i32
        %dma_wait3A_297 = tpu.memref_slice %arg6[%dma_wait3A_295, %dma_wait3A_296] : memref<128x128xf32, #tpu.memory_space<hbm>> -> memref<128x128xf32, #tpu.memory_space<hbm>>
        tpu.wait_dma2 semaphore(%run_scoped3A : memref<!tpu.dma_semaphore, #tpu.memory_space<semaphore_mem>>) src(%dma_wait3A_297 : memref<128x128xf32, #tpu.memory_space<hbm>>) dst(%dma_wait3A_294 : memref<128x128xf32, #tpu.memory_space<vmem_shared>>)
        tpu.yield
      }) : () -> ()
    } else {
    }
    %add3A_169 = arith.constant 48 : i32
    %add3A_170 = arith.addi %arg1, %add3A_169 : i32
    %eq3A_171 = arith.constant 62 : i32
    %eq3A_172 = arith.cmpi eq, %add3A_170, %eq3A_171 : i32
    %convert_element_type3A_173 = arith.extui %eq3A_172 : i1 to i32
    %cond3A_174 = arith.constant 0 : i32
    %cond3A_175 = arith.cmpi ne, %convert_element_type3A_173, %cond3A_174 : i32
    scf.if %cond3A_175 {
      "tpu.region"() ({
        %run_scoped3A = tpu.sem_alloc : memref<!tpu.dma_semaphore, #tpu.memory_space<semaphore_mem>>
        %dma_start3A = arith.constant 7936 : i32
        %dma_start3A_286 = arith.constant 0 : i32
        %dma_start3A_287 = tpu.memref_slice %arg16[%dma_start3A, %dma_start3A_286] : memref<8008x128xf32, #tpu.memory_space<vmem_shared>> -> memref<72x128xf32, #tpu.memory_space<vmem_shared>>
        %dma_start3A_288 = arith.constant 0 : i32
        %dma_start3A_289 = arith.constant 0 : i32
        %dma_start3A_290 = tpu.memref_slice %arg6[%dma_start3A_288, %dma_start3A_289] : memref<128x128xf32, #tpu.memory_space<hbm>> -> memref<72x128xf32, #tpu.memory_space<hbm>>
        tpu.enqueue_dma source(%dma_start3A_290 : memref<72x128xf32, #tpu.memory_space<hbm>>) target(%dma_start3A_287 : memref<72x128xf32, #tpu.memory_space<vmem_shared>>) target_semaphore(%run_scoped3A : memref<!tpu.dma_semaphore, #tpu.memory_space<semaphore_mem>>)
        %dma_wait3A = arith.constant 7936 : i32
        %dma_wait3A_291 = arith.constant 0 : i32
        %dma_wait3A_292 = tpu.memref_slice %arg16[%dma_wait3A, %dma_wait3A_291] : memref<8008x128xf32, #tpu.memory_space<vmem_shared>> -> memref<72x128xf32, #tpu.memory_space<vmem_shared>>
        %dma_wait3A_293 = arith.constant 0 : i32
        %dma_wait3A_294 = arith.constant 0 : i32
        %dma_wait3A_295 = tpu.memref_slice %arg6[%dma_wait3A_293, %dma_wait3A_294] : memref<128x128xf32, #tpu.memory_space<hbm>> -> memref<72x128xf32, #tpu.memory_space<hbm>>
        tpu.wait_dma2 semaphore(%run_scoped3A : memref<!tpu.dma_semaphore, #tpu.memory_space<semaphore_mem>>) src(%dma_wait3A_295 : memref<72x128xf32, #tpu.memory_space<hbm>>) dst(%dma_wait3A_292 : memref<72x128xf32, #tpu.memory_space<vmem_shared>>)
        tpu.yield
      }) : () -> ()
    } else {
    }
    %barrier3A_176 = arith.constant 0 : index
    tpu.barrier barrier_id(%barrier3A_176)
    %mul3A_177 = arith.constant 16000 : i32
    %mul3A_178 = arith.muli %arg1, %mul3A_177 : i32
    %scan3A_179 = arith.constant 0 : i32
    %scan3A_180 = arith.constant 0 : i32
    %scan3A_181 = arith.constant 250 : i32
    %scan3A_182 = arith.addi %scan3A_180, %scan3A_181 : i32
    %scan3A_183 = arith.constant 1 : i32
    %scan3A_184 = scf.for %scan3A_286 = %scan3A_180 to %scan3A_182 step %scan3A_183 iter_args(%scan3A_287 = %scan3A_179) -> (i32)  : i32 {
      %mul3A_288 = arith.constant 2 : i32
      %mul3A_289 = arith.muli %scan3A_286, %mul3A_288 : i32
      %mul3A_290 = arith.constant 32 : i32
      %mul3A_291 = arith.muli %mul3A_289, %mul3A_290 : i32
      %add3A_292 = arith.addi %mul3A_178, %mul3A_291 : i32
      %add3A_293 = arith.constant 0 : i32
      %add3A_294 = arith.addi %add3A_292, %add3A_293 : i32
      %dma_start3A = tpu.memref_slice %arg5[%add3A_294] : memref<256000xi32, #tpu.memory_space<hbm>> -> memref<32xi32, #tpu.memory_space<hbm>>
      %dma_start3A_295 = tpu.memref_slice %arg5[%add3A_294] : memref<256000xi32, #tpu.memory_space<hbm>> -> memref<32xi32, #tpu.memory_space<hbm>>
      tpu.enqueue_dma source(%dma_start3A_295 : memref<32xi32, #tpu.memory_space<hbm>>) target(%arg21 : memref<32xi32, #tpu.memory_space<vmem>>) target_semaphore(%arg17 : memref<!tpu.dma_semaphore, #tpu.memory_space<semaphore_mem>>)
      %add3A_296 = arith.constant 32 : i32
      %add3A_297 = arith.addi %add3A_292, %add3A_296 : i32
      %dma_start3A_298 = tpu.memref_slice %arg5[%add3A_297] : memref<256000xi32, #tpu.memory_space<hbm>> -> memref<32xi32, #tpu.memory_space<hbm>>
      %dma_start3A_299 = tpu.memref_slice %arg5[%add3A_297] : memref<256000xi32, #tpu.memory_space<hbm>> -> memref<32xi32, #tpu.memory_space<hbm>>
      tpu.enqueue_dma source(%dma_start3A_299 : memref<32xi32, #tpu.memory_space<hbm>>) target(%arg22 : memref<32xi32, #tpu.memory_space<vmem>>) target_semaphore(%arg17 : memref<!tpu.dma_semaphore, #tpu.memory_space<semaphore_mem>>)
      %dma_wait3A = tpu.memref_slice %arg5[%add3A_294] : memref<256000xi32, #tpu.memory_space<hbm>> -> memref<32xi32, #tpu.memory_space<hbm>>
      %dma_wait3A_300 = tpu.memref_slice %arg5[%add3A_294] : memref<256000xi32, #tpu.memory_space<hbm>> -> memref<32xi32, #tpu.memory_space<hbm>>
      tpu.wait_dma2 semaphore(%arg17 : memref<!tpu.dma_semaphore, #tpu.memory_space<semaphore_mem>>) src(%dma_wait3A_300 : memref<32xi32, #tpu.memory_space<hbm>>) dst(%arg21 : memref<32xi32, #tpu.memory_space<vmem>>)
      %dma_wait3A_301 = tpu.memref_slice %arg5[%add3A_297] : memref<256000xi32, #tpu.memory_space<hbm>> -> memref<32xi32, #tpu.memory_space<hbm>>
      %dma_wait3A_302 = tpu.memref_slice %arg5[%add3A_297] : memref<256000xi32, #tpu.memory_space<hbm>> -> memref<32xi32, #tpu.memory_space<hbm>>
      tpu.wait_dma2 semaphore(%arg17 : memref<!tpu.dma_semaphore, #tpu.memory_space<semaphore_mem>>) src(%dma_wait3A_302 : memref<32xi32, #tpu.memory_space<hbm>>) dst(%arg22 : memref<32xi32, #tpu.memory_space<vmem>>)
      %get3A = arith.constant 0 : index
      %get3A_303 = tpu.vector_load %arg21[%get3A] {strides = array<i32>} : memref<32xi32, #tpu.memory_space<vmem>>, vector<16xi32>,
      %get3A_304 = vector.shape_cast %get3A_303 : vector<16xi32> to vector<16xi32>
      %sub3A = vector.broadcast %mul3A_7 : i32 to vector<16xi32>
      %sub3A_305 = arith.subi %get3A_304, %sub3A : vector<16xi32>
      %ge3A = arith.constant 0 : i32
      %ge3A_306 = vector.broadcast %ge3A : i32 to vector<16xi32>
      %ge3A_307 = arith.cmpi sge, %sub3A_305, %ge3A_306 : vector<16xi32>
      %lt3A_308 = arith.constant 8000 : i32
      %lt3A_309 = vector.broadcast %lt3A_308 : i32 to vector<16xi32>
      %lt3A_310 = arith.cmpi slt, %sub3A_305, %lt3A_309 : vector<16xi32>
      %and3A = arith.andi %ge3A_307, %lt3A_310 : vector<16xi1>
      %jit3A = arith.constant 8000 : i32
      %broadcast_in_dim3A_311 = vector.broadcast %jit3A : i32 to vector<16xi32>
      %select_n3A = arith.select %and3A, %sub3A_305, %broadcast_in_dim3A_311 : vector<16xi1>, vector<16xi32>
      %swap3A = arith.constant 0 : index
      %swap3A_312 = tpu.vector_load %arg21[%swap3A] {strides = array<i32>} : memref<32xi32, #tpu.memory_space<vmem>>, vector<16xi32>,
      %swap3A_313 = vector.shape_cast %swap3A_312 : vector<16xi32> to vector<16xi32>
      %swap3A_314 = vector.shape_cast %select_n3A : vector<16xi32> to vector<16xi32>
      tpu.vector_store %arg21[%swap3A], %swap3A_314 {strides = array<i32>} : memref<32xi32, #tpu.memory_space<vmem>>, vector<16xi32>,
      %get3A_315 = arith.constant 16 : index
      %get3A_316 = tpu.vector_load %arg21[%get3A_315] {strides = array<i32>} : memref<32xi32, #tpu.memory_space<vmem>>, vector<16xi32>,
      %get3A_317 = vector.shape_cast %get3A_316 : vector<16xi32> to vector<16xi32>
      %sub3A_318 = vector.broadcast %mul3A_7 : i32 to vector<16xi32>
      %sub3A_319 = arith.subi %get3A_317, %sub3A_318 : vector<16xi32>
      %ge3A_320 = arith.constant 0 : i32
      %ge3A_321 = vector.broadcast %ge3A_320 : i32 to vector<16xi32>
      %ge3A_322 = arith.cmpi sge, %sub3A_319, %ge3A_321 : vector<16xi32>
      %lt3A_323 = arith.constant 8000 : i32
      %lt3A_324 = vector.broadcast %lt3A_323 : i32 to vector<16xi32>
      %lt3A_325 = arith.cmpi slt, %sub3A_319, %lt3A_324 : vector<16xi32>
      %and3A_326 = arith.andi %ge3A_322, %lt3A_325 : vector<16xi1>
      %jit3A_327 = arith.constant 8000 : i32
      %broadcast_in_dim3A_328 = vector.broadcast %jit3A_327 : i32 to vector<16xi32>
      %select_n3A_329 = arith.select %and3A_326, %sub3A_319, %broadcast_in_dim3A_328 : vector<16xi1>, vector<16xi32>
      %swap3A_330 = arith.constant 16 : index
      %swap3A_331 = tpu.vector_load %arg21[%swap3A_330] {strides = array<i32>} : memref<32xi32, #tpu.memory_space<vmem>>, vector<16xi32>,
      %swap3A_332 = vector.shape_cast %swap3A_331 : vector<16xi32> to vector<16xi32>
      %swap3A_333 = vector.shape_cast %select_n3A_329 : vector<16xi32> to vector<16xi32>
      tpu.vector_store %arg21[%swap3A_330], %swap3A_333 {strides = array<i32>} : memref<32xi32, #tpu.memory_space<vmem>>, vector<16xi32>,
      %get3A_334 = arith.constant 0 : index
      %get3A_335 = tpu.vector_load %arg22[%get3A_334] {strides = array<i32>} : memref<32xi32, #tpu.memory_space<vmem>>, vector<16xi32>,
      %get3A_336 = vector.shape_cast %get3A_335 : vector<16xi32> to vector<16xi32>
      %sub3A_337 = vector.broadcast %mul3A_7 : i32 to vector<16xi32>
      %sub3A_338 = arith.subi %get3A_336, %sub3A_337 : vector<16xi32>
      %ge3A_339 = arith.constant 0 : i32
      %ge3A_340 = vector.broadcast %ge3A_339 : i32 to vector<16xi32>
      %ge3A_341 = arith.cmpi sge, %sub3A_338, %ge3A_340 : vector<16xi32>
      %lt3A_342 = arith.constant 8000 : i32
      %lt3A_343 = vector.broadcast %lt3A_342 : i32 to vector<16xi32>
      %lt3A_344 = arith.cmpi slt, %sub3A_338, %lt3A_343 : vector<16xi32>
      %and3A_345 = arith.andi %ge3A_341, %lt3A_344 : vector<16xi1>
      %jit3A_346 = arith.constant 8000 : i32
      %broadcast_in_dim3A_347 = vector.broadcast %jit3A_346 : i32 to vector<16xi32>
      %select_n3A_348 = arith.select %and3A_345, %sub3A_338, %broadcast_in_dim3A_347 : vector<16xi1>, vector<16xi32>
      %swap3A_349 = arith.constant 0 : index
      %swap3A_350 = tpu.vector_load %arg22[%swap3A_349] {strides = array<i32>} : memref<32xi32, #tpu.memory_space<vmem>>, vector<16xi32>,
      %swap3A_351 = vector.shape_cast %swap3A_350 : vector<16xi32> to vector<16xi32>
      %swap3A_352 = vector.shape_cast %select_n3A_348 : vector<16xi32> to vector<16xi32>
      tpu.vector_store %arg22[%swap3A_349], %swap3A_352 {strides = array<i32>} : memref<32xi32, #tpu.memory_space<vmem>>, vector<16xi32>,
      %get3A_353 = arith.constant 16 : index
      %get3A_354 = tpu.vector_load %arg22[%get3A_353] {strides = array<i32>} : memref<32xi32, #tpu.memory_space<vmem>>, vector<16xi32>,
      %get3A_355 = vector.shape_cast %get3A_354 : vector<16xi32> to vector<16xi32>
      %sub3A_356 = vector.broadcast %mul3A_7 : i32 to vector<16xi32>
      %sub3A_357 = arith.subi %get3A_355, %sub3A_356 : vector<16xi32>
      %ge3A_358 = arith.constant 0 : i32
      %ge3A_359 = vector.broadcast %ge3A_358 : i32 to vector<16xi32>
      %ge3A_360 = arith.cmpi sge, %sub3A_357, %ge3A_359 : vector<16xi32>
      %lt3A_361 = arith.constant 8000 : i32
      %lt3A_362 = vector.broadcast %lt3A_361 : i32 to vector<16xi32>
      %lt3A_363 = arith.cmpi slt, %sub3A_357, %lt3A_362 : vector<16xi32>
      %and3A_364 = arith.andi %ge3A_360, %lt3A_363 : vector<16xi1>
      %jit3A_365 = arith.constant 8000 : i32
      %broadcast_in_dim3A_366 = vector.broadcast %jit3A_365 : i32 to vector<16xi32>
      %select_n3A_367 = arith.select %and3A_364, %sub3A_357, %broadcast_in_dim3A_366 : vector<16xi1>, vector<16xi32>
      %swap3A_368 = arith.constant 16 : index
      %swap3A_369 = tpu.vector_load %arg22[%swap3A_368] {strides = array<i32>} : memref<32xi32, #tpu.memory_space<vmem>>, vector<16xi32>,
      %swap3A_370 = vector.shape_cast %swap3A_369 : vector<16xi32> to vector<16xi32>
      %swap3A_371 = vector.shape_cast %select_n3A_367 : vector<16xi32> to vector<16xi32>
      tpu.vector_store %arg22[%swap3A_368], %swap3A_371 {strides = array<i32>} : memref<32xi32, #tpu.memory_space<vmem>>, vector<16xi32>,
      %dma_start3A_372 = arith.constant 0 : i32
      %dma_start3A_373 = arith.constant 0 : i32
      %dma_start3A_374 = tpu.memref_slice %arg20[%dma_start3A_372, %dma_start3A_373] : memref<40x128xf32, #tpu.memory_space<vmem>> -> memref<32x128xf32, #tpu.memory_space<vmem>>
      %dma_start3A_375 = arith.constant 0 : i32
      %dma_start3A_376 = arith.constant 0 : i32
      %dma_start3A_377 = tpu.memref_slice %arg16[%dma_start3A_375, %dma_start3A_376] : memref<8008x128xf32, #tpu.memory_space<vmem_shared>> -> memref<8008x128xf32, #tpu.memory_space<vmem_shared>>
      tpu.enqueue_indirect_dma source(%dma_start3A_374 : memref<32x128xf32, #tpu.memory_space<vmem>>) target(%dma_start3A_377 : memref<8008x128xf32, #tpu.memory_space<vmem_shared>>) offsets(%arg21 : memref<32xi32, #tpu.memory_space<vmem>>) semaphore(%arg19 : memref<!tpu.dma_semaphore, #tpu.memory_space<semaphore_mem>>) {add = true}
      %dma_start3A_378 = arith.constant 0 : i32
      %dma_start3A_379 = arith.constant 0 : i32
      %dma_start3A_380 = tpu.memref_slice %arg20[%dma_start3A_378, %dma_start3A_379] : memref<40x128xf32, #tpu.memory_space<vmem>> -> memref<32x128xf32, #tpu.memory_space<vmem>>
      %dma_start3A_381 = arith.constant 0 : i32
      %dma_start3A_382 = arith.constant 0 : i32
      %dma_start3A_383 = tpu.memref_slice %arg16[%dma_start3A_381, %dma_start3A_382] : memref<8008x128xf32, #tpu.memory_space<vmem_shared>> -> memref<8008x128xf32, #tpu.memory_space<vmem_shared>>
      tpu.enqueue_indirect_dma source(%dma_start3A_380 : memref<32x128xf32, #tpu.memory_space<vmem>>) target(%dma_start3A_383 : memref<8008x128xf32, #tpu.memory_space<vmem_shared>>) offsets(%arg22 : memref<32xi32, #tpu.memory_space<vmem>>) semaphore(%arg19 : memref<!tpu.dma_semaphore, #tpu.memory_space<semaphore_mem>>) {add = true}
      %dma_wait3A_384 = arith.constant 0 : i32
      %dma_wait3A_385 = arith.constant 0 : i32
      %dma_wait3A_386 = tpu.memref_slice %arg20[%dma_wait3A_384, %dma_wait3A_385] : memref<40x128xf32, #tpu.memory_space<vmem>> -> memref<32x128xf32, #tpu.memory_space<vmem>>
      %dma_wait3A_387 = arith.constant 0 : i32
      %dma_wait3A_388 = arith.constant 0 : i32
      %dma_wait3A_389 = tpu.memref_slice %arg16[%dma_wait3A_387, %dma_wait3A_388] : memref<8008x128xf32, #tpu.memory_space<vmem_shared>> -> memref<8008x128xf32, #tpu.memory_space<vmem_shared>>
      tpu.wait_indirect_dma semaphore(%arg19 : memref<!tpu.dma_semaphore, #tpu.memory_space<semaphore_mem>>) src(%dma_wait3A_386 : memref<32x128xf32, #tpu.memory_space<vmem>>) dst(%dma_wait3A_389 : memref<8008x128xf32, #tpu.memory_space<vmem_shared>>)
      %dma_wait3A_390 = arith.constant 0 : i32
      %dma_wait3A_391 = arith.constant 0 : i32
      %dma_wait3A_392 = tpu.memref_slice %arg20[%dma_wait3A_390, %dma_wait3A_391] : memref<40x128xf32, #tpu.memory_space<vmem>> -> memref<32x128xf32, #tpu.memory_space<vmem>>
      %dma_wait3A_393 = arith.constant 0 : i32
      %dma_wait3A_394 = arith.constant 0 : i32
      %dma_wait3A_395 = tpu.memref_slice %arg16[%dma_wait3A_393, %dma_wait3A_394] : memref<8008x128xf32, #tpu.memory_space<vmem_shared>> -> memref<8008x128xf32, #tpu.memory_space<vmem_shared>>
      tpu.wait_indirect_dma semaphore(%arg19 : memref<!tpu.dma_semaphore, #tpu.memory_space<semaphore_mem>>) src(%dma_wait3A_392 : memref<32x128xf32, #tpu.memory_space<vmem>>) dst(%dma_wait3A_395 : memref<8008x128xf32, #tpu.memory_space<vmem_shared>>)
      %scan3A_396 = arith.constant 0 : i32
      scf.yield %scan3A_396 : i32
    }
    %scan3A_185 = arith.constant 250 : i32
    %barrier3A_186 = arith.constant 0 : index
    tpu.barrier barrier_id(%barrier3A_186)
    %add3A_187 = arith.constant 0 : i32
    %add3A_188 = arith.addi %arg1, %add3A_187 : i32
    %mul3A_189 = arith.constant 128 : i32
    %mul3A_190 = arith.muli %add3A_188, %mul3A_189 : i32
    %mul3A_191 = arith.constant 128 : i32
    %mul3A_192 = arith.muli %add3A_188, %mul3A_191 : i32
    %add3A_193 = arith.addi %mul3A_9, %mul3A_192 : i32
    "tpu.region"() ({
      %run_scoped3A = tpu.sem_alloc : memref<!tpu.dma_semaphore, #tpu.memory_space<semaphore_mem>>
      %dma_start3A = arith.constant 0 : i32
      %dma_start3A_286 = tpu.memref_slice %arg10[%add3A_193, %dma_start3A] : memref<16000x128xf32, #tpu.memory_space<hbm>> -> memref<128x128xf32, #tpu.memory_space<hbm>>
      %dma_start3A_287 = arith.constant 0 : i32
      %dma_start3A_288 = tpu.memref_slice %arg16[%mul3A_190, %dma_start3A_287] : memref<8008x128xf32, #tpu.memory_space<vmem_shared>> -> memref<128x128xf32, #tpu.memory_space<vmem_shared>>
      tpu.enqueue_dma source(%dma_start3A_288 : memref<128x128xf32, #tpu.memory_space<vmem_shared>>) target(%dma_start3A_286 : memref<128x128xf32, #tpu.memory_space<hbm>>) target_semaphore(%run_scoped3A : memref<!tpu.dma_semaphore, #tpu.memory_space<semaphore_mem>>)
      %dma_wait3A = arith.constant 0 : i32
      %dma_wait3A_289 = tpu.memref_slice %arg10[%add3A_193, %dma_wait3A] : memref<16000x128xf32, #tpu.memory_space<hbm>> -> memref<128x128xf32, #tpu.memory_space<hbm>>
      %dma_wait3A_290 = arith.constant 0 : i32
      %dma_wait3A_291 = tpu.memref_slice %arg16[%mul3A_190, %dma_wait3A_290] : memref<8008x128xf32, #tpu.memory_space<vmem_shared>> -> memref<128x128xf32, #tpu.memory_space<vmem_shared>>
      tpu.wait_dma2 semaphore(%run_scoped3A : memref<!tpu.dma_semaphore, #tpu.memory_space<semaphore_mem>>) src(%dma_wait3A_291 : memref<128x128xf32, #tpu.memory_space<vmem_shared>>) dst(%dma_wait3A_289 : memref<128x128xf32, #tpu.memory_space<hbm>>)
      tpu.yield
    }) : () -> ()
    %add3A_194 = arith.constant 16 : i32
    %add3A_195 = arith.addi %arg1, %add3A_194 : i32
    %mul3A_196 = arith.constant 128 : i32
    %mul3A_197 = arith.muli %add3A_195, %mul3A_196 : i32
    %mul3A_198 = arith.constant 128 : i32
    %mul3A_199 = arith.muli %add3A_195, %mul3A_198 : i32
    %add3A_200 = arith.addi %mul3A_9, %mul3A_199 : i32
    "tpu.region"() ({
      %run_scoped3A = tpu.sem_alloc : memref<!tpu.dma_semaphore, #tpu.memory_space<semaphore_mem>>
      %dma_start3A = arith.constant 0 : i32
      %dma_start3A_286 = tpu.memref_slice %arg10[%add3A_200, %dma_start3A] : memref<16000x128xf32, #tpu.memory_space<hbm>> -> memref<128x128xf32, #tpu.memory_space<hbm>>
      %dma_start3A_287 = arith.constant 0 : i32
      %dma_start3A_288 = tpu.memref_slice %arg16[%mul3A_197, %dma_start3A_287] : memref<8008x128xf32, #tpu.memory_space<vmem_shared>> -> memref<128x128xf32, #tpu.memory_space<vmem_shared>>
      tpu.enqueue_dma source(%dma_start3A_288 : memref<128x128xf32, #tpu.memory_space<vmem_shared>>) target(%dma_start3A_286 : memref<128x128xf32, #tpu.memory_space<hbm>>) target_semaphore(%run_scoped3A : memref<!tpu.dma_semaphore, #tpu.memory_space<semaphore_mem>>)
      %dma_wait3A = arith.constant 0 : i32
      %dma_wait3A_289 = tpu.memref_slice %arg10[%add3A_200, %dma_wait3A] : memref<16000x128xf32, #tpu.memory_space<hbm>> -> memref<128x128xf32, #tpu.memory_space<hbm>>
      %dma_wait3A_290 = arith.constant 0 : i32
      %dma_wait3A_291 = tpu.memref_slice %arg16[%mul3A_197, %dma_wait3A_290] : memref<8008x128xf32, #tpu.memory_space<vmem_shared>> -> memref<128x128xf32, #tpu.memory_space<vmem_shared>>
      tpu.wait_dma2 semaphore(%run_scoped3A : memref<!tpu.dma_semaphore, #tpu.memory_space<semaphore_mem>>) src(%dma_wait3A_291 : memref<128x128xf32, #tpu.memory_space<vmem_shared>>) dst(%dma_wait3A_289 : memref<128x128xf32, #tpu.memory_space<hbm>>)
      tpu.yield
    }) : () -> ()
    %add3A_201 = arith.constant 32 : i32
    %add3A_202 = arith.addi %arg1, %add3A_201 : i32
    %mul3A_203 = arith.constant 128 : i32
    %mul3A_204 = arith.muli %add3A_202, %mul3A_203 : i32
    %mul3A_205 = arith.constant 128 : i32
    %mul3A_206 = arith.muli %add3A_202, %mul3A_205 : i32
    %add3A_207 = arith.addi %mul3A_9, %mul3A_206 : i32
    "tpu.region"() ({
      %run_scoped3A = tpu.sem_alloc : memref<!tpu.dma_semaphore, #tpu.memory_space<semaphore_mem>>
      %dma_start3A = arith.constant 0 : i32
      %dma_start3A_286 = tpu.memref_slice %arg10[%add3A_207, %dma_start3A] : memref<16000x128xf32, #tpu.memory_space<hbm>> -> memref<128x128xf32, #tpu.memory_space<hbm>>
      %dma_start3A_287 = arith.constant 0 : i32
      %dma_start3A_288 = tpu.memref_slice %arg16[%mul3A_204, %dma_start3A_287] : memref<8008x128xf32, #tpu.memory_space<vmem_shared>> -> memref<128x128xf32, #tpu.memory_space<vmem_shared>>
      tpu.enqueue_dma source(%dma_start3A_288 : memref<128x128xf32, #tpu.memory_space<vmem_shared>>) target(%dma_start3A_286 : memref<128x128xf32, #tpu.memory_space<hbm>>) target_semaphore(%run_scoped3A : memref<!tpu.dma_semaphore, #tpu.memory_space<semaphore_mem>>)
      %dma_wait3A = arith.constant 0 : i32
      %dma_wait3A_289 = tpu.memref_slice %arg10[%add3A_207, %dma_wait3A] : memref<16000x128xf32, #tpu.memory_space<hbm>> -> memref<128x128xf32, #tpu.memory_space<hbm>>
      %dma_wait3A_290 = arith.constant 0 : i32
      %dma_wait3A_291 = tpu.memref_slice %arg16[%mul3A_204, %dma_wait3A_290] : memref<8008x128xf32, #tpu.memory_space<vmem_shared>> -> memref<128x128xf32, #tpu.memory_space<vmem_shared>>
      tpu.wait_dma2 semaphore(%run_scoped3A : memref<!tpu.dma_semaphore, #tpu.memory_space<semaphore_mem>>) src(%dma_wait3A_291 : memref<128x128xf32, #tpu.memory_space<vmem_shared>>) dst(%dma_wait3A_289 : memref<128x128xf32, #tpu.memory_space<hbm>>)
      tpu.yield
    }) : () -> ()
    %add3A_208 = arith.constant 48 : i32
    %add3A_209 = arith.addi %arg1, %add3A_208 : i32
    %lt3A_210 = arith.constant 62 : i32
    %lt3A_211 = arith.cmpi slt, %add3A_209, %lt3A_210 : i32
    %convert_element_type3A_212 = arith.extui %lt3A_211 : i1 to i32
    %cond3A_213 = arith.constant 0 : i32
    %cond3A_214 = arith.cmpi ne, %convert_element_type3A_212, %cond3A_213 : i32
    scf.if %cond3A_214 {
      %add3A_286 = arith.constant 48 : i32
      %add3A_287 = arith.addi %arg1, %add3A_286 : i32
      %mul3A_288 = arith.constant 128 : i32
      %mul3A_289 = arith.muli %add3A_287, %mul3A_288 : i32
      %mul3A_290 = arith.constant 128 : i32
      %mul3A_291 = arith.muli %add3A_287, %mul3A_290 : i32
      %add3A_292 = arith.addi %mul3A_9, %mul3A_291 : i32
      "tpu.region"() ({
        %run_scoped3A = tpu.sem_alloc : memref<!tpu.dma_semaphore, #tpu.memory_space<semaphore_mem>>
        %dma_start3A = arith.constant 0 : i32
        %dma_start3A_293 = tpu.memref_slice %arg10[%add3A_292, %dma_start3A] : memref<16000x128xf32, #tpu.memory_space<hbm>> -> memref<128x128xf32, #tpu.memory_space<hbm>>
        %dma_start3A_294 = arith.constant 0 : i32
        %dma_start3A_295 = tpu.memref_slice %arg16[%mul3A_289, %dma_start3A_294] : memref<8008x128xf32, #tpu.memory_space<vmem_shared>> -> memref<128x128xf32, #tpu.memory_space<vmem_shared>>
        tpu.enqueue_dma source(%dma_start3A_295 : memref<128x128xf32, #tpu.memory_space<vmem_shared>>) target(%dma_start3A_293 : memref<128x128xf32, #tpu.memory_space<hbm>>) target_semaphore(%run_scoped3A : memref<!tpu.dma_semaphore, #tpu.memory_space<semaphore_mem>>)
        %dma_wait3A = arith.constant 0 : i32
        %dma_wait3A_296 = tpu.memref_slice %arg10[%add3A_292, %dma_wait3A] : memref<16000x128xf32, #tpu.memory_space<hbm>> -> memref<128x128xf32, #tpu.memory_space<hbm>>
        %dma_wait3A_297 = arith.constant 0 : i32
        %dma_wait3A_298 = tpu.memref_slice %arg16[%mul3A_289, %dma_wait3A_297] : memref<8008x128xf32, #tpu.memory_space<vmem_shared>> -> memref<128x128xf32, #tpu.memory_space<vmem_shared>>
        tpu.wait_dma2 semaphore(%run_scoped3A : memref<!tpu.dma_semaphore, #tpu.memory_space<semaphore_mem>>) src(%dma_wait3A_298 : memref<128x128xf32, #tpu.memory_space<vmem_shared>>) dst(%dma_wait3A_296 : memref<128x128xf32, #tpu.memory_space<hbm>>)
        tpu.yield
      }) : () -> ()
    } else {
    }
    %add3A_215 = arith.constant 48 : i32
    %add3A_216 = arith.addi %arg1, %add3A_215 : i32
    %eq3A_217 = arith.constant 62 : i32
    %eq3A_218 = arith.cmpi eq, %add3A_216, %eq3A_217 : i32
    %convert_element_type3A_219 = arith.extui %eq3A_218 : i1 to i32
    %cond3A_220 = arith.constant 0 : i32
    %cond3A_221 = arith.cmpi ne, %convert_element_type3A_219, %cond3A_220 : i32
    scf.if %cond3A_221 {
      %add3A_286 = arith.constant 7936 : i32
      %add3A_287 = arith.addi %mul3A_9, %add3A_286 : i32
      "tpu.region"() ({
        %run_scoped3A = tpu.sem_alloc : memref<!tpu.dma_semaphore, #tpu.memory_space<semaphore_mem>>
        %dma_start3A = arith.constant 0 : i32
        %dma_start3A_288 = tpu.memref_slice %arg10[%add3A_287, %dma_start3A] : memref<16000x128xf32, #tpu.memory_space<hbm>> -> memref<64x128xf32, #tpu.memory_space<hbm>>
        %dma_start3A_289 = arith.constant 7936 : i32
        %dma_start3A_290 = arith.constant 0 : i32
        %dma_start3A_291 = tpu.memref_slice %arg16[%dma_start3A_289, %dma_start3A_290] : memref<8008x128xf32, #tpu.memory_space<vmem_shared>> -> memref<64x128xf32, #tpu.memory_space<vmem_shared>>
        tpu.enqueue_dma source(%dma_start3A_291 : memref<64x128xf32, #tpu.memory_space<vmem_shared>>) target(%dma_start3A_288 : memref<64x128xf32, #tpu.memory_space<hbm>>) target_semaphore(%run_scoped3A : memref<!tpu.dma_semaphore, #tpu.memory_space<semaphore_mem>>)
        %dma_wait3A = arith.constant 0 : i32
        %dma_wait3A_292 = tpu.memref_slice %arg10[%add3A_287, %dma_wait3A] : memref<16000x128xf32, #tpu.memory_space<hbm>> -> memref<64x128xf32, #tpu.memory_space<hbm>>
        %dma_wait3A_293 = arith.constant 7936 : i32
        %dma_wait3A_294 = arith.constant 0 : i32
        %dma_wait3A_295 = tpu.memref_slice %arg16[%dma_wait3A_293, %dma_wait3A_294] : memref<8008x128xf32, #tpu.memory_space<vmem_shared>> -> memref<64x128xf32, #tpu.memory_space<vmem_shared>>
        tpu.wait_dma2 semaphore(%run_scoped3A : memref<!tpu.dma_semaphore, #tpu.memory_space<semaphore_mem>>) src(%dma_wait3A_295 : memref<64x128xf32, #tpu.memory_space<vmem_shared>>) dst(%dma_wait3A_292 : memref<64x128xf32, #tpu.memory_space<hbm>>)
        tpu.yield
      }) : () -> ()
    } else {
    }
    %barrier3A_222 = arith.constant 0 : index
    tpu.barrier barrier_id(%barrier3A_222)
    %mul3A_223 = arith.constant 4000 : i32
    %mul3A_224 = arith.muli %arg0, %mul3A_223 : i32
    %add3A_225 = arith.constant 0 : i32
    %add3A_226 = arith.addi %arg1, %add3A_225 : i32
    %mul3A_227 = arith.constant 128 : i32
    %mul3A_228 = arith.muli %add3A_226, %mul3A_227 : i32
    "tpu.region"() ({
      %run_scoped3A = tpu.sem_alloc : memref<!tpu.dma_semaphore, #tpu.memory_space<semaphore_mem>>
      %dma_start3A = arith.constant 0 : i32
      %dma_start3A_286 = tpu.memref_slice %arg16[%mul3A_228, %dma_start3A] : memref<8008x128xf32, #tpu.memory_space<vmem_shared>> -> memref<128x128xf32, #tpu.memory_space<vmem_shared>>
      %dma_start3A_287 = arith.constant 0 : i32
      %dma_start3A_288 = arith.constant 0 : i32
      %dma_start3A_289 = tpu.memref_slice %arg6[%dma_start3A_287, %dma_start3A_288] : memref<128x128xf32, #tpu.memory_space<hbm>> -> memref<128x128xf32, #tpu.memory_space<hbm>>
      tpu.enqueue_dma source(%dma_start3A_289 : memref<128x128xf32, #tpu.memory_space<hbm>>) target(%dma_start3A_286 : memref<128x128xf32, #tpu.memory_space<vmem_shared>>) target_semaphore(%run_scoped3A : memref<!tpu.dma_semaphore, #tpu.memory_space<semaphore_mem>>)
      %dma_wait3A = arith.constant 0 : i32
      %dma_wait3A_290 = tpu.memref_slice %arg16[%mul3A_228, %dma_wait3A] : memref<8008x128xf32, #tpu.memory_space<vmem_shared>> -> memref<128x128xf32, #tpu.memory_space<vmem_shared>>
      %dma_wait3A_291 = arith.constant 0 : i32
      %dma_wait3A_292 = arith.constant 0 : i32
      %dma_wait3A_293 = tpu.memref_slice %arg6[%dma_wait3A_291, %dma_wait3A_292] : memref<128x128xf32, #tpu.memory_space<hbm>> -> memref<128x128xf32, #tpu.memory_space<hbm>>
      tpu.wait_dma2 semaphore(%run_scoped3A : memref<!tpu.dma_semaphore, #tpu.memory_space<semaphore_mem>>) src(%dma_wait3A_293 : memref<128x128xf32, #tpu.memory_space<hbm>>) dst(%dma_wait3A_290 : memref<128x128xf32, #tpu.memory_space<vmem_shared>>)
      tpu.yield
    }) : () -> ()
    %add3A_229 = arith.constant 16 : i32
    %add3A_230 = arith.addi %arg1, %add3A_229 : i32
    %mul3A_231 = arith.constant 128 : i32
    %mul3A_232 = arith.muli %add3A_230, %mul3A_231 : i32
    "tpu.region"() ({
      %run_scoped3A = tpu.sem_alloc : memref<!tpu.dma_semaphore, #tpu.memory_space<semaphore_mem>>
      %dma_start3A = arith.constant 0 : i32
      %dma_start3A_286 = tpu.memref_slice %arg16[%mul3A_232, %dma_start3A] : memref<8008x128xf32, #tpu.memory_space<vmem_shared>> -> memref<128x128xf32, #tpu.memory_space<vmem_shared>>
      %dma_start3A_287 = arith.constant 0 : i32
      %dma_start3A_288 = arith.constant 0 : i32
      %dma_start3A_289 = tpu.memref_slice %arg6[%dma_start3A_287, %dma_start3A_288] : memref<128x128xf32, #tpu.memory_space<hbm>> -> memref<128x128xf32, #tpu.memory_space<hbm>>
      tpu.enqueue_dma source(%dma_start3A_289 : memref<128x128xf32, #tpu.memory_space<hbm>>) target(%dma_start3A_286 : memref<128x128xf32, #tpu.memory_space<vmem_shared>>) target_semaphore(%run_scoped3A : memref<!tpu.dma_semaphore, #tpu.memory_space<semaphore_mem>>)
      %dma_wait3A = arith.constant 0 : i32
      %dma_wait3A_290 = tpu.memref_slice %arg16[%mul3A_232, %dma_wait3A] : memref<8008x128xf32, #tpu.memory_space<vmem_shared>> -> memref<128x128xf32, #tpu.memory_space<vmem_shared>>
      %dma_wait3A_291 = arith.constant 0 : i32
      %dma_wait3A_292 = arith.constant 0 : i32
      %dma_wait3A_293 = tpu.memref_slice %arg6[%dma_wait3A_291, %dma_wait3A_292] : memref<128x128xf32, #tpu.memory_space<hbm>> -> memref<128x128xf32, #tpu.memory_space<hbm>>
      tpu.wait_dma2 semaphore(%run_scoped3A : memref<!tpu.dma_semaphore, #tpu.memory_space<semaphore_mem>>) src(%dma_wait3A_293 : memref<128x128xf32, #tpu.memory_space<hbm>>) dst(%dma_wait3A_290 : memref<128x128xf32, #tpu.memory_space<vmem_shared>>)
      tpu.yield
    }) : () -> ()
    %add3A_233 = arith.constant 32 : i32
    %add3A_234 = arith.addi %arg1, %add3A_233 : i32
    %mul3A_235 = arith.constant 128 : i32
    %mul3A_236 = arith.muli %add3A_234, %mul3A_235 : i32
    "tpu.region"() ({
      %run_scoped3A = tpu.sem_alloc : memref<!tpu.dma_semaphore, #tpu.memory_space<semaphore_mem>>
      %dma_start3A = arith.constant 0 : i32
      %dma_start3A_286 = tpu.memref_slice %arg16[%mul3A_236, %dma_start3A] : memref<8008x128xf32, #tpu.memory_space<vmem_shared>> -> memref<128x128xf32, #tpu.memory_space<vmem_shared>>
      %dma_start3A_287 = arith.constant 0 : i32
      %dma_start3A_288 = arith.constant 0 : i32
      %dma_start3A_289 = tpu.memref_slice %arg6[%dma_start3A_287, %dma_start3A_288] : memref<128x128xf32, #tpu.memory_space<hbm>> -> memref<128x128xf32, #tpu.memory_space<hbm>>
      tpu.enqueue_dma source(%dma_start3A_289 : memref<128x128xf32, #tpu.memory_space<hbm>>) target(%dma_start3A_286 : memref<128x128xf32, #tpu.memory_space<vmem_shared>>) target_semaphore(%run_scoped3A : memref<!tpu.dma_semaphore, #tpu.memory_space<semaphore_mem>>)
      %dma_wait3A = arith.constant 0 : i32
      %dma_wait3A_290 = tpu.memref_slice %arg16[%mul3A_236, %dma_wait3A] : memref<8008x128xf32, #tpu.memory_space<vmem_shared>> -> memref<128x128xf32, #tpu.memory_space<vmem_shared>>
      %dma_wait3A_291 = arith.constant 0 : i32
      %dma_wait3A_292 = arith.constant 0 : i32
      %dma_wait3A_293 = tpu.memref_slice %arg6[%dma_wait3A_291, %dma_wait3A_292] : memref<128x128xf32, #tpu.memory_space<hbm>> -> memref<128x128xf32, #tpu.memory_space<hbm>>
      tpu.wait_dma2 semaphore(%run_scoped3A : memref<!tpu.dma_semaphore, #tpu.memory_space<semaphore_mem>>) src(%dma_wait3A_293 : memref<128x128xf32, #tpu.memory_space<hbm>>) dst(%dma_wait3A_290 : memref<128x128xf32, #tpu.memory_space<vmem_shared>>)
      tpu.yield
    }) : () -> ()
    %add3A_237 = arith.constant 48 : i32
    %add3A_238 = arith.addi %arg1, %add3A_237 : i32
    %lt3A_239 = arith.constant 62 : i32
    %lt3A_240 = arith.cmpi slt, %add3A_238, %lt3A_239 : i32
    %convert_element_type3A_241 = arith.extui %lt3A_240 : i1 to i32
    %cond3A_242 = arith.constant 0 : i32
    %cond3A_243 = arith.cmpi ne, %convert_element_type3A_241, %cond3A_242 : i32
    scf.if %cond3A_243 {
      %add3A_286 = arith.constant 48 : i32
      %add3A_287 = arith.addi %arg1, %add3A_286 : i32
      %mul3A_288 = arith.constant 128 : i32
      %mul3A_289 = arith.muli %add3A_287, %mul3A_288 : i32
      "tpu.region"() ({
        %run_scoped3A = tpu.sem_alloc : memref<!tpu.dma_semaphore, #tpu.memory_space<semaphore_mem>>
        %dma_start3A = arith.constant 0 : i32
        %dma_start3A_290 = tpu.memref_slice %arg16[%mul3A_289, %dma_start3A] : memref<8008x128xf32, #tpu.memory_space<vmem_shared>> -> memref<128x128xf32, #tpu.memory_space<vmem_shared>>
        %dma_start3A_291 = arith.constant 0 : i32
        %dma_start3A_292 = arith.constant 0 : i32
        %dma_start3A_293 = tpu.memref_slice %arg6[%dma_start3A_291, %dma_start3A_292] : memref<128x128xf32, #tpu.memory_space<hbm>> -> memref<128x128xf32, #tpu.memory_space<hbm>>
        tpu.enqueue_dma source(%dma_start3A_293 : memref<128x128xf32, #tpu.memory_space<hbm>>) target(%dma_start3A_290 : memref<128x128xf32, #tpu.memory_space<vmem_shared>>) target_semaphore(%run_scoped3A : memref<!tpu.dma_semaphore, #tpu.memory_space<semaphore_mem>>)
        %dma_wait3A = arith.constant 0 : i32
        %dma_wait3A_294 = tpu.memref_slice %arg16[%mul3A_289, %dma_wait3A] : memref<8008x128xf32, #tpu.memory_space<vmem_shared>> -> memref<128x128xf32, #tpu.memory_space<vmem_shared>>
        %dma_wait3A_295 = arith.constant 0 : i32
        %dma_wait3A_296 = arith.constant 0 : i32
        %dma_wait3A_297 = tpu.memref_slice %arg6[%dma_wait3A_295, %dma_wait3A_296] : memref<128x128xf32, #tpu.memory_space<hbm>> -> memref<128x128xf32, #tpu.memory_space<hbm>>
        tpu.wait_dma2 semaphore(%run_scoped3A : memref<!tpu.dma_semaphore, #tpu.memory_space<semaphore_mem>>) src(%dma_wait3A_297 : memref<128x128xf32, #tpu.memory_space<hbm>>) dst(%dma_wait3A_294 : memref<128x128xf32, #tpu.memory_space<vmem_shared>>)
        tpu.yield
      }) : () -> ()
    } else {
    }
    %add3A_244 = arith.constant 48 : i32
    %add3A_245 = arith.addi %arg1, %add3A_244 : i32
    %eq3A_246 = arith.constant 62 : i32
    %eq3A_247 = arith.cmpi eq, %add3A_245, %eq3A_246 : i32
    %convert_element_type3A_248 = arith.extui %eq3A_247 : i1 to i32
    %cond3A_249 = arith.constant 0 : i32
    %cond3A_250 = arith.cmpi ne, %convert_element_type3A_248, %cond3A_249 : i32
    scf.if %cond3A_250 {
      "tpu.region"() ({
        %run_scoped3A = tpu.sem_alloc : memref<!tpu.dma_semaphore, #tpu.memory_space<semaphore_mem>>
        %dma_start3A = arith.constant 7936 : i32
        %dma_start3A_286 = arith.constant 0 : i32
        %dma_start3A_287 = tpu.memref_slice %arg16[%dma_start3A, %dma_start3A_286] : memref<8008x128xf32, #tpu.memory_space<vmem_shared>> -> memref<72x128xf32, #tpu.memory_space<vmem_shared>>
        %dma_start3A_288 = arith.constant 0 : i32
        %dma_start3A_289 = arith.constant 0 : i32
        %dma_start3A_290 = tpu.memref_slice %arg6[%dma_start3A_288, %dma_start3A_289] : memref<128x128xf32, #tpu.memory_space<hbm>> -> memref<72x128xf32, #tpu.memory_space<hbm>>
        tpu.enqueue_dma source(%dma_start3A_290 : memref<72x128xf32, #tpu.memory_space<hbm>>) target(%dma_start3A_287 : memref<72x128xf32, #tpu.memory_space<vmem_shared>>) target_semaphore(%run_scoped3A : memref<!tpu.dma_semaphore, #tpu.memory_space<semaphore_mem>>)
        %dma_wait3A = arith.constant 7936 : i32
        %dma_wait3A_291 = arith.constant 0 : i32
        %dma_wait3A_292 = tpu.memref_slice %arg16[%dma_wait3A, %dma_wait3A_291] : memref<8008x128xf32, #tpu.memory_space<vmem_shared>> -> memref<72x128xf32, #tpu.memory_space<vmem_shared>>
        %dma_wait3A_293 = arith.constant 0 : i32
        %dma_wait3A_294 = arith.constant 0 : i32
        %dma_wait3A_295 = tpu.memref_slice %arg6[%dma_wait3A_293, %dma_wait3A_294] : memref<128x128xf32, #tpu.memory_space<hbm>> -> memref<72x128xf32, #tpu.memory_space<hbm>>
        tpu.wait_dma2 semaphore(%run_scoped3A : memref<!tpu.dma_semaphore, #tpu.memory_space<semaphore_mem>>) src(%dma_wait3A_295 : memref<72x128xf32, #tpu.memory_space<hbm>>) dst(%dma_wait3A_292 : memref<72x128xf32, #tpu.memory_space<vmem_shared>>)
        tpu.yield
      }) : () -> ()
    } else {
    }
    %barrier3A_251 = arith.constant 0 : index
    tpu.barrier barrier_id(%barrier3A_251)
    %mul3A_252 = arith.constant 16 : i32
    %mul3A_253 = arith.muli %arg0, %mul3A_252 : i32
    %add3A_254 = arith.addi %mul3A_253, %arg1 : i32
    %mul3A_255 = arith.constant 2000 : i32
    %mul3A_256 = arith.muli %add3A_254, %mul3A_255 : i32
    %scan3A_257 = arith.constant 0 : i32
    %scan3A_258 = arith.constant 0 : i32
    %scan3A_259 = arith.constant 25 : i32
    %scan3A_260 = arith.addi %scan3A_258, %scan3A_259 : i32
    %scan3A_261 = arith.constant 1 : i32
    %scan3A_262 = scf.for %scan3A_286 = %scan3A_258 to %scan3A_260 step %scan3A_261 iter_args(%scan3A_287 = %scan3A_257) -> (i32)  : i32 {
      %mul3A_288 = arith.constant 2 : i32
      %mul3A_289 = arith.muli %scan3A_286, %mul3A_288 : i32
      %mul3A_290 = arith.constant 40 : i32
      %mul3A_291 = arith.muli %mul3A_289, %mul3A_290 : i32
      %add3A_292 = arith.addi %mul3A_256, %mul3A_291 : i32
      %add3A_293 = arith.constant 0 : i32
      %add3A_294 = arith.addi %add3A_292, %add3A_293 : i32
      %dma_start3A = tpu.memref_slice %arg7[%add3A_294] : memref<64000xi32, #tpu.memory_space<hbm>> -> memref<40xi32, #tpu.memory_space<hbm>>
      %dma_start3A_295 = tpu.memref_slice %arg7[%add3A_294] : memref<64000xi32, #tpu.memory_space<hbm>> -> memref<40xi32, #tpu.memory_space<hbm>>
      tpu.enqueue_dma source(%dma_start3A_295 : memref<40xi32, #tpu.memory_space<hbm>>) target(%arg23 : memref<40xi32, #tpu.memory_space<vmem>>) target_semaphore(%arg17 : memref<!tpu.dma_semaphore, #tpu.memory_space<semaphore_mem>>)
      %add3A_296 = arith.constant 40 : i32
      %add3A_297 = arith.addi %add3A_292, %add3A_296 : i32
      %dma_start3A_298 = tpu.memref_slice %arg7[%add3A_297] : memref<64000xi32, #tpu.memory_space<hbm>> -> memref<40xi32, #tpu.memory_space<hbm>>
      %dma_start3A_299 = tpu.memref_slice %arg7[%add3A_297] : memref<64000xi32, #tpu.memory_space<hbm>> -> memref<40xi32, #tpu.memory_space<hbm>>
      tpu.enqueue_dma source(%dma_start3A_299 : memref<40xi32, #tpu.memory_space<hbm>>) target(%arg24 : memref<40xi32, #tpu.memory_space<vmem>>) target_semaphore(%arg17 : memref<!tpu.dma_semaphore, #tpu.memory_space<semaphore_mem>>)
      %dma_wait3A = tpu.memref_slice %arg7[%add3A_294] : memref<64000xi32, #tpu.memory_space<hbm>> -> memref<40xi32, #tpu.memory_space<hbm>>
      %dma_wait3A_300 = tpu.memref_slice %arg7[%add3A_294] : memref<64000xi32, #tpu.memory_space<hbm>> -> memref<40xi32, #tpu.memory_space<hbm>>
      tpu.wait_dma2 semaphore(%arg17 : memref<!tpu.dma_semaphore, #tpu.memory_space<semaphore_mem>>) src(%dma_wait3A_300 : memref<40xi32, #tpu.memory_space<hbm>>) dst(%arg23 : memref<40xi32, #tpu.memory_space<vmem>>)
      %dma_wait3A_301 = tpu.memref_slice %arg7[%add3A_297] : memref<64000xi32, #tpu.memory_space<hbm>> -> memref<40xi32, #tpu.memory_space<hbm>>
      %dma_wait3A_302 = tpu.memref_slice %arg7[%add3A_297] : memref<64000xi32, #tpu.memory_space<hbm>> -> memref<40xi32, #tpu.memory_space<hbm>>
      tpu.wait_dma2 semaphore(%arg17 : memref<!tpu.dma_semaphore, #tpu.memory_space<semaphore_mem>>) src(%dma_wait3A_302 : memref<40xi32, #tpu.memory_space<hbm>>) dst(%arg24 : memref<40xi32, #tpu.memory_space<vmem>>)
      %dma_start3A_303 = arith.constant 0 : i32
      %dma_start3A_304 = arith.constant 0 : i32
      %dma_start3A_305 = tpu.memref_slice %arg20[%dma_start3A_303, %dma_start3A_304] : memref<40x128xf32, #tpu.memory_space<vmem>> -> memref<40x128xf32, #tpu.memory_space<vmem>>
      %dma_start3A_306 = arith.constant 0 : i32
      %dma_start3A_307 = arith.constant 0 : i32
      %dma_start3A_308 = tpu.memref_slice %arg16[%dma_start3A_306, %dma_start3A_307] : memref<8008x128xf32, #tpu.memory_space<vmem_shared>> -> memref<8008x128xf32, #tpu.memory_space<vmem_shared>>
      tpu.enqueue_indirect_dma source(%dma_start3A_305 : memref<40x128xf32, #tpu.memory_space<vmem>>) target(%dma_start3A_308 : memref<8008x128xf32, #tpu.memory_space<vmem_shared>>) offsets(%arg23 : memref<40xi32, #tpu.memory_space<vmem>>) semaphore(%arg19 : memref<!tpu.dma_semaphore, #tpu.memory_space<semaphore_mem>>) {add = true}
      %dma_start3A_309 = arith.constant 0 : i32
      %dma_start3A_310 = arith.constant 0 : i32
      %dma_start3A_311 = tpu.memref_slice %arg20[%dma_start3A_309, %dma_start3A_310] : memref<40x128xf32, #tpu.memory_space<vmem>> -> memref<40x128xf32, #tpu.memory_space<vmem>>
      %dma_start3A_312 = arith.constant 0 : i32
      %dma_start3A_313 = arith.constant 0 : i32
      %dma_start3A_314 = tpu.memref_slice %arg16[%dma_start3A_312, %dma_start3A_313] : memref<8008x128xf32, #tpu.memory_space<vmem_shared>> -> memref<8008x128xf32, #tpu.memory_space<vmem_shared>>
      tpu.enqueue_indirect_dma source(%dma_start3A_311 : memref<40x128xf32, #tpu.memory_space<vmem>>) target(%dma_start3A_314 : memref<8008x128xf32, #tpu.memory_space<vmem_shared>>) offsets(%arg24 : memref<40xi32, #tpu.memory_space<vmem>>) semaphore(%arg19 : memref<!tpu.dma_semaphore, #tpu.memory_space<semaphore_mem>>) {add = true}
      %dma_wait3A_315 = arith.constant 0 : i32
      %dma_wait3A_316 = arith.constant 0 : i32
      %dma_wait3A_317 = tpu.memref_slice %arg20[%dma_wait3A_315, %dma_wait3A_316] : memref<40x128xf32, #tpu.memory_space<vmem>> -> memref<40x128xf32, #tpu.memory_space<vmem>>
      %dma_wait3A_318 = arith.constant 0 : i32
      %dma_wait3A_319 = arith.constant 0 : i32
      %dma_wait3A_320 = tpu.memref_slice %arg16[%dma_wait3A_318, %dma_wait3A_319] : memref<8008x128xf32, #tpu.memory_space<vmem_shared>> -> memref<8008x128xf32, #tpu.memory_space<vmem_shared>>
      tpu.wait_indirect_dma semaphore(%arg19 : memref<!tpu.dma_semaphore, #tpu.memory_space<semaphore_mem>>) src(%dma_wait3A_317 : memref<40x128xf32, #tpu.memory_space<vmem>>) dst(%dma_wait3A_320 : memref<8008x128xf32, #tpu.memory_space<vmem_shared>>)
      %dma_wait3A_321 = arith.constant 0 : i32
      %dma_wait3A_322 = arith.constant 0 : i32
      %dma_wait3A_323 = tpu.memref_slice %arg20[%dma_wait3A_321, %dma_wait3A_322] : memref<40x128xf32, #tpu.memory_space<vmem>> -> memref<40x128xf32, #tpu.memory_space<vmem>>
      %dma_wait3A_324 = arith.constant 0 : i32
      %dma_wait3A_325 = arith.constant 0 : i32
      %dma_wait3A_326 = tpu.memref_slice %arg16[%dma_wait3A_324, %dma_wait3A_325] : memref<8008x128xf32, #tpu.memory_space<vmem_shared>> -> memref<8008x128xf32, #tpu.memory_space<vmem_shared>>
      tpu.wait_indirect_dma semaphore(%arg19 : memref<!tpu.dma_semaphore, #tpu.memory_space<semaphore_mem>>) src(%dma_wait3A_323 : memref<40x128xf32, #tpu.memory_space<vmem>>) dst(%dma_wait3A_326 : memref<8008x128xf32, #tpu.memory_space<vmem_shared>>)
      %scan3A_327 = arith.constant 0 : i32
      scf.yield %scan3A_327 : i32
    }
    %scan3A_263 = arith.constant 25 : i32
    %barrier3A_264 = arith.constant 0 : index
    tpu.barrier barrier_id(%barrier3A_264)
    %add3A_265 = arith.constant 0 : i32
    %add3A_266 = arith.addi %arg1, %add3A_265 : i32
    %mul3A_267 = arith.constant 128 : i32
    %mul3A_268 = arith.muli %add3A_266, %mul3A_267 : i32
    %mul3A_269 = arith.constant 128 : i32
    %mul3A_270 = arith.muli %add3A_266, %mul3A_269 : i32
    %add3A_271 = arith.addi %mul3A_224, %mul3A_270 : i32
    "tpu.region"() ({
      %run_scoped3A = tpu.sem_alloc : memref<!tpu.dma_semaphore, #tpu.memory_space<semaphore_mem>>
      %dma_start3A = arith.constant 0 : i32
      %dma_start3A_286 = tpu.memref_slice %arg11[%add3A_271, %dma_start3A] : memref<8000x128xf32, #tpu.memory_space<hbm>> -> memref<128x128xf32, #tpu.memory_space<hbm>>
      %dma_start3A_287 = arith.constant 0 : i32
      %dma_start3A_288 = tpu.memref_slice %arg16[%mul3A_268, %dma_start3A_287] : memref<8008x128xf32, #tpu.memory_space<vmem_shared>> -> memref<128x128xf32, #tpu.memory_space<vmem_shared>>
      tpu.enqueue_dma source(%dma_start3A_288 : memref<128x128xf32, #tpu.memory_space<vmem_shared>>) target(%dma_start3A_286 : memref<128x128xf32, #tpu.memory_space<hbm>>) target_semaphore(%run_scoped3A : memref<!tpu.dma_semaphore, #tpu.memory_space<semaphore_mem>>)
      %dma_wait3A = arith.constant 0 : i32
      %dma_wait3A_289 = tpu.memref_slice %arg11[%add3A_271, %dma_wait3A] : memref<8000x128xf32, #tpu.memory_space<hbm>> -> memref<128x128xf32, #tpu.memory_space<hbm>>
      %dma_wait3A_290 = arith.constant 0 : i32
      %dma_wait3A_291 = tpu.memref_slice %arg16[%mul3A_268, %dma_wait3A_290] : memref<8008x128xf32, #tpu.memory_space<vmem_shared>> -> memref<128x128xf32, #tpu.memory_space<vmem_shared>>
      tpu.wait_dma2 semaphore(%run_scoped3A : memref<!tpu.dma_semaphore, #tpu.memory_space<semaphore_mem>>) src(%dma_wait3A_291 : memref<128x128xf32, #tpu.memory_space<vmem_shared>>) dst(%dma_wait3A_289 : memref<128x128xf32, #tpu.memory_space<hbm>>)
      tpu.yield
    }) : () -> ()
    %add3A_272 = arith.constant 16 : i32
    %add3A_273 = arith.addi %arg1, %add3A_272 : i32
    %lt3A_274 = arith.constant 31 : i32
    %lt3A_275 = arith.cmpi slt, %add3A_273, %lt3A_274 : i32
    %convert_element_type3A_276 = arith.extui %lt3A_275 : i1 to i32
    %cond3A_277 = arith.constant 0 : i32
    %cond3A_278 = arith.cmpi ne, %convert_element_type3A_276, %cond3A_277 : i32
    scf.if %cond3A_278 {
      %add3A_286 = arith.constant 16 : i32
      %add3A_287 = arith.addi %arg1, %add3A_286 : i32
      %mul3A_288 = arith.constant 128 : i32
      %mul3A_289 = arith.muli %add3A_287, %mul3A_288 : i32
      %mul3A_290 = arith.constant 128 : i32
      %mul3A_291 = arith.muli %add3A_287, %mul3A_290 : i32
      %add3A_292 = arith.addi %mul3A_224, %mul3A_291 : i32
      "tpu.region"() ({
        %run_scoped3A = tpu.sem_alloc : memref<!tpu.dma_semaphore, #tpu.memory_space<semaphore_mem>>
        %dma_start3A = arith.constant 0 : i32
        %dma_start3A_293 = tpu.memref_slice %arg11[%add3A_292, %dma_start3A] : memref<8000x128xf32, #tpu.memory_space<hbm>> -> memref<128x128xf32, #tpu.memory_space<hbm>>
        %dma_start3A_294 = arith.constant 0 : i32
        %dma_start3A_295 = tpu.memref_slice %arg16[%mul3A_289, %dma_start3A_294] : memref<8008x128xf32, #tpu.memory_space<vmem_shared>> -> memref<128x128xf32, #tpu.memory_space<vmem_shared>>
        tpu.enqueue_dma source(%dma_start3A_295 : memref<128x128xf32, #tpu.memory_space<vmem_shared>>) target(%dma_start3A_293 : memref<128x128xf32, #tpu.memory_space<hbm>>) target_semaphore(%run_scoped3A : memref<!tpu.dma_semaphore, #tpu.memory_space<semaphore_mem>>)
        %dma_wait3A = arith.constant 0 : i32
        %dma_wait3A_296 = tpu.memref_slice %arg11[%add3A_292, %dma_wait3A] : memref<8000x128xf32, #tpu.memory_space<hbm>> -> memref<128x128xf32, #tpu.memory_space<hbm>>
        %dma_wait3A_297 = arith.constant 0 : i32
        %dma_wait3A_298 = tpu.memref_slice %arg16[%mul3A_289, %dma_wait3A_297] : memref<8008x128xf32, #tpu.memory_space<vmem_shared>> -> memref<128x128xf32, #tpu.memory_space<vmem_shared>>
        tpu.wait_dma2 semaphore(%run_scoped3A : memref<!tpu.dma_semaphore, #tpu.memory_space<semaphore_mem>>) src(%dma_wait3A_298 : memref<128x128xf32, #tpu.memory_space<vmem_shared>>) dst(%dma_wait3A_296 : memref<128x128xf32, #tpu.memory_space<hbm>>)
        tpu.yield
      }) : () -> ()
    } else {
    }
    %add3A_279 = arith.constant 16 : i32
    %add3A_280 = arith.addi %arg1, %add3A_279 : i32
    %eq3A_281 = arith.constant 31 : i32
    %eq3A_282 = arith.cmpi eq, %add3A_280, %eq3A_281 : i32
    %convert_element_type3A_283 = arith.extui %eq3A_282 : i1 to i32
    %cond3A_284 = arith.constant 0 : i32
    %cond3A_285 = arith.cmpi ne, %convert_element_type3A_283, %cond3A_284 : i32
    scf.if %cond3A_285 {
      %add3A_286 = arith.constant 3968 : i32
      %add3A_287 = arith.addi %mul3A_224, %add3A_286 : i32
      "tpu.region"() ({
        %run_scoped3A = tpu.sem_alloc : memref<!tpu.dma_semaphore, #tpu.memory_space<semaphore_mem>>
        %dma_start3A = arith.constant 0 : i32
        %dma_start3A_288 = tpu.memref_slice %arg11[%add3A_287, %dma_start3A] : memref<8000x128xf32, #tpu.memory_space<hbm>> -> memref<32x128xf32, #tpu.memory_space<hbm>>
        %dma_start3A_289 = arith.constant 3968 : i32
        %dma_start3A_290 = arith.constant 0 : i32
        %dma_start3A_291 = tpu.memref_slice %arg16[%dma_start3A_289, %dma_start3A_290] : memref<8008x128xf32, #tpu.memory_space<vmem_shared>> -> memref<32x128xf32, #tpu.memory_space<vmem_shared>>
        tpu.enqueue_dma source(%dma_start3A_291 : memref<32x128xf32, #tpu.memory_space<vmem_shared>>) target(%dma_start3A_288 : memref<32x128xf32, #tpu.memory_space<hbm>>) target_semaphore(%run_scoped3A : memref<!tpu.dma_semaphore, #tpu.memory_space<semaphore_mem>>)
        %dma_wait3A = arith.constant 0 : i32
        %dma_wait3A_292 = tpu.memref_slice %arg11[%add3A_287, %dma_wait3A] : memref<8000x128xf32, #tpu.memory_space<hbm>> -> memref<32x128xf32, #tpu.memory_space<hbm>>
        %dma_wait3A_293 = arith.constant 3968 : i32
        %dma_wait3A_294 = arith.constant 0 : i32
        %dma_wait3A_295 = tpu.memref_slice %arg16[%dma_wait3A_293, %dma_wait3A_294] : memref<8008x128xf32, #tpu.memory_space<vmem_shared>> -> memref<32x128xf32, #tpu.memory_space<vmem_shared>>
        tpu.wait_dma2 semaphore(%run_scoped3A : memref<!tpu.dma_semaphore, #tpu.memory_space<semaphore_mem>>) src(%dma_wait3A_295 : memref<32x128xf32, #tpu.memory_space<vmem_shared>>) dst(%dma_wait3A_292 : memref<32x128xf32, #tpu.memory_space<hbm>>)
        tpu.yield
      }) : () -> ()
    } else {
    }
    return
  }
}

module attributes {stable_mosaic.version = 14 : i64} {
  func.func @_proj_z1_body(%arg0: i32, %arg1: memref<1000x256xf32, #tpu.memory_space<vmem>>, %arg2: memref<256x256xf32, #tpu.memory_space<vmem>>, %arg3: memref<1x256xf32, #tpu.memory_space<vmem>>, %arg4: memref<256x256xf32, #tpu.memory_space<vmem>>, %arg5: memref<1x256xf32, #tpu.memory_space<vmem>>, %arg6: memref<1000x128xf32, #tpu.memory_space<vmem>>, %arg7: memref<1000x128xf32, #tpu.memory_space<vmem>>) attributes {dimension_semantics = [#tpu.dimension_semantics<arbitrary>], iteration_bounds = array<i64: 100>, scalar_prefetch = 0 : i64, scratch_operands = 0 : i64, tpu.core_type = #tpu.core_type<tc>, window_params = [{transform_indices = @transform_0, window_bounds = array<i64: 1000, 256>}, {pipeline_mode = #tpu.pipeline_mode<synchronous>, transform_indices = @transform_1, window_bounds = array<i64: 256, 256>}, {pipeline_mode = #tpu.pipeline_mode<synchronous>, transform_indices = @transform_2, window_bounds = array<i64: 1, 256>}, {pipeline_mode = #tpu.pipeline_mode<synchronous>, transform_indices = @transform_3, window_bounds = array<i64: 256, 256>}, {pipeline_mode = #tpu.pipeline_mode<synchronous>, transform_indices = @transform_4, window_bounds = array<i64: 1, 256>}, {transform_indices = @transform_5, window_bounds = array<i64: 1000, 128>}, {transform_indices = @transform_6, window_bounds = array<i64: 1000, 128>}]} {
    %get3A = arith.constant 0 : index
    %get3A_0 = arith.constant 0 : index
    %get3A_1 = vector.load %arg1[%get3A, %get3A_0] : memref<1000x256xf32, #tpu.memory_space<vmem>>, vector<1000x256xf32>
    %get3A_2 = arith.constant 0 : index
    %get3A_3 = arith.constant 0 : index
    %get3A_4 = vector.load %arg2[%get3A_2, %get3A_3] : memref<256x256xf32, #tpu.memory_space<vmem>>, vector<256x256xf32>
    %dot_general3A = arith.constant dense<0.000000e+00> : vector<1000x256xf32>
    %dot_general3A_5 = tpu.matmul %get3A_1, %get3A_4, %dot_general3A {dimension_numbers = #tpu.dot_dimension_numbers<[1], [0], [0], [1], [0, 0, 1, 1], [], []>, transpose_lhs_hint = false} : vector<1000x256xf32>, vector<256x256xf32>, vector<1000x256xf32> -> vector<1000x256xf32>
    %get3A_6 = arith.constant 0 : index
    %get3A_7 = arith.constant 0 : index
    %get3A_8 = vector.load %arg3[%get3A_6, %get3A_7] : memref<1x256xf32, #tpu.memory_space<vmem>>, vector<1x256xf32>
    %add3A = vector.broadcast %get3A_8 : vector<1x256xf32> to vector<1000x256xf32>
    %add3A_9 = arith.addf %dot_general3A_5, %add3A : vector<1000x256xf32>
    %get3A_10 = arith.constant 0 : index
    %get3A_11 = arith.constant 0 : index
    %get3A_12 = vector.load %arg4[%get3A_10, %get3A_11] : memref<256x256xf32, #tpu.memory_space<vmem>>, vector<256x256xf32>
    %dot_general3A_13 = arith.constant dense<0.000000e+00> : vector<1000x256xf32>
    %dot_general3A_14 = tpu.matmul %add3A_9, %get3A_12, %dot_general3A_13 {dimension_numbers = #tpu.dot_dimension_numbers<[1], [0], [0], [1], [0, 0, 1, 1], [], []>, transpose_lhs_hint = false} : vector<1000x256xf32>, vector<256x256xf32>, vector<1000x256xf32> -> vector<1000x256xf32>
    %get3A_15 = arith.constant 0 : index
    %get3A_16 = arith.constant 0 : index
    %get3A_17 = vector.load %arg5[%get3A_15, %get3A_16] : memref<1x256xf32, #tpu.memory_space<vmem>>, vector<1x256xf32>
    %add3A_18 = vector.broadcast %get3A_17 : vector<1x256xf32> to vector<1000x256xf32>
    %add3A_19 = arith.addf %dot_general3A_14, %add3A_18 : vector<1000x256xf32>
    %max3A = arith.constant 0.000000e+00 : f32
    %max3A_20 = vector.broadcast %max3A : f32 to vector<1000x256xf32>
    %max3A_21 = arith.maximumf %add3A_19, %max3A_20 : vector<1000x256xf32>
    %slice3A = vector.extract_strided_slice %max3A_21 {offsets = [0, 0], sizes = [1000, 128], strides = [1, 1]} : vector<1000x256xf32> to vector<1000x128xf32>
    %swap3A = arith.constant 0 : index
    %swap3A_22 = arith.constant 0 : index
    %swap3A_23 = vector.load %arg6[%swap3A, %swap3A_22] : memref<1000x128xf32, #tpu.memory_space<vmem>>, vector<1000x128xf32>
    tpu.vector_store %arg6[%swap3A, %swap3A_22], %slice3A {strides = array<i32>} : memref<1000x128xf32, #tpu.memory_space<vmem>>, vector<1000x128xf32>,
    %slice3A_24 = vector.extract_strided_slice %max3A_21 {offsets = [0, 128], sizes = [1000, 128], strides = [1, 1]} : vector<1000x256xf32> to vector<1000x128xf32>
    %swap3A_25 = arith.constant 0 : index
    %swap3A_26 = arith.constant 0 : index
    %swap3A_27 = vector.load %arg7[%swap3A_25, %swap3A_26] : memref<1000x128xf32, #tpu.memory_space<vmem>>, vector<1000x128xf32>
    tpu.vector_store %arg7[%swap3A_25, %swap3A_26], %slice3A_24 {strides = array<i32>} : memref<1000x128xf32, #tpu.memory_space<vmem>>, vector<1000x128xf32>,
    return
  }
  func.func @transform_0(%arg0: i32) -> (i32, i32) {
    %c0_i32 = arith.constant 0 : i32
    %c0_i32_0 = arith.constant 0 : i32
    return %arg0, %c0_i32 : i32, i32
  }
  func.func @transform_1(%arg0: i32) -> (i32, i32) {
    %c0_i32 = arith.constant 0 : i32
    %c0_i32_0 = arith.constant 0 : i32
    %c0_i32_1 = arith.constant 0 : i32
    return %c0_i32, %c0_i32_0 : i32, i32
  }
  func.func @transform_2(%arg0: i32) -> (i32, i32) {
    %c0_i32 = arith.constant 0 : i32
    %c0_i32_0 = arith.constant 0 : i32
    %c0_i32_1 = arith.constant 0 : i32
    return %c0_i32, %c0_i32_0 : i32, i32
  }
  func.func @transform_3(%arg0: i32) -> (i32, i32) {
    %c0_i32 = arith.constant 0 : i32
    %c0_i32_0 = arith.constant 0 : i32
    %c0_i32_1 = arith.constant 0 : i32
    return %c0_i32, %c0_i32_0 : i32, i32
  }
  func.func @transform_4(%arg0: i32) -> (i32, i32) {
    %c0_i32 = arith.constant 0 : i32
    %c0_i32_0 = arith.constant 0 : i32
    %c0_i32_1 = arith.constant 0 : i32
    return %c0_i32, %c0_i32_0 : i32, i32
  }
  func.func @transform_5(%arg0: i32) -> (i32, i32) {
    %c0_i32 = arith.constant 0 : i32
    %c0_i32_0 = arith.constant 0 : i32
    return %arg0, %c0_i32 : i32, i32
  }
  func.func @transform_6(%arg0: i32) -> (i32, i32) {
    %c0_i32 = arith.constant 0 : i32
    %c0_i32_0 = arith.constant 0 : i32
    return %arg0, %c0_i32 : i32, i32
  }
}

module attributes {stable_mosaic.version = 14 : i64} {
  func.func @_layer1_body(%arg0: i32, %arg1: memref<1000x256xf32, #tpu.memory_space<vmem>>, %arg2: memref<1000x128xf32, #tpu.memory_space<vmem>>, %arg3: memref<1000x128xf32, #tpu.memory_space<vmem>>, %arg4: memref<1000x1xf32, #tpu.memory_space<vmem>>, %arg5: memref<256x256xf32, #tpu.memory_space<vmem>>, %arg6: memref<1x256xf32, #tpu.memory_space<vmem>>, %arg7: memref<256x256xf32, #tpu.memory_space<vmem>>, %arg8: memref<256x256xf32, #tpu.memory_space<vmem>>, %arg9: memref<1x256xf32, #tpu.memory_space<vmem>>, %arg10: memref<256x256xf32, #tpu.memory_space<vmem>>, %arg11: memref<1x256xf32, #tpu.memory_space<vmem>>, %arg12: memref<1000x256xf32, #tpu.memory_space<vmem>>, %arg13: memref<1000x128xf32, #tpu.memory_space<vmem>>, %arg14: memref<1000x128xf32, #tpu.memory_space<vmem>>) attributes {dimension_semantics = [#tpu.dimension_semantics<arbitrary>], iteration_bounds = array<i64: 16>, scalar_prefetch = 0 : i64, scratch_operands = 0 : i64, tpu.core_type = #tpu.core_type<tc>, window_params = [{transform_indices = @transform_0, window_bounds = array<i64: 1000, 256>}, {transform_indices = @transform_1, window_bounds = array<i64: 1000, 128>}, {transform_indices = @transform_2, window_bounds = array<i64: 1000, 128>}, {transform_indices = @transform_3, window_bounds = array<i64: 1000, 1>}, {pipeline_mode = #tpu.pipeline_mode<synchronous>, transform_indices = @transform_4, window_bounds = array<i64: 256, 256>}, {pipeline_mode = #tpu.pipeline_mode<synchronous>, transform_indices = @transform_5, window_bounds = array<i64: 1, 256>}, {pipeline_mode = #tpu.pipeline_mode<synchronous>, transform_indices = @transform_6, window_bounds = array<i64: 256, 256>}, {pipeline_mode = #tpu.pipeline_mode<synchronous>, transform_indices = @transform_7, window_bounds = array<i64: 256, 256>}, {pipeline_mode = #tpu.pipeline_mode<synchronous>, transform_indices = @transform_8, window_bounds = array<i64: 1, 256>}, {pipeline_mode = #tpu.pipeline_mode<synchronous>, transform_indices = @transform_9, window_bounds = array<i64: 256, 256>}, {pipeline_mode = #tpu.pipeline_mode<synchronous>, transform_indices = @transform_10, window_bounds = array<i64: 1, 256>}, {transform_indices = @transform_11, window_bounds = array<i64: 1000, 256>}, {transform_indices = @transform_12, window_bounds = array<i64: 1000, 128>}, {transform_indices = @transform_13, window_bounds = array<i64: 1000, 128>}]} {
    %get3A = arith.constant 0 : index
    %get3A_0 = arith.constant 0 : index
    %get3A_1 = vector.load %arg4[%get3A, %get3A_0] : memref<1000x1xf32, #tpu.memory_space<vmem>>, vector<1000x1xf32>
    %jit3A = arith.constant 1.000000e+00 : f32
    %max3A = vector.broadcast %jit3A : f32 to vector<1000x1xf32>
    %max3A_2 = arith.maximumf %max3A, %get3A_1 : vector<1000x1xf32>
    %get3A_3 = arith.constant 0 : index
    %get3A_4 = arith.constant 0 : index
    %get3A_5 = vector.load %arg2[%get3A_3, %get3A_4] : memref<1000x128xf32, #tpu.memory_space<vmem>>, vector<1000x128xf32>
    %get3A_6 = arith.constant 0 : index
    %get3A_7 = arith.constant 0 : index
    %get3A_8 = vector.load %arg3[%get3A_6, %get3A_7] : memref<1000x128xf32, #tpu.memory_space<vmem>>, vector<1000x128xf32>
    %concatenate3A = tpu.concatenate %get3A_5, %get3A_8 in 1 : vector<1000x128xf32>, vector<1000x128xf32> -> vector<1000x256xf32>
    %div3A = vector.broadcast %max3A_2 : vector<1000x1xf32> to vector<1000x256xf32>
    %div3A_9 = arith.divf %concatenate3A, %div3A : vector<1000x256xf32>
    %get3A_10 = arith.constant 0 : index
    %get3A_11 = arith.constant 0 : index
    %get3A_12 = vector.load %arg1[%get3A_10, %get3A_11] : memref<1000x256xf32, #tpu.memory_space<vmem>>, vector<1000x256xf32>
    %get3A_13 = arith.constant 0 : index
    %get3A_14 = arith.constant 0 : index
    %get3A_15 = vector.load %arg5[%get3A_13, %get3A_14] : memref<256x256xf32, #tpu.memory_space<vmem>>, vector<256x256xf32>
    %dot_general3A = arith.constant dense<0.000000e+00> : vector<1000x256xf32>
    %dot_general3A_16 = tpu.matmul %get3A_12, %get3A_15, %dot_general3A {dimension_numbers = #tpu.dot_dimension_numbers<[1], [0], [0], [1], [0, 0, 1, 1], [], []>, transpose_lhs_hint = false} : vector<1000x256xf32>, vector<256x256xf32>, vector<1000x256xf32> -> vector<1000x256xf32>
    %get3A_17 = arith.constant 0 : index
    %get3A_18 = arith.constant 0 : index
    %get3A_19 = vector.load %arg6[%get3A_17, %get3A_18] : memref<1x256xf32, #tpu.memory_space<vmem>>, vector<1x256xf32>
    %add3A = vector.broadcast %get3A_19 : vector<1x256xf32> to vector<1000x256xf32>
    %add3A_20 = arith.addf %dot_general3A_16, %add3A : vector<1000x256xf32>
    %get3A_21 = arith.constant 0 : index
    %get3A_22 = arith.constant 0 : index
    %get3A_23 = vector.load %arg7[%get3A_21, %get3A_22] : memref<256x256xf32, #tpu.memory_space<vmem>>, vector<256x256xf32>
    %dot_general3A_24 = arith.constant dense<0.000000e+00> : vector<1000x256xf32>
    %dot_general3A_25 = tpu.matmul %add3A_20, %get3A_23, %dot_general3A_24 {dimension_numbers = #tpu.dot_dimension_numbers<[1], [0], [0], [1], [0, 0, 1, 1], [], []>, transpose_lhs_hint = false} : vector<1000x256xf32>, vector<256x256xf32>, vector<1000x256xf32> -> vector<1000x256xf32>
    %get3A_26 = arith.constant 0 : index
    %get3A_27 = arith.constant 0 : index
    %get3A_28 = vector.load %arg8[%get3A_26, %get3A_27] : memref<256x256xf32, #tpu.memory_space<vmem>>, vector<256x256xf32>
    %dot_general3A_29 = arith.constant dense<0.000000e+00> : vector<1000x256xf32>
    %dot_general3A_30 = tpu.matmul %div3A_9, %get3A_28, %dot_general3A_29 {dimension_numbers = #tpu.dot_dimension_numbers<[1], [0], [0], [1], [0, 0, 1, 1], [], []>, transpose_lhs_hint = false} : vector<1000x256xf32>, vector<256x256xf32>, vector<1000x256xf32> -> vector<1000x256xf32>
    %add3A_31 = arith.addf %dot_general3A_25, %dot_general3A_30 : vector<1000x256xf32>
    %get3A_32 = arith.constant 0 : index
    %get3A_33 = arith.constant 0 : index
    %get3A_34 = vector.load %arg9[%get3A_32, %get3A_33] : memref<1x256xf32, #tpu.memory_space<vmem>>, vector<1x256xf32>
    %add3A_35 = vector.broadcast %get3A_34 : vector<1x256xf32> to vector<1000x256xf32>
    %add3A_36 = arith.addf %add3A_31, %add3A_35 : vector<1000x256xf32>
    %max3A_37 = arith.constant 0.000000e+00 : f32
    %max3A_38 = vector.broadcast %max3A_37 : f32 to vector<1000x256xf32>
    %max3A_39 = arith.maximumf %add3A_36, %max3A_38 : vector<1000x256xf32>
    %mul3A = arith.mulf %max3A_39, %max3A_39 : vector<1000x256xf32>
    %reduce_sum3A = arith.constant dense<0.000000e+00> : vector<1000xf32>
    %reduce_sum3A_40 = vector.multi_reduction <add>, %mul3A, %reduce_sum3A [1] : vector<1000x256xf32> to vector<1000xf32>
    %broadcast_in_dim3A = vector.shape_cast %reduce_sum3A_40 : vector<1000xf32> to vector<1000x1xf32>
    %sqrt3A = math.sqrt %broadcast_in_dim3A : vector<1000x1xf32>
    %jit3A_41 = arith.constant 9.99999997E-7 : f32
    %max3A_42 = vector.broadcast %jit3A_41 : f32 to vector<1000x1xf32>
    %max3A_43 = arith.maximumf %max3A_42, %sqrt3A : vector<1000x1xf32>
    %div3A_44 = vector.broadcast %max3A_43 : vector<1000x1xf32> to vector<1000x256xf32>
    %div3A_45 = arith.divf %max3A_39, %div3A_44 : vector<1000x256xf32>
    %swap3A = arith.constant 0 : index
    %swap3A_46 = arith.constant 0 : index
    %swap3A_47 = vector.load %arg12[%swap3A, %swap3A_46] : memref<1000x256xf32, #tpu.memory_space<vmem>>, vector<1000x256xf32>
    tpu.vector_store %arg12[%swap3A, %swap3A_46], %div3A_45 {strides = array<i32>} : memref<1000x256xf32, #tpu.memory_space<vmem>>, vector<1000x256xf32>,
    %get3A_48 = arith.constant 0 : index
    %get3A_49 = arith.constant 0 : index
    %get3A_50 = vector.load %arg10[%get3A_48, %get3A_49] : memref<256x256xf32, #tpu.memory_space<vmem>>, vector<256x256xf32>
    %dot_general3A_51 = arith.constant dense<0.000000e+00> : vector<1000x256xf32>
    %dot_general3A_52 = tpu.matmul %div3A_45, %get3A_50, %dot_general3A_51 {dimension_numbers = #tpu.dot_dimension_numbers<[1], [0], [0], [1], [0, 0, 1, 1], [], []>, transpose_lhs_hint = false} : vector<1000x256xf32>, vector<256x256xf32>, vector<1000x256xf32> -> vector<1000x256xf32>
    %get3A_53 = arith.constant 0 : index
    %get3A_54 = arith.constant 0 : index
    %get3A_55 = vector.load %arg11[%get3A_53, %get3A_54] : memref<1x256xf32, #tpu.memory_space<vmem>>, vector<1x256xf32>
    %add3A_56 = vector.broadcast %get3A_55 : vector<1x256xf32> to vector<1000x256xf32>
    %add3A_57 = arith.addf %dot_general3A_52, %add3A_56 : vector<1000x256xf32>
    %max3A_58 = arith.constant 0.000000e+00 : f32
    %max3A_59 = vector.broadcast %max3A_58 : f32 to vector<1000x256xf32>
    %max3A_60 = arith.maximumf %add3A_57, %max3A_59 : vector<1000x256xf32>
    %slice3A = vector.extract_strided_slice %max3A_60 {offsets = [0, 0], sizes = [1000, 128], strides = [1, 1]} : vector<1000x256xf32> to vector<1000x128xf32>
    %swap3A_61 = arith.constant 0 : index
    %swap3A_62 = arith.constant 0 : index
    %swap3A_63 = vector.load %arg13[%swap3A_61, %swap3A_62] : memref<1000x128xf32, #tpu.memory_space<vmem>>, vector<1000x128xf32>
    tpu.vector_store %arg13[%swap3A_61, %swap3A_62], %slice3A {strides = array<i32>} : memref<1000x128xf32, #tpu.memory_space<vmem>>, vector<1000x128xf32>,
    %slice3A_64 = vector.extract_strided_slice %max3A_60 {offsets = [0, 128], sizes = [1000, 128], strides = [1, 1]} : vector<1000x256xf32> to vector<1000x128xf32>
    %swap3A_65 = arith.constant 0 : index
    %swap3A_66 = arith.constant 0 : index
    %swap3A_67 = vector.load %arg14[%swap3A_65, %swap3A_66] : memref<1000x128xf32, #tpu.memory_space<vmem>>, vector<1000x128xf32>
    tpu.vector_store %arg14[%swap3A_65, %swap3A_66], %slice3A_64 {strides = array<i32>} : memref<1000x128xf32, #tpu.memory_space<vmem>>, vector<1000x128xf32>,
    return
  }
  func.func @transform_0(%arg0: i32) -> (i32, i32) {
    %c0_i32 = arith.constant 0 : i32
    %c0_i32_0 = arith.constant 0 : i32
    return %arg0, %c0_i32 : i32, i32
  }
  func.func @transform_1(%arg0: i32) -> (i32, i32) {
    %c0_i32 = arith.constant 0 : i32
    %c0_i32_0 = arith.constant 0 : i32
    return %arg0, %c0_i32 : i32, i32
  }
  func.func @transform_2(%arg0: i32) -> (i32, i32) {
    %c0_i32 = arith.constant 0 : i32
    %c0_i32_0 = arith.constant 0 : i32
    return %arg0, %c0_i32 : i32, i32
  }
  func.func @transform_3(%arg0: i32) -> (i32, i32) {
    %c0_i32 = arith.constant 0 : i32
    %c0_i32_0 = arith.constant 0 : i32
    return %arg0, %c0_i32 : i32, i32
  }
  func.func @transform_4(%arg0: i32) -> (i32, i32) {
    %c0_i32 = arith.constant 0 : i32
    %c0_i32_0 = arith.constant 0 : i32
    %c0_i32_1 = arith.constant 0 : i32
    return %c0_i32, %c0_i32_0 : i32, i32
  }
  func.func @transform_5(%arg0: i32) -> (i32, i32) {
    %c0_i32 = arith.constant 0 : i32
    %c0_i32_0 = arith.constant 0 : i32
    %c0_i32_1 = arith.constant 0 : i32
    return %c0_i32, %c0_i32_0 : i32, i32
  }
  func.func @transform_6(%arg0: i32) -> (i32, i32) {
    %c0_i32 = arith.constant 0 : i32
    %c0_i32_0 = arith.constant 0 : i32
    %c0_i32_1 = arith.constant 0 : i32
    return %c0_i32, %c0_i32_0 : i32, i32
  }
  func.func @transform_7(%arg0: i32) -> (i32, i32) {
    %c0_i32 = arith.constant 0 : i32
    %c0_i32_0 = arith.constant 0 : i32
    %c0_i32_1 = arith.constant 0 : i32
    return %c0_i32, %c0_i32_0 : i32, i32
  }
  func.func @transform_8(%arg0: i32) -> (i32, i32) {
    %c0_i32 = arith.constant 0 : i32
    %c0_i32_0 = arith.constant 0 : i32
    %c0_i32_1 = arith.constant 0 : i32
    return %c0_i32, %c0_i32_0 : i32, i32
  }
  func.func @transform_9(%arg0: i32) -> (i32, i32) {
    %c0_i32 = arith.constant 0 : i32
    %c0_i32_0 = arith.constant 0 : i32
    %c0_i32_1 = arith.constant 0 : i32
    return %c0_i32, %c0_i32_0 : i32, i32
  }
  func.func @transform_10(%arg0: i32) -> (i32, i32) {
    %c0_i32 = arith.constant 0 : i32
    %c0_i32_0 = arith.constant 0 : i32
    %c0_i32_1 = arith.constant 0 : i32
    return %c0_i32, %c0_i32_0 : i32, i32
  }
  func.func @transform_11(%arg0: i32) -> (i32, i32) {
    %c0_i32 = arith.constant 0 : i32
    %c0_i32_0 = arith.constant 0 : i32
    return %arg0, %c0_i32 : i32, i32
  }
  func.func @transform_12(%arg0: i32) -> (i32, i32) {
    %c0_i32 = arith.constant 0 : i32
    %c0_i32_0 = arith.constant 0 : i32
    return %arg0, %c0_i32 : i32, i32
  }
  func.func @transform_13(%arg0: i32) -> (i32, i32) {
    %c0_i32 = arith.constant 0 : i32
    %c0_i32_0 = arith.constant 0 : i32
    return %arg0, %c0_i32 : i32, i32
  }
}

module attributes {stable_mosaic.version = 14 : i64} {
  func.func @_layer2_body(%arg0: memref<4000x256xf32, #tpu.memory_space<vmem>>, %arg1: memref<4000x128xf32, #tpu.memory_space<vmem>>, %arg2: memref<4000x128xf32, #tpu.memory_space<vmem>>, %arg3: memref<4000x1xf32, #tpu.memory_space<vmem>>, %arg4: memref<4000x256xf32, #tpu.memory_space<vmem>>, %arg5: memref<256x256xf32, #tpu.memory_space<vmem>>, %arg6: memref<1x256xf32, #tpu.memory_space<vmem>>, %arg7: memref<256x256xf32, #tpu.memory_space<vmem>>, %arg8: memref<256x256xf32, #tpu.memory_space<vmem>>, %arg9: memref<1x256xf32, #tpu.memory_space<vmem>>, %arg10: memref<4000x1xf32, #tpu.memory_space<vmem>>, %arg11: memref<1x256xf32, #tpu.memory_space<vmem>>, %arg12: memref<1x256xf32, #tpu.memory_space<vmem>>, %arg13: memref<4000x384xf32, #tpu.memory_space<vmem>>) attributes {dimension_semantics = [], scalar_prefetch = 0 : i64, scratch_operands = 0 : i64, tpu.core_type = #tpu.core_type<tc>} {
    %get3A = arith.constant 0 : index
    %get3A_0 = arith.constant 0 : index
    %get3A_1 = vector.load %arg3[%get3A, %get3A_0] : memref<4000x1xf32, #tpu.memory_space<vmem>>, vector<4000x1xf32>
    %jit3A = arith.constant 1.000000e+00 : f32
    %max3A = vector.broadcast %jit3A : f32 to vector<4000x1xf32>
    %max3A_2 = arith.maximumf %max3A, %get3A_1 : vector<4000x1xf32>
    %get3A_3 = arith.constant 0 : index
    %get3A_4 = arith.constant 0 : index
    %get3A_5 = vector.load %arg1[%get3A_3, %get3A_4] : memref<4000x128xf32, #tpu.memory_space<vmem>>, vector<4000x128xf32>
    %get3A_6 = arith.constant 0 : index
    %get3A_7 = arith.constant 0 : index
    %get3A_8 = vector.load %arg2[%get3A_6, %get3A_7] : memref<4000x128xf32, #tpu.memory_space<vmem>>, vector<4000x128xf32>
    %concatenate3A = tpu.concatenate %get3A_5, %get3A_8 in 1 : vector<4000x128xf32>, vector<4000x128xf32> -> vector<4000x256xf32>
    %div3A = vector.broadcast %max3A_2 : vector<4000x1xf32> to vector<4000x256xf32>
    %div3A_9 = arith.divf %concatenate3A, %div3A : vector<4000x256xf32>
    %get3A_10 = arith.constant 0 : index
    %get3A_11 = arith.constant 0 : index
    %get3A_12 = vector.load %arg0[%get3A_10, %get3A_11] : memref<4000x256xf32, #tpu.memory_space<vmem>>, vector<4000x256xf32>
    %get3A_13 = arith.constant 0 : index
    %get3A_14 = arith.constant 0 : index
    %get3A_15 = vector.load %arg7[%get3A_13, %get3A_14] : memref<256x256xf32, #tpu.memory_space<vmem>>, vector<256x256xf32>
    %dot_general3A = arith.constant dense<0.000000e+00> : vector<4000x256xf32>
    %dot_general3A_16 = tpu.matmul %get3A_12, %get3A_15, %dot_general3A {dimension_numbers = #tpu.dot_dimension_numbers<[1], [0], [0], [1], [0, 0, 1, 1], [], []>, transpose_lhs_hint = false} : vector<4000x256xf32>, vector<256x256xf32>, vector<4000x256xf32> -> vector<4000x256xf32>
    %get3A_17 = arith.constant 0 : index
    %get3A_18 = arith.constant 0 : index
    %get3A_19 = vector.load %arg8[%get3A_17, %get3A_18] : memref<256x256xf32, #tpu.memory_space<vmem>>, vector<256x256xf32>
    %dot_general3A_20 = arith.constant dense<0.000000e+00> : vector<4000x256xf32>
    %dot_general3A_21 = tpu.matmul %div3A_9, %get3A_19, %dot_general3A_20 {dimension_numbers = #tpu.dot_dimension_numbers<[1], [0], [0], [1], [0, 0, 1, 1], [], []>, transpose_lhs_hint = false} : vector<4000x256xf32>, vector<256x256xf32>, vector<4000x256xf32> -> vector<4000x256xf32>
    %add3A = arith.addf %dot_general3A_16, %dot_general3A_21 : vector<4000x256xf32>
    %get3A_22 = arith.constant 0 : index
    %get3A_23 = arith.constant 0 : index
    %get3A_24 = vector.load %arg9[%get3A_22, %get3A_23] : memref<1x256xf32, #tpu.memory_space<vmem>>, vector<1x256xf32>
    %add3A_25 = vector.broadcast %get3A_24 : vector<1x256xf32> to vector<4000x256xf32>
    %add3A_26 = arith.addf %add3A, %add3A_25 : vector<4000x256xf32>
    %max3A_27 = arith.constant 0.000000e+00 : f32
    %max3A_28 = vector.broadcast %max3A_27 : f32 to vector<4000x256xf32>
    %max3A_29 = arith.maximumf %add3A_26, %max3A_28 : vector<4000x256xf32>
    %mul3A = arith.mulf %max3A_29, %max3A_29 : vector<4000x256xf32>
    %reduce_sum3A = arith.constant dense<0.000000e+00> : vector<4000xf32>
    %reduce_sum3A_30 = vector.multi_reduction <add>, %mul3A, %reduce_sum3A [1] : vector<4000x256xf32> to vector<4000xf32>
    %broadcast_in_dim3A = vector.shape_cast %reduce_sum3A_30 : vector<4000xf32> to vector<4000x1xf32>
    %sqrt3A = math.sqrt %broadcast_in_dim3A : vector<4000x1xf32>
    %jit3A_31 = arith.constant 9.99999997E-7 : f32
    %max3A_32 = vector.broadcast %jit3A_31 : f32 to vector<4000x1xf32>
    %max3A_33 = arith.maximumf %max3A_32, %sqrt3A : vector<4000x1xf32>
    %div3A_34 = vector.broadcast %max3A_33 : vector<4000x1xf32> to vector<4000x256xf32>
    %div3A_35 = arith.divf %max3A_29, %div3A_34 : vector<4000x256xf32>
    %get3A_36 = arith.constant 0 : index
    %get3A_37 = arith.constant 0 : index
    %get3A_38 = vector.load %arg4[%get3A_36, %get3A_37] : memref<4000x256xf32, #tpu.memory_space<vmem>>, vector<4000x256xf32>
    %get3A_39 = arith.constant 0 : index
    %get3A_40 = arith.constant 0 : index
    %get3A_41 = vector.load %arg5[%get3A_39, %get3A_40] : memref<256x256xf32, #tpu.memory_space<vmem>>, vector<256x256xf32>
    %dot_general3A_42 = arith.constant dense<0.000000e+00> : vector<4000x256xf32>
    %dot_general3A_43 = tpu.matmul %get3A_38, %get3A_41, %dot_general3A_42 {dimension_numbers = #tpu.dot_dimension_numbers<[1], [0], [0], [1], [0, 0, 1, 1], [], []>, transpose_lhs_hint = false} : vector<4000x256xf32>, vector<256x256xf32>, vector<4000x256xf32> -> vector<4000x256xf32>
    %get3A_44 = arith.constant 0 : index
    %get3A_45 = arith.constant 0 : index
    %get3A_46 = vector.load %arg6[%get3A_44, %get3A_45] : memref<1x256xf32, #tpu.memory_space<vmem>>, vector<1x256xf32>
    %add3A_47 = vector.broadcast %get3A_46 : vector<1x256xf32> to vector<4000x256xf32>
    %add3A_48 = arith.addf %dot_general3A_43, %add3A_47 : vector<4000x256xf32>
    %add3A_49 = arith.addf %add3A_48, %div3A_35 : vector<4000x256xf32>
    %reduce_sum3A_50 = arith.constant dense<0.000000e+00> : vector<4000xf32>
    %reduce_sum3A_51 = vector.multi_reduction <add>, %add3A_49, %reduce_sum3A_50 [1] : vector<4000x256xf32> to vector<4000xf32>
    %broadcast_in_dim3A_52 = vector.shape_cast %reduce_sum3A_51 : vector<4000xf32> to vector<4000x1xf32>
    %div3A_53 = arith.constant 2.560000e+02 : f32
    %div3A_54 = vector.broadcast %div3A_53 : f32 to vector<4000x1xf32>
    %div3A_55 = arith.divf %broadcast_in_dim3A_52, %div3A_54 : vector<4000x1xf32>
    %sub3A = vector.broadcast %div3A_55 : vector<4000x1xf32> to vector<4000x256xf32>
    %sub3A_56 = arith.subf %add3A_49, %sub3A : vector<4000x256xf32>
    %integer_pow3A = arith.mulf %sub3A_56, %sub3A_56 : vector<4000x256xf32>
    %reduce_sum3A_57 = arith.constant dense<0.000000e+00> : vector<4000xf32>
    %reduce_sum3A_58 = vector.multi_reduction <add>, %integer_pow3A, %reduce_sum3A_57 [1] : vector<4000x256xf32> to vector<4000xf32>
    %broadcast_in_dim3A_59 = vector.shape_cast %reduce_sum3A_58 : vector<4000xf32> to vector<4000x1xf32>
    %div3A_60 = arith.constant 2.560000e+02 : f32
    %div3A_61 = vector.broadcast %div3A_60 : f32 to vector<4000x1xf32>
    %div3A_62 = arith.divf %broadcast_in_dim3A_59, %div3A_61 : vector<4000x1xf32>
    %sub3A_63 = vector.broadcast %div3A_55 : vector<4000x1xf32> to vector<4000x256xf32>
    %sub3A_64 = arith.subf %add3A_49, %sub3A_63 : vector<4000x256xf32>
    %add3A_65 = arith.constant 9.99999974E-6 : f32
    %add3A_66 = vector.broadcast %add3A_65 : f32 to vector<4000x1xf32>
    %add3A_67 = arith.addf %div3A_62, %add3A_66 : vector<4000x1xf32>
    %sqrt3A_68 = math.sqrt %add3A_67 : vector<4000x1xf32>
    %div3A_69 = vector.broadcast %sqrt3A_68 : vector<4000x1xf32> to vector<4000x256xf32>
    %div3A_70 = arith.divf %sub3A_64, %div3A_69 : vector<4000x256xf32>
    %get3A_71 = arith.constant 0 : index
    %get3A_72 = arith.constant 0 : index
    %get3A_73 = vector.load %arg11[%get3A_71, %get3A_72] : memref<1x256xf32, #tpu.memory_space<vmem>>, vector<1x256xf32>
    %mul3A_74 = vector.broadcast %get3A_73 : vector<1x256xf32> to vector<4000x256xf32>
    %mul3A_75 = arith.mulf %div3A_70, %mul3A_74 : vector<4000x256xf32>
    %get3A_76 = arith.constant 0 : index
    %get3A_77 = arith.constant 0 : index
    %get3A_78 = vector.load %arg12[%get3A_76, %get3A_77] : memref<1x256xf32, #tpu.memory_space<vmem>>, vector<1x256xf32>
    %add3A_79 = vector.broadcast %get3A_78 : vector<1x256xf32> to vector<4000x256xf32>
    %add3A_80 = arith.addf %mul3A_75, %add3A_79 : vector<4000x256xf32>
    %get3A_81 = arith.constant 0 : index
    %get3A_82 = arith.constant 0 : index
    %get3A_83 = vector.load %arg10[%get3A_81, %get3A_82] : memref<4000x1xf32, #tpu.memory_space<vmem>>, vector<4000x1xf32>
    %broadcast_in_dim3A_84 = arith.constant 0.000000e+00 : f32
    %broadcast_in_dim3A_85 = vector.broadcast %broadcast_in_dim3A_84 : f32 to vector<4000x127xf32>
    %concatenate3A_86 = tpu.concatenate %add3A_80, %get3A_83, %broadcast_in_dim3A_85 in 1 : vector<4000x256xf32>, vector<4000x1xf32>, vector<4000x127xf32> -> vector<4000x384xf32>
    %swap3A = arith.constant 0 : index
    %swap3A_87 = arith.constant 0 : index
    %swap3A_88 = vector.load %arg13[%swap3A, %swap3A_87] : memref<4000x384xf32, #tpu.memory_space<vmem>>, vector<4000x384xf32>
    tpu.vector_store %arg13[%swap3A, %swap3A_87], %concatenate3A_86 {strides = array<i32>} : memref<4000x384xf32, #tpu.memory_space<vmem>>, vector<4000x384xf32>,
    return
  }
}

module attributes {stable_mosaic.version = 14 : i64} {
  func.func @_score_body(%arg0: memref<4000x384xf32, #tpu.memory_space<vmem>>, %arg1: memref<4000x384xf32, #tpu.memory_space<vmem>>, %arg2: memref<4000x384xf32, #tpu.memory_space<vmem>>, %arg3: memref<4000x384xf32, #tpu.memory_space<vmem>>, %arg4: memref<4000x1xf32, #tpu.memory_space<vmem>>, %arg5: memref<4000x1xf32, #tpu.memory_space<vmem>>, %arg6: memref<1x1xf32, #tpu.memory_space<vmem>>, %arg7: memref<1x1xf32, #tpu.memory_space<vmem>>) attributes {dimension_semantics = [], scalar_prefetch = 0 : i64, scratch_operands = 0 : i64, tpu.core_type = #tpu.core_type<tc>} {
    %get3A = arith.constant 0 : index
    %get3A_0 = arith.constant 0 : index
    %get3A_1 = vector.load %arg0[%get3A, %get3A_0] : memref<4000x384xf32, #tpu.memory_space<vmem>>, vector<4000x384xf32>
    %get3A_2 = arith.constant 0 : index
    %get3A_3 = arith.constant 0 : index
    %get3A_4 = vector.load %arg1[%get3A_2, %get3A_3] : memref<4000x384xf32, #tpu.memory_space<vmem>>, vector<4000x384xf32>
    %get3A_5 = arith.constant 0 : index
    %get3A_6 = arith.constant 0 : index
    %get3A_7 = vector.load %arg2[%get3A_5, %get3A_6] : memref<4000x384xf32, #tpu.memory_space<vmem>>, vector<4000x384xf32>
    %get3A_8 = arith.constant 0 : index
    %get3A_9 = arith.constant 0 : index
    %get3A_10 = vector.load %arg3[%get3A_8, %get3A_9] : memref<4000x384xf32, #tpu.memory_space<vmem>>, vector<4000x384xf32>
    %slice3A = vector.extract_strided_slice %get3A_1 {offsets = [0, 0], sizes = [4000, 256], strides = [1, 1]} : vector<4000x384xf32> to vector<4000x256xf32>
    %slice3A_11 = vector.extract_strided_slice %get3A_4 {offsets = [0, 0], sizes = [4000, 256], strides = [1, 1]} : vector<4000x384xf32> to vector<4000x256xf32>
    %mul3A = arith.mulf %slice3A, %slice3A_11 : vector<4000x256xf32>
    %reduce_sum3A = arith.constant dense<0.000000e+00> : vector<4000xf32>
    %reduce_sum3A_12 = vector.multi_reduction <add>, %mul3A, %reduce_sum3A [1] : vector<4000x256xf32> to vector<4000xf32>
    %broadcast_in_dim3A = vector.shape_cast %reduce_sum3A_12 : vector<4000xf32> to vector<4000x1xf32>
    %slice3A_13 = vector.extract_strided_slice %get3A_1 {offsets = [0, 256], sizes = [4000, 1], strides = [1, 1]} : vector<4000x384xf32> to vector<4000x1xf32>
    %add3A = arith.addf %broadcast_in_dim3A, %slice3A_13 : vector<4000x1xf32>
    %slice3A_14 = vector.extract_strided_slice %get3A_4 {offsets = [0, 256], sizes = [4000, 1], strides = [1, 1]} : vector<4000x384xf32> to vector<4000x1xf32>
    %add3A_15 = arith.addf %add3A, %slice3A_14 : vector<4000x1xf32>
    %slice3A_16 = vector.extract_strided_slice %get3A_7 {offsets = [0, 0], sizes = [4000, 256], strides = [1, 1]} : vector<4000x384xf32> to vector<4000x256xf32>
    %slice3A_17 = vector.extract_strided_slice %get3A_10 {offsets = [0, 0], sizes = [4000, 256], strides = [1, 1]} : vector<4000x384xf32> to vector<4000x256xf32>
    %mul3A_18 = arith.mulf %slice3A_16, %slice3A_17 : vector<4000x256xf32>
    %reduce_sum3A_19 = arith.constant dense<0.000000e+00> : vector<4000xf32>
    %reduce_sum3A_20 = vector.multi_reduction <add>, %mul3A_18, %reduce_sum3A_19 [1] : vector<4000x256xf32> to vector<4000xf32>
    %broadcast_in_dim3A_21 = vector.shape_cast %reduce_sum3A_20 : vector<4000xf32> to vector<4000x1xf32>
    %slice3A_22 = vector.extract_strided_slice %get3A_7 {offsets = [0, 256], sizes = [4000, 1], strides = [1, 1]} : vector<4000x384xf32> to vector<4000x1xf32>
    %add3A_23 = arith.addf %broadcast_in_dim3A_21, %slice3A_22 : vector<4000x1xf32>
    %slice3A_24 = vector.extract_strided_slice %get3A_10 {offsets = [0, 256], sizes = [4000, 1], strides = [1, 1]} : vector<4000x384xf32> to vector<4000x1xf32>
    %add3A_25 = arith.addf %add3A_23, %slice3A_24 : vector<4000x1xf32>
    %swap3A = arith.constant 0 : index
    %swap3A_26 = arith.constant 0 : index
    %swap3A_27 = vector.load %arg4[%swap3A, %swap3A_26] : memref<4000x1xf32, #tpu.memory_space<vmem>>, vector<4000x1xf32>
    tpu.vector_store %arg4[%swap3A, %swap3A_26], %add3A_15 {strides = array<i32>} : memref<4000x1xf32, #tpu.memory_space<vmem>>, vector<4000x1xf32>,
    %swap3A_28 = arith.constant 0 : index
    %swap3A_29 = arith.constant 0 : index
    %swap3A_30 = vector.load %arg5[%swap3A_28, %swap3A_29] : memref<4000x1xf32, #tpu.memory_space<vmem>>, vector<4000x1xf32>
    tpu.vector_store %arg5[%swap3A_28, %swap3A_29], %add3A_25 {strides = array<i32>} : memref<4000x1xf32, #tpu.memory_space<vmem>>, vector<4000x1xf32>,
    %sub3A = arith.subf %add3A_25, %add3A_15 : vector<4000x1xf32>
    %add3A_31 = arith.constant 1.000000e+00 : f32
    %add3A_32 = vector.broadcast %add3A_31 : f32 to vector<4000x1xf32>
    %add3A_33 = arith.addf %sub3A, %add3A_32 : vector<4000x1xf32>
    %max3A = arith.constant 0.000000e+00 : f32
    %max3A_34 = vector.broadcast %max3A : f32 to vector<4000x1xf32>
    %max3A_35 = arith.maximumf %add3A_33, %max3A_34 : vector<4000x1xf32>
    %reduce_sum3A_36 = vector.shape_cast %max3A_35 : vector<4000x1xf32> to vector<1x4000x1xf32>
    %reduce_sum3A_37 = arith.constant dense<0.000000e+00> : vector<1xf32>
    %reduce_sum3A_38 = vector.multi_reduction <add>, %reduce_sum3A_36, %reduce_sum3A_37 [1, 2] : vector<1x4000x1xf32> to vector<1xf32>
    %reduce_sum3A_39 = vector.shape_cast %reduce_sum3A_38 : vector<1xf32> to vector<1x1x1xf32>
    %reduce_sum3A_40 = vector.extract %reduce_sum3A_39[0, 0, 0] : f32 from vector<1x1x1xf32>
    %div3A = arith.constant 4.000000e+03 : f32
    %div3A_41 = arith.divf %reduce_sum3A_40, %div3A : f32
    %reshape3A = vector.broadcast %div3A_41 : f32 to vector<1x1xf32>
    %swap3A_42 = arith.constant 0 : index
    %swap3A_43 = arith.constant 0 : index
    %swap3A_44 = vector.load %arg6[%swap3A_42, %swap3A_43] : memref<1x1xf32, #tpu.memory_space<vmem>>, vector<1x1xf32>
    tpu.vector_store %arg6[%swap3A_42, %swap3A_43], %reshape3A {strides = array<i32>} : memref<1x1xf32, #tpu.memory_space<vmem>>, vector<1x1xf32>,
    %gt3A = arith.cmpf ogt, %add3A_15, %add3A_25 : vector<4000x1xf32>
    %convert_element_type3A = arith.extui %gt3A : vector<4000x1xi1> to vector<4000x1xi32>
    %convert_element_type3A_45 = arith.sitofp %convert_element_type3A : vector<4000x1xi32> to vector<4000x1xf32>
    %reduce_sum3A_46 = vector.shape_cast %convert_element_type3A_45 : vector<4000x1xf32> to vector<1x4000x1xf32>
    %reduce_sum3A_47 = arith.constant dense<0.000000e+00> : vector<1xf32>
    %reduce_sum3A_48 = vector.multi_reduction <add>, %reduce_sum3A_46, %reduce_sum3A_47 [1, 2] : vector<1x4000x1xf32> to vector<1xf32>
    %reduce_sum3A_49 = vector.shape_cast %reduce_sum3A_48 : vector<1xf32> to vector<1x1x1xf32>
    %reduce_sum3A_50 = vector.extract %reduce_sum3A_49[0, 0, 0] : f32 from vector<1x1x1xf32>
    %div3A_51 = arith.constant 4.000000e+03 : f32
    %div3A_52 = arith.divf %reduce_sum3A_50, %div3A_51 : f32
    %reshape3A_53 = vector.broadcast %div3A_52 : f32 to vector<1x1xf32>
    %swap3A_54 = arith.constant 0 : index
    %swap3A_55 = arith.constant 0 : index
    %swap3A_56 = vector.load %arg7[%swap3A_54, %swap3A_55] : memref<1x1xf32, #tpu.memory_space<vmem>>, vector<1x1xf32>
    tpu.vector_store %arg7[%swap3A_54, %swap3A_55], %reshape3A_53 {strides = array<i32>} : memref<1x1xf32, #tpu.memory_space<vmem>>, vector<1x1xf32>,
    return
  }
}

</mosaic_0001>

<sc_bundles>
// kernel: kernel.12.cloned.1.call-start
scs
__scs_entry_jumppad:
0x0: {  	(pc) =	sbr.rel $0x88, $3  }
0x1: {  	(tag) =	ssettag $0x0;
	lr =	simm.s32 $0x1  }
0x2: {  	[smem:$0x3F8B] =	sst lr;
	_ =	strace $0xD0000000  }
0x3: {  	_ = 	snop  }
0x4: {  	_ = 	snop  }
0x5: {  	_ = 	snop  }
0x6: {  	_ = 	snop  }
0x7: {  	_ = 	snop  }
__scs_overlays_trampoline_lowered:
0x8: {  	[smem:$0x3F9A] =	sst s0  }
0x9: {  	[smem:$0x3F9B] =	sst s1  }
0xa: {  	[smem:$0x3F9C] =	sst s2  }
0xb: {  	[smem:$0x3F9D] =	sst s3  }
0xc: {  	[smem:$0x3F9E] =	sst s4  }
0xd: {  	[smem:$0x3F9F] =	sst s5  }
0xe: {  	[smem:$0x3FA0] =	sst s6  }
0xf: {  	[smem:$0x3FA1] =	sst s7  }
0x10: {  	[smem:$0x3FA2] =	sst s8  }
0x11: {  	[smem:$0x3FA3] =	sst s9;
	s0 =	simm.s32 @!p0 $0x0  }
0x12: {  	s1 =	sld [smem:$0x3F89];
	s0 =	simm.s32 @p0 $0x1  }
0x13: {  	[smem:$0x3FA4] =	sst s0;
	s0 =	simm.s32 @!p1 $0x0  }
0x14: {  	s2 =	sld [smem:$0x3F88];
	s0 =	simm.s32 @p1 $0x1  }
0x15: {  	[smem:$0x3FA5] =	sst s0;
	s0 =	simm.s32 @!p2 $0x0  }
0x16: {  	s3 =	sld [smem:$0x3FDB];
	s0 =	simm.s32 @p2 $0x1  }
0x17: {  	s4 =	simm.s32 $0x1BF5;
	[smem:$0x3FA7] =	sst s0  }
0x18: {  	s0 =	sld [smem:$0x3F8A];
	_ =	swait.ge [sflag:s4], $0x0  }
0x19: {  	s7 =	sld [smem:$0x3F8B]  }
0x1a: {  	s8 =	sadd.s32 $0xFFFFE003, lr  }
0x1b: {  	s9 =	sadd.s32 $0xFFFFFEF7, lr;
	s5 =	simm.s32 $0xFFFFFFFF;
	p2 =	slt.u32 s8, $0xFFFFF086  }
0x1c: {  	p1 =	slt.u32 s9, $0xF7A;
	s5 =	simm.s32 @!p2 $0x0  }
0x1d: {  	s5 =	simm.s32 @p1 $0x1;
	p0 =	seq.s32 s7, s2  }
0x1e: {  	s7 =	smul.u32 @!p0 $0xF7A, s2;
	p2 =	seq.s32 @!p0 s5, $0x0  }
0x1f: {  	s9 =	smul.u32 $0xF7A, s1;
	s8 =	simm.s32 @!p0 $0x1BF5;
	p2 =	por !p2, p0  }
0x20: {  	[sflag:s8] =	ssyncset.s32 @!p0 $0xFFFFF086;
	s6 =	sadd.s32 @!p0 s3, s7;
	s7 =	simm.s32 @!p0 $0x108  }
0x21: {  	s3 =	sadd.s32 s3, s9;
	s6 =	sadd.s32 @!p0 $0x88, s6;
	s7 =	simm.s32 @p2 $0x1082  }
0x22: {  	[simem:s7], [sflag:s8] =	dma.local @!p0 [hbm:s6], $0xF7A  }
0x23: {  	s9 =	sor.u32 $0xD0000000, s2;
	s6 =	simm.s32 $0x108;
	_ =	swait.ge @!p0 [sflag:s8], $0x0  }
0x24: {  	s3 =	sadd.s32 $0x88, s3;
	s6 =	simm.s32 @!p1 $0x1082;
	[sflag:s4] =	ssyncset.s32 $0xFFFFF086  }
0x25: {  	[simem:s6], [sflag:s4] =	dma.local [hbm:s3], $0xF7A  }
0x26: {  	[smem:$0x3F8B] =	sst s1;
	(tag) =	ssettag s2;
	_ =	strace s9  }
0x27: {  	s1 =	sld [smem:$0x3F9B]  }
0x28: {  	s2 =	sld [smem:$0x3F9C]  }
0x29: {  	s4 =	sld [smem:$0x3F9E]  }
0x2a: {  	p0 =	seq.s32 s5, $0x0;
	s5 =	sld [smem:$0x3F9F]  }
0x2b: {  	s6 =	sld [smem:$0x3FA0]  }
0x2c: {  	s7 =	sld [smem:$0x3FA1]  }
0x2d: {  	s3 =	simm.s32 $0x108;
	s8 =	sld [smem:$0x3FA2]  }
0x2e: {  	s3 =	simm.s32 @!p0 $0x1082;
	s9 =	sld [smem:$0x3FA3]  }
0x2f: {  	lr =	sadd.s32 s0, s3;
	s0 =	sld [smem:$0x3F9A]  }
0x30: {  	s3 =	sld [smem:$0x3F9D]  }
0x31: {  	[smem:$0x3FA6] =	sst s10  }
0x32: {  	s10 =	sld [smem:$0x3FA4];
	_ =	sdelay $0x3  }
0x33: {  	p0 =	seq.s32 s10, $0x1;
	s10 =	sld [smem:$0x3FA6];
	_ =	sdelay $0x3  }
0x34: {  	[smem:$0x3FA6] =	sst s10  }
0x35: {  	s10 =	sld [smem:$0x3FA5];
	_ =	sdelay $0x3  }
0x36: {  	p1 =	seq.s32 s10, $0x1;
	s10 =	sld [smem:$0x3FA6];
	_ =	sdelay $0x3  }
0x37: {  	[smem:$0x3FA6] =	sst s10  }
0x38: {  	s10 =	sld [smem:$0x3FA7]  }
0x39: {  	_ = 	snop;
	(pc) =	sbr.ind lr, $3  }
0x3a: {  	_ = 	snop  }
0x3b: {  	_ = 	snop  }
0x3c: {  	p2 =	seq.s32 s10, $0x1;
	s10 =	sld [smem:$0x3FA6]  }
0x3d: {  	_ =	shalt  }
0x3e: {  	_ =	shalt  }
0x3f: {  	_ =	shalt  }
0x40: {  	_ =	shalt  }
0x41: {  	_ =	shalt  }
0x42: {  	_ =	shalt  }
0x43: {  	_ =	shalt  }
0x44: {  	_ =	shalt  }
0x45: {  	_ =	shalt  }
0x46: {  	_ =	shalt  }
0x47: {  	_ =	shalt  }
0x48: {  	_ =	shalt  }
0x49: {  	_ =	shalt  }
0x4a: {  	_ =	shalt  }
0x4b: {  	_ =	shalt  }
0x4c: {  	_ =	shalt  }
0x4d: {  	_ =	shalt  }
0x4e: {  	_ =	shalt  }
0x4f: {  	_ =	shalt  }
0x50: {  	_ =	shalt  }
0x51: {  	_ =	shalt  }
0x52: {  	_ =	shalt  }
0x53: {  	_ =	shalt  }
0x54: {  	_ =	shalt  }
0x55: {  	_ =	shalt  }
0x56: {  	_ =	shalt  }
0x57: {  	_ =	shalt  }
0x58: {  	_ =	shalt  }
0x59: {  	_ =	shalt  }
0x5a: {  	_ =	shalt  }
0x5b: {  	_ =	shalt  }
0x5c: {  	_ =	shalt  }
0x5d: {  	_ =	shalt  }
0x5e: {  	_ =	shalt  }
0x5f: {  	_ =	shalt  }
0x60: {  	_ =	shalt  }
0x61: {  	_ =	shalt  }
0x62: {  	_ =	shalt  }
0x63: {  	_ =	shalt  }
0x64: {  	_ =	shalt  }
0x65: {  	_ =	shalt  }
0x66: {  	_ =	shalt  }
0x67: {  	_ =	shalt  }
0x68: {  	_ =	shalt  }
0x69: {  	_ =	shalt  }
0x6a: {  	_ =	shalt  }
0x6b: {  	_ =	shalt  }
0x6c: {  	_ =	shalt  }
0x6d: {  	_ =	shalt  }
0x6e: {  	_ =	shalt  }
0x6f: {  	_ =	shalt  }
0x70: {  	_ =	shalt  }
0x71: {  	_ =	shalt  }
0x72: {  	_ =	shalt  }
0x73: {  	_ =	shalt  }
0x74: {  	_ =	shalt  }
0x75: {  	_ =	shalt  }
0x76: {  	_ =	shalt  }
0x77: {  	_ =	shalt  }
0x78: {  	_ =	shalt  }
0x79: {  	_ =	shalt  }
0x7a: {  	_ =	shalt  }
0x7b: {  	_ =	shalt  }
0x7c: {  	_ =	shalt  }
0x7d: {  	_ =	shalt  }
0x7e: {  	_ =	shalt  }
0x7f: {  	_ =	shalt  }
0x80: {  	_ =	shalt  }
0x81: {  	_ =	shalt  }
0x82: {  	_ =	shalt  }
0x83: {  	_ =	shalt  }
0x84: {  	_ =	shalt  }
0x85: {  	_ =	shalt  }
0x86: {  	_ =	shalt  }
0x87: {  	_ =	shalt  }
.Lfunc_end0:
.L_simem_size_0:
called_computation.1_lowered:
.L_overlay_start_0:
0x88: {  	s2 =	sld [smem:$0x3FD9]  }
0x89: {  	s3 =	sld [smem:$0x3FFE];
	_ =	sdelay $0x1  }
0x8a: {  	s1 =	srdreg.scid  }
0x8b: {  	s0 =	sand.u32 $0x1, s1  }
0x8c: {  	s17 =	sshll.u32 s0, $0xA;
	s2 =	sadd.s32 s3, s2  }
0x8d: {  	s2 =	sadd.s32 s2, s17  }
0x8e: {  	[smem:$0x3FB2] =	sst s2  }
0x8f: {  	_ = 	snop  }
0x90: {  	s2 =	sld [smem:$0x3FC6]  }
0x91: {  	s18 =	sld [smem:$0x3FC5];
	(tm) =	ssettm $0x1  }
0x92: {  	s4 =	sld [smem:$0x3FFB];
	_ =	sdelay $0x3  }
0x93: {  	_ =	strace s4  }
0x94: {  	s4 =	sld [smem:$0x3FFC];
	_ =	sdelay $0x3  }
0x95: {  	_ =	strace s4  }
0x96: {  	s4 =	sld [smem:$0x3FFD];
	_ =	sdelay $0x3  }
0x97: {  	_ =	strace s4  }
0x98: {  	_ =	strace $0x8FFFFFFF  }
0x99: {  	s19 =	sld [smem:$0x3FDB];
	_ =	sdelay $0x1  }
0x9a: {  	s5 =	simm.s32 $_scs_section_size  }
0x9b: {  	s6 =	simm.s32 $_size__tile_overlayer_lowered;
	s7 =	simm.s32 $_tile_overlayer_lowered  }
0x9c: {  	s22 =	simm.s32 $0x1BFF;
	s21 =	sshll.u32 s7, $0x1;
	s4 =	sadd.s32 s5, s19  }
0x9d: {  	s8 =	simm.s32 $0x0;
	s20 =	sshll.u32 s6, $0x1;
	s6 =	sadd.s32 s21, s4  }
0x9e: {  	[timem:s8], [sflag:s22] =	dma.local [hbm:s6], s20  }
0x9f: {  	_ =	swait.ge [sflag:s22], s20  }
0xa0: {  	s5 =	ssub.s32 $0x0, s20;
	[sflag:s22] =	ssyncset.done $0x0  }
0xa1: {  	[sflag:s22] =	ssyncadd.s32 s5;
	_ =	sdelay $0x1  }
0xa2: {  	s23 =	simm.s32 $0x1B8B  }
0xa3: {  	_ =	swait.ge [sflag:s23], $0x1  }
0xa4: {  	[sflag:s23] =	ssyncset.done $0x0  }
0xa5: {  	s25 =	simm.s32 $0x1B8E;
	s24 =	sld [smem:$0x3FFE];
	[sflag:s23] =	ssyncadd.s32 $0xFFFFFFFF  }
0xa6: {  	s26 =	simm.s32 $execute0_lowered;
	[smem:$0x3FD2] =	sst s25  }
0xa7: {  	s6 =	sshll.u32 s26, $0x1;
	_ =	strace $0x80000049;
	[dreg:$0x1] =	wrdreg $0xFFFFFFFF  }
0xa8: {  	s28 =	simm.s32 $_size_execute0_lowered;
	s4 =	sadd.s32 s4, s6;
	[dreg:$0x0] =	wrdreg $0x0  }
0xa9: {  	s6 =	sshll.u32 s28, $0x1;
	[dreg:$0x2] =	wrdreg s4  }
0xaa: {  	[dreg:$0x3] =	wrdreg s6  }
0xab: {  	[dreg:$0x4] =	wrdreg $0xC0  }
0xac: {  	_ =	task [dreg:s8], $0x5FFFF  }
0xad: {  	[dreg:$0x1] =	wrdreg $0xFFFFFFFF  }
0xae: {  	[dreg:$0x0] =	wrdreg $0x60  }
0xaf: {  	[dreg:$0x2] =	wrdreg s24  }
0xb0: {  	[dreg:$0x3] =	wrdreg s2  }
0xb1: {  	[dreg:$0x4] =	wrdreg s18  }
0xb2: {  	[dreg:$0x5] =	wrdreg $0x52000  }
0xb3: {  	[dreg:$0x6] =	wrdreg $0x9  }
0xb4: {  	_ =	task.clear_ibuf [dreg:s8], $0x7FFFF;
	_ =	strace $0x90000049  }
0xb5: {  	s29 =	simm.s32 $0x9;
	_ =	strace $0x8000004B  }
0xb6: {  	_ =	swait.ge [sflag:s29], $0x1  }
0xb7: {  	[sflag:s29] =	ssyncadd.s32 $0xFFFFFFFF  }
0xb8: {  	_ =	strace $0x9000004B  }
0xb9: {  	_ =	sfence  }
0xba: {  	s30 =	sld [smem:$0x0];
	_ =	sdelay $0x2  }
0xbb: {  	s31 =	sshll.u32 s1, $0xD;
	s1 =	sshrl.u32 s1, $0x2  }
0xbc: {  	s3 =	sand.u32 $0x4000, s31;
	s1 =	sadd.s32 s1, s30  }
0xbd: {  	s0 =	sor.u32 s3, s0;
	s1 =	sshll.u32 s1, $0x11  }
0xbe: {  	s0 =	sor.u32 s1, s0  }
0xbf: {  	s0 =	sadd.s32 $0x8F2B, s0  }
0xc0: {  	[sflag:s0] =	ssyncadd.remote.s32 $0x1  }
0xc1: {  	_ =	sfence.sel $0xFFFF  }
0xc2: {  	[dreg:$0x0] =	wrdreg $0xFFFFFFFF;
	(pc) =	sbr.abs _section_cstart, $3  }
0xc3: {  	[dreg:$0x1] =	wrdreg $0xFFFFFFFF  }
0xc4: {  	_ =	task.clear_ibuf [dreg:s8], $0x2FFFF;
	_ =	strace $0x9FFFFFFF  }
0xc5: {  	(tm) =	ssettm $0x7FFFFFFF  }
tec
execute0_lowered:
.L_overlay_start_1:
0x0: {  	(tag) =	ssettag $0x1  }
0x1: {  	s7 =	rddreg [dreg:$0x0]  }
0x2: {  	s13 =	rddreg [dreg:$0x1]  }
0x3: {  	s12 =	rddreg [dreg:$0x2]  }
0x4: {  	s1 =	rddreg [dreg:$0x3]  }
0x5: {  	s0 =	rddreg [dreg:$0x4]  }
0x6: {  	s2 =	simm.s32 $0x0;
	s5 =	srdreg.scid;
	s19 =	simm.s32 $0x1  }
0x7: {  	s20 =	simm.s32 $0x50;
	s21 =	simm.s32 $0x200;
	s22 =	simm.s32 $0x2A00  }
0x8: {  	s24 =	simm.s32 $0x3;
	[smem:$0x7FF] =	sst s2;
	s3 =	sadd.s32 $0x313600, s7  }
0x9: {  	s25 =	simm.s32 $0x0;
	s4 =	sadd.s32 $0x351E00, s7;
	s6 =	sadd.s32 $0x312E00, s7  }
0xa: {  	s8 =	sadd.s32 $0x390600, s7;
	s9 =	sand.u32 $0x1, s5;
	s5 =	stileid.u32  }
0xb: {  	s14 =	sadd.s32 $0x3A0000, s7;
	_ =	strace $0x8000004A;
	s11 =	smul.u32 $0x3E800, s9  }
0xc: {  	s10 =	ssub.s32 $0x2, s9;
	s15 =	sshll.u32 s5, $0xE;
	s23 =	smul.u32 $0x7D0, s9  }
0xd: {  	s18 =	smul.u32 $0x1F4, s5;
	p0 =	seq.s32 s5, $0xF;
	s28 =	sshrl.u32 s10, $0x1  }
0xe: {  	s17 =	sadd.s32 s15, s1;
	s16 =	ssub.s32 s10, s28;
	s29 =	sadd.s32 s11, s15  }
0xf: {  	s31 =	sshrl.u32 s11, $0x3;
	s15 =	sadd.s32 $0x3C000, s1;
	s12 =	sadd.s32 s18, s12  }
0x10: {  	s13 =	sadd.s32 s18, s13;
	s18 =	simm.s32 $0x180;
	v0 =	vmov s23;
	s23 =	simm.s32 $0x2  }
0x11: {  	s30 =	sshrl.u32 s29, $0x3;
	s10 =	sadd.s32 $0x7800, s31;
	s11 =	smax.u32 s16, $0x1  }
0x12: {  	s16 =	sshll.u32 @!p0 s5, $0x6;
	s7 =	sadd.s32 s8, s30;
	s8 =	sadd.s32 s8, s10  }
0x13: {  	s9 =	sadd.s32 s14, s30;
	s10 =	sadd.s32 s14, s10;
	s14 =	sshrl.u32 @p0 s15, $0x3  }
0x14: {  	s15 =	sor.u32 @!p0 $0x1C04, s16;
	s16 =	sshrl.u32 @!p0 s17, $0x3;
	s17 =	simm.s32 $0x100  }
.LBB2_1:
0x15: {  	s26 =	simm.s32 @p0 $0x1FC4  }
0x16: {  	[spmem:s14], [sflag:s26] =	dma.local @p0 [hbm:s6], $0x580  }
0x17: {  	s26 =	simm.s32 @p0 $0x4  }
0x18: {  	_ =	swait.ge @p0 [sflag:s26], $0x580  }
0x19: {  	[sflag:s26] =	ssyncset.done @p0 $0x0  }
0x1a: {  	[sflag:s26] =	ssyncadd.s32 @p0 $0xFFFFFA80;
	s26 =	simm.s32 @!p0 $0x4  }
0x1b: {  	[spmem:s16], [sflag:s15] =	dma.local @!p0 [hbm:s6], $0x800  }
0x1c: {  	_ =	swait.ge @!p0 [sflag:s26], $0x800  }
0x1d: {  	[sflag:s26] =	ssyncset.done @!p0 $0x0  }
0x1e: {  	[sflag:s26] =	ssyncadd.s32 @!p0 $0xFFFFF800  }
0x1f: {  	s30 =	sadd.s32 $0x0, s13;
	[bflag:$0x0] =	sbarrier.arrive $0xFFFF  }
0x20: {  	[tilespmem:s2], [sflag:$0x1] =	stream.linear.gather [hbm4b:s30+s2], $0xA0, $0x38;
	[tilespmem:$0x90C0] =	vst v63  }
0x21: {  	s31 =	sadd.s32 $0x0, s12  }
0x22: {  	[tilespmem:s17], [sflag:$0x1] =	stream.linear.gather [hbm4b:s31+s2], $0x50, $0x38;
	[tilespmem:$0x90C0] =	vst v63  }
0x23: {  	s26 =	sadd.s32 $0xA, s31  }
0x24: {  	[tilespmem:s18], [sflag:$0x1] =	stream.linear.gather [hbm4b:s26+s2], $0x50, $0x38;
	[tilespmem:$0x90C0] =	vst v63  }
0x25: {  	_ =	swait.ge [sflag:s19], $0xA0  }
0x26: {  	[sflag:s19] =	ssyncset.done $0x0  }
0x27: {  	[sflag:s19] =	ssyncadd.s32 $0xFFFFFF60  }
0x28: {  	_ =	swait.ge [sflag:s19], $0x50  }
0x29: {  	[sflag:s19] =	ssyncset.done $0x0  }
0x2a: {  	[sflag:s19] =	ssyncadd.s32 $0xFFFFFFB0  }
0x2b: {  	_ =	swait.ge [sflag:s19], $0x50  }
0x2c: {  	[sflag:s19] =	ssyncset.done $0x0  }
0x2d: {  	[sflag:s19] =	ssyncadd.s32 $0xFFFFFFB0  }
0x2e: {  	v1 =	vld [tilespmem:$0x1C0]  }
0x2f: {  	v2 =	vld [tilespmem:$0x1B0]  }
0x30: {  	v3 =	vld [tilespmem:$0x190]  }
0x31: {  	v5 =	vld [tilespmem:$0x140]  }
0x32: {  	v4 =	vld [tilespmem:$0x180]  }
0x33: {  	v6 =	vld [tilespmem:$0x130];
	v1 =	vsub.s32 v1, v0  }
0x34: {  	v7 =	vld [tilespmem:$0x120];
	v2 =	vsub.s32 v2, v0;
	v1 =	vmin.u32 v1, $0x7D0  }
0x35: {  	v8 =	vld [tilespmem:$0x110];
	v3 =	vsub.s32 v3, v0;
	v2 =	vmin.u32 v2, $0x7D0;
	[tilespmem:$0x1C0] =	vst v1  }
0x36: {  	v62 =	vld [tilespmem:$0x1A0];
	v5 =	vsub.s32 v5, v0;
	v3 =	vmin.u32 v3, $0x7D0;
	[tilespmem:$0x1B0] =	vst v2  }
0x37: {  	v5 =	vmin.u32 v5, $0x7D0;
	v1 =	vsub.s32 v4, v0;
	v2 =	vld [tilespmem:$0x100];
	[tilespmem:$0x190] =	vst v3  }
0x38: {  	v3 =	vsub.s32 v6, v0;
	[tilespmem:$0x140] =	vst v5;
	v1 =	vmin.u32 v1, $0x7D0  }
0x39: {  	v3 =	vmin.u32 v3, $0x7D0;
	[tilespmem:$0x180] =	vst v1;
	v1 =	vsub.s32 v7, v0  }
0x3a: {  	v63 =	vsub.s32 v8, v0;
	[tilespmem:$0x130] =	vst v3;
	v1 =	vmin.u32 v1, $0x7D0  }
0x3b: {  	v3 =	vmin.u32 v63, $0x7D0;
	[tilespmem:$0x120] =	vst v1;
	v1 =	vsub.s32 v62, v0  }
0x3c: {  	[tilespmem:$0x110] =	vst v3;
	v2 =	vsub.s32 v2, v0;
	v1 =	vmin.u32 v1, $0x7D0  }
0x3d: {  	v2 =	vmin.u32 v2, $0x7D0;
	[tilespmem:$0x1A0] =	vst v1  }
0x3e: {  	[tilespmem:$0x100] =	vst v2  }
0x3f: {  	[tilespmem:s21], [sflag:$0x2] =	stream.indirect.gather [hbm4b:s3+s20], $0x80, s2, s20, $0xb8;
	[tilespmem:$0x90C0] =	vst v63  }
0x40: {  	_ = 	snop  }
0x41: {  	[tilespmem:s22], [sflag:$0x2] =	stream.indirect.gather [hbm4b:s3+s20], $0x80, s20, s20, $0xb8;
	[tilespmem:$0x90C0] =	vst v63  }
0x42: {  	_ =	swait.ge [sflag:s23], $0x2800  }
0x43: {  	[sflag:s23] =	ssyncset.done $0x0  }
0x44: {  	[sflag:s23] =	ssyncadd.s32 $0xFFFFD800  }
0x45: {  	_ =	swait.ge [sflag:s23], $0x2800  }
0x46: {  	s26 =	simm.s32 $0x14;
	[sflag:s23] =	ssyncset.done $0x0  }
.LBB2_2:
0x47: {  	p1 =	sne.s32 s26, $0x1E0  }
0x48: {  	[sflag:s23] =	ssyncadd.s32 $0xFFFFD800;
	s28 =	smov.u32 s26;
	s26 =	sadd.s32 $0x14, s26  }
0x49: {  	[spmem:s1] =	stream.indirect.scatter.add.f32 [tilespmem:s21], [sflag:$0x3], $0x80, s17, s20, $0xb8;
	[tilespmem:$0x90C0] =	vst v63  }
0x4a: {  	_ = 	snop  }
0x4b: {  	[spmem:s1] =	stream.indirect.scatter.add.f32 [tilespmem:s22], [sflag:$0x3], $0x80, s18, s20, $0xb8;
	[tilespmem:$0x90C0] =	vst v63  }
0x4c: {  	_ =	swait.ge [sflag:s24], $0x2800  }
0x4d: {  	[sflag:s24] =	ssyncset.done $0x0  }
0x4e: {  	[sflag:s24] =	ssyncadd.s32 $0xFFFFD800  }
0x4f: {  	_ =	swait.ge [sflag:s24], $0x2800  }
0x50: {  	[sflag:s24] =	ssyncset.done $0x0  }
0x51: {  	s29 =	sadd.s32 s28, s13;
	[sflag:s24] =	ssyncadd.s32 $0xFFFFD800  }
0x52: {  	[tilespmem:s2], [sflag:$0x1] =	stream.linear.gather [hbm4b:s29+s2], $0xA0, $0x38;
	[tilespmem:$0x90C0] =	vst v63  }
0x53: {  	s28 =	sadd.s32 s28, s12  }
0x54: {  	[tilespmem:s17], [sflag:$0x1] =	stream.linear.gather [hbm4b:s28+s2], $0x50, $0x38;
	[tilespmem:$0x90C0] =	vst v63  }
0x55: {  	s28 =	sadd.s32 $0xA, s28  }
0x56: {  	[tilespmem:s18], [sflag:$0x1] =	stream.linear.gather [hbm4b:s28+s2], $0x50, $0x38;
	[tilespmem:$0x90C0] =	vst v63  }
0x57: {  	_ =	swait.ge [sflag:s19], $0xA0  }
0x58: {  	[sflag:s19] =	ssyncset.done $0x0  }
0x59: {  	[sflag:s19] =	ssyncadd.s32 $0xFFFFFF60  }
0x5a: {  	_ =	swait.ge [sflag:s19], $0x50  }
0x5b: {  	[sflag:s19] =	ssyncset.done $0x0  }
0x5c: {  	[sflag:s19] =	ssyncadd.s32 $0xFFFFFFB0  }
0x5d: {  	_ =	swait.ge [sflag:s19], $0x50  }
0x5e: {  	[sflag:s19] =	ssyncset.done $0x0  }
0x5f: {  	[sflag:s19] =	ssyncadd.s32 $0xFFFFFFB0  }
0x60: {  	v1 =	vld [tilespmem:$0x1C0]  }
0x61: {  	v2 =	vld [tilespmem:$0x1B0]  }
0x62: {  	v3 =	vld [tilespmem:$0x190]  }
0x63: {  	v4 =	vld [tilespmem:$0x180]  }
0x64: {  	v5 =	vld [tilespmem:$0x140]  }
0x65: {  	v6 =	vld [tilespmem:$0x130];
	v1 =	vsub.s32 v1, v0  }
0x66: {  	v7 =	vld [tilespmem:$0x120];
	v2 =	vsub.s32 v2, v0;
	v1 =	vmin.u32 v1, $0x7D0  }
0x67: {  	v8 =	vld [tilespmem:$0x110];
	v3 =	vsub.s32 v3, v0;
	v2 =	vmin.u32 v2, $0x7D0;
	[tilespmem:$0x1C0] =	vst v1  }
0x68: {  	v1 =	vsub.s32 v4, v0;
	v3 =	vmin.u32 v3, $0x7D0;
	v4 =	vld [tilespmem:$0x1A0];
	[tilespmem:$0x1B0] =	vst v2  }
0x69: {  	v2 =	vld [tilespmem:$0x100];
	v5 =	vsub.s32 v5, v0;
	v1 =	vmin.u32 v1, $0x7D0;
	[tilespmem:$0x190] =	vst v3  }
0x6a: {  	v3 =	vsub.s32 v6, v0;
	v5 =	vmin.u32 v5, $0x7D0;
	[tilespmem:$0x180] =	vst v1  }
0x6b: {  	v1 =	vsub.s32 v7, v0;
	v3 =	vmin.u32 v3, $0x7D0;
	[tilespmem:$0x140] =	vst v5  }
0x6c: {  	v5 =	vsub.s32 v8, v0;
	v1 =	vmin.u32 v1, $0x7D0;
	[tilespmem:$0x130] =	vst v3  }
0x6d: {  	v3 =	vmin.u32 v5, $0x7D0;
	[tilespmem:$0x120] =	vst v1;
	v1 =	vsub.s32 v4, v0  }
0x6e: {  	v2 =	vsub.s32 v2, v0;
	[tilespmem:$0x110] =	vst v3;
	v1 =	vmin.u32 v1, $0x7D0  }
0x6f: {  	v2 =	vmin.u32 v2, $0x7D0;
	[tilespmem:$0x1A0] =	vst v1  }
0x70: {  	[tilespmem:$0x100] =	vst v2  }
0x71: {  	[tilespmem:s21], [sflag:$0x2] =	stream.indirect.gather [hbm4b:s3+s20], $0x80, s2, s20, $0xb8;
	[tilespmem:$0x90C0] =	vst v63  }
0x72: {  	_ = 	snop  }
0x73: {  	[tilespmem:s22], [sflag:$0x2] =	stream.indirect.gather [hbm4b:s3+s20], $0x80, s20, s20, $0xb8;
	[tilespmem:$0x90C0] =	vst v63  }
.Ltmp0:
0x74: {  	_ =	swait.ge [sflag:s23], $0x2800;
	(pc) =	sbr.rel @p1 .LBB2_2-.Ltmp0, $4  }
0x75: {  	[sflag:s23] =	ssyncset.done $0x0  }
0x76: {  	[sflag:s23] =	ssyncadd.s32 $0xFFFFD800  }
0x77: {  	_ =	swait.ge [sflag:s23], $0x2800  }
0x78: {  	[sflag:s23] =	ssyncset.done $0x0  }
0x79: {  	[sflag:s23] =	ssyncadd.s32 $0xFFFFD800  }
0x7a: {  	[spmem:s1] =	stream.indirect.scatter.add.f32 [tilespmem:s21], [sflag:$0x3], $0x80, s17, s20, $0xb8;
	[tilespmem:$0x90C0] =	vst v63  }
0x7b: {  	_ = 	snop  }
0x7c: {  	[spmem:s1] =	stream.indirect.scatter.add.f32 [tilespmem:s22], [sflag:$0x3], $0x80, s18, s20, $0xb8;
	[tilespmem:$0x90C0] =	vst v63  }
0x7d: {  	_ =	swait.ge [sflag:s24], $0x2800  }
0x7e: {  	[sflag:s24] =	ssyncset.done $0x0  }
0x7f: {  	[sflag:s24] =	ssyncadd.s32 $0xFFFFD800  }
0x80: {  	_ =	swait.ge [sflag:s24], $0x2800  }
0x81: {  	[sflag:s24] =	ssyncset.done $0x0  }
0x82: {  	[sflag:s24] =	ssyncadd.s32 $0xFFFFD800  }
0x83: {  	s26 =	simm.s32 @p0 $0x1FC4;
	s28 =	simm.s32 @p0 $0x4;
	[bflag:$0x0] =	sbarrier.arrive $0xFFFF  }
0x84: {  	[hbm:s8], [sflag:s26] =	dma.local @p0 [spmem:s14], $0x500  }
0x85: {  	_ =	swait.ge @p0 [sflag:s28], $0x500  }
0x86: {  	[sflag:s28] =	ssyncset.done @p0 $0x0  }
0x87: {  	[sflag:s28] =	ssyncadd.s32 @p0 $0xFFFFFB00  }
0x88: {  	[bflag:$0x0] =	sbarrier.arrive @p0 $0xFFFF  }
0x89: {  	[spmem:s14], [sflag:s26] =	dma.local @p0 [hbm:s6], $0x580  }
0x8a: {  	_ =	swait.ge @p0 [sflag:s28], $0x580  }
0x8b: {  	[sflag:s28] =	ssyncset.done @p0 $0x0  }
0x8c: {  	s26 =	simm.s32 @!p0 $0x4;
	[sflag:s28] =	ssyncadd.s32 @p0 $0xFFFFFA80  }
0x8d: {  	[hbm:s7], [sflag:s15] =	dma.local @!p0 [spmem:s16], $0x800  }
0x8e: {  	_ =	swait.ge @!p0 [sflag:s26], $0x800  }
0x8f: {  	[sflag:s26] =	ssyncset.done @!p0 $0x0  }
0x90: {  	[sflag:s26] =	ssyncadd.s32 @!p0 $0xFFFFF800  }
0x91: {  	[bflag:$0x0] =	sbarrier.arrive @!p0 $0xFFFF  }
0x92: {  	[spmem:s16], [sflag:s15] =	dma.local @!p0 [hbm:s6], $0x800  }
0x93: {  	_ =	swait.ge @!p0 [sflag:s26], $0x800  }
0x94: {  	[sflag:s26] =	ssyncset.done @!p0 $0x0  }
0x95: {  	[sflag:s26] =	ssyncadd.s32 @!p0 $0xFFFFF800  }
0x96: {  	s30 =	sadd.s32 $0x0, s13;
	[bflag:$0x0] =	sbarrier.arrive $0xFFFF  }
0x97: {  	[tilespmem:s2], [sflag:$0x1] =	stream.linear.gather [hbm4b:s30+s2], $0xA0, $0x38;
	[tilespmem:$0x90C0] =	vst v63  }
0x98: {  	s31 =	sadd.s32 $0x0, s12  }
0x99: {  	[tilespmem:s17], [sflag:$0x1] =	stream.linear.gather [hbm4b:s31+s2], $0x50, $0x38;
	[tilespmem:$0x90C0] =	vst v63  }
0x9a: {  	s26 =	sadd.s32 $0xA, s31  }
0x9b: {  	[tilespmem:s18], [sflag:$0x1] =	stream.linear.gather [hbm4b:s26+s2], $0x50, $0x38;
	[tilespmem:$0x90C0] =	vst v63  }
0x9c: {  	_ =	swait.ge [sflag:s19], $0xA0  }
0x9d: {  	[sflag:s19] =	ssyncset.done $0x0  }
0x9e: {  	[sflag:s19] =	ssyncadd.s32 $0xFFFFFF60  }
0x9f: {  	_ =	swait.ge [sflag:s19], $0x50  }
0xa0: {  	[sflag:s19] =	ssyncset.done $0x0  }
0xa1: {  	[sflag:s19] =	ssyncadd.s32 $0xFFFFFFB0  }
0xa2: {  	_ =	swait.ge [sflag:s19], $0x50  }
0xa3: {  	[sflag:s19] =	ssyncset.done $0x0  }
0xa4: {  	[sflag:s19] =	ssyncadd.s32 $0xFFFFFFB0  }
0xa5: {  	v1 =	vld [tilespmem:$0x1C0]  }
0xa6: {  	v2 =	vld [tilespmem:$0x1B0]  }
0xa7: {  	v3 =	vld [tilespmem:$0x190]  }
0xa8: {  	v5 =	vld [tilespmem:$0x140]  }
0xa9: {  	v4 =	vld [tilespmem:$0x180]  }
0xaa: {  	v6 =	vld [tilespmem:$0x130];
	v1 =	vsub.s32 v1, v0  }
0xab: {  	v7 =	vld [tilespmem:$0x120];
	v2 =	vsub.s32 v2, v0;
	v1 =	vmin.u32 v1, $0x7D0  }
0xac: {  	v8 =	vld [tilespmem:$0x110];
	v3 =	vsub.s32 v3, v0;
	v2 =	vmin.u32 v2, $0x7D0;
	[tilespmem:$0x1C0] =	vst v1  }
0xad: {  	v62 =	vld [tilespmem:$0x1A0];
	v5 =	vsub.s32 v5, v0;
	v3 =	vmin.u32 v3, $0x7D0;
	[tilespmem:$0x1B0] =	vst v2  }
0xae: {  	v5 =	vmin.u32 v5, $0x7D0;
	v1 =	vsub.s32 v4, v0;
	v2 =	vld [tilespmem:$0x100];
	[tilespmem:$0x190] =	vst v3  }
0xaf: {  	v3 =	vsub.s32 v6, v0;
	[tilespmem:$0x140] =	vst v5;
	v1 =	vmin.u32 v1, $0x7D0  }
0xb0: {  	v3 =	vmin.u32 v3, $0x7D0;
	[tilespmem:$0x180] =	vst v1;
	v1 =	vsub.s32 v7, v0  }
0xb1: {  	v63 =	vsub.s32 v8, v0;
	[tilespmem:$0x130] =	vst v3;
	v1 =	vmin.u32 v1, $0x7D0  }
0xb2: {  	v3 =	vmin.u32 v63, $0x7D0;
	[tilespmem:$0x120] =	vst v1;
	v1 =	vsub.s32 v62, v0  }
0xb3: {  	[tilespmem:$0x110] =	vst v3;
	v2 =	vsub.s32 v2, v0;
	v1 =	vmin.u32 v1, $0x7D0  }
0xb4: {  	v2 =	vmin.u32 v2, $0x7D0;
	[tilespmem:$0x1A0] =	vst v1  }
0xb5: {  	[tilespmem:$0x100] =	vst v2  }
0xb6: {  	[tilespmem:s21], [sflag:$0x2] =	stream.indirect.gather [hbm4b:s4+s20], $0x80, s2, s20, $0xb8;
	[tilespmem:$0x90C0] =	vst v63  }
0xb7: {  	_ = 	snop  }
0xb8: {  	[tilespmem:s22], [sflag:$0x2] =	stream.indirect.gather [hbm4b:s4+s20], $0x80, s20, s20, $0xb8;
	[tilespmem:$0x90C0] =	vst v63  }
0xb9: {  	_ =	swait.ge [sflag:s23], $0x2800  }
0xba: {  	[sflag:s23] =	ssyncset.done $0x0  }
0xbb: {  	[sflag:s23] =	ssyncadd.s32 $0xFFFFD800  }
0xbc: {  	_ =	swait.ge [sflag:s23], $0x2800  }
0xbd: {  	s26 =	simm.s32 $0x14;
	[sflag:s23] =	ssyncset.done $0x0  }
.LBB2_4:
0xbe: {  	p1 =	sne.s32 s26, $0x1E0  }
0xbf: {  	[sflag:s23] =	ssyncadd.s32 $0xFFFFD800;
	s28 =	smov.u32 s26;
	s26 =	sadd.s32 $0x14, s26  }
0xc0: {  	[spmem:s1] =	stream.indirect.scatter.add.f32 [tilespmem:s21], [sflag:$0x3], $0x80, s17, s20, $0xb8;
	[tilespmem:$0x90C0] =	vst v63  }
0xc1: {  	_ = 	snop  }
0xc2: {  	[spmem:s1] =	stream.indirect.scatter.add.f32 [tilespmem:s22], [sflag:$0x3], $0x80, s18, s20, $0xb8;
	[tilespmem:$0x90C0] =	vst v63  }
0xc3: {  	_ =	swait.ge [sflag:s24], $0x2800  }
0xc4: {  	[sflag:s24] =	ssyncset.done $0x0  }
0xc5: {  	[sflag:s24] =	ssyncadd.s32 $0xFFFFD800  }
0xc6: {  	_ =	swait.ge [sflag:s24], $0x2800  }
0xc7: {  	[sflag:s24] =	ssyncset.done $0x0  }
0xc8: {  	s29 =	sadd.s32 s28, s13;
	[sflag:s24] =	ssyncadd.s32 $0xFFFFD800  }
0xc9: {  	[tilespmem:s2], [sflag:$0x1] =	stream.linear.gather [hbm4b:s29+s2], $0xA0, $0x38;
	[tilespmem:$0x90C0] =	vst v63  }
0xca: {  	s28 =	sadd.s32 s28, s12  }
0xcb: {  	[tilespmem:s17], [sflag:$0x1] =	stream.linear.gather [hbm4b:s28+s2], $0x50, $0x38;
	[tilespmem:$0x90C0] =	vst v63  }
0xcc: {  	s28 =	sadd.s32 $0xA, s28  }
0xcd: {  	[tilespmem:s18], [sflag:$0x1] =	stream.linear.gather [hbm4b:s28+s2], $0x50, $0x38;
	[tilespmem:$0x90C0] =	vst v63  }
0xce: {  	_ =	swait.ge [sflag:s19], $0xA0  }
0xcf: {  	[sflag:s19] =	ssyncset.done $0x0  }
0xd0: {  	[sflag:s19] =	ssyncadd.s32 $0xFFFFFF60  }
0xd1: {  	_ =	swait.ge [sflag:s19], $0x50  }
0xd2: {  	[sflag:s19] =	ssyncset.done $0x0  }
0xd3: {  	[sflag:s19] =	ssyncadd.s32 $0xFFFFFFB0  }
0xd4: {  	_ =	swait.ge [sflag:s19], $0x50  }
0xd5: {  	[sflag:s19] =	ssyncset.done $0x0  }
0xd6: {  	[sflag:s19] =	ssyncadd.s32 $0xFFFFFFB0  }
0xd7: {  	v1 =	vld [tilespmem:$0x1C0]  }
0xd8: {  	v2 =	vld [tilespmem:$0x1B0]  }
0xd9: {  	v3 =	vld [tilespmem:$0x190]  }
0xda: {  	v4 =	vld [tilespmem:$0x180]  }
0xdb: {  	v5 =	vld [tilespmem:$0x140]  }
0xdc: {  	v6 =	vld [tilespmem:$0x130];
	v1 =	vsub.s32 v1, v0  }
0xdd: {  	v7 =	vld [tilespmem:$0x120];
	v2 =	vsub.s32 v2, v0;
	v1 =	vmin.u32 v1, $0x7D0  }
0xde: {  	v8 =	vld [tilespmem:$0x110];
	v3 =	vsub.s32 v3, v0;
	v2 =	vmin.u32 v2, $0x7D0;
	[tilespmem:$0x1C0] =	vst v1  }
0xdf: {  	v1 =	vsub.s32 v4, v0;
	v3 =	vmin.u32 v3, $0x7D0;
	v4 =	vld [tilespmem:$0x1A0];
	[tilespmem:$0x1B0] =	vst v2  }
0xe0: {  	v2 =	vld [tilespmem:$0x100];
	v5 =	vsub.s32 v5, v0;
	v1 =	vmin.u32 v1, $0x7D0;
	[tilespmem:$0x190] =	vst v3  }
0xe1: {  	v3 =	vsub.s32 v6, v0;
	v5 =	vmin.u32 v5, $0x7D0;
	[tilespmem:$0x180] =	vst v1  }
0xe2: {  	v1 =	vsub.s32 v7, v0;
	v3 =	vmin.u32 v3, $0x7D0;
	[tilespmem:$0x140] =	vst v5  }
0xe3: {  	v5 =	vsub.s32 v8, v0;
	v1 =	vmin.u32 v1, $0x7D0;
	[tilespmem:$0x130] =	vst v3  }
0xe4: {  	v3 =	vmin.u32 v5, $0x7D0;
	[tilespmem:$0x120] =	vst v1;
	v1 =	vsub.s32 v4, v0  }
0xe5: {  	v2 =	vsub.s32 v2, v0;
	[tilespmem:$0x110] =	vst v3;
	v1 =	vmin.u32 v1, $0x7D0  }
0xe6: {  	v2 =	vmin.u32 v2, $0x7D0;
	[tilespmem:$0x1A0] =	vst v1  }
0xe7: {  	[tilespmem:$0x100] =	vst v2  }
0xe8: {  	[tilespmem:s21], [sflag:$0x2] =	stream.indirect.gather [hbm4b:s4+s20], $0x80, s2, s20, $0xb8;
	[tilespmem:$0x90C0] =	vst v63  }
0xe9: {  	_ = 	snop  }
0xea: {  	[tilespmem:s22], [sflag:$0x2] =	stream.indirect.gather [hbm4b:s4+s20], $0x80, s20, s20, $0xb8;
	[tilespmem:$0x90C0] =	vst v63  }
.Ltmp1:
0xeb: {  	_ =	swait.ge [sflag:s23], $0x2800;
	(pc) =	sbr.rel @p1 .LBB2_4-.Ltmp1, $4  }
0xec: {  	[sflag:s23] =	ssyncset.done $0x0  }
0xed: {  	[sflag:s23] =	ssyncadd.s32 $0xFFFFD800  }
0xee: {  	_ =	swait.ge [sflag:s23], $0x2800  }
0xef: {  	[sflag:s23] =	ssyncset.done $0x0  }
0xf0: {  	[sflag:s23] =	ssyncadd.s32 $0xFFFFD800  }
0xf1: {  	[spmem:s1] =	stream.indirect.scatter.add.f32 [tilespmem:s21], [sflag:$0x3], $0x80, s17, s20, $0xb8;
	[tilespmem:$0x90C0] =	vst v63  }
0xf2: {  	_ = 	snop  }
0xf3: {  	[spmem:s1] =	stream.indirect.scatter.add.f32 [tilespmem:s22], [sflag:$0x3], $0x80, s18, s20, $0xb8;
	[tilespmem:$0x90C0] =	vst v63  }
0xf4: {  	_ =	swait.ge [sflag:s24], $0x2800  }
0xf5: {  	[sflag:s24] =	ssyncset.done $0x0  }
0xf6: {  	[sflag:s24] =	ssyncadd.s32 $0xFFFFD800  }
0xf7: {  	_ =	swait.ge [sflag:s24], $0x2800  }
0xf8: {  	[sflag:s24] =	ssyncset.done $0x0  }
0xf9: {  	[sflag:s24] =	ssyncadd.s32 $0xFFFFD800  }
0xfa: {  	s26 =	simm.s32 @p0 $0x1FC4;
	[bflag:$0x0] =	sbarrier.arrive $0xFFFF  }
0xfb: {  	[hbm:s10], [sflag:s26] =	dma.local @p0 [spmem:s14], $0x500  }
0xfc: {  	s26 =	simm.s32 @p0 $0x4  }
0xfd: {  	s25 =	sadd.s32 $0x1, s25;
	_ =	swait.ge @p0 [sflag:s26], $0x500  }
0xfe: {  	p1 =	sne.s32 s25, s11;
	[sflag:s26] =	ssyncset.done @p0 $0x0  }
.Ltmp2:
0xff: {  	[sflag:s26] =	ssyncadd.s32 @p0 $0xFFFFFB00;
	s26 =	simm.s32 @!p0 $0x4;
	(pc) =	sbr.rel @p1 .LBB2_1-.Ltmp2, $4  }
0x100: {  	[hbm:s9], [sflag:s15] =	dma.local @!p0 [spmem:s16], $0x800  }
0x101: {  	_ =	swait.ge @!p0 [sflag:s26], $0x800  }
0x102: {  	[sflag:s26] =	ssyncset.done @!p0 $0x0  }
0x103: {  	[sflag:s26] =	ssyncadd.s32 @!p0 $0xFFFFF800  }
0x104: {  	_ =	sfence.sel $0x180000  }
0x105: {  	[bflag:$0x0] =	sbarrier.arrive $0xFFFF  }
0x106: {  	p0 =	sne.s32 s5, $0x0;
	_ =	strace $0x9000004A  }
0x107: {  	s0 =	sadd.s32 @!p0 $0x100000, s0;
	[bflag:$0x2] =	sbarrier.arrive $0xFFFF  }
0x108: {  	[sflag:s0] =	ssyncadd.tile.s32 @!p0 $0x1;
	_ =	shalt  }
.Lfunc_end2:
_tile_overlayer_lowered:
.L_overlay_start_2:
0x109: {  	(tag) =	ssettag $0x2  }
0x10a: {  	s0 =	rddreg [dreg:$0x0];
	s2 =	stileid.u32  }
0x10b: {  	s1 =	rddreg [dreg:$0x1];
	p0 =	sne.s32 s2, $0x0  }
0x10c: {  	s3 =	rddreg [dreg:$0x2];
	[bflag:$0x3] =	sbarrier.arrive $0xFFFF;
	s2 =	simm.s32 @!p0 $0x1C04  }
0x10d: {  	[timem:s3], [sflag:s2] =	dma.local @!p0 [hbm:s0], s1  }
0x10e: {  	s0 =	simm.s32 @!p0 $0x4  }
0x10f: {  	_ =	swait.ge @!p0 [sflag:s0], s1  }
0x110: {  	s1 =	ssub.s32 @!p0 $0x0, s1;
	[sflag:s0] =	ssyncset.done @!p0 $0x0  }
0x111: {  	[sflag:s0] =	ssyncadd.s32 @!p0 s1  }
0x112: {  	[bflag:$0x3] =	sbarrier.arrive $0xFFFF  }
0x113: {  	_ =	shalt  }

// kernel: kernel.15.cloned.1.call-start
scs
__scs_entry_jumppad:
0x0: {  	(pc) =	sbr.rel $0x88, $3  }
0x1: {  	(tag) =	ssettag $0x0;
	lr =	simm.s32 $0x1  }
0x2: {  	[smem:$0x3F8B] =	sst lr;
	_ =	strace $0xD0000000  }
0x3: {  	_ = 	snop  }
0x4: {  	_ = 	snop  }
0x5: {  	_ = 	snop  }
0x6: {  	_ = 	snop  }
0x7: {  	_ = 	snop  }
__scs_overlays_trampoline_lowered:
0x8: {  	[smem:$0x3F9A] =	sst s0  }
0x9: {  	[smem:$0x3F9B] =	sst s1  }
0xa: {  	[smem:$0x3F9C] =	sst s2  }
0xb: {  	[smem:$0x3F9D] =	sst s3  }
0xc: {  	[smem:$0x3F9E] =	sst s4  }
0xd: {  	[smem:$0x3F9F] =	sst s5  }
0xe: {  	[smem:$0x3FA0] =	sst s6  }
0xf: {  	[smem:$0x3FA1] =	sst s7  }
0x10: {  	[smem:$0x3FA2] =	sst s8  }
0x11: {  	[smem:$0x3FA3] =	sst s9;
	s0 =	simm.s32 @!p0 $0x0  }
0x12: {  	s1 =	sld [smem:$0x3F89];
	s0 =	simm.s32 @p0 $0x1  }
0x13: {  	[smem:$0x3FA4] =	sst s0;
	s0 =	simm.s32 @!p1 $0x0  }
0x14: {  	s2 =	sld [smem:$0x3F88];
	s0 =	simm.s32 @p1 $0x1  }
0x15: {  	[smem:$0x3FA5] =	sst s0;
	s0 =	simm.s32 @!p2 $0x0  }
0x16: {  	s3 =	sld [smem:$0x3FDB];
	s0 =	simm.s32 @p2 $0x1  }
0x17: {  	s4 =	simm.s32 $0x1BF5;
	[smem:$0x3FA7] =	sst s0  }
0x18: {  	s0 =	sld [smem:$0x3F8A];
	_ =	swait.ge [sflag:s4], $0x0  }
0x19: {  	s7 =	sld [smem:$0x3F8B]  }
0x1a: {  	s8 =	sadd.s32 $0xFFFFE003, lr  }
0x1b: {  	s9 =	sadd.s32 $0xFFFFFEF7, lr;
	s5 =	simm.s32 $0xFFFFFFFF;
	p2 =	slt.u32 s8, $0xFFFFF086  }
0x1c: {  	p1 =	slt.u32 s9, $0xF7A;
	s5 =	simm.s32 @!p2 $0x0  }
0x1d: {  	s5 =	simm.s32 @p1 $0x1;
	p0 =	seq.s32 s7, s2  }
0x1e: {  	s7 =	smul.u32 @!p0 $0xF7A, s2;
	p2 =	seq.s32 @!p0 s5, $0x0  }
0x1f: {  	s9 =	smul.u32 $0xF7A, s1;
	s8 =	simm.s32 @!p0 $0x1BF5;
	p2 =	por !p2, p0  }
0x20: {  	[sflag:s8] =	ssyncset.s32 @!p0 $0xFFFFF086;
	s6 =	sadd.s32 @!p0 s3, s7;
	s7 =	simm.s32 @!p0 $0x108  }
0x21: {  	s3 =	sadd.s32 s3, s9;
	s6 =	sadd.s32 @!p0 $0x88, s6;
	s7 =	simm.s32 @p2 $0x1082  }
0x22: {  	[simem:s7], [sflag:s8] =	dma.local @!p0 [hbm:s6], $0xF7A  }
0x23: {  	s9 =	sor.u32 $0xD0000000, s2;
	s6 =	simm.s32 $0x108;
	_ =	swait.ge @!p0 [sflag:s8], $0x0  }
0x24: {  	s3 =	sadd.s32 $0x88, s3;
	s6 =	simm.s32 @!p1 $0x1082;
	[sflag:s4] =	ssyncset.s32 $0xFFFFF086  }
0x25: {  	[simem:s6], [sflag:s4] =	dma.local [hbm:s3], $0xF7A  }
0x26: {  	[smem:$0x3F8B] =	sst s1;
	(tag) =	ssettag s2;
	_ =	strace s9  }
0x27: {  	s1 =	sld [smem:$0x3F9B]  }
0x28: {  	s2 =	sld [smem:$0x3F9C]  }
0x29: {  	s4 =	sld [smem:$0x3F9E]  }
0x2a: {  	p0 =	seq.s32 s5, $0x0;
	s5 =	sld [smem:$0x3F9F]  }
0x2b: {  	s6 =	sld [smem:$0x3FA0]  }
0x2c: {  	s7 =	sld [smem:$0x3FA1]  }
0x2d: {  	s3 =	simm.s32 $0x108;
	s8 =	sld [smem:$0x3FA2]  }
0x2e: {  	s3 =	simm.s32 @!p0 $0x1082;
	s9 =	sld [smem:$0x3FA3]  }
0x2f: {  	lr =	sadd.s32 s0, s3;
	s0 =	sld [smem:$0x3F9A]  }
0x30: {  	s3 =	sld [smem:$0x3F9D]  }
0x31: {  	[smem:$0x3FA6] =	sst s10  }
0x32: {  	s10 =	sld [smem:$0x3FA4];
	_ =	sdelay $0x3  }
0x33: {  	p0 =	seq.s32 s10, $0x1;
	s10 =	sld [smem:$0x3FA6];
	_ =	sdelay $0x3  }
0x34: {  	[smem:$0x3FA6] =	sst s10  }
0x35: {  	s10 =	sld [smem:$0x3FA5];
	_ =	sdelay $0x3  }
0x36: {  	p1 =	seq.s32 s10, $0x1;
	s10 =	sld [smem:$0x3FA6];
	_ =	sdelay $0x3  }
0x37: {  	[smem:$0x3FA6] =	sst s10  }
0x38: {  	s10 =	sld [smem:$0x3FA7]  }
0x39: {  	_ = 	snop;
	(pc) =	sbr.ind lr, $3  }
0x3a: {  	_ = 	snop  }
0x3b: {  	_ = 	snop  }
0x3c: {  	p2 =	seq.s32 s10, $0x1;
	s10 =	sld [smem:$0x3FA6]  }
0x3d: {  	_ =	shalt  }
0x3e: {  	_ =	shalt  }
0x3f: {  	_ =	shalt  }
0x40: {  	_ =	shalt  }
0x41: {  	_ =	shalt  }
0x42: {  	_ =	shalt  }
0x43: {  	_ =	shalt  }
0x44: {  	_ =	shalt  }
0x45: {  	_ =	shalt  }
0x46: {  	_ =	shalt  }
0x47: {  	_ =	shalt  }
0x48: {  	_ =	shalt  }
0x49: {  	_ =	shalt  }
0x4a: {  	_ =	shalt  }
0x4b: {  	_ =	shalt  }
0x4c: {  	_ =	shalt  }
0x4d: {  	_ =	shalt  }
0x4e: {  	_ =	shalt  }
0x4f: {  	_ =	shalt  }
0x50: {  	_ =	shalt  }
0x51: {  	_ =	shalt  }
0x52: {  	_ =	shalt  }
0x53: {  	_ =	shalt  }
0x54: {  	_ =	shalt  }
0x55: {  	_ =	shalt  }
0x56: {  	_ =	shalt  }
0x57: {  	_ =	shalt  }
0x58: {  	_ =	shalt  }
0x59: {  	_ =	shalt  }
0x5a: {  	_ =	shalt  }
0x5b: {  	_ =	shalt  }
0x5c: {  	_ =	shalt  }
0x5d: {  	_ =	shalt  }
0x5e: {  	_ =	shalt  }
0x5f: {  	_ =	shalt  }
0x60: {  	_ =	shalt  }
0x61: {  	_ =	shalt  }
0x62: {  	_ =	shalt  }
0x63: {  	_ =	shalt  }
0x64: {  	_ =	shalt  }
0x65: {  	_ =	shalt  }
0x66: {  	_ =	shalt  }
0x67: {  	_ =	shalt  }
0x68: {  	_ =	shalt  }
0x69: {  	_ =	shalt  }
0x6a: {  	_ =	shalt  }
0x6b: {  	_ =	shalt  }
0x6c: {  	_ =	shalt  }
0x6d: {  	_ =	shalt  }
0x6e: {  	_ =	shalt  }
0x6f: {  	_ =	shalt  }
0x70: {  	_ =	shalt  }
0x71: {  	_ =	shalt  }
0x72: {  	_ =	shalt  }
0x73: {  	_ =	shalt  }
0x74: {  	_ =	shalt  }
0x75: {  	_ =	shalt  }
0x76: {  	_ =	shalt  }
0x77: {  	_ =	shalt  }
0x78: {  	_ =	shalt  }
0x79: {  	_ =	shalt  }
0x7a: {  	_ =	shalt  }
0x7b: {  	_ =	shalt  }
0x7c: {  	_ =	shalt  }
0x7d: {  	_ =	shalt  }
0x7e: {  	_ =	shalt  }
0x7f: {  	_ =	shalt  }
0x80: {  	_ =	shalt  }
0x81: {  	_ =	shalt  }
0x82: {  	_ =	shalt  }
0x83: {  	_ =	shalt  }
0x84: {  	_ =	shalt  }
0x85: {  	_ =	shalt  }
0x86: {  	_ =	shalt  }
0x87: {  	_ =	shalt  }
.Lfunc_end0:
.L_simem_size_0:
called_computation.2_lowered:
.L_overlay_start_0:
0x88: {  	s2 =	sld [smem:$0x3FD9]  }
0x89: {  	s3 =	sld [smem:$0x3FFE];
	_ =	sdelay $0x1  }
0x8a: {  	s1 =	srdreg.scid  }
0x8b: {  	s0 =	sand.u32 $0x1, s1  }
0x8c: {  	s14 =	sshll.u32 s0, $0xA;
	s2 =	sadd.s32 s3, s2  }
0x8d: {  	s2 =	sadd.s32 s2, s14  }
0x8e: {  	[smem:$0x3FB2] =	sst s2  }
0x8f: {  	_ = 	snop  }
0x90: {  	s2 =	sld [smem:$0x3FD0];
	_ =	sdelay $0x2  }
0x91: {  	s15 =	simm.s32 $0xA;
	s4 =	simm.s32 $0x10  }
0x92: {  	[smem:s4], [sflag:s15] =	dma.local [hbm:s2], $0x1  }
0x93: {  	_ =	swait.eq [sflag:s15], $0x1  }
0x94: {  	[sflag:s15] =	ssyncset.done $0x0  }
0x95: {  	s16 =	sld [smem:$0x10];
	[sflag:s15] =	ssyncadd.s32 $0xFFFFFFFF  }
0x96: {  	s17 =	sld [smem:$0x11];
	(tm) =	ssettm $0x1  }
0x97: {  	s18 =	sld [smem:$0x3FFB];
	_ =	sdelay $0x3  }
0x98: {  	_ =	strace s18  }
0x99: {  	s4 =	sld [smem:$0x3FFC];
	_ =	sdelay $0x3  }
0x9a: {  	_ =	strace s4  }
0x9b: {  	s4 =	sld [smem:$0x3FFD];
	_ =	sdelay $0x3  }
0x9c: {  	_ =	strace s4  }
0x9d: {  	_ =	strace $0x8FFFFFFF  }
0x9e: {  	s19 =	sld [smem:$0x3FDB];
	_ =	sdelay $0x1  }
0x9f: {  	s5 =	simm.s32 $_scs_section_size  }
0xa0: {  	s6 =	simm.s32 $_size__tile_overlayer_lowered;
	s7 =	simm.s32 $_tile_overlayer_lowered  }
0xa1: {  	s22 =	simm.s32 $0x1BFF;
	s21 =	sshll.u32 s7, $0x1;
	s4 =	sadd.s32 s5, s19  }
0xa2: {  	s8 =	simm.s32 $0x0;
	s20 =	sshll.u32 s6, $0x1;
	s6 =	sadd.s32 s21, s4  }
0xa3: {  	[timem:s8], [sflag:s22] =	dma.local [hbm:s6], s20  }
0xa4: {  	_ =	swait.ge [sflag:s22], s20  }
0xa5: {  	s5 =	ssub.s32 $0x0, s20;
	[sflag:s22] =	ssyncset.done $0x0  }
0xa6: {  	[sflag:s22] =	ssyncadd.s32 s5;
	_ =	sdelay $0x1  }
0xa7: {  	s23 =	simm.s32 $0x1B8B  }
0xa8: {  	_ =	swait.ge [sflag:s23], $0x1  }
0xa9: {  	[sflag:s23] =	ssyncset.done $0x0  }
0xaa: {  	s25 =	simm.s32 $0x1B8E;
	s24 =	sld [smem:$0x3FFE];
	[sflag:s23] =	ssyncadd.s32 $0xFFFFFFFF  }
0xab: {  	s26 =	simm.s32 $execute0_lowered;
	[smem:$0x3FD2] =	sst s25  }
0xac: {  	s6 =	sshll.u32 s26, $0x1;
	_ =	strace $0x8000004C;
	[dreg:$0x1] =	wrdreg $0xFFFFFFFF  }
0xad: {  	s28 =	simm.s32 $_size_execute0_lowered;
	s4 =	sadd.s32 s4, s6;
	[dreg:$0x0] =	wrdreg $0x0  }
0xae: {  	s6 =	sshll.u32 s28, $0x1;
	[dreg:$0x2] =	wrdreg s4  }
0xaf: {  	[dreg:$0x3] =	wrdreg s6  }
0xb0: {  	[dreg:$0x4] =	wrdreg $0xC0  }
0xb1: {  	_ =	task [dreg:s8], $0x5FFFF  }
0xb2: {  	[dreg:$0x1] =	wrdreg $0xFFFFFFFF  }
0xb3: {  	[dreg:$0x0] =	wrdreg $0x60  }
0xb4: {  	[dreg:$0x2] =	wrdreg s24  }
0xb5: {  	[dreg:$0x3] =	wrdreg s17  }
0xb6: {  	[dreg:$0x4] =	wrdreg s16  }
0xb7: {  	[dreg:$0x5] =	wrdreg $0x9  }
0xb8: {  	_ =	task.clear_ibuf [dreg:s8], $0x6FFFF;
	_ =	strace $0x9000004C  }
0xb9: {  	s29 =	simm.s32 $0x9;
	_ =	strace $0x8000004E  }
0xba: {  	_ =	swait.ge [sflag:s29], $0x1  }
0xbb: {  	[sflag:s29] =	ssyncadd.s32 $0xFFFFFFFF  }
0xbc: {  	_ =	strace $0x9000004E  }
0xbd: {  	_ =	sfence  }
0xbe: {  	s30 =	sld [smem:$0x0];
	_ =	sdelay $0x2  }
0xbf: {  	s31 =	sshll.u32 s1, $0xD;
	s1 =	sshrl.u32 s1, $0x2  }
0xc0: {  	s3 =	sand.u32 $0x4000, s31;
	s1 =	sadd.s32 s1, s30  }
0xc1: {  	s0 =	sor.u32 s3, s0;
	s1 =	sshll.u32 s1, $0x11  }
0xc2: {  	s0 =	sor.u32 s1, s0  }
0xc3: {  	s0 =	sadd.s32 $0x8F2B, s0  }
0xc4: {  	[sflag:s0] =	ssyncadd.remote.s32 $0x1  }
0xc5: {  	_ =	sfence.sel $0xFFFF  }
0xc6: {  	[dreg:$0x0] =	wrdreg $0xFFFFFFFF;
	(pc) =	sbr.abs _section_cstart, $3  }
0xc7: {  	[dreg:$0x1] =	wrdreg $0xFFFFFFFF  }
0xc8: {  	_ =	task.clear_ibuf [dreg:s8], $0x2FFFF;
	_ =	strace $0x9FFFFFFF  }
0xc9: {  	(tm) =	ssettm $0x7FFFFFFF  }
tec
execute0_lowered:
.L_overlay_start_1:
0x0: {  	(tag) =	ssettag $0x1  }
0x1: {  	s0 =	rddreg [dreg:$0x0]  }
0x2: {  	s4 =	rddreg [dreg:$0x1]  }
0x3: {  	s5 =	rddreg [dreg:$0x2]  }
0x4: {  	s3 =	srdreg.scid;
	s2 =	simm.s32 $0x0;
	s1 =	stileid.u32  }
0x5: {  	s28 =	simm.s32 $0x4880;
	s29 =	simm.s32 $0x5080;
	s30 =	simm.s32 $0x5480  }
0x6: {  	s31 =	simm.s32 $0x5C80;
	s6 =	sand.u32 $0x1, s3;
	[smem:$0x7FF] =	sst s2  }
0x7: {  	s17 =	sshll.u32 s1, $0x5;
	s3 =	sadd.s32 $0x5A00, s0;
	s18 =	sadd.s32 $0x3AFA00, s0  }
0x8: {  	s8 =	sadd.s32 $0x34800, s0;
	s14 =	sadd.s32 $0x3AFC00, s0;
	s20 =	sadd.s32 $0x64800, s0  }
0x9: {  	s22 =	sadd.s32 $0x94800, s0;
	s15 =	sadd.s32 $0xC4800, s0;
	s7 =	sshll.u32 s6, $0x4  }
0xa: {  	_ =	strace $0x8000004D;
	s6 =	ssub.s32 $0x2, s6;
	s9 =	sor.u32 s7, s17  }
0xb: {  	s26 =	sshrl.u32 s6, $0x1;
	s17 =	simm.s32 $0xC80;
	s10 =	smul.u32 $0x180, s9  }
0xc: {  	s11 =	sadd.s32 s4, s9;
	s12 =	sor.u32 $0x8, s9;
	s23 =	sadd.s32 s5, s9  }
0xd: {  	s16 =	ssub.s32 s6, s26;
	s26 =	simm.s32 $0x4480;
	[dreg:$0x4] =	wrdreg s11  }
0xe: {  	s13 =	smul.u32 $0x180, s12;
	s4 =	sadd.s32 s4, s12;
	[dreg:$0x8] =	wrdreg s23  }
0xf: {  	s25 =	sadd.s32 s5, s12;
	s5 =	sadd.s32 s18, s9;
	s7 =	sadd.s32 s18, s12  }
0x10: {  	s9 =	sadd.s32 s14, s9;
	s18 =	simm.s32 $0x1480;
	s23 =	simm.s32 $0x3080  }
0x11: {  	s19 =	sadd.s32 s8, s10;
	[dreg:$0x6] =	wrdreg s4;
	s24 =	sadd.s32 s20, s10  }
0x12: {  	[dreg:$0xa] =	wrdreg s25;
	s4 =	sadd.s32 $0x5B00, s0;
	s6 =	sadd.s32 s22, s10  }
0x13: {  	s10 =	sadd.s32 s15, s10;
	s25 =	simm.s32 $0x3C80;
	[dreg:$0x5] =	wrdreg s19  }
0x14: {  	s0 =	simm.s32 $0x1;
	s21 =	sadd.s32 s8, s13;
	[dreg:$0x9] =	wrdreg s24  }
0x15: {  	s11 =	sadd.s32 s20, s13;
	s8 =	sadd.s32 s22, s13;
	s19 =	simm.s32 $0x1880  }
0x16: {  	s20 =	simm.s32 $0x2080;
	s22 =	simm.s32 $0x2C80;
	[dreg:$0x7] =	wrdreg s21  }
0x17: {  	v2 =	vlaneseq.u32;
	s24 =	simm.s32 $0x3880;
	[dreg:$0xb] =	wrdreg s11;
	s11 =	sadd.s32 s14, s12  }
0x18: {  	vm0 =	vmmov $0xffff;
	vm1 =	vmmov $0xff;
	v1 =	vshrl.u32 v2, $0x3;
	s12 =	sadd.s32 s15, s13;
	s13 =	smax.u32 s16, $0x1;
	s14 =	simm.s32 $0x2  }
0x19: {  	v0 =	vand.u32 $0x7, v2;
	v2 =	vor.u32 $0x8, v2;
	v1 =	vmul.u32 $0x8, v1;
	s15 =	simm.s32 $0x80;
	s16 =	simm.s32 $0x880;
	s21 =	simm.s32 $0x2480  }
.LBB2_1:
0x1a: {  	s1 =	rddreg [dreg:$0x4]  }
0x1b: {  	[tilespmem:s2], [sflag:$0x2] =	stream.linear.gather [hbm4b:s1+s2], $0x40, $0x38;
	[tilespmem:$0x6080] =	vst v63  }
0x1c: {  	_ =	swait.ge [sflag:s14], $0x40  }
0x1d: {  	[sflag:s14] =	ssyncset.done $0x0  }
0x1e: {  	[sflag:s14] =	ssyncadd.s32 $0xFFFFFFC0  }
0x1f: {  	v3 =	vld [tilespmem:$0x0];
	_ =	sdelay $0x4  }
0x20: {  	v4 =	vshrl.u32 v3, $0x3  }
0x21: {  	v4 =	vmul.u32 $0x18, v4  }
0x22: {  	v3 =	vand.u32 $0x7, v3  }
0x23: {  	v3 =	vor.u32 v3, v4  }
0x24: {  	v4 =	vperm.xlane v3, v0;
	_ =	sdelay $0x1  }
0x25: {  	v4 =	vadd.s32 v1, v4;
	_ =	sdelay $0x1  }
0x26: {  	v3 =	vperm.xlane v3, v2;
	_ =	sdelay $0x1  }
0x27: {  	v3 =	vadd.s32 v1, v3  }
0x28: {  	[tilespmem:s15], [sflag:$0x1] =	stream.indirect_vreg.gather [hbm4b:s3+s2], $0x80, v4, vm0, $0xb8;
	[tilespmem:$0x6080] =	vst v63  }
0x29: {  	_ = 	snop  }
0x2a: {  	[tilespmem:s16], [sflag:$0x1] =	stream.indirect_vreg.gather [hbm4b:s4+s2], $0x80, v4, vm1, $0xb8;
	[tilespmem:$0x6080] =	vst v63  }
0x2b: {  	_ = 	snop  }
0x2c: {  	[tilespmem:s17], [sflag:$0x1] =	stream.indirect_vreg.gather [hbm4b:s3+s2], $0x80, v3, vm0, $0xb8;
	[tilespmem:$0x6080] =	vst v63  }
0x2d: {  	_ = 	snop  }
0x2e: {  	[tilespmem:s18], [sflag:$0x1] =	stream.indirect_vreg.gather [hbm4b:s4+s2], $0x80, v3, vm1, $0xb8;
	[tilespmem:$0x6080] =	vst v63  }
0x2f: {  	v3 =	vld [tilespmem:$0x10];
	_ =	sdelay $0x4  }
0x30: {  	v33 =	vshrl.u32 v3, $0x3  }
0x31: {  	v4 =	vmul.u32 $0x18, v33  }
0x32: {  	v3 =	vand.u32 $0x7, v3  }
0x33: {  	v3 =	vor.u32 v3, v4  }
0x34: {  	v4 =	vperm.xlane v3, v0;
	_ =	sdelay $0x1  }
0x35: {  	v4 =	vadd.s32 v1, v4;
	_ =	sdelay $0x1  }
0x36: {  	v3 =	vperm.xlane v3, v2;
	_ =	sdelay $0x1  }
0x37: {  	v3 =	vadd.s32 v1, v3  }
0x38: {  	[tilespmem:s19], [sflag:$0x1] =	stream.indirect_vreg.gather [hbm4b:s3+s2], $0x80, v4, vm0, $0xb8;
	[tilespmem:$0x6080] =	vst v63  }
0x39: {  	_ = 	snop  }
0x3a: {  	[tilespmem:s20], [sflag:$0x1] =	stream.indirect_vreg.gather [hbm4b:s4+s2], $0x80, v4, vm1, $0xb8;
	[tilespmem:$0x6080] =	vst v63  }
0x3b: {  	_ = 	snop  }
0x3c: {  	[tilespmem:s21], [sflag:$0x1] =	stream.indirect_vreg.gather [hbm4b:s3+s2], $0x80, v3, vm0, $0xb8;
	[tilespmem:$0x6080] =	vst v63  }
0x3d: {  	_ = 	snop  }
0x3e: {  	[tilespmem:s22], [sflag:$0x1] =	stream.indirect_vreg.gather [hbm4b:s4+s2], $0x80, v3, vm1, $0xb8;
	[tilespmem:$0x6080] =	vst v63  }
0x3f: {  	v3 =	vld [tilespmem:$0x20];
	_ =	sdelay $0x4  }
0x40: {  	v34 =	vshrl.u32 v3, $0x3  }
0x41: {  	v4 =	vmul.u32 $0x18, v34  }
0x42: {  	v3 =	vand.u32 $0x7, v3  }
0x43: {  	v3 =	vor.u32 v3, v4  }
0x44: {  	v4 =	vperm.xlane v3, v0;
	_ =	sdelay $0x1  }
0x45: {  	v4 =	vadd.s32 v1, v4;
	_ =	sdelay $0x1  }
0x46: {  	v3 =	vperm.xlane v3, v2;
	_ =	sdelay $0x1  }
0x47: {  	v3 =	vadd.s32 v1, v3  }
0x48: {  	[tilespmem:s23], [sflag:$0x1] =	stream.indirect_vreg.gather [hbm4b:s3+s2], $0x80, v4, vm0, $0xb8;
	[tilespmem:$0x6080] =	vst v63  }
0x49: {  	_ = 	snop  }
0x4a: {  	[tilespmem:s24], [sflag:$0x1] =	stream.indirect_vreg.gather [hbm4b:s4+s2], $0x80, v4, vm1, $0xb8;
	[tilespmem:$0x6080] =	vst v63  }
0x4b: {  	_ = 	snop  }
0x4c: {  	[tilespmem:s25], [sflag:$0x1] =	stream.indirect_vreg.gather [hbm4b:s3+s2], $0x80, v3, vm0, $0xb8;
	[tilespmem:$0x6080] =	vst v63  }
0x4d: {  	_ = 	snop  }
0x4e: {  	[tilespmem:s26], [sflag:$0x1] =	stream.indirect_vreg.gather [hbm4b:s4+s2], $0x80, v3, vm1, $0xb8;
	[tilespmem:$0x6080] =	vst v63  }
0x4f: {  	v3 =	vld [tilespmem:$0x30];
	_ =	sdelay $0x4  }
0x50: {  	v35 =	vshrl.u32 v3, $0x3  }
0x51: {  	v4 =	vmul.u32 $0x18, v35  }
0x52: {  	v3 =	vand.u32 $0x7, v3  }
0x53: {  	v3 =	vor.u32 v3, v4  }
0x54: {  	v4 =	vperm.xlane v3, v0;
	_ =	sdelay $0x1  }
0x55: {  	v4 =	vadd.s32 v1, v4;
	_ =	sdelay $0x1  }
0x56: {  	v3 =	vperm.xlane v3, v2;
	_ =	sdelay $0x1  }
0x57: {  	v3 =	vadd.s32 v1, v3  }
0x58: {  	[tilespmem:s28], [sflag:$0x1] =	stream.indirect_vreg.gather [hbm4b:s3+s2], $0x80, v4, vm0, $0xb8;
	[tilespmem:$0x6080] =	vst v63  }
0x59: {  	_ = 	snop  }
0x5a: {  	[tilespmem:s29], [sflag:$0x1] =	stream.indirect_vreg.gather [hbm4b:s4+s2], $0x80, v4, vm1, $0xb8;
	[tilespmem:$0x6080] =	vst v63  }
0x5b: {  	_ = 	snop  }
0x5c: {  	[tilespmem:s30], [sflag:$0x1] =	stream.indirect_vreg.gather [hbm4b:s3+s2], $0x80, v3, vm0, $0xb8;
	[tilespmem:$0x6080] =	vst v63  }
0x5d: {  	_ = 	snop  }
0x5e: {  	[tilespmem:s31], [sflag:$0x1] =	stream.indirect_vreg.gather [hbm4b:s4+s2], $0x80, v3, vm1, $0xb8;
	[tilespmem:$0x6080] =	vst v63  }
0x5f: {  	_ =	swait.ge [sflag:s0], $0x6000  }
0x60: {  	[sflag:s0] =	ssyncset.done $0x0  }
0x61: {  	s1 =	rddreg [dreg:$0x5];
	[sflag:s0] =	ssyncadd.s32 $0xFFFFA000  }
0x62: {  	[hbm4b:s1+s2] =	stream.linear.scatter [tilespmem:s15], [sflag:$0x2], $0x6000, $0x38;
	[tilespmem:$0x6080] =	vst v63  }
0x63: {  	_ =	swait.ge [sflag:s14], $0x6000  }
0x64: {  	[sflag:s14] =	ssyncset.done $0x0  }
0x65: {  	s1 =	rddreg [dreg:$0x6];
	[sflag:s14] =	ssyncadd.s32 $0xFFFFA000  }
0x66: {  	[tilespmem:s2], [sflag:$0x2] =	stream.linear.gather [hbm4b:s1+s2], $0x40, $0x38;
	[tilespmem:$0x6080] =	vst v63  }
0x67: {  	_ =	swait.ge [sflag:s14], $0x40  }
0x68: {  	[sflag:s14] =	ssyncset.done $0x0  }
0x69: {  	[sflag:s14] =	ssyncadd.s32 $0xFFFFFFC0  }
0x6a: {  	v3 =	vld [tilespmem:$0x0];
	_ =	sdelay $0x4  }
0x6b: {  	v36 =	vshrl.u32 v3, $0x3  }
0x6c: {  	v4 =	vmul.u32 $0x18, v36  }
0x6d: {  	v3 =	vand.u32 $0x7, v3  }
0x6e: {  	v3 =	vor.u32 v3, v4  }
0x6f: {  	v4 =	vperm.xlane v3, v0;
	_ =	sdelay $0x1  }
0x70: {  	v4 =	vadd.s32 v1, v4;
	_ =	sdelay $0x1  }
0x71: {  	v3 =	vperm.xlane v3, v2;
	_ =	sdelay $0x1  }
0x72: {  	v3 =	vadd.s32 v1, v3  }
0x73: {  	[tilespmem:s15], [sflag:$0x1] =	stream.indirect_vreg.gather [hbm4b:s3+s2], $0x80, v4, vm0, $0xb8;
	[tilespmem:$0x6080] =	vst v63  }
0x74: {  	_ = 	snop  }
0x75: {  	[tilespmem:s16], [sflag:$0x1] =	stream.indirect_vreg.gather [hbm4b:s4+s2], $0x80, v4, vm1, $0xb8;
	[tilespmem:$0x6080] =	vst v63  }
0x76: {  	_ = 	snop  }
0x77: {  	[tilespmem:s17], [sflag:$0x1] =	stream.indirect_vreg.gather [hbm4b:s3+s2], $0x80, v3, vm0, $0xb8;
	[tilespmem:$0x6080] =	vst v63  }
0x78: {  	_ = 	snop  }
0x79: {  	[tilespmem:s18], [sflag:$0x1] =	stream.indirect_vreg.gather [hbm4b:s4+s2], $0x80, v3, vm1, $0xb8;
	[tilespmem:$0x6080] =	vst v63  }
0x7a: {  	v3 =	vld [tilespmem:$0x10];
	_ =	sdelay $0x4  }
0x7b: {  	v37 =	vshrl.u32 v3, $0x3  }
0x7c: {  	v4 =	vmul.u32 $0x18, v37  }
0x7d: {  	v3 =	vand.u32 $0x7, v3  }
0x7e: {  	v3 =	vor.u32 v3, v4  }
0x7f: {  	v4 =	vperm.xlane v3, v0;
	_ =	sdelay $0x1  }
0x80: {  	v4 =	vadd.s32 v1, v4;
	_ =	sdelay $0x1  }
0x81: {  	v3 =	vperm.xlane v3, v2;
	_ =	sdelay $0x1  }
0x82: {  	v3 =	vadd.s32 v1, v3  }
0x83: {  	[tilespmem:s19], [sflag:$0x1] =	stream.indirect_vreg.gather [hbm4b:s3+s2], $0x80, v4, vm0, $0xb8;
	[tilespmem:$0x6080] =	vst v63  }
0x84: {  	_ = 	snop  }
0x85: {  	[tilespmem:s20], [sflag:$0x1] =	stream.indirect_vreg.gather [hbm4b:s4+s2], $0x80, v4, vm1, $0xb8;
	[tilespmem:$0x6080] =	vst v63  }
0x86: {  	_ = 	snop  }
0x87: {  	[tilespmem:s21], [sflag:$0x1] =	stream.indirect_vreg.gather [hbm4b:s3+s2], $0x80, v3, vm0, $0xb8;
	[tilespmem:$0x6080] =	vst v63  }
0x88: {  	_ = 	snop  }
0x89: {  	[tilespmem:s22], [sflag:$0x1] =	stream.indirect_vreg.gather [hbm4b:s4+s2], $0x80, v3, vm1, $0xb8;
	[tilespmem:$0x6080] =	vst v63  }
0x8a: {  	v3 =	vld [tilespmem:$0x20];
	_ =	sdelay $0x4  }
0x8b: {  	v38 =	vshrl.u32 v3, $0x3  }
0x8c: {  	v4 =	vmul.u32 $0x18, v38  }
0x8d: {  	v3 =	vand.u32 $0x7, v3  }
0x8e: {  	v3 =	vor.u32 v3, v4  }
0x8f: {  	v4 =	vperm.xlane v3, v0;
	_ =	sdelay $0x1  }
0x90: {  	v4 =	vadd.s32 v1, v4;
	_ =	sdelay $0x1  }
0x91: {  	v3 =	vperm.xlane v3, v2;
	_ =	sdelay $0x1  }
0x92: {  	v3 =	vadd.s32 v1, v3  }
0x93: {  	[tilespmem:s23], [sflag:$0x1] =	stream.indirect_vreg.gather [hbm4b:s3+s2], $0x80, v4, vm0, $0xb8;
	[tilespmem:$0x6080] =	vst v63  }
0x94: {  	_ = 	snop  }
0x95: {  	[tilespmem:s24], [sflag:$0x1] =	stream.indirect_vreg.gather [hbm4b:s4+s2], $0x80, v4, vm1, $0xb8;
	[tilespmem:$0x6080] =	vst v63  }
0x96: {  	_ = 	snop  }
0x97: {  	[tilespmem:s25], [sflag:$0x1] =	stream.indirect_vreg.gather [hbm4b:s3+s2], $0x80, v3, vm0, $0xb8;
	[tilespmem:$0x6080] =	vst v63  }
0x98: {  	_ = 	snop  }
0x99: {  	[tilespmem:s26], [sflag:$0x1] =	stream.indirect_vreg.gather [hbm4b:s4+s2], $0x80, v3, vm1, $0xb8;
	[tilespmem:$0x6080] =	vst v63  }
0x9a: {  	v3 =	vld [tilespmem:$0x30];
	_ =	sdelay $0x4  }
0x9b: {  	v39 =	vshrl.u32 v3, $0x3  }
0x9c: {  	v4 =	vmul.u32 $0x18, v39  }
0x9d: {  	v3 =	vand.u32 $0x7, v3  }
0x9e: {  	v3 =	vor.u32 v3, v4  }
0x9f: {  	v4 =	vperm.xlane v3, v0;
	_ =	sdelay $0x1  }
0xa0: {  	v4 =	vadd.s32 v1, v4;
	_ =	sdelay $0x1  }
0xa1: {  	v3 =	vperm.xlane v3, v2;
	_ =	sdelay $0x1  }
0xa2: {  	v3 =	vadd.s32 v1, v3  }
0xa3: {  	[tilespmem:s28], [sflag:$0x1] =	stream.indirect_vreg.gather [hbm4b:s3+s2], $0x80, v4, vm0, $0xb8;
	[tilespmem:$0x6080] =	vst v63  }
0xa4: {  	_ = 	snop  }
0xa5: {  	[tilespmem:s29], [sflag:$0x1] =	stream.indirect_vreg.gather [hbm4b:s4+s2], $0x80, v4, vm1, $0xb8;
	[tilespmem:$0x6080] =	vst v63  }
0xa6: {  	_ = 	snop  }
0xa7: {  	[tilespmem:s30], [sflag:$0x1] =	stream.indirect_vreg.gather [hbm4b:s3+s2], $0x80, v3, vm0, $0xb8;
	[tilespmem:$0x6080] =	vst v63  }
0xa8: {  	_ = 	snop  }
0xa9: {  	[tilespmem:s31], [sflag:$0x1] =	stream.indirect_vreg.gather [hbm4b:s4+s2], $0x80, v3, vm1, $0xb8;
	[tilespmem:$0x6080] =	vst v63  }
0xaa: {  	_ =	swait.ge [sflag:s0], $0x6000  }
0xab: {  	[sflag:s0] =	ssyncset.done $0x0  }
0xac: {  	s1 =	rddreg [dreg:$0x7];
	[sflag:s0] =	ssyncadd.s32 $0xFFFFA000  }
0xad: {  	[hbm4b:s1+s2] =	stream.linear.scatter [tilespmem:s15], [sflag:$0x2], $0x6000, $0x38;
	[tilespmem:$0x6080] =	vst v63  }
0xae: {  	_ =	swait.ge [sflag:s14], $0x6000  }
0xaf: {  	[sflag:s14] =	ssyncset.done $0x0  }
0xb0: {  	s1 =	rddreg [dreg:$0x8];
	[sflag:s14] =	ssyncadd.s32 $0xFFFFA000  }
0xb1: {  	[tilespmem:s2], [sflag:$0x2] =	stream.linear.gather [hbm4b:s1+s2], $0x40, $0x38;
	[tilespmem:$0x6080] =	vst v63  }
0xb2: {  	_ =	swait.ge [sflag:s14], $0x40  }
0xb3: {  	[sflag:s14] =	ssyncset.done $0x0  }
0xb4: {  	[sflag:s14] =	ssyncadd.s32 $0xFFFFFFC0  }
0xb5: {  	v3 =	vld [tilespmem:$0x0];
	_ =	sdelay $0x4  }
0xb6: {  	v40 =	vshrl.u32 v3, $0x3  }
0xb7: {  	v4 =	vmul.u32 $0x18, v40  }
0xb8: {  	v3 =	vand.u32 $0x7, v3  }
0xb9: {  	v3 =	vor.u32 v3, v4  }
0xba: {  	v4 =	vperm.xlane v3, v0;
	_ =	sdelay $0x1  }
0xbb: {  	v4 =	vadd.s32 v1, v4;
	_ =	sdelay $0x1  }
0xbc: {  	v3 =	vperm.xlane v3, v2;
	_ =	sdelay $0x1  }
0xbd: {  	v3 =	vadd.s32 v1, v3  }
0xbe: {  	[tilespmem:s15], [sflag:$0x1] =	stream.indirect_vreg.gather [hbm4b:s3+s2], $0x80, v4, vm0, $0xb8;
	[tilespmem:$0x6080] =	vst v63  }
0xbf: {  	_ = 	snop  }
0xc0: {  	[tilespmem:s16], [sflag:$0x1] =	stream.indirect_vreg.gather [hbm4b:s4+s2], $0x80, v4, vm1, $0xb8;
	[tilespmem:$0x6080] =	vst v63  }
0xc1: {  	_ = 	snop  }
0xc2: {  	[tilespmem:s17], [sflag:$0x1] =	stream.indirect_vreg.gather [hbm4b:s3+s2], $0x80, v3, vm0, $0xb8;
	[tilespmem:$0x6080] =	vst v63  }
0xc3: {  	_ = 	snop  }
0xc4: {  	[tilespmem:s18], [sflag:$0x1] =	stream.indirect_vreg.gather [hbm4b:s4+s2], $0x80, v3, vm1, $0xb8;
	[tilespmem:$0x6080] =	vst v63  }
0xc5: {  	v3 =	vld [tilespmem:$0x10];
	_ =	sdelay $0x4  }
0xc6: {  	v41 =	vshrl.u32 v3, $0x3  }
0xc7: {  	v4 =	vmul.u32 $0x18, v41  }
0xc8: {  	v3 =	vand.u32 $0x7, v3  }
0xc9: {  	v3 =	vor.u32 v3, v4  }
0xca: {  	v4 =	vperm.xlane v3, v0;
	_ =	sdelay $0x1  }
0xcb: {  	v4 =	vadd.s32 v1, v4;
	_ =	sdelay $0x1  }
0xcc: {  	v3 =	vperm.xlane v3, v2;
	_ =	sdelay $0x1  }
0xcd: {  	v3 =	vadd.s32 v1, v3  }
0xce: {  	[tilespmem:s19], [sflag:$0x1] =	stream.indirect_vreg.gather [hbm4b:s3+s2], $0x80, v4, vm0, $0xb8;
	[tilespmem:$0x6080] =	vst v63  }
0xcf: {  	_ = 	snop  }
0xd0: {  	[tilespmem:s20], [sflag:$0x1] =	stream.indirect_vreg.gather [hbm4b:s4+s2], $0x80, v4, vm1, $0xb8;
	[tilespmem:$0x6080] =	vst v63  }
0xd1: {  	_ = 	snop  }
0xd2: {  	[tilespmem:s21], [sflag:$0x1] =	stream.indirect_vreg.gather [hbm4b:s3+s2], $0x80, v3, vm0, $0xb8;
	[tilespmem:$0x6080] =	vst v63  }
0xd3: {  	_ = 	snop  }
0xd4: {  	[tilespmem:s22], [sflag:$0x1] =	stream.indirect_vreg.gather [hbm4b:s4+s2], $0x80, v3, vm1, $0xb8;
	[tilespmem:$0x6080] =	vst v63  }
0xd5: {  	v3 =	vld [tilespmem:$0x20];
	_ =	sdelay $0x4  }
0xd6: {  	v42 =	vshrl.u32 v3, $0x3  }
0xd7: {  	v4 =	vmul.u32 $0x18, v42  }
0xd8: {  	v3 =	vand.u32 $0x7, v3  }
0xd9: {  	v3 =	vor.u32 v3, v4  }
0xda: {  	v4 =	vperm.xlane v3, v0;
	_ =	sdelay $0x1  }
0xdb: {  	v4 =	vadd.s32 v1, v4;
	_ =	sdelay $0x1  }
0xdc: {  	v3 =	vperm.xlane v3, v2;
	_ =	sdelay $0x1  }
0xdd: {  	v3 =	vadd.s32 v1, v3  }
0xde: {  	[tilespmem:s23], [sflag:$0x1] =	stream.indirect_vreg.gather [hbm4b:s3+s2], $0x80, v4, vm0, $0xb8;
	[tilespmem:$0x6080] =	vst v63  }
0xdf: {  	_ = 	snop  }
0xe0: {  	[tilespmem:s24], [sflag:$0x1] =	stream.indirect_vreg.gather [hbm4b:s4+s2], $0x80, v4, vm1, $0xb8;
	[tilespmem:$0x6080] =	vst v63  }
0xe1: {  	_ = 	snop  }
0xe2: {  	[tilespmem:s25], [sflag:$0x1] =	stream.indirect_vreg.gather [hbm4b:s3+s2], $0x80, v3, vm0, $0xb8;
	[tilespmem:$0x6080] =	vst v63  }
0xe3: {  	_ = 	snop  }
0xe4: {  	[tilespmem:s26], [sflag:$0x1] =	stream.indirect_vreg.gather [hbm4b:s4+s2], $0x80, v3, vm1, $0xb8;
	[tilespmem:$0x6080] =	vst v63  }
0xe5: {  	v3 =	vld [tilespmem:$0x30];
	_ =	sdelay $0x4  }
0xe6: {  	v43 =	vshrl.u32 v3, $0x3  }
0xe7: {  	v4 =	vmul.u32 $0x18, v43  }
0xe8: {  	v3 =	vand.u32 $0x7, v3  }
0xe9: {  	v3 =	vor.u32 v3, v4  }
0xea: {  	v4 =	vperm.xlane v3, v0;
	_ =	sdelay $0x1  }
0xeb: {  	v4 =	vadd.s32 v1, v4;
	_ =	sdelay $0x1  }
0xec: {  	v3 =	vperm.xlane v3, v2;
	_ =	sdelay $0x1  }
0xed: {  	v3 =	vadd.s32 v1, v3  }
0xee: {  	[tilespmem:s28], [sflag:$0x1] =	stream.indirect_vreg.gather [hbm4b:s3+s2], $0x80, v4, vm0, $0xb8;
	[tilespmem:$0x6080] =	vst v63  }
0xef: {  	_ = 	snop  }
0xf0: {  	[tilespmem:s29], [sflag:$0x1] =	stream.indirect_vreg.gather [hbm4b:s4+s2], $0x80, v4, vm1, $0xb8;
	[tilespmem:$0x6080] =	vst v63  }
0xf1: {  	_ = 	snop  }
0xf2: {  	[tilespmem:s30], [sflag:$0x1] =	stream.indirect_vreg.gather [hbm4b:s3+s2], $0x80, v3, vm0, $0xb8;
	[tilespmem:$0x6080] =	vst v63  }
0xf3: {  	_ = 	snop  }
0xf4: {  	[tilespmem:s31], [sflag:$0x1] =	stream.indirect_vreg.gather [hbm4b:s4+s2], $0x80, v3, vm1, $0xb8;
	[tilespmem:$0x6080] =	vst v63  }
0xf5: {  	_ =	swait.ge [sflag:s0], $0x6000  }
0xf6: {  	[sflag:s0] =	ssyncset.done $0x0  }
0xf7: {  	s1 =	rddreg [dreg:$0x9];
	[sflag:s0] =	ssyncadd.s32 $0xFFFFA000  }
0xf8: {  	[hbm4b:s1+s2] =	stream.linear.scatter [tilespmem:s15], [sflag:$0x2], $0x6000, $0x38;
	[tilespmem:$0x6080] =	vst v63  }
0xf9: {  	_ =	swait.ge [sflag:s14], $0x6000  }
0xfa: {  	[sflag:s14] =	ssyncset.done $0x0  }
0xfb: {  	s1 =	rddreg [dreg:$0xa];
	[sflag:s14] =	ssyncadd.s32 $0xFFFFA000  }
0xfc: {  	[tilespmem:s2], [sflag:$0x2] =	stream.linear.gather [hbm4b:s1+s2], $0x40, $0x38;
	[tilespmem:$0x6080] =	vst v63  }
0xfd: {  	_ =	swait.ge [sflag:s14], $0x40  }
0xfe: {  	[sflag:s14] =	ssyncset.done $0x0  }
0xff: {  	[sflag:s14] =	ssyncadd.s32 $0xFFFFFFC0  }
0x100: {  	v3 =	vld [tilespmem:$0x0];
	_ =	sdelay $0x4  }
0x101: {  	v44 =	vshrl.u32 v3, $0x3  }
0x102: {  	v4 =	vmul.u32 $0x18, v44  }
0x103: {  	v3 =	vand.u32 $0x7, v3  }
0x104: {  	v3 =	vor.u32 v3, v4  }
0x105: {  	v4 =	vperm.xlane v3, v0;
	_ =	sdelay $0x1  }
0x106: {  	v4 =	vadd.s32 v1, v4;
	_ =	sdelay $0x1  }
0x107: {  	v3 =	vperm.xlane v3, v2;
	_ =	sdelay $0x1  }
0x108: {  	v3 =	vadd.s32 v1, v3  }
0x109: {  	[tilespmem:s15], [sflag:$0x1] =	stream.indirect_vreg.gather [hbm4b:s3+s2], $0x80, v4, vm0, $0xb8;
	[tilespmem:$0x6080] =	vst v63  }
0x10a: {  	_ = 	snop  }
0x10b: {  	[tilespmem:s16], [sflag:$0x1] =	stream.indirect_vreg.gather [hbm4b:s4+s2], $0x80, v4, vm1, $0xb8;
	[tilespmem:$0x6080] =	vst v63  }
0x10c: {  	_ = 	snop  }
0x10d: {  	[tilespmem:s17], [sflag:$0x1] =	stream.indirect_vreg.gather [hbm4b:s3+s2], $0x80, v3, vm0, $0xb8;
	[tilespmem:$0x6080] =	vst v63  }
0x10e: {  	_ = 	snop  }
0x10f: {  	[tilespmem:s18], [sflag:$0x1] =	stream.indirect_vreg.gather [hbm4b:s4+s2], $0x80, v3, vm1, $0xb8;
	[tilespmem:$0x6080] =	vst v63  }
0x110: {  	v3 =	vld [tilespmem:$0x10];
	_ =	sdelay $0x4  }
0x111: {  	v45 =	vshrl.u32 v3, $0x3  }
0x112: {  	v4 =	vmul.u32 $0x18, v45  }
0x113: {  	v3 =	vand.u32 $0x7, v3  }
0x114: {  	v3 =	vor.u32 v3, v4  }
0x115: {  	v4 =	vperm.xlane v3, v0;
	_ =	sdelay $0x1  }
0x116: {  	v4 =	vadd.s32 v1, v4;
	_ =	sdelay $0x1  }
0x117: {  	v3 =	vperm.xlane v3, v2;
	_ =	sdelay $0x1  }
0x118: {  	v3 =	vadd.s32 v1, v3  }
0x119: {  	[tilespmem:s19], [sflag:$0x1] =	stream.indirect_vreg.gather [hbm4b:s3+s2], $0x80, v4, vm0, $0xb8;
	[tilespmem:$0x6080] =	vst v63  }
0x11a: {  	_ = 	snop  }
0x11b: {  	[tilespmem:s20], [sflag:$0x1] =	stream.indirect_vreg.gather [hbm4b:s4+s2], $0x80, v4, vm1, $0xb8;
	[tilespmem:$0x6080] =	vst v63  }
0x11c: {  	_ = 	snop  }
0x11d: {  	[tilespmem:s21], [sflag:$0x1] =	stream.indirect_vreg.gather [hbm4b:s3+s2], $0x80, v3, vm0, $0xb8;
	[tilespmem:$0x6080] =	vst v63  }
0x11e: {  	_ = 	snop  }
0x11f: {  	[tilespmem:s22], [sflag:$0x1] =	stream.indirect_vreg.gather [hbm4b:s4+s2], $0x80, v3, vm1, $0xb8;
	[tilespmem:$0x6080] =	vst v63  }
0x120: {  	v3 =	vld [tilespmem:$0x20];
	_ =	sdelay $0x4  }
0x121: {  	v46 =	vshrl.u32 v3, $0x3  }
0x122: {  	v4 =	vmul.u32 $0x18, v46  }
0x123: {  	v3 =	vand.u32 $0x7, v3  }
0x124: {  	v3 =	vor.u32 v3, v4  }
0x125: {  	v4 =	vperm.xlane v3, v0;
	_ =	sdelay $0x1  }
0x126: {  	v4 =	vadd.s32 v1, v4;
	_ =	sdelay $0x1  }
0x127: {  	v3 =	vperm.xlane v3, v2;
	_ =	sdelay $0x1  }
0x128: {  	v3 =	vadd.s32 v1, v3  }
0x129: {  	[tilespmem:s23], [sflag:$0x1] =	stream.indirect_vreg.gather [hbm4b:s3+s2], $0x80, v4, vm0, $0xb8;
	[tilespmem:$0x6080] =	vst v63  }
0x12a: {  	_ = 	snop  }
0x12b: {  	[tilespmem:s24], [sflag:$0x1] =	stream.indirect_vreg.gather [hbm4b:s4+s2], $0x80, v4, vm1, $0xb8;
	[tilespmem:$0x6080] =	vst v63  }
0x12c: {  	_ = 	snop  }
0x12d: {  	[tilespmem:s25], [sflag:$0x1] =	stream.indirect_vreg.gather [hbm4b:s3+s2], $0x80, v3, vm0, $0xb8;
	[tilespmem:$0x6080] =	vst v63  }
0x12e: {  	_ = 	snop  }
0x12f: {  	[tilespmem:s26], [sflag:$0x1] =	stream.indirect_vreg.gather [hbm4b:s4+s2], $0x80, v3, vm1, $0xb8;
	[tilespmem:$0x6080] =	vst v63  }
0x130: {  	v3 =	vld [tilespmem:$0x30];
	_ =	sdelay $0x4  }
0x131: {  	v47 =	vshrl.u32 v3, $0x3  }
0x132: {  	v4 =	vmul.u32 $0x18, v47  }
0x133: {  	v3 =	vand.u32 $0x7, v3  }
0x134: {  	v3 =	vor.u32 v3, v4  }
0x135: {  	v4 =	vperm.xlane v3, v0;
	_ =	sdelay $0x1  }
0x136: {  	v4 =	vadd.s32 v1, v4;
	_ =	sdelay $0x1  }
0x137: {  	v3 =	vperm.xlane v3, v2;
	_ =	sdelay $0x1  }
0x138: {  	v3 =	vadd.s32 v1, v3  }
0x139: {  	[tilespmem:s28], [sflag:$0x1] =	stream.indirect_vreg.gather [hbm4b:s3+s2], $0x80, v4, vm0, $0xb8;
	[tilespmem:$0x6080] =	vst v63  }
0x13a: {  	_ = 	snop  }
0x13b: {  	[tilespmem:s29], [sflag:$0x1] =	stream.indirect_vreg.gather [hbm4b:s4+s2], $0x80, v4, vm1, $0xb8;
	[tilespmem:$0x6080] =	vst v63  }
0x13c: {  	_ = 	snop  }
0x13d: {  	[tilespmem:s30], [sflag:$0x1] =	stream.indirect_vreg.gather [hbm4b:s3+s2], $0x80, v3, vm0, $0xb8;
	[tilespmem:$0x6080] =	vst v63  }
0x13e: {  	_ = 	snop  }
0x13f: {  	[tilespmem:s31], [sflag:$0x1] =	stream.indirect_vreg.gather [hbm4b:s4+s2], $0x80, v3, vm1, $0xb8;
	[tilespmem:$0x6080] =	vst v63  }
0x140: {  	_ =	swait.ge [sflag:s0], $0x6000  }
0x141: {  	[sflag:s0] =	ssyncset.done $0x0  }
0x142: {  	s1 =	rddreg [dreg:$0xb];
	[sflag:s0] =	ssyncadd.s32 $0xFFFFA000  }
0x143: {  	[hbm4b:s1+s2] =	stream.linear.scatter [tilespmem:s15], [sflag:$0x2], $0x6000, $0x38;
	[tilespmem:$0x6080] =	vst v63  }
0x144: {  	_ =	swait.ge [sflag:s14], $0x6000  }
0x145: {  	[sflag:s14] =	ssyncset.done $0x0  }
0x146: {  	[sflag:s14] =	ssyncadd.s32 $0xFFFFA000  }
0x147: {  	[tilespmem:s2], [sflag:$0x2] =	stream.linear.gather [hbm4b:s5+s2], $0x40, $0x38;
	[tilespmem:$0x6080] =	vst v63  }
0x148: {  	_ =	swait.ge [sflag:s14], $0x40  }
0x149: {  	[sflag:s14] =	ssyncset.done $0x0  }
0x14a: {  	[sflag:s14] =	ssyncadd.s32 $0xFFFFFFC0  }
0x14b: {  	v3 =	vld [tilespmem:$0x0];
	_ =	sdelay $0x4  }
0x14c: {  	v48 =	vshrl.u32 v3, $0x3  }
0x14d: {  	v4 =	vmul.u32 $0x18, v48  }
0x14e: {  	v3 =	vand.u32 $0x7, v3  }
0x14f: {  	v3 =	vor.u32 v3, v4  }
0x150: {  	v4 =	vperm.xlane v3, v0;
	_ =	sdelay $0x1  }
0x151: {  	v4 =	vadd.s32 v1, v4;
	_ =	sdelay $0x1  }
0x152: {  	v3 =	vperm.xlane v3, v2;
	_ =	sdelay $0x1  }
0x153: {  	v3 =	vadd.s32 v1, v3  }
0x154: {  	[tilespmem:s15], [sflag:$0x1] =	stream.indirect_vreg.gather [hbm4b:s3+s2], $0x80, v4, vm0, $0xb8;
	[tilespmem:$0x6080] =	vst v63  }
0x155: {  	_ = 	snop  }
0x156: {  	[tilespmem:s16], [sflag:$0x1] =	stream.indirect_vreg.gather [hbm4b:s4+s2], $0x80, v4, vm1, $0xb8;
	[tilespmem:$0x6080] =	vst v63  }
0x157: {  	_ = 	snop  }
0x158: {  	[tilespmem:s17], [sflag:$0x1] =	stream.indirect_vreg.gather [hbm4b:s3+s2], $0x80, v3, vm0, $0xb8;
	[tilespmem:$0x6080] =	vst v63  }
0x159: {  	_ = 	snop  }
0x15a: {  	[tilespmem:s18], [sflag:$0x1] =	stream.indirect_vreg.gather [hbm4b:s4+s2], $0x80, v3, vm1, $0xb8;
	[tilespmem:$0x6080] =	vst v63  }
0x15b: {  	v3 =	vld [tilespmem:$0x10];
	_ =	sdelay $0x4  }
0x15c: {  	v49 =	vshrl.u32 v3, $0x3  }
0x15d: {  	v4 =	vmul.u32 $0x18, v49  }
0x15e: {  	v3 =	vand.u32 $0x7, v3  }
0x15f: {  	v3 =	vor.u32 v3, v4  }
0x160: {  	v4 =	vperm.xlane v3, v0;
	_ =	sdelay $0x1  }
0x161: {  	v4 =	vadd.s32 v1, v4;
	_ =	sdelay $0x1  }
0x162: {  	v3 =	vperm.xlane v3, v2;
	_ =	sdelay $0x1  }
0x163: {  	v3 =	vadd.s32 v1, v3  }
0x164: {  	[tilespmem:s19], [sflag:$0x1] =	stream.indirect_vreg.gather [hbm4b:s3+s2], $0x80, v4, vm0, $0xb8;
	[tilespmem:$0x6080] =	vst v63  }
0x165: {  	_ = 	snop  }
0x166: {  	[tilespmem:s20], [sflag:$0x1] =	stream.indirect_vreg.gather [hbm4b:s4+s2], $0x80, v4, vm1, $0xb8;
	[tilespmem:$0x6080] =	vst v63  }
0x167: {  	_ = 	snop  }
0x168: {  	[tilespmem:s21], [sflag:$0x1] =	stream.indirect_vreg.gather [hbm4b:s3+s2], $0x80, v3, vm0, $0xb8;
	[tilespmem:$0x6080] =	vst v63  }
0x169: {  	_ = 	snop  }
0x16a: {  	[tilespmem:s22], [sflag:$0x1] =	stream.indirect_vreg.gather [hbm4b:s4+s2], $0x80, v3, vm1, $0xb8;
	[tilespmem:$0x6080] =	vst v63  }
0x16b: {  	v3 =	vld [tilespmem:$0x20];
	_ =	sdelay $0x4  }
0x16c: {  	v50 =	vshrl.u32 v3, $0x3  }
0x16d: {  	v4 =	vmul.u32 $0x18, v50  }
0x16e: {  	v3 =	vand.u32 $0x7, v3  }
0x16f: {  	v3 =	vor.u32 v3, v4  }
0x170: {  	v4 =	vperm.xlane v3, v0;
	_ =	sdelay $0x1  }
0x171: {  	v4 =	vadd.s32 v1, v4;
	_ =	sdelay $0x1  }
0x172: {  	v3 =	vperm.xlane v3, v2;
	_ =	sdelay $0x1  }
0x173: {  	v3 =	vadd.s32 v1, v3  }
0x174: {  	[tilespmem:s23], [sflag:$0x1] =	stream.indirect_vreg.gather [hbm4b:s3+s2], $0x80, v4, vm0, $0xb8;
	[tilespmem:$0x6080] =	vst v63  }
0x175: {  	_ = 	snop  }
0x176: {  	[tilespmem:s24], [sflag:$0x1] =	stream.indirect_vreg.gather [hbm4b:s4+s2], $0x80, v4, vm1, $0xb8;
	[tilespmem:$0x6080] =	vst v63  }
0x177: {  	_ = 	snop  }
0x178: {  	[tilespmem:s25], [sflag:$0x1] =	stream.indirect_vreg.gather [hbm4b:s3+s2], $0x80, v3, vm0, $0xb8;
	[tilespmem:$0x6080] =	vst v63  }
0x179: {  	_ = 	snop  }
0x17a: {  	[tilespmem:s26], [sflag:$0x1] =	stream.indirect_vreg.gather [hbm4b:s4+s2], $0x80, v3, vm1, $0xb8;
	[tilespmem:$0x6080] =	vst v63  }
0x17b: {  	v3 =	vld [tilespmem:$0x30];
	_ =	sdelay $0x4  }
0x17c: {  	v51 =	vshrl.u32 v3, $0x3  }
0x17d: {  	v4 =	vmul.u32 $0x18, v51  }
0x17e: {  	v3 =	vand.u32 $0x7, v3  }
0x17f: {  	v3 =	vor.u32 v3, v4  }
0x180: {  	v4 =	vperm.xlane v3, v0;
	_ =	sdelay $0x1  }
0x181: {  	v4 =	vadd.s32 v1, v4;
	_ =	sdelay $0x1  }
0x182: {  	v3 =	vperm.xlane v3, v2;
	_ =	sdelay $0x1  }
0x183: {  	v3 =	vadd.s32 v1, v3  }
0x184: {  	[tilespmem:s28], [sflag:$0x1] =	stream.indirect_vreg.gather [hbm4b:s3+s2], $0x80, v4, vm0, $0xb8;
	[tilespmem:$0x6080] =	vst v63  }
0x185: {  	_ = 	snop  }
0x186: {  	[tilespmem:s29], [sflag:$0x1] =	stream.indirect_vreg.gather [hbm4b:s4+s2], $0x80, v4, vm1, $0xb8;
	[tilespmem:$0x6080] =	vst v63  }
0x187: {  	_ = 	snop  }
0x188: {  	[tilespmem:s30], [sflag:$0x1] =	stream.indirect_vreg.gather [hbm4b:s3+s2], $0x80, v3, vm0, $0xb8;
	[tilespmem:$0x6080] =	vst v63  }
0x189: {  	_ = 	snop  }
0x18a: {  	[tilespmem:s31], [sflag:$0x1] =	stream.indirect_vreg.gather [hbm4b:s4+s2], $0x80, v3, vm1, $0xb8;
	[tilespmem:$0x6080] =	vst v63  }
0x18b: {  	_ =	swait.ge [sflag:s0], $0x6000  }
0x18c: {  	[sflag:s0] =	ssyncset.done $0x0  }
0x18d: {  	[sflag:s0] =	ssyncadd.s32 $0xFFFFA000  }
0x18e: {  	[hbm4b:s6+s2] =	stream.linear.scatter [tilespmem:s15], [sflag:$0x2], $0x6000, $0x38;
	[tilespmem:$0x6080] =	vst v63  }
0x18f: {  	_ =	swait.ge [sflag:s14], $0x6000  }
0x190: {  	[sflag:s14] =	ssyncset.done $0x0  }
0x191: {  	[sflag:s14] =	ssyncadd.s32 $0xFFFFA000  }
0x192: {  	[tilespmem:s2], [sflag:$0x2] =	stream.linear.gather [hbm4b:s7+s2], $0x40, $0x38;
	[tilespmem:$0x6080] =	vst v63  }
0x193: {  	_ =	swait.ge [sflag:s14], $0x40  }
0x194: {  	[sflag:s14] =	ssyncset.done $0x0  }
0x195: {  	[sflag:s14] =	ssyncadd.s32 $0xFFFFFFC0  }
0x196: {  	v3 =	vld [tilespmem:$0x0];
	_ =	sdelay $0x4  }
0x197: {  	v52 =	vshrl.u32 v3, $0x3  }
0x198: {  	v4 =	vmul.u32 $0x18, v52  }
0x199: {  	v3 =	vand.u32 $0x7, v3  }
0x19a: {  	v3 =	vor.u32 v3, v4  }
0x19b: {  	v4 =	vperm.xlane v3, v0;
	_ =	sdelay $0x1  }
0x19c: {  	v4 =	vadd.s32 v1, v4;
	_ =	sdelay $0x1  }
0x19d: {  	v3 =	vperm.xlane v3, v2;
	_ =	sdelay $0x1  }
0x19e: {  	v3 =	vadd.s32 v1, v3  }
0x19f: {  	[tilespmem:s15], [sflag:$0x1] =	stream.indirect_vreg.gather [hbm4b:s3+s2], $0x80, v4, vm0, $0xb8;
	[tilespmem:$0x6080] =	vst v63  }
0x1a0: {  	_ = 	snop  }
0x1a1: {  	[tilespmem:s16], [sflag:$0x1] =	stream.indirect_vreg.gather [hbm4b:s4+s2], $0x80, v4, vm1, $0xb8;
	[tilespmem:$0x6080] =	vst v63  }
0x1a2: {  	_ = 	snop  }
0x1a3: {  	[tilespmem:s17], [sflag:$0x1] =	stream.indirect_vreg.gather [hbm4b:s3+s2], $0x80, v3, vm0, $0xb8;
	[tilespmem:$0x6080] =	vst v63  }
0x1a4: {  	_ = 	snop  }
0x1a5: {  	[tilespmem:s18], [sflag:$0x1] =	stream.indirect_vreg.gather [hbm4b:s4+s2], $0x80, v3, vm1, $0xb8;
	[tilespmem:$0x6080] =	vst v63  }
0x1a6: {  	v3 =	vld [tilespmem:$0x10];
	_ =	sdelay $0x4  }
0x1a7: {  	v53 =	vshrl.u32 v3, $0x3  }
0x1a8: {  	v4 =	vmul.u32 $0x18, v53  }
0x1a9: {  	v3 =	vand.u32 $0x7, v3  }
0x1aa: {  	v3 =	vor.u32 v3, v4  }
0x1ab: {  	v4 =	vperm.xlane v3, v0;
	_ =	sdelay $0x1  }
0x1ac: {  	v4 =	vadd.s32 v1, v4;
	_ =	sdelay $0x1  }
0x1ad: {  	v3 =	vperm.xlane v3, v2;
	_ =	sdelay $0x1  }
0x1ae: {  	v3 =	vadd.s32 v1, v3  }
0x1af: {  	[tilespmem:s19], [sflag:$0x1] =	stream.indirect_vreg.gather [hbm4b:s3+s2], $0x80, v4, vm0, $0xb8;
	[tilespmem:$0x6080] =	vst v63  }
0x1b0: {  	_ = 	snop  }
0x1b1: {  	[tilespmem:s20], [sflag:$0x1] =	stream.indirect_vreg.gather [hbm4b:s4+s2], $0x80, v4, vm1, $0xb8;
	[tilespmem:$0x6080] =	vst v63  }
0x1b2: {  	_ = 	snop  }
0x1b3: {  	[tilespmem:s21], [sflag:$0x1] =	stream.indirect_vreg.gather [hbm4b:s3+s2], $0x80, v3, vm0, $0xb8;
	[tilespmem:$0x6080] =	vst v63  }
0x1b4: {  	_ = 	snop  }
0x1b5: {  	[tilespmem:s22], [sflag:$0x1] =	stream.indirect_vreg.gather [hbm4b:s4+s2], $0x80, v3, vm1, $0xb8;
	[tilespmem:$0x6080] =	vst v63  }
0x1b6: {  	v3 =	vld [tilespmem:$0x20];
	_ =	sdelay $0x4  }
0x1b7: {  	v54 =	vshrl.u32 v3, $0x3  }
0x1b8: {  	v4 =	vmul.u32 $0x18, v54  }
0x1b9: {  	v3 =	vand.u32 $0x7, v3  }
0x1ba: {  	v3 =	vor.u32 v3, v4  }
0x1bb: {  	v4 =	vperm.xlane v3, v0;
	_ =	sdelay $0x1  }
0x1bc: {  	v4 =	vadd.s32 v1, v4;
	_ =	sdelay $0x1  }
0x1bd: {  	v3 =	vperm.xlane v3, v2;
	_ =	sdelay $0x1  }
0x1be: {  	v3 =	vadd.s32 v1, v3  }
0x1bf: {  	[tilespmem:s23], [sflag:$0x1] =	stream.indirect_vreg.gather [hbm4b:s3+s2], $0x80, v4, vm0, $0xb8;
	[tilespmem:$0x6080] =	vst v63  }
0x1c0: {  	_ = 	snop  }
0x1c1: {  	[tilespmem:s24], [sflag:$0x1] =	stream.indirect_vreg.gather [hbm4b:s4+s2], $0x80, v4, vm1, $0xb8;
	[tilespmem:$0x6080] =	vst v63  }
0x1c2: {  	_ = 	snop  }
0x1c3: {  	[tilespmem:s25], [sflag:$0x1] =	stream.indirect_vreg.gather [hbm4b:s3+s2], $0x80, v3, vm0, $0xb8;
	[tilespmem:$0x6080] =	vst v63  }
0x1c4: {  	_ = 	snop  }
0x1c5: {  	[tilespmem:s26], [sflag:$0x1] =	stream.indirect_vreg.gather [hbm4b:s4+s2], $0x80, v3, vm1, $0xb8;
	[tilespmem:$0x6080] =	vst v63  }
0x1c6: {  	v3 =	vld [tilespmem:$0x30];
	_ =	sdelay $0x4  }
0x1c7: {  	v55 =	vshrl.u32 v3, $0x3  }
0x1c8: {  	v4 =	vmul.u32 $0x18, v55  }
0x1c9: {  	v3 =	vand.u32 $0x7, v3  }
0x1ca: {  	v3 =	vor.u32 v3, v4  }
0x1cb: {  	v4 =	vperm.xlane v3, v0;
	_ =	sdelay $0x1  }
0x1cc: {  	v4 =	vadd.s32 v1, v4;
	_ =	sdelay $0x1  }
0x1cd: {  	v3 =	vperm.xlane v3, v2;
	_ =	sdelay $0x1  }
0x1ce: {  	v3 =	vadd.s32 v1, v3  }
0x1cf: {  	[tilespmem:s28], [sflag:$0x1] =	stream.indirect_vreg.gather [hbm4b:s3+s2], $0x80, v4, vm0, $0xb8;
	[tilespmem:$0x6080] =	vst v63  }
0x1d0: {  	_ = 	snop  }
0x1d1: {  	[tilespmem:s29], [sflag:$0x1] =	stream.indirect_vreg.gather [hbm4b:s4+s2], $0x80, v4, vm1, $0xb8;
	[tilespmem:$0x6080] =	vst v63  }
0x1d2: {  	_ = 	snop  }
0x1d3: {  	[tilespmem:s30], [sflag:$0x1] =	stream.indirect_vreg.gather [hbm4b:s3+s2], $0x80, v3, vm0, $0xb8;
	[tilespmem:$0x6080] =	vst v63  }
0x1d4: {  	_ = 	snop  }
0x1d5: {  	[tilespmem:s31], [sflag:$0x1] =	stream.indirect_vreg.gather [hbm4b:s4+s2], $0x80, v3, vm1, $0xb8;
	[tilespmem:$0x6080] =	vst v63  }
0x1d6: {  	_ =	swait.ge [sflag:s0], $0x6000  }
0x1d7: {  	[sflag:s0] =	ssyncset.done $0x0  }
0x1d8: {  	[sflag:s0] =	ssyncadd.s32 $0xFFFFA000  }
0x1d9: {  	[hbm4b:s8+s2] =	stream.linear.scatter [tilespmem:s15], [sflag:$0x2], $0x6000, $0x38;
	[tilespmem:$0x6080] =	vst v63  }
0x1da: {  	_ =	swait.ge [sflag:s14], $0x6000  }
0x1db: {  	[sflag:s14] =	ssyncset.done $0x0  }
0x1dc: {  	[sflag:s14] =	ssyncadd.s32 $0xFFFFA000  }
0x1dd: {  	[tilespmem:s2], [sflag:$0x2] =	stream.linear.gather [hbm4b:s9+s2], $0x40, $0x38;
	[tilespmem:$0x6080] =	vst v63  }
0x1de: {  	_ =	swait.ge [sflag:s14], $0x40  }
0x1df: {  	[sflag:s14] =	ssyncset.done $0x0  }
0x1e0: {  	[sflag:s14] =	ssyncadd.s32 $0xFFFFFFC0  }
0x1e1: {  	v3 =	vld [tilespmem:$0x0];
	_ =	sdelay $0x4  }
0x1e2: {  	v56 =	vshrl.u32 v3, $0x3  }
0x1e3: {  	v4 =	vmul.u32 $0x18, v56  }
0x1e4: {  	v3 =	vand.u32 $0x7, v3  }
0x1e5: {  	v3 =	vor.u32 v3, v4  }
0x1e6: {  	v4 =	vperm.xlane v3, v0;
	_ =	sdelay $0x1  }
0x1e7: {  	v4 =	vadd.s32 v1, v4;
	_ =	sdelay $0x1  }
0x1e8: {  	v3 =	vperm.xlane v3, v2;
	_ =	sdelay $0x1  }
0x1e9: {  	v3 =	vadd.s32 v1, v3  }
0x1ea: {  	[tilespmem:s15], [sflag:$0x1] =	stream.indirect_vreg.gather [hbm4b:s3+s2], $0x80, v4, vm0, $0xb8;
	[tilespmem:$0x6080] =	vst v63  }
0x1eb: {  	_ = 	snop  }
0x1ec: {  	[tilespmem:s16], [sflag:$0x1] =	stream.indirect_vreg.gather [hbm4b:s4+s2], $0x80, v4, vm1, $0xb8;
	[tilespmem:$0x6080] =	vst v63  }
0x1ed: {  	_ = 	snop  }
0x1ee: {  	[tilespmem:s17], [sflag:$0x1] =	stream.indirect_vreg.gather [hbm4b:s3+s2], $0x80, v3, vm0, $0xb8;
	[tilespmem:$0x6080] =	vst v63  }
0x1ef: {  	_ = 	snop  }
0x1f0: {  	[tilespmem:s18], [sflag:$0x1] =	stream.indirect_vreg.gather [hbm4b:s4+s2], $0x80, v3, vm1, $0xb8;
	[tilespmem:$0x6080] =	vst v63  }
0x1f1: {  	v3 =	vld [tilespmem:$0x10];
	_ =	sdelay $0x4  }
0x1f2: {  	v57 =	vshrl.u32 v3, $0x3  }
0x1f3: {  	v4 =	vmul.u32 $0x18, v57  }
0x1f4: {  	v3 =	vand.u32 $0x7, v3  }
0x1f5: {  	v3 =	vor.u32 v3, v4  }
0x1f6: {  	v4 =	vperm.xlane v3, v0;
	_ =	sdelay $0x1  }
0x1f7: {  	v4 =	vadd.s32 v1, v4;
	_ =	sdelay $0x1  }
0x1f8: {  	v3 =	vperm.xlane v3, v2;
	_ =	sdelay $0x1  }
0x1f9: {  	v3 =	vadd.s32 v1, v3  }
0x1fa: {  	[tilespmem:s19], [sflag:$0x1] =	stream.indirect_vreg.gather [hbm4b:s3+s2], $0x80, v4, vm0, $0xb8;
	[tilespmem:$0x6080] =	vst v63  }
0x1fb: {  	_ = 	snop  }
0x1fc: {  	[tilespmem:s20], [sflag:$0x1] =	stream.indirect_vreg.gather [hbm4b:s4+s2], $0x80, v4, vm1, $0xb8;
	[tilespmem:$0x6080] =	vst v63  }
0x1fd: {  	_ = 	snop  }
0x1fe: {  	[tilespmem:s21], [sflag:$0x1] =	stream.indirect_vreg.gather [hbm4b:s3+s2], $0x80, v3, vm0, $0xb8;
	[tilespmem:$0x6080] =	vst v63  }
0x1ff: {  	_ = 	snop  }
0x200: {  	[tilespmem:s22], [sflag:$0x1] =	stream.indirect_vreg.gather [hbm4b:s4+s2], $0x80, v3, vm1, $0xb8;
	[tilespmem:$0x6080] =	vst v63  }
0x201: {  	v3 =	vld [tilespmem:$0x20];
	_ =	sdelay $0x4  }
0x202: {  	v58 =	vshrl.u32 v3, $0x3  }
0x203: {  	v4 =	vmul.u32 $0x18, v58  }
0x204: {  	v3 =	vand.u32 $0x7, v3  }
0x205: {  	v3 =	vor.u32 v3, v4  }
0x206: {  	v4 =	vperm.xlane v3, v0;
	_ =	sdelay $0x1  }
0x207: {  	v4 =	vadd.s32 v1, v4;
	_ =	sdelay $0x1  }
0x208: {  	v3 =	vperm.xlane v3, v2;
	_ =	sdelay $0x1  }
0x209: {  	v3 =	vadd.s32 v1, v3  }
0x20a: {  	[tilespmem:s23], [sflag:$0x1] =	stream.indirect_vreg.gather [hbm4b:s3+s2], $0x80, v4, vm0, $0xb8;
	[tilespmem:$0x6080] =	vst v63  }
0x20b: {  	_ = 	snop  }
0x20c: {  	[tilespmem:s24], [sflag:$0x1] =	stream.indirect_vreg.gather [hbm4b:s4+s2], $0x80, v4, vm1, $0xb8;
	[tilespmem:$0x6080] =	vst v63  }
0x20d: {  	_ = 	snop  }
0x20e: {  	[tilespmem:s25], [sflag:$0x1] =	stream.indirect_vreg.gather [hbm4b:s3+s2], $0x80, v3, vm0, $0xb8;
	[tilespmem:$0x6080] =	vst v63  }
0x20f: {  	_ = 	snop  }
0x210: {  	[tilespmem:s26], [sflag:$0x1] =	stream.indirect_vreg.gather [hbm4b:s4+s2], $0x80, v3, vm1, $0xb8;
	[tilespmem:$0x6080] =	vst v63  }
0x211: {  	v3 =	vld [tilespmem:$0x30];
	_ =	sdelay $0x4  }
0x212: {  	v59 =	vshrl.u32 v3, $0x3  }
0x213: {  	v4 =	vmul.u32 $0x18, v59  }
0x214: {  	v3 =	vand.u32 $0x7, v3  }
0x215: {  	v3 =	vor.u32 v3, v4  }
0x216: {  	v4 =	vperm.xlane v3, v0;
	_ =	sdelay $0x1  }
0x217: {  	v4 =	vadd.s32 v1, v4;
	_ =	sdelay $0x1  }
0x218: {  	v3 =	vperm.xlane v3, v2;
	_ =	sdelay $0x1  }
0x219: {  	v3 =	vadd.s32 v1, v3  }
0x21a: {  	[tilespmem:s28], [sflag:$0x1] =	stream.indirect_vreg.gather [hbm4b:s3+s2], $0x80, v4, vm0, $0xb8;
	[tilespmem:$0x6080] =	vst v63  }
0x21b: {  	_ = 	snop  }
0x21c: {  	[tilespmem:s29], [sflag:$0x1] =	stream.indirect_vreg.gather [hbm4b:s4+s2], $0x80, v4, vm1, $0xb8;
	[tilespmem:$0x6080] =	vst v63  }
0x21d: {  	_ = 	snop  }
0x21e: {  	[tilespmem:s30], [sflag:$0x1] =	stream.indirect_vreg.gather [hbm4b:s3+s2], $0x80, v3, vm0, $0xb8;
	[tilespmem:$0x6080] =	vst v63  }
0x21f: {  	_ = 	snop  }
0x220: {  	[tilespmem:s31], [sflag:$0x1] =	stream.indirect_vreg.gather [hbm4b:s4+s2], $0x80, v3, vm1, $0xb8;
	[tilespmem:$0x6080] =	vst v63  }
0x221: {  	_ =	swait.ge [sflag:s0], $0x6000  }
0x222: {  	[sflag:s0] =	ssyncset.done $0x0  }
0x223: {  	[sflag:s0] =	ssyncadd.s32 $0xFFFFA000  }
0x224: {  	[hbm4b:s10+s2] =	stream.linear.scatter [tilespmem:s15], [sflag:$0x2], $0x6000, $0x38;
	[tilespmem:$0x6080] =	vst v63  }
0x225: {  	_ =	swait.ge [sflag:s14], $0x6000  }
0x226: {  	[sflag:s14] =	ssyncset.done $0x0  }
0x227: {  	[sflag:s14] =	ssyncadd.s32 $0xFFFFA000  }
0x228: {  	[tilespmem:s2], [sflag:$0x2] =	stream.linear.gather [hbm4b:s11+s2], $0x40, $0x38;
	[tilespmem:$0x6080] =	vst v63  }
0x229: {  	_ =	swait.ge [sflag:s14], $0x40  }
0x22a: {  	[sflag:s14] =	ssyncset.done $0x0  }
0x22b: {  	[sflag:s14] =	ssyncadd.s32 $0xFFFFFFC0  }
0x22c: {  	v3 =	vld [tilespmem:$0x0];
	_ =	sdelay $0x4  }
0x22d: {  	v60 =	vshrl.u32 v3, $0x3  }
0x22e: {  	v4 =	vmul.u32 $0x18, v60  }
0x22f: {  	v3 =	vand.u32 $0x7, v3  }
0x230: {  	v3 =	vor.u32 v3, v4  }
0x231: {  	v4 =	vperm.xlane v3, v0;
	_ =	sdelay $0x1  }
0x232: {  	v4 =	vadd.s32 v1, v4;
	_ =	sdelay $0x1  }
0x233: {  	v3 =	vperm.xlane v3, v2;
	_ =	sdelay $0x1  }
0x234: {  	v3 =	vadd.s32 v1, v3  }
0x235: {  	[tilespmem:s15], [sflag:$0x1] =	stream.indirect_vreg.gather [hbm4b:s3+s2], $0x80, v4, vm0, $0xb8;
	[tilespmem:$0x6080] =	vst v63  }
0x236: {  	_ = 	snop  }
0x237: {  	[tilespmem:s16], [sflag:$0x1] =	stream.indirect_vreg.gather [hbm4b:s4+s2], $0x80, v4, vm1, $0xb8;
	[tilespmem:$0x6080] =	vst v63  }
0x238: {  	_ = 	snop  }
0x239: {  	[tilespmem:s17], [sflag:$0x1] =	stream.indirect_vreg.gather [hbm4b:s3+s2], $0x80, v3, vm0, $0xb8;
	[tilespmem:$0x6080] =	vst v63  }
0x23a: {  	_ = 	snop  }
0x23b: {  	[tilespmem:s18], [sflag:$0x1] =	stream.indirect_vreg.gather [hbm4b:s4+s2], $0x80, v3, vm1, $0xb8;
	[tilespmem:$0x6080] =	vst v63  }
0x23c: {  	v3 =	vld [tilespmem:$0x10];
	_ =	sdelay $0x4  }
0x23d: {  	v61 =	vshrl.u32 v3, $0x3  }
0x23e: {  	v4 =	vmul.u32 $0x18, v61  }
0x23f: {  	v3 =	vand.u32 $0x7, v3  }
0x240: {  	v3 =	vor.u32 v3, v4  }
0x241: {  	v4 =	vperm.xlane v3, v0;
	_ =	sdelay $0x1  }
0x242: {  	v4 =	vadd.s32 v1, v4;
	_ =	sdelay $0x1  }
0x243: {  	v3 =	vperm.xlane v3, v2;
	_ =	sdelay $0x1  }
0x244: {  	v3 =	vadd.s32 v1, v3  }
0x245: {  	[tilespmem:s19], [sflag:$0x1] =	stream.indirect_vreg.gather [hbm4b:s3+s2], $0x80, v4, vm0, $0xb8;
	[tilespmem:$0x6080] =	vst v63  }
0x246: {  	_ = 	snop  }
0x247: {  	[tilespmem:s20], [sflag:$0x1] =	stream.indirect_vreg.gather [hbm4b:s4+s2], $0x80, v4, vm1, $0xb8;
	[tilespmem:$0x6080] =	vst v63  }
0x248: {  	_ = 	snop  }
0x249: {  	[tilespmem:s21], [sflag:$0x1] =	stream.indirect_vreg.gather [hbm4b:s3+s2], $0x80, v3, vm0, $0xb8;
	[tilespmem:$0x6080] =	vst v63  }
0x24a: {  	_ = 	snop  }
0x24b: {  	[tilespmem:s22], [sflag:$0x1] =	stream.indirect_vreg.gather [hbm4b:s4+s2], $0x80, v3, vm1, $0xb8;
	[tilespmem:$0x6080] =	vst v63  }
0x24c: {  	v3 =	vld [tilespmem:$0x20];
	_ =	sdelay $0x4  }
0x24d: {  	v62 =	vshrl.u32 v3, $0x3  }
0x24e: {  	v4 =	vmul.u32 $0x18, v62  }
0x24f: {  	v3 =	vand.u32 $0x7, v3  }
0x250: {  	v3 =	vor.u32 v3, v4  }
0x251: {  	v4 =	vperm.xlane v3, v0;
	_ =	sdelay $0x1  }
0x252: {  	v4 =	vadd.s32 v1, v4;
	_ =	sdelay $0x1  }
0x253: {  	v3 =	vperm.xlane v3, v2;
	_ =	sdelay $0x1  }
0x254: {  	v3 =	vadd.s32 v1, v3  }
0x255: {  	[tilespmem:s23], [sflag:$0x1] =	stream.indirect_vreg.gather [hbm4b:s3+s2], $0x80, v4, vm0, $0xb8;
	[tilespmem:$0x6080] =	vst v63  }
0x256: {  	_ = 	snop  }
0x257: {  	[tilespmem:s24], [sflag:$0x1] =	stream.indirect_vreg.gather [hbm4b:s4+s2], $0x80, v4, vm1, $0xb8;
	[tilespmem:$0x6080] =	vst v63  }
0x258: {  	_ = 	snop  }
0x259: {  	[tilespmem:s25], [sflag:$0x1] =	stream.indirect_vreg.gather [hbm4b:s3+s2], $0x80, v3, vm0, $0xb8;
	[tilespmem:$0x6080] =	vst v63  }
0x25a: {  	_ = 	snop  }
0x25b: {  	[tilespmem:s26], [sflag:$0x1] =	stream.indirect_vreg.gather [hbm4b:s4+s2], $0x80, v3, vm1, $0xb8;
	[tilespmem:$0x6080] =	vst v63  }
0x25c: {  	v3 =	vld [tilespmem:$0x30];
	_ =	sdelay $0x4  }
0x25d: {  	v63 =	vshrl.u32 v3, $0x3  }
0x25e: {  	v4 =	vmul.u32 $0x18, v63  }
0x25f: {  	v3 =	vand.u32 $0x7, v3  }
0x260: {  	v3 =	vor.u32 v3, v4  }
0x261: {  	v4 =	vperm.xlane v3, v0;
	_ =	sdelay $0x1  }
0x262: {  	v4 =	vadd.s32 v1, v4;
	_ =	sdelay $0x1  }
0x263: {  	v3 =	vperm.xlane v3, v2;
	_ =	sdelay $0x1  }
0x264: {  	v3 =	vadd.s32 v1, v3  }
0x265: {  	[tilespmem:s28], [sflag:$0x1] =	stream.indirect_vreg.gather [hbm4b:s3+s2], $0x80, v4, vm0, $0xb8;
	[tilespmem:$0x6080] =	vst v63  }
0x266: {  	_ = 	snop  }
0x267: {  	[tilespmem:s29], [sflag:$0x1] =	stream.indirect_vreg.gather [hbm4b:s4+s2], $0x80, v4, vm1, $0xb8;
	[tilespmem:$0x6080] =	vst v63  }
0x268: {  	_ = 	snop  }
0x269: {  	[tilespmem:s30], [sflag:$0x1] =	stream.indirect_vreg.gather [hbm4b:s3+s2], $0x80, v3, vm0, $0xb8;
	[tilespmem:$0x6080] =	vst v63  }
0x26a: {  	_ = 	snop  }
0x26b: {  	[tilespmem:s31], [sflag:$0x1] =	stream.indirect_vreg.gather [hbm4b:s4+s2], $0x80, v3, vm1, $0xb8;
	[tilespmem:$0x6080] =	vst v63  }
0x26c: {  	_ =	swait.ge [sflag:s0], $0x6000  }
0x26d: {  	p0 =	sne.s32 s13, $0x1;
	[sflag:s0] =	ssyncset.done $0x0  }
.Ltmp0:
0x26e: {  	[sflag:s0] =	ssyncadd.s32 $0xFFFFA000;
	(pc) =	sbr.rel @p0 .LBB2_1-.Ltmp0, $4  }
0x26f: {  	[hbm4b:s12+s2] =	stream.linear.scatter [tilespmem:s15], [sflag:$0x2], $0x6000, $0x38;
	[tilespmem:$0x6080] =	vst v63  }
0x270: {  	_ =	swait.ge [sflag:s14], $0x6000  }
0x271: {  	[sflag:s14] =	ssyncset.done $0x0  }
0x272: {  	s13 =	sadd.s32 $0xFFFFFFFF, s13;
	[sflag:s14] =	ssyncadd.s32 $0xFFFFA000  }
0x273: {  	_ =	sfence.sel $0x180000  }
0x274: {  	[bflag:$0x0] =	sbarrier.arrive $0xFFFF  }
0x275: {  	_ =	strace $0x9000004D  }
0x276: {  	s0 =	stileid.u32;
	[bflag:$0x2] =	sbarrier.arrive $0xFFFF  }
0x277: {  	p0 =	sne.s32 s0, $0x0;
	s0 =	rddreg [dreg:$0x3]  }
0x278: {  	s0 =	sadd.s32 @!p0 $0x100000, s0  }
0x279: {  	[sflag:s0] =	ssyncadd.tile.s32 @!p0 $0x1;
	_ =	shalt  }
.Lfunc_end2:
_tile_overlayer_lowered:
.L_overlay_start_2:
0x27a: {  	(tag) =	ssettag $0x2  }
0x27b: {  	s0 =	rddreg [dreg:$0x0];
	s2 =	stileid.u32  }
0x27c: {  	s1 =	rddreg [dreg:$0x1];
	p0 =	sne.s32 s2, $0x0  }
0x27d: {  	s3 =	rddreg [dreg:$0x2];
	[bflag:$0x3] =	sbarrier.arrive $0xFFFF;
	s2 =	simm.s32 @!p0 $0x1C02  }
0x27e: {  	[timem:s3], [sflag:s2] =	dma.local @!p0 [hbm:s0], s1  }
0x27f: {  	s0 =	simm.s32 @!p0 $0x2  }
0x280: {  	_ =	swait.ge @!p0 [sflag:s0], s1  }
0x281: {  	s1 =	ssub.s32 @!p0 $0x0, s1;
	[sflag:s0] =	ssyncset.done @!p0 $0x0  }
0x282: {  	[sflag:s0] =	ssyncadd.s32 @!p0 s1  }
0x283: {  	[bflag:$0x3] =	sbarrier.arrive $0xFFFF  }
0x284: {  	_ =	shalt  }

// kernel: kernel.9.cloned.1.call-start
scs
__scs_entry_jumppad:
0x0: {  	(pc) =	sbr.rel $0x88, $3  }
0x1: {  	(tag) =	ssettag $0x0;
	lr =	simm.s32 $0x1  }
0x2: {  	[smem:$0x3F8B] =	sst lr;
	_ =	strace $0xD0000000  }
0x3: {  	_ = 	snop  }
0x4: {  	_ = 	snop  }
0x5: {  	_ = 	snop  }
0x6: {  	_ = 	snop  }
0x7: {  	_ = 	snop  }
__scs_overlays_trampoline_lowered:
0x8: {  	[smem:$0x3F9A] =	sst s0  }
0x9: {  	[smem:$0x3F9B] =	sst s1  }
0xa: {  	[smem:$0x3F9C] =	sst s2  }
0xb: {  	[smem:$0x3F9D] =	sst s3  }
0xc: {  	[smem:$0x3F9E] =	sst s4  }
0xd: {  	[smem:$0x3F9F] =	sst s5  }
0xe: {  	[smem:$0x3FA0] =	sst s6  }
0xf: {  	[smem:$0x3FA1] =	sst s7  }
0x10: {  	[smem:$0x3FA2] =	sst s8  }
0x11: {  	[smem:$0x3FA3] =	sst s9;
	s0 =	simm.s32 @!p0 $0x0  }
0x12: {  	s1 =	sld [smem:$0x3F89];
	s0 =	simm.s32 @p0 $0x1  }
0x13: {  	[smem:$0x3FA4] =	sst s0;
	s0 =	simm.s32 @!p1 $0x0  }
0x14: {  	s2 =	sld [smem:$0x3F88];
	s0 =	simm.s32 @p1 $0x1  }
0x15: {  	[smem:$0x3FA5] =	sst s0;
	s0 =	simm.s32 @!p2 $0x0  }
0x16: {  	s3 =	sld [smem:$0x3FDB];
	s0 =	simm.s32 @p2 $0x1  }
0x17: {  	s4 =	simm.s32 $0x1BF5;
	[smem:$0x3FA7] =	sst s0  }
0x18: {  	s0 =	sld [smem:$0x3F8A];
	_ =	swait.ge [sflag:s4], $0x0  }
0x19: {  	s7 =	sld [smem:$0x3F8B]  }
0x1a: {  	s8 =	sadd.s32 $0xFFFFE003, lr  }
0x1b: {  	s9 =	sadd.s32 $0xFFFFFEF7, lr;
	s5 =	simm.s32 $0xFFFFFFFF;
	p2 =	slt.u32 s8, $0xFFFFF086  }
0x1c: {  	p1 =	slt.u32 s9, $0xF7A;
	s5 =	simm.s32 @!p2 $0x0  }
0x1d: {  	s5 =	simm.s32 @p1 $0x1;
	p0 =	seq.s32 s7, s2  }
0x1e: {  	s7 =	smul.u32 @!p0 $0xF7A, s2;
	p2 =	seq.s32 @!p0 s5, $0x0  }
0x1f: {  	s9 =	smul.u32 $0xF7A, s1;
	s8 =	simm.s32 @!p0 $0x1BF5;
	p2 =	por !p2, p0  }
0x20: {  	[sflag:s8] =	ssyncset.s32 @!p0 $0xFFFFF086;
	s6 =	sadd.s32 @!p0 s3, s7;
	s7 =	simm.s32 @!p0 $0x108  }
0x21: {  	s3 =	sadd.s32 s3, s9;
	s6 =	sadd.s32 @!p0 $0x88, s6;
	s7 =	simm.s32 @p2 $0x1082  }
0x22: {  	[simem:s7], [sflag:s8] =	dma.local @!p0 [hbm:s6], $0xF7A  }
0x23: {  	s9 =	sor.u32 $0xD0000000, s2;
	s6 =	simm.s32 $0x108;
	_ =	swait.ge @!p0 [sflag:s8], $0x0  }
0x24: {  	s3 =	sadd.s32 $0x88, s3;
	s6 =	simm.s32 @!p1 $0x1082;
	[sflag:s4] =	ssyncset.s32 $0xFFFFF086  }
0x25: {  	[simem:s6], [sflag:s4] =	dma.local [hbm:s3], $0xF7A  }
0x26: {  	[smem:$0x3F8B] =	sst s1;
	(tag) =	ssettag s2;
	_ =	strace s9  }
0x27: {  	s1 =	sld [smem:$0x3F9B]  }
0x28: {  	s2 =	sld [smem:$0x3F9C]  }
0x29: {  	s4 =	sld [smem:$0x3F9E]  }
0x2a: {  	p0 =	seq.s32 s5, $0x0;
	s5 =	sld [smem:$0x3F9F]  }
0x2b: {  	s6 =	sld [smem:$0x3FA0]  }
0x2c: {  	s7 =	sld [smem:$0x3FA1]  }
0x2d: {  	s3 =	simm.s32 $0x108;
	s8 =	sld [smem:$0x3FA2]  }
0x2e: {  	s3 =	simm.s32 @!p0 $0x1082;
	s9 =	sld [smem:$0x3FA3]  }
0x2f: {  	lr =	sadd.s32 s0, s3;
	s0 =	sld [smem:$0x3F9A]  }
0x30: {  	s3 =	sld [smem:$0x3F9D]  }
0x31: {  	[smem:$0x3FA6] =	sst s10  }
0x32: {  	s10 =	sld [smem:$0x3FA4];
	_ =	sdelay $0x3  }
0x33: {  	p0 =	seq.s32 s10, $0x1;
	s10 =	sld [smem:$0x3FA6];
	_ =	sdelay $0x3  }
0x34: {  	[smem:$0x3FA6] =	sst s10  }
0x35: {  	s10 =	sld [smem:$0x3FA5];
	_ =	sdelay $0x3  }
0x36: {  	p1 =	seq.s32 s10, $0x1;
	s10 =	sld [smem:$0x3FA6];
	_ =	sdelay $0x3  }
0x37: {  	[smem:$0x3FA6] =	sst s10  }
0x38: {  	s10 =	sld [smem:$0x3FA7]  }
0x39: {  	_ = 	snop;
	(pc) =	sbr.ind lr, $3  }
0x3a: {  	_ = 	snop  }
0x3b: {  	_ = 	snop  }
0x3c: {  	p2 =	seq.s32 s10, $0x1;
	s10 =	sld [smem:$0x3FA6]  }
0x3d: {  	_ =	shalt  }
0x3e: {  	_ =	shalt  }
0x3f: {  	_ =	shalt  }
0x40: {  	_ =	shalt  }
0x41: {  	_ =	shalt  }
0x42: {  	_ =	shalt  }
0x43: {  	_ =	shalt  }
0x44: {  	_ =	shalt  }
0x45: {  	_ =	shalt  }
0x46: {  	_ =	shalt  }
0x47: {  	_ =	shalt  }
0x48: {  	_ =	shalt  }
0x49: {  	_ =	shalt  }
0x4a: {  	_ =	shalt  }
0x4b: {  	_ =	shalt  }
0x4c: {  	_ =	shalt  }
0x4d: {  	_ =	shalt  }
0x4e: {  	_ =	shalt  }
0x4f: {  	_ =	shalt  }
0x50: {  	_ =	shalt  }
0x51: {  	_ =	shalt  }
0x52: {  	_ =	shalt  }
0x53: {  	_ =	shalt  }
0x54: {  	_ =	shalt  }
0x55: {  	_ =	shalt  }
0x56: {  	_ =	shalt  }
0x57: {  	_ =	shalt  }
0x58: {  	_ =	shalt  }
0x59: {  	_ =	shalt  }
0x5a: {  	_ =	shalt  }
0x5b: {  	_ =	shalt  }
0x5c: {  	_ =	shalt  }
0x5d: {  	_ =	shalt  }
0x5e: {  	_ =	shalt  }
0x5f: {  	_ =	shalt  }
0x60: {  	_ =	shalt  }
0x61: {  	_ =	shalt  }
0x62: {  	_ =	shalt  }
0x63: {  	_ =	shalt  }
0x64: {  	_ =	shalt  }
0x65: {  	_ =	shalt  }
0x66: {  	_ =	shalt  }
0x67: {  	_ =	shalt  }
0x68: {  	_ =	shalt  }
0x69: {  	_ =	shalt  }
0x6a: {  	_ =	shalt  }
0x6b: {  	_ =	shalt  }
0x6c: {  	_ =	shalt  }
0x6d: {  	_ =	shalt  }
0x6e: {  	_ =	shalt  }
0x6f: {  	_ =	shalt  }
0x70: {  	_ =	shalt  }
0x71: {  	_ =	shalt  }
0x72: {  	_ =	shalt  }
0x73: {  	_ =	shalt  }
0x74: {  	_ =	shalt  }
0x75: {  	_ =	shalt  }
0x76: {  	_ =	shalt  }
0x77: {  	_ =	shalt  }
0x78: {  	_ =	shalt  }
0x79: {  	_ =	shalt  }
0x7a: {  	_ =	shalt  }
0x7b: {  	_ =	shalt  }
0x7c: {  	_ =	shalt  }
0x7d: {  	_ =	shalt  }
0x7e: {  	_ =	shalt  }
0x7f: {  	_ =	shalt  }
0x80: {  	_ =	shalt  }
0x81: {  	_ =	shalt  }
0x82: {  	_ =	shalt  }
0x83: {  	_ =	shalt  }
0x84: {  	_ =	shalt  }
0x85: {  	_ =	shalt  }
0x86: {  	_ =	shalt  }
0x87: {  	_ =	shalt  }
.Lfunc_end0:
.L_simem_size_0:
called_computation_lowered:
.L_overlay_start_0:
0x88: {  	s2 =	sld [smem:$0x3FD9]  }
0x89: {  	s3 =	sld [smem:$0x3FFE];
	_ =	sdelay $0x1  }
0x8a: {  	s1 =	srdreg.scid  }
0x8b: {  	s0 =	sand.u32 $0x1, s1  }
0x8c: {  	s17 =	sshll.u32 s0, $0xA;
	s2 =	sadd.s32 s3, s2  }
0x8d: {  	s2 =	sadd.s32 s2, s17  }
0x8e: {  	[smem:$0x3FB2] =	sst s2  }
0x8f: {  	_ = 	snop  }
0x90: {  	s2 =	sld [smem:$0x3FC8]  }
0x91: {  	s18 =	sld [smem:$0x3FC7]  }
0x92: {  	s4 =	sld [smem:$0x3FC5];
	(tm) =	ssettm $0x1  }
0x93: {  	s5 =	sld [smem:$0x3FFB];
	_ =	sdelay $0x3  }
0x94: {  	_ =	strace s5  }
0x95: {  	s5 =	sld [smem:$0x3FFC];
	_ =	sdelay $0x3  }
0x96: {  	_ =	strace s5  }
0x97: {  	s5 =	sld [smem:$0x3FFD];
	_ =	sdelay $0x3  }
0x98: {  	_ =	strace s5  }
0x99: {  	_ =	strace $0x8FFFFFFF  }
0x9a: {  	s19 =	sld [smem:$0x3FDB];
	_ =	sdelay $0x1  }
0x9b: {  	s6 =	simm.s32 $_scs_section_size  }
0x9c: {  	s7 =	simm.s32 $_size__tile_overlayer_lowered;
	s8 =	simm.s32 $_tile_overlayer_lowered  }
0x9d: {  	s22 =	simm.s32 $0x1BFF;
	s21 =	sshll.u32 s8, $0x1;
	s5 =	sadd.s32 s6, s19  }
0x9e: {  	s9 =	simm.s32 $0x0;
	s20 =	sshll.u32 s7, $0x1;
	s7 =	sadd.s32 s21, s5  }
0x9f: {  	[timem:s9], [sflag:s22] =	dma.local [hbm:s7], s20  }
0xa0: {  	_ =	swait.ge [sflag:s22], s20  }
0xa1: {  	s6 =	ssub.s32 $0x0, s20;
	[sflag:s22] =	ssyncset.done $0x0  }
0xa2: {  	[sflag:s22] =	ssyncadd.s32 s6;
	_ =	sdelay $0x1  }
0xa3: {  	s23 =	simm.s32 $0x1B8B  }
0xa4: {  	_ =	swait.ge [sflag:s23], $0x1  }
0xa5: {  	[sflag:s23] =	ssyncset.done $0x0  }
0xa6: {  	s25 =	simm.s32 $0x1B8E;
	s24 =	sld [smem:$0x3FFE];
	[sflag:s23] =	ssyncadd.s32 $0xFFFFFFFF  }
0xa7: {  	s26 =	simm.s32 $execute0_lowered;
	[smem:$0x3FD2] =	sst s25  }
0xa8: {  	s7 =	sshll.u32 s26, $0x1;
	_ =	strace $0x80000046;
	[dreg:$0x1] =	wrdreg $0xFFFFFFFF  }
0xa9: {  	s28 =	simm.s32 $_size_execute0_lowered;
	s5 =	sadd.s32 s5, s7;
	[dreg:$0x0] =	wrdreg $0x0  }
0xaa: {  	s7 =	sshll.u32 s28, $0x1;
	[dreg:$0x2] =	wrdreg s5  }
0xab: {  	[dreg:$0x3] =	wrdreg s7  }
0xac: {  	[dreg:$0x4] =	wrdreg $0xC0  }
0xad: {  	_ =	task [dreg:s9], $0x5FFFF  }
0xae: {  	[dreg:$0x1] =	wrdreg $0xFFFFFFFF  }
0xaf: {  	[dreg:$0x0] =	wrdreg $0x60  }
0xb0: {  	[dreg:$0x2] =	wrdreg s24  }
0xb1: {  	[dreg:$0x3] =	wrdreg s2  }
0xb2: {  	[dreg:$0x4] =	wrdreg s18  }
0xb3: {  	[dreg:$0x5] =	wrdreg s4  }
0xb4: {  	[dreg:$0x6] =	wrdreg $0x41800  }
0xb5: {  	[dreg:$0x7] =	wrdreg $0x9  }
0xb6: {  	_ =	task.clear_ibuf [dreg:s9], $0x8FFFF;
	_ =	strace $0x90000046  }
0xb7: {  	s29 =	simm.s32 $0x9;
	_ =	strace $0x80000048  }
0xb8: {  	_ =	swait.ge [sflag:s29], $0x1  }
0xb9: {  	[sflag:s29] =	ssyncadd.s32 $0xFFFFFFFF  }
0xba: {  	_ =	strace $0x90000048  }
0xbb: {  	_ =	sfence  }
0xbc: {  	s30 =	sld [smem:$0x0];
	_ =	sdelay $0x2  }
0xbd: {  	s31 =	sshll.u32 s1, $0xD;
	s1 =	sshrl.u32 s1, $0x2  }
0xbe: {  	s3 =	sand.u32 $0x4000, s31;
	s1 =	sadd.s32 s1, s30  }
0xbf: {  	s0 =	sor.u32 s3, s0;
	s1 =	sshll.u32 s1, $0x11  }
0xc0: {  	s0 =	sor.u32 s1, s0  }
0xc1: {  	s0 =	sadd.s32 $0x8F2B, s0  }
0xc2: {  	[sflag:s0] =	ssyncadd.remote.s32 $0x1  }
0xc3: {  	_ =	sfence.sel $0xFFFF  }
0xc4: {  	[dreg:$0x0] =	wrdreg $0xFFFFFFFF;
	(pc) =	sbr.abs _section_cstart, $3  }
0xc5: {  	[dreg:$0x1] =	wrdreg $0xFFFFFFFF  }
0xc6: {  	_ =	task.clear_ibuf [dreg:s9], $0x2FFFF;
	_ =	strace $0x9FFFFFFF  }
0xc7: {  	(tm) =	ssettm $0x7FFFFFFF  }
tec
execute0_lowered:
.L_overlay_start_1:
0x0: {  	(tag) =	ssettag $0x1  }
0x1: {  	s0 =	srdreg.scid  }
0x2: {  	s2 =	rddreg [dreg:$0x0];
	s17 =	stileid.u32  }
0x3: {  	s29 =	simm.s32 $0x150C0;
	s6 =	sand.u32 $0x1, s0;
	s7 =	sadd.s32 $0x313600, s2  }
0x4: {  	s8 =	sadd.s32 $0x351E00, s2;
	s3 =	sor.u32 $0x10, s17;
	s9 =	sshll.u32 s17, $0x7  }
0x5: {  	s5 =	sshll.u32 s17, $0xE;
	s30 =	sadd.s32 $0x390600, s2;
	p0 =	sgt.u32 s17, $0xD  }
0x6: {  	p1 =	seq.s32 s17, $0xF;
	s0 =	ssub.s32 $0x2, s6;
	s13 =	smul.u32 $0xFA000, s6  }
0x7: {  	s10 =	sshll.u32 s3, $0x7;
	s4 =	sor.u32 $0x1000, s9;
	s14 =	sor.u32 $0xC0000, s5  }
0x8: {  	p3 =	sne.s32 @p0 s17, $0xE;
	s1 =	sshrl.u32 s0, $0x1;
	s16 =	sadd.s32 s13, s14  }
0x9: {  	p2 =	por p3, !p0;
	s1 =	ssub.s32 s0, s1;
	s16 =	sshrl.u32 s16, $0x3  }
0xa: {  	s0 =	smul.u32 $0x1F40, s6;
	s13 =	sshrl.u32 s13, $0x3;
	s22 =	sadd.s32 s7, s16  }
0xb: {  	s13 =	sadd.s32 $0x1F000, s13;
	s26 =	sadd.s32 s8, s16;
	[dreg:$0x9] =	wrdreg s22  }
0xc: {  	s11 =	sadd.s32 s9, s0;
	s28 =	sadd.s32 s8, s13;
	[dreg:$0xe] =	wrdreg s26  }
0xd: {  	s12 =	sadd.s32 s0, s10;
	s11 =	sshll.u32 s11, $0x4;
	[dreg:$0xf] =	wrdreg s28  }
0xe: {  	s12 =	sshll.u32 s12, $0x4;
	s28 =	rddreg [dreg:$0x2];
	s15 =	sadd.s32 s7, s11  }
0xf: {  	p3 =	por !p3, !p0;
	s20 =	sadd.s32 s7, s12;
	[dreg:$0x6] =	wrdreg s15  }
0x10: {  	s1 =	smax.u32 s1, $0x1;
	s23 =	sadd.s32 s8, s11;
	[dreg:$0x7] =	wrdreg s20  }
0x11: {  	s21 =	sadd.s32 s0, s4;
	s24 =	sadd.s32 s8, s12;
	[dreg:$0xb] =	wrdreg s23  }
0x12: {  	v0 =	vmov s0;
	s0 =	simm.s32 $0x28;
	s11 =	sadd.s32 s30, s11;
	[dreg:$0xc] =	wrdreg s24  }
0x13: {  	s22 =	sadd.s32 $0x3CEE00, s2;
	s12 =	sadd.s32 s30, s12;
	[dreg:$0x10] =	wrdreg s11  }
0x14: {  	s26 =	smul.u32 $0x7D0, s17;
	[dreg:$0x11] =	wrdreg s12;
	s20 =	sadd.s32 s30, s16  }
0x15: {  	s15 =	sshll.u32 s21, $0x4;
	s16 =	simm.s32 $0x0;
	[dreg:$0x13] =	wrdreg s20  }
0x16: {  	s24 =	smul.u32 $0x7D000, s6;
	s18 =	sadd.s32 s7, s15;
	[smem:$0x7FF] =	sst s16  }
0x17: {  	s12 =	sshll.u32 s17, $0x6;
	s7 =	sadd.s32 s7, s13;
	[dreg:$0x8] =	wrdreg s18  }
0x18: {  	s17 =	simm.s32 $0x20;
	s25 =	sadd.s32 s8, s15;
	[dreg:$0xa] =	wrdreg s7  }
0x19: {  	s19 =	sadd.s32 s30, s15;
	s15 =	sshll.u32 s4, $0x7;
	[dreg:$0xd] =	wrdreg s25  }
0x1a: {  	s18 =	smul.u32 $0xFA0, s6;
	[dreg:$0x12] =	wrdreg s19;
	s7 =	sadd.s32 s30, s13  }
0x1b: {  	s25 =	rddreg [dreg:$0x1];
	s6 =	smul.u32 $0x7D00, s6;
	s19 =	sadd.s32 s26, s28  }
0x1c: {  	s30 =	rddreg [dreg:$0x3];
	s13 =	sshll.u32 s3, $0xE;
	s3 =	simm.s32 $0x0  }
0x1d: {  	[dreg:$0x14] =	wrdreg s7;
	s21 =	sadd.s32 s9, s18;
	s8 =	sadd.s32 s18, s10  }
0x1e: {  	s6 =	sadd.s32 s26, s6;
	s9 =	simm.s32 $0x40;
	s7 =	sshll.u32 s21, $0x4  }
0x1f: {  	s23 =	sshll.u32 s8, $0x4;
	s8 =	sshrl.u32 s24, $0x3;
	s21 =	sadd.s32 s26, s25  }
0x20: {  	s10 =	sshrl.u32 s6, $0x3;
	s6 =	sadd.s32 $0x28, s6;
	s25 =	sadd.s32 $0x5A00, s2  }
0x21: {  	s26 =	sadd.s32 $0x18C400, s2;
	s2 =	sadd.s32 $0x312E00, s2;
	s7 =	sadd.s32 s22, s7  }
0x22: {  	s8 =	sadd.s32 s22, s8;
	s6 =	sshrl.u32 s6, $0x3;
	[dreg:$0x15] =	wrdreg s7  }
0x23: {  	s7 =	sadd.s32 s22, s23;
	s22 =	rddreg [dreg:$0x4];
	s23 =	sadd.s32 s10, s30  }
0x24: {  	s24 =	sadd.s32 s6, s30;
	s28 =	sadd.s32 $0xF800, s8;
	[dreg:$0x16] =	wrdreg s7  }
0x25: {  	s11 =	sadd.s32 s5, s22;
	_ =	strace $0x80000047;
	[smem:$0x7FC] =	sst s2  }
0x26: {  	s6 =	simm.s32 $0x80;
	s18 =	sadd.s32 s15, s22;
	[dreg:$0x17] =	wrdreg s11  }
0x27: {  	s8 =	simm.s32 $0x1;
	s20 =	sadd.s32 s14, s22;
	[dreg:$0x19] =	wrdreg s18  }
0x28: {  	s10 =	simm.s32 $0x180;
	s31 =	sadd.s32 s13, s22;
	[dreg:$0x1a] =	wrdreg s20  }
0x29: {  	s30 =	sadd.s32 $0xF8000, s22;
	s7 =	simm.s32 $0x100;
	[dreg:$0x1b] =	wrdreg s28  }
0x2a: {  	s13 =	simm.s32 $0x3;
	s14 =	simm.s32 $0x14FC0;
	[dreg:$0x1c] =	wrdreg s1  }
0x2b: {  	s15 =	simm.s32 $0x15040;
	s2 =	sor.u32 $0x1C04, s12;
	[dreg:$0x1e] =	wrdreg s30  }
0x2c: {  	s1 =	sadd.s32 $0x7C000, s22;
	s11 =	simm.s32 $0x2180;
	[dreg:$0x18] =	wrdreg s31  }
0x2d: {  	s12 =	simm.s32 $0x2;
	[smem:$0x7FD] =	sst s2;
	s1 =	sshrl.u32 @p1 s1, $0x3  }
0x2e: {  	v1 =	vimm.f32 $1.000000000e+00;
	s18 =	simm.s32 $0x13BC0;
	s20 =	simm.s32 $0x15140;
	[dreg:$0x1d] =	wrdreg s1  }
.LBB2_1:
0x2f: {  	s1 =	sand.u32 $0x7E00, s16  }
0x30: {  	[dreg:$0x1f] =	wrdreg s3;
	s2 =	sand.u32 $0x70, s16;
	s30 =	sshrl.u32 s1, $0x2  }
0x31: {  	s1 =	simm.s32 $0x40;
	s3 =	sor.u32 s2, s30;
	s2 =	simm.s32 $0x0  }
.LBB2_2:
0x32: {  	p4 =	sne.s32 s1, $0x4FC0  }
0x33: {  	[tilespmem:s3+$0x13BC0] =	vst v1;
	s2 =	sadd.s32 $0x10, s2;
	s3 =	smov.u32 s1;
	s1 =	sadd.s32 $0x40, s1  }
.Ltmp0:
0x34: {  	(pc) =	sbr.rel @p4 .LBB2_2-.Ltmp0, $4  }
0x35: {  	_ = 	snop  }
0x36: {  	s3 =	sand.u32 $0x7E00, s3  }
0x37: {  	s4 =	sand.u32 $0x70, s2;
	s3 =	sshrl.u32 s3, $0x2  }
0x38: {  	s3 =	sor.u32 s4, s3  }
0x39: {  	s1 =	rddreg [dreg:$0x17]  }
0x3a: {  	s2 =	sld [smem:$0x7FC]  }
0x3b: {  	s4 =	sld [smem:$0x7FD]  }
0x3c: {  	s1 =	sshrl.u32 s1, $0x3  }
0x3d: {  	[tilespmem:s3+$0x13BC0] =	vst v1;
	s30 =	simm.s32 $0x4;
	[smem:$0x7F8] =	sst s1  }
0x3e: {  	[spmem:s1], [sflag:s4] =	dma.local [hbm:s2], $0x800  }
0x3f: {  	_ =	swait.ge [sflag:s30], $0x800  }
0x40: {  	s5 =	sshrl.u32 s31, $0x3;
	[sflag:s30] =	ssyncset.done $0x0  }
0x41: {  	[smem:$0x7F9] =	sst s5;
	[sflag:s30] =	ssyncadd.s32 $0xFFFFF800  }
0x42: {  	[spmem:s5], [sflag:s4] =	dma.local [hbm:s2], $0x800  }
0x43: {  	_ =	swait.ge [sflag:s30], $0x800  }
0x44: {  	s28 =	rddreg [dreg:$0x19]  }
0x45: {  	[sflag:s30] =	ssyncset.done $0x0;
	s1 =	sshrl.u32 s28, $0x3  }
0x46: {  	[sflag:s30] =	ssyncadd.s32 $0xFFFFF800;
	[smem:$0x7FA] =	sst s1  }
0x47: {  	[spmem:s1], [sflag:s4] =	dma.local [hbm:s2], $0x800  }
0x48: {  	_ =	swait.ge [sflag:s30], $0x800  }
0x49: {  	[sflag:s30] =	ssyncset.done $0x0;
	s1 =	rddreg [dreg:$0x1e]  }
0x4a: {  	[sflag:s30] =	ssyncadd.s32 $0xFFFFF800;
	s1 =	sshrl.u32 @!p2 s1, $0x3  }
0x4b: {  	[spmem:s1], [sflag:s4] =	dma.local @!p2 [hbm:s2], $0x480  }
0x4c: {  	s1 =	simm.s32 @!p2 $0x4  }
0x4d: {  	_ =	swait.ge @!p2 [sflag:s1], $0x480  }
0x4e: {  	[sflag:s1] =	ssyncset.done @!p2 $0x0  }
0x4f: {  	[sflag:s1] =	ssyncadd.s32 @!p2 $0xFFFFFB80;
	s1 =	rddreg [dreg:$0x1a]  }
0x50: {  	s1 =	sshrl.u32 @!p0 s1, $0x3  }
0x51: {  	[smem:$0x7FB] =	sst s1  }
0x52: {  	[spmem:s1], [sflag:s4] =	dma.local @!p0 [hbm:s2], $0x800  }
0x53: {  	s1 =	simm.s32 @!p0 $0x4  }
0x54: {  	_ =	swait.ge @!p0 [sflag:s1], $0x800  }
0x55: {  	[sflag:s1] =	ssyncset.done @!p0 $0x0  }
0x56: {  	[sflag:s1] =	ssyncadd.s32 @!p0 $0xFFFFF800  }
0x57: {  	s30 =	sadd.s32 $0x0, s21;
	[bflag:$0x0] =	sbarrier.arrive $0xFFFF  }
0x58: {  	[tilespmem:s16], [sflag:$0x1] =	stream.linear.gather [hbm4b:s30+s16], $0x80, $0x38;
	[tilespmem:$0x151C0] =	vst v63  }
0x59: {  	s31 =	sadd.s32 $0x0, s19  }
0x5a: {  	[tilespmem:s6], [sflag:$0x1] =	stream.linear.gather [hbm4b:s31+s16], $0x40, $0x38;
	[tilespmem:$0x151C0] =	vst v63  }
0x5b: {  	s1 =	sadd.s32 $0x8, s31  }
0x5c: {  	[tilespmem:s7], [sflag:$0x1] =	stream.linear.gather [hbm4b:s1+s16], $0x40, $0x38;
	[tilespmem:$0x151C0] =	vst v63  }
0x5d: {  	_ =	swait.ge [sflag:s8], $0x80  }
0x5e: {  	[sflag:s8] =	ssyncset.done $0x0  }
0x5f: {  	[sflag:s8] =	ssyncadd.s32 $0xFFFFFF80  }
0x60: {  	_ =	swait.ge [sflag:s8], $0x40  }
0x61: {  	[sflag:s8] =	ssyncset.done $0x0  }
0x62: {  	[sflag:s8] =	ssyncadd.s32 $0xFFFFFFC0  }
0x63: {  	_ =	swait.ge [sflag:s8], $0x40  }
0x64: {  	[sflag:s8] =	ssyncset.done $0x0  }
0x65: {  	[sflag:s8] =	ssyncadd.s32 $0xFFFFFFC0  }
0x66: {  	v2 =	vld [tilespmem:$0x110]  }
0x67: {  	v3 =	vld [tilespmem:$0xB0]  }
0x68: {  	v4 =	vld [tilespmem:$0xA0]  }
0x69: {  	v5 =	vld [tilespmem:$0x90]  }
0x6a: {  	v6 =	vld [tilespmem:$0x100]  }
0x6b: {  	v7 =	vld [tilespmem:$0x80];
	v2 =	vsub.s32 v2, v0  }
0x6c: {  	v8 =	vld [tilespmem:$0x130];
	v3 =	vsub.s32 v3, v0;
	v2 =	vmin.u32 v2, $0x1F40  }
0x6d: {  	v4 =	vsub.s32 v4, v0;
	v3 =	vmin.u32 v3, $0x1F40;
	[tilespmem:$0x110] =	vst v2;
	v2 =	vld [tilespmem:$0x120]  }
0x6e: {  	v5 =	vsub.s32 v5, v0;
	v4 =	vmin.u32 v4, $0x1F40;
	[tilespmem:$0xB0] =	vst v3  }
0x6f: {  	v3 =	vmin.u32 v5, $0x1F40;
	[tilespmem:$0xA0] =	vst v4;
	v4 =	vsub.s32 v6, v0  }
0x70: {  	p5 =	por @p0 $0x0, $0x0;
	p4 =	por @!p2 $0x1, $0x1;
	v5 =	vsub.s32 v7, v0;
	[tilespmem:$0x90] =	vst v3;
	v3 =	vmin.u32 v4, $0x1F40  }
0x71: {  	p4 =	por @!p3 p5, p5;
	p5 =	por @!p0 $0x0, $0x0;
	v4 =	vmin.u32 v5, $0x1F40;
	[tilespmem:$0x100] =	vst v3;
	v3 =	vsub.s32 v8, v0  }
0x72: {  	p4 =	por @!p0 p5, p5;
	s1 =	simm.s32 $0x10;
	[tilespmem:$0x80] =	vst v4;
	v3 =	vmin.u32 v3, $0x1F40;
	v2 =	vsub.s32 v2, v0  }
.LBB2_4:
0x73: {  	p5 =	sne.s32 s1, $0x7C0;
	v2 =	vmin.u32 v2, $0x1F40;
	[tilespmem:$0x130] =	vst v3;
	s2 =	smov.u32 s1;
	s1 =	sadd.s32 $0x10, s1  }
0x74: {  	[tilespmem:$0x120] =	vst v2  }
0x75: {  	[tilespmem:s10], [sflag:$0x2] =	stream.indirect.gather [hbm4b:s25+s9], $0x80, s16, s9, $0xb8;
	[tilespmem:$0x151C0] =	vst v63  }
0x76: {  	_ = 	snop  }
0x77: {  	[tilespmem:s11], [sflag:$0x2] =	stream.indirect.gather [hbm4b:s25+s9], $0x80, s9, s9, $0xb8;
	[tilespmem:$0x151C0] =	vst v63  }
0x78: {  	_ =	swait.ge [sflag:s12], $0x2000  }
0x79: {  	[sflag:s12] =	ssyncset.done $0x0  }
0x7a: {  	[sflag:s12] =	ssyncadd.s32 $0xFFFFE000  }
0x7b: {  	_ =	swait.ge [sflag:s12], $0x2000  }
0x7c: {  	[sflag:s12] =	ssyncset.done $0x0  }
0x7d: {  	[sflag:s12] =	ssyncadd.s32 $0xFFFFE000  }
0x7e: {  	[spmem:s22] =	stream.indirect.scatter.add.f32 [tilespmem:s10], [sflag:$0x3], $0x80, s6, s9, $0xb8;
	[tilespmem:$0x151C0] =	vst v63  }
0x7f: {  	_ = 	snop  }
0x80: {  	[spmem:s22] =	stream.indirect.scatter.add.f32 [tilespmem:s11], [sflag:$0x3], $0x80, s7, s9, $0xb8;
	[tilespmem:$0x151C0] =	vst v63  }
0x81: {  	_ =	swait.ge [sflag:s13], $0x2000  }
0x82: {  	[sflag:s13] =	ssyncset.done $0x0  }
0x83: {  	[sflag:s13] =	ssyncadd.s32 $0xFFFFE000  }
0x84: {  	_ =	swait.ge [sflag:s13], $0x2000  }
0x85: {  	[sflag:s13] =	ssyncset.done $0x0  }
0x86: {  	s3 =	sadd.s32 s2, s21;
	[sflag:s13] =	ssyncadd.s32 $0xFFFFE000  }
0x87: {  	[tilespmem:s16], [sflag:$0x1] =	stream.linear.gather [hbm4b:s3+s16], $0x80, $0x38;
	[tilespmem:$0x151C0] =	vst v63  }
0x88: {  	s2 =	sadd.s32 s2, s19  }
0x89: {  	[tilespmem:s6], [sflag:$0x1] =	stream.linear.gather [hbm4b:s2+s16], $0x40, $0x38;
	[tilespmem:$0x151C0] =	vst v63  }
0x8a: {  	s2 =	sadd.s32 $0x8, s2  }
0x8b: {  	[tilespmem:s7], [sflag:$0x1] =	stream.linear.gather [hbm4b:s2+s16], $0x40, $0x38;
	[tilespmem:$0x151C0] =	vst v63  }
0x8c: {  	_ =	swait.ge [sflag:s8], $0x80  }
0x8d: {  	[sflag:s8] =	ssyncset.done $0x0  }
0x8e: {  	[sflag:s8] =	ssyncadd.s32 $0xFFFFFF80  }
0x8f: {  	_ =	swait.ge [sflag:s8], $0x40  }
0x90: {  	[sflag:s8] =	ssyncset.done $0x0  }
0x91: {  	[sflag:s8] =	ssyncadd.s32 $0xFFFFFFC0  }
0x92: {  	_ =	swait.ge [sflag:s8], $0x40  }
0x93: {  	[sflag:s8] =	ssyncset.done $0x0  }
0x94: {  	[sflag:s8] =	ssyncadd.s32 $0xFFFFFFC0  }
0x95: {  	v2 =	vld [tilespmem:$0x110]  }
0x96: {  	v3 =	vld [tilespmem:$0xB0]  }
0x97: {  	v4 =	vld [tilespmem:$0xA0]  }
0x98: {  	v5 =	vld [tilespmem:$0x90]  }
0x99: {  	v6 =	vld [tilespmem:$0x100]  }
0x9a: {  	v7 =	vld [tilespmem:$0x80];
	v2 =	vsub.s32 v2, v0  }
0x9b: {  	v3 =	vsub.s32 v3, v0;
	v2 =	vmin.u32 v2, $0x1F40;
	v8 =	vld [tilespmem:$0x130]  }
0x9c: {  	v4 =	vsub.s32 v4, v0;
	v3 =	vmin.u32 v3, $0x1F40;
	[tilespmem:$0x110] =	vst v2;
	v2 =	vld [tilespmem:$0x120]  }
.Ltmp1:
0x9d: {  	v5 =	vsub.s32 v5, v0;
	v4 =	vmin.u32 v4, $0x1F40;
	[tilespmem:$0xB0] =	vst v3;
	(pc) =	sbr.rel @p5 .LBB2_4-.Ltmp1, $4  }
0x9e: {  	v3 =	vmin.u32 v5, $0x1F40;
	[tilespmem:$0xA0] =	vst v4;
	v4 =	vsub.s32 v6, v0  }
0x9f: {  	v5 =	vsub.s32 v7, v0;
	[tilespmem:$0x90] =	vst v3;
	v3 =	vmin.u32 v4, $0x1F40  }
0xa0: {  	v4 =	vmin.u32 v5, $0x1F40;
	[tilespmem:$0x100] =	vst v3;
	v3 =	vsub.s32 v8, v0  }
0xa1: {  	[tilespmem:$0x80] =	vst v4;
	v2 =	vsub.s32 v2, v0;
	v3 =	vmin.u32 v3, $0x1F40  }
0xa2: {  	v2 =	vmin.u32 v2, $0x1F40;
	[tilespmem:$0x130] =	vst v3  }
0xa3: {  	[tilespmem:$0x120] =	vst v2  }
0xa4: {  	[tilespmem:s10], [sflag:$0x2] =	stream.indirect.gather [hbm4b:s25+s9], $0x80, s16, s9, $0xb8;
	[tilespmem:$0x151C0] =	vst v63  }
0xa5: {  	_ = 	snop  }
0xa6: {  	[tilespmem:s11], [sflag:$0x2] =	stream.indirect.gather [hbm4b:s25+s9], $0x80, s9, s9, $0xb8;
	[tilespmem:$0x151C0] =	vst v63  }
0xa7: {  	_ =	swait.ge [sflag:s12], $0x2000  }
0xa8: {  	[sflag:s12] =	ssyncset.done $0x0  }
0xa9: {  	[sflag:s12] =	ssyncadd.s32 $0xFFFFE000  }
0xaa: {  	_ =	swait.ge [sflag:s12], $0x2000  }
0xab: {  	[sflag:s12] =	ssyncset.done $0x0  }
0xac: {  	[sflag:s12] =	ssyncadd.s32 $0xFFFFE000  }
0xad: {  	[spmem:s22] =	stream.indirect.scatter.add.f32 [tilespmem:s10], [sflag:$0x3], $0x80, s6, s9, $0xb8;
	[tilespmem:$0x151C0] =	vst v63  }
0xae: {  	_ = 	snop  }
0xaf: {  	[spmem:s22] =	stream.indirect.scatter.add.f32 [tilespmem:s11], [sflag:$0x3], $0x80, s7, s9, $0xb8;
	[tilespmem:$0x151C0] =	vst v63  }
0xb0: {  	_ =	swait.ge [sflag:s13], $0x2000  }
0xb1: {  	[sflag:s13] =	ssyncset.done $0x0  }
0xb2: {  	[sflag:s13] =	ssyncadd.s32 $0xFFFFE000  }
0xb3: {  	_ =	swait.ge [sflag:s13], $0x2000  }
0xb4: {  	[sflag:s13] =	ssyncset.done $0x0  }
0xb5: {  	[sflag:s13] =	ssyncadd.s32 $0xFFFFE000  }
0xb6: {  	[bflag:$0x0] =	sbarrier.arrive $0xFFFF  }
0xb7: {  	s31 =	sld [smem:$0x7F8]  }
0xb8: {  	s2 =	sld [smem:$0x7FD];
	_ =	sdelay $0x1  }
0xb9: {  	s30 =	simm.s32 $0x4;
	s1 =	rddreg [dreg:$0x6]  }
0xba: {  	[hbm:s1], [sflag:s2] =	dma.local [spmem:s31], $0x800  }
0xbb: {  	_ =	swait.ge [sflag:s30], $0x800  }
0xbc: {  	s3 =	sld [smem:$0x7F9]  }
0xbd: {  	[sflag:s30] =	ssyncset.done $0x0  }
0xbe: {  	s4 =	rddreg [dreg:$0x7];
	[sflag:s30] =	ssyncadd.s32 $0xFFFFF800  }
0xbf: {  	[hbm:s4], [sflag:s2] =	dma.local [spmem:s3], $0x800  }
0xc0: {  	_ =	swait.ge [sflag:s30], $0x800  }
0xc1: {  	s28 =	sld [smem:$0x7FA]  }
0xc2: {  	[sflag:s30] =	ssyncset.done $0x0  }
0xc3: {  	s5 =	rddreg [dreg:$0x8];
	[sflag:s30] =	ssyncadd.s32 $0xFFFFF800  }
0xc4: {  	[hbm:s5], [sflag:s2] =	dma.local [spmem:s28], $0x800  }
0xc5: {  	_ =	swait.ge [sflag:s30], $0x800  }
0xc6: {  	s3 =	sld [smem:$0x7FB]  }
0xc7: {  	[sflag:s30] =	ssyncset.done $0x0  }
0xc8: {  	s5 =	simm.s32 @!p0 $0x4;
	s1 =	rddreg [dreg:$0x9];
	[sflag:s30] =	ssyncadd.s32 $0xFFFFF800  }
0xc9: {  	[hbm:s1], [sflag:s2] =	dma.local @!p0 [spmem:s3], $0x800  }
0xca: {  	_ =	swait.ge @!p0 [sflag:s5], $0x800  }
0xcb: {  	[sflag:s5] =	ssyncset.done @!p0 $0x0;
	s1 =	rddreg [dreg:$0x1e]  }
0xcc: {  	s3 =	rddreg [dreg:$0xa];
	[sflag:s5] =	ssyncadd.s32 @!p0 $0xFFFFF800;
	s4 =	sshrl.u32 @p4 s1, $0x3  }
0xcd: {  	[hbm:s3], [sflag:s2] =	dma.local @p4 [spmem:s4], $0x400  }
0xce: {  	s3 =	simm.s32 @p4 $0x4  }
0xcf: {  	_ =	swait.ge @p4 [sflag:s3], $0x400  }
0xd0: {  	[sflag:s3] =	ssyncset.done @p4 $0x0  }
0xd1: {  	[sflag:s3] =	ssyncadd.s32 @p4 $0xFFFFFC00  }
0xd2: {  	[bflag:$0x0] =	sbarrier.arrive $0xFFFF  }
0xd3: {  	s1 =	sld [smem:$0x7FC];
	_ =	sdelay $0x2  }
0xd4: {  	[spmem:s31], [sflag:s2] =	dma.local [hbm:s1], $0x800  }
0xd5: {  	_ =	swait.ge [sflag:s30], $0x800  }
0xd6: {  	s31 =	sld [smem:$0x7F9]  }
0xd7: {  	[sflag:s30] =	ssyncset.done $0x0  }
0xd8: {  	[sflag:s30] =	ssyncadd.s32 $0xFFFFF800  }
0xd9: {  	[spmem:s31], [sflag:s2] =	dma.local [hbm:s1], $0x800  }
0xda: {  	_ =	swait.ge [sflag:s30], $0x800  }
0xdb: {  	[sflag:s30] =	ssyncset.done $0x0  }
0xdc: {  	[sflag:s30] =	ssyncadd.s32 $0xFFFFF800  }
0xdd: {  	[spmem:s28], [sflag:s2] =	dma.local [hbm:s1], $0x800  }
0xde: {  	_ =	swait.ge [sflag:s30], $0x800  }
0xdf: {  	s28 =	sld [smem:$0x7FB]  }
0xe0: {  	[sflag:s30] =	ssyncset.done $0x0  }
0xe1: {  	[sflag:s30] =	ssyncadd.s32 $0xFFFFF800  }
0xe2: {  	[spmem:s28], [sflag:s2] =	dma.local @!p0 [hbm:s1], $0x800  }
0xe3: {  	_ =	swait.ge @!p0 [sflag:s5], $0x800  }
0xe4: {  	[sflag:s5] =	ssyncset.done @!p0 $0x0  }
0xe5: {  	[smem:$0x7F7] =	sst s4;
	[sflag:s5] =	ssyncadd.s32 @!p0 $0xFFFFF800  }
0xe6: {  	[spmem:s4], [sflag:s2] =	dma.local @p4 [hbm:s1], $0x480  }
0xe7: {  	_ =	swait.ge @p4 [sflag:s3], $0x480  }
0xe8: {  	[sflag:s3] =	ssyncset.done @p4 $0x0  }
0xe9: {  	[sflag:s3] =	ssyncadd.s32 @p4 $0xFFFFFB80  }
0xea: {  	s30 =	sadd.s32 $0x0, s21;
	[bflag:$0x0] =	sbarrier.arrive $0xFFFF  }
0xeb: {  	[tilespmem:s16], [sflag:$0x1] =	stream.linear.gather [hbm4b:s30+s16], $0x80, $0x38;
	[tilespmem:$0x151C0] =	vst v63  }
0xec: {  	s31 =	sadd.s32 $0x0, s19  }
0xed: {  	[tilespmem:s6], [sflag:$0x1] =	stream.linear.gather [hbm4b:s31+s16], $0x40, $0x38;
	[tilespmem:$0x151C0] =	vst v63  }
0xee: {  	s2 =	sadd.s32 $0x8, s31  }
0xef: {  	[tilespmem:s7], [sflag:$0x1] =	stream.linear.gather [hbm4b:s2+s16], $0x40, $0x38;
	[tilespmem:$0x151C0] =	vst v63  }
0xf0: {  	_ =	swait.ge [sflag:s8], $0x80  }
0xf1: {  	[sflag:s8] =	ssyncset.done $0x0  }
0xf2: {  	[sflag:s8] =	ssyncadd.s32 $0xFFFFFF80  }
0xf3: {  	_ =	swait.ge [sflag:s8], $0x40  }
0xf4: {  	[sflag:s8] =	ssyncset.done $0x0  }
0xf5: {  	[sflag:s8] =	ssyncadd.s32 $0xFFFFFFC0  }
0xf6: {  	_ =	swait.ge [sflag:s8], $0x40  }
0xf7: {  	[sflag:s8] =	ssyncset.done $0x0  }
0xf8: {  	[sflag:s8] =	ssyncadd.s32 $0xFFFFFFC0  }
0xf9: {  	v2 =	vld [tilespmem:$0x110]  }
0xfa: {  	v3 =	vld [tilespmem:$0xB0]  }
0xfb: {  	v4 =	vld [tilespmem:$0xA0]  }
0xfc: {  	v5 =	vld [tilespmem:$0x90]  }
0xfd: {  	v6 =	vld [tilespmem:$0x100]  }
0xfe: {  	v7 =	vld [tilespmem:$0x80];
	v2 =	vsub.s32 v2, v0  }
0xff: {  	v8 =	vld [tilespmem:$0x130];
	v3 =	vsub.s32 v3, v0;
	v2 =	vmin.u32 v2, $0x1F40  }
0x100: {  	v4 =	vsub.s32 v4, v0;
	v3 =	vmin.u32 v3, $0x1F40;
	[tilespmem:$0x110] =	vst v2;
	v2 =	vld [tilespmem:$0x120]  }
0x101: {  	v5 =	vsub.s32 v5, v0;
	v4 =	vmin.u32 v4, $0x1F40;
	[tilespmem:$0xB0] =	vst v3  }
0x102: {  	v3 =	vmin.u32 v5, $0x1F40;
	[tilespmem:$0xA0] =	vst v4;
	v4 =	vsub.s32 v6, v0  }
0x103: {  	v5 =	vsub.s32 v7, v0;
	[tilespmem:$0x90] =	vst v3;
	v3 =	vmin.u32 v4, $0x1F40  }
0x104: {  	v4 =	vmin.u32 v5, $0x1F40;
	[tilespmem:$0x100] =	vst v3;
	v3 =	vsub.s32 v8, v0  }
0x105: {  	s2 =	simm.s32 $0x10;
	[tilespmem:$0x80] =	vst v4;
	v3 =	vmin.u32 v3, $0x1F40;
	v2 =	vsub.s32 v2, v0  }
.LBB2_6:
0x106: {  	p5 =	sne.s32 s2, $0x7C0;
	v2 =	vmin.u32 v2, $0x1F40;
	[tilespmem:$0x130] =	vst v3;
	s3 =	smov.u32 s2;
	s2 =	sadd.s32 $0x10, s2  }
0x107: {  	[tilespmem:$0x120] =	vst v2  }
0x108: {  	[tilespmem:s10], [sflag:$0x2] =	stream.indirect.gather [hbm4b:s26+s9], $0x80, s16, s9, $0xb8;
	[tilespmem:$0x151C0] =	vst v63  }
0x109: {  	_ = 	snop  }
0x10a: {  	[tilespmem:s11], [sflag:$0x2] =	stream.indirect.gather [hbm4b:s26+s9], $0x80, s9, s9, $0xb8;
	[tilespmem:$0x151C0] =	vst v63  }
0x10b: {  	_ =	swait.ge [sflag:s12], $0x2000  }
0x10c: {  	[sflag:s12] =	ssyncset.done $0x0  }
0x10d: {  	[sflag:s12] =	ssyncadd.s32 $0xFFFFE000  }
0x10e: {  	_ =	swait.ge [sflag:s12], $0x2000  }
0x10f: {  	[sflag:s12] =	ssyncset.done $0x0  }
0x110: {  	[sflag:s12] =	ssyncadd.s32 $0xFFFFE000  }
0x111: {  	[spmem:s22] =	stream.indirect.scatter.add.f32 [tilespmem:s10], [sflag:$0x3], $0x80, s6, s9, $0xb8;
	[tilespmem:$0x151C0] =	vst v63  }
0x112: {  	_ = 	snop  }
0x113: {  	[spmem:s22] =	stream.indirect.scatter.add.f32 [tilespmem:s11], [sflag:$0x3], $0x80, s7, s9, $0xb8;
	[tilespmem:$0x151C0] =	vst v63  }
0x114: {  	_ =	swait.ge [sflag:s13], $0x2000  }
0x115: {  	[sflag:s13] =	ssyncset.done $0x0  }
0x116: {  	[sflag:s13] =	ssyncadd.s32 $0xFFFFE000  }
0x117: {  	_ =	swait.ge [sflag:s13], $0x2000  }
0x118: {  	[sflag:s13] =	ssyncset.done $0x0  }
0x119: {  	s31 =	sadd.s32 s3, s21;
	[sflag:s13] =	ssyncadd.s32 $0xFFFFE000  }
0x11a: {  	[tilespmem:s16], [sflag:$0x1] =	stream.linear.gather [hbm4b:s31+s16], $0x80, $0x38;
	[tilespmem:$0x151C0] =	vst v63  }
0x11b: {  	s3 =	sadd.s32 s3, s19  }
0x11c: {  	[tilespmem:s6], [sflag:$0x1] =	stream.linear.gather [hbm4b:s3+s16], $0x40, $0x38;
	[tilespmem:$0x151C0] =	vst v63  }
0x11d: {  	s3 =	sadd.s32 $0x8, s3  }
0x11e: {  	[tilespmem:s7], [sflag:$0x1] =	stream.linear.gather [hbm4b:s3+s16], $0x40, $0x38;
	[tilespmem:$0x151C0] =	vst v63  }
0x11f: {  	_ =	swait.ge [sflag:s8], $0x80  }
0x120: {  	[sflag:s8] =	ssyncset.done $0x0  }
0x121: {  	[sflag:s8] =	ssyncadd.s32 $0xFFFFFF80  }
0x122: {  	_ =	swait.ge [sflag:s8], $0x40  }
0x123: {  	[sflag:s8] =	ssyncset.done $0x0  }
0x124: {  	[sflag:s8] =	ssyncadd.s32 $0xFFFFFFC0  }
0x125: {  	_ =	swait.ge [sflag:s8], $0x40  }
0x126: {  	[sflag:s8] =	ssyncset.done $0x0  }
0x127: {  	[sflag:s8] =	ssyncadd.s32 $0xFFFFFFC0  }
0x128: {  	v2 =	vld [tilespmem:$0x110]  }
0x129: {  	v3 =	vld [tilespmem:$0xB0]  }
0x12a: {  	v4 =	vld [tilespmem:$0xA0]  }
0x12b: {  	v5 =	vld [tilespmem:$0x90]  }
0x12c: {  	v6 =	vld [tilespmem:$0x100]  }
0x12d: {  	v7 =	vld [tilespmem:$0x80];
	v2 =	vsub.s32 v2, v0  }
0x12e: {  	v3 =	vsub.s32 v3, v0;
	v2 =	vmin.u32 v2, $0x1F40;
	v8 =	vld [tilespmem:$0x130]  }
0x12f: {  	v4 =	vsub.s32 v4, v0;
	v3 =	vmin.u32 v3, $0x1F40;
	[tilespmem:$0x110] =	vst v2;
	v2 =	vld [tilespmem:$0x120]  }
.Ltmp2:
0x130: {  	v5 =	vsub.s32 v5, v0;
	v4 =	vmin.u32 v4, $0x1F40;
	[tilespmem:$0xB0] =	vst v3;
	(pc) =	sbr.rel @p5 .LBB2_6-.Ltmp2, $4  }
0x131: {  	v3 =	vmin.u32 v5, $0x1F40;
	[tilespmem:$0xA0] =	vst v4;
	v4 =	vsub.s32 v6, v0  }
0x132: {  	v5 =	vsub.s32 v7, v0;
	[tilespmem:$0x90] =	vst v3;
	v3 =	vmin.u32 v4, $0x1F40  }
0x133: {  	v4 =	vmin.u32 v5, $0x1F40;
	[tilespmem:$0x100] =	vst v3;
	v3 =	vsub.s32 v8, v0  }
0x134: {  	[tilespmem:$0x80] =	vst v4;
	v2 =	vsub.s32 v2, v0;
	v3 =	vmin.u32 v3, $0x1F40  }
0x135: {  	v2 =	vmin.u32 v2, $0x1F40;
	[tilespmem:$0x130] =	vst v3  }
0x136: {  	[tilespmem:$0x120] =	vst v2  }
0x137: {  	[tilespmem:s10], [sflag:$0x2] =	stream.indirect.gather [hbm4b:s26+s9], $0x80, s16, s9, $0xb8;
	[tilespmem:$0x151C0] =	vst v63  }
0x138: {  	_ = 	snop  }
0x139: {  	[tilespmem:s11], [sflag:$0x2] =	stream.indirect.gather [hbm4b:s26+s9], $0x80, s9, s9, $0xb8;
	[tilespmem:$0x151C0] =	vst v63  }
0x13a: {  	_ =	swait.ge [sflag:s12], $0x2000  }
0x13b: {  	[sflag:s12] =	ssyncset.done $0x0  }
0x13c: {  	[sflag:s12] =	ssyncadd.s32 $0xFFFFE000  }
0x13d: {  	_ =	swait.ge [sflag:s12], $0x2000  }
0x13e: {  	[sflag:s12] =	ssyncset.done $0x0  }
0x13f: {  	[sflag:s12] =	ssyncadd.s32 $0xFFFFE000  }
0x140: {  	[spmem:s22] =	stream.indirect.scatter.add.f32 [tilespmem:s10], [sflag:$0x3], $0x80, s6, s9, $0xb8;
	[tilespmem:$0x151C0] =	vst v63  }
0x141: {  	_ = 	snop  }
0x142: {  	[spmem:s22] =	stream.indirect.scatter.add.f32 [tilespmem:s11], [sflag:$0x3], $0x80, s7, s9, $0xb8;
	[tilespmem:$0x151C0] =	vst v63  }
0x143: {  	_ =	swait.ge [sflag:s13], $0x2000  }
0x144: {  	[sflag:s13] =	ssyncset.done $0x0  }
0x145: {  	[sflag:s13] =	ssyncadd.s32 $0xFFFFE000  }
0x146: {  	_ =	swait.ge [sflag:s13], $0x2000  }
0x147: {  	[sflag:s13] =	ssyncset.done $0x0  }
0x148: {  	[sflag:s13] =	ssyncadd.s32 $0xFFFFE000  }
0x149: {  	[bflag:$0x0] =	sbarrier.arrive $0xFFFF  }
0x14a: {  	s31 =	sld [smem:$0x7F8]  }
0x14b: {  	s1 =	sld [smem:$0x7FD];
	_ =	sdelay $0x1  }
0x14c: {  	s30 =	simm.s32 $0x4;
	s2 =	rddreg [dreg:$0xb]  }
0x14d: {  	[hbm:s2], [sflag:s1] =	dma.local [spmem:s31], $0x800  }
0x14e: {  	_ =	swait.ge [sflag:s30], $0x800  }
0x14f: {  	s3 =	sld [smem:$0x7F9]  }
0x150: {  	[sflag:s30] =	ssyncset.done $0x0  }
0x151: {  	s4 =	rddreg [dreg:$0xc];
	[sflag:s30] =	ssyncadd.s32 $0xFFFFF800  }
0x152: {  	[hbm:s4], [sflag:s1] =	dma.local [spmem:s3], $0x800  }
0x153: {  	_ =	swait.ge [sflag:s30], $0x800  }
0x154: {  	s28 =	sld [smem:$0x7FA]  }
0x155: {  	[sflag:s30] =	ssyncset.done $0x0  }
0x156: {  	s5 =	rddreg [dreg:$0xd];
	[sflag:s30] =	ssyncadd.s32 $0xFFFFF800  }
0x157: {  	[hbm:s5], [sflag:s1] =	dma.local [spmem:s28], $0x800  }
0x158: {  	_ =	swait.ge [sflag:s30], $0x800  }
0x159: {  	s5 =	sld [smem:$0x7FB]  }
0x15a: {  	[sflag:s30] =	ssyncset.done $0x0  }
0x15b: {  	s4 =	simm.s32 @!p0 $0x4;
	s2 =	rddreg [dreg:$0xe];
	[sflag:s30] =	ssyncadd.s32 $0xFFFFF800  }
0x15c: {  	[hbm:s2], [sflag:s1] =	dma.local @!p0 [spmem:s5], $0x800  }
0x15d: {  	_ =	swait.ge @!p0 [sflag:s4], $0x800  }
0x15e: {  	s2 =	sld [smem:$0x7F7]  }
0x15f: {  	[sflag:s4] =	ssyncset.done @!p0 $0x0  }
0x160: {  	s3 =	rddreg [dreg:$0xf];
	[sflag:s4] =	ssyncadd.s32 @!p0 $0xFFFFF800  }
0x161: {  	[hbm:s3], [sflag:s1] =	dma.local @p4 [spmem:s2], $0x400  }
0x162: {  	s3 =	simm.s32 @p4 $0x4  }
0x163: {  	_ =	swait.ge @p4 [sflag:s3], $0x400  }
0x164: {  	[sflag:s3] =	ssyncset.done @p4 $0x0  }
0x165: {  	[sflag:s3] =	ssyncadd.s32 @p4 $0xFFFFFC00  }
0x166: {  	[bflag:$0x0] =	sbarrier.arrive $0xFFFF  }
0x167: {  	s2 =	sld [smem:$0x7FC];
	_ =	sdelay $0x2  }
0x168: {  	[spmem:s31], [sflag:s1] =	dma.local [hbm:s2], $0x800  }
0x169: {  	_ =	swait.ge [sflag:s30], $0x800  }
0x16a: {  	s31 =	sld [smem:$0x7F9]  }
0x16b: {  	[sflag:s30] =	ssyncset.done $0x0  }
0x16c: {  	[sflag:s30] =	ssyncadd.s32 $0xFFFFF800  }
0x16d: {  	[spmem:s31], [sflag:s1] =	dma.local [hbm:s2], $0x800  }
0x16e: {  	_ =	swait.ge [sflag:s30], $0x800  }
0x16f: {  	[sflag:s30] =	ssyncset.done $0x0  }
0x170: {  	[sflag:s30] =	ssyncadd.s32 $0xFFFFF800  }
0x171: {  	[spmem:s28], [sflag:s1] =	dma.local [hbm:s2], $0x800  }
0x172: {  	_ =	swait.ge [sflag:s30], $0x800  }
0x173: {  	[sflag:s30] =	ssyncset.done $0x0  }
0x174: {  	[sflag:s30] =	ssyncadd.s32 $0xFFFFF800  }
0x175: {  	[spmem:s5], [sflag:s1] =	dma.local @!p0 [hbm:s2], $0x800  }
0x176: {  	_ =	swait.ge @!p0 [sflag:s4], $0x800  }
0x177: {  	[sflag:s4] =	ssyncset.done @!p0 $0x0  }
0x178: {  	[sflag:s4] =	ssyncadd.s32 @!p0 $0xFFFFF800;
	s4 =	sld [smem:$0x7F7];
	_ =	sdelay $0x2  }
0x179: {  	[spmem:s4], [sflag:s1] =	dma.local @p4 [hbm:s2], $0x480  }
0x17a: {  	_ =	swait.ge @p4 [sflag:s3], $0x480  }
0x17b: {  	[sflag:s3] =	ssyncset.done @p4 $0x0  }
0x17c: {  	[sflag:s3] =	ssyncadd.s32 @p4 $0xFFFFFB80  }
0x17d: {  	s31 =	sadd.s32 $0x0, s19;
	[bflag:$0x0] =	sbarrier.arrive $0xFFFF  }
0x17e: {  	[tilespmem:s14], [sflag:$0x1] =	stream.linear.gather [hbm4b:s31+s16], $0x20, $0x38;
	[tilespmem:$0x151C0] =	vst v63  }
0x17f: {  	s2 =	sadd.s32 $0x4, s31  }
0x180: {  	[tilespmem:s15], [sflag:$0x1] =	stream.linear.gather [hbm4b:s2+s16], $0x20, $0x38;
	[tilespmem:$0x151C0] =	vst v63  }
0x181: {  	_ =	swait.ge [sflag:s8], $0x20  }
0x182: {  	[sflag:s8] =	ssyncset.done $0x0  }
0x183: {  	[sflag:s8] =	ssyncadd.s32 $0xFFFFFFE0  }
0x184: {  	_ =	swait.ge [sflag:s8], $0x20  }
0x185: {  	[sflag:s8] =	ssyncset.done $0x0  }
0x186: {  	[sflag:s8] =	ssyncadd.s32 $0xFFFFFFE0  }
0x187: {  	v2 =	vld [tilespmem:$0x15050]  }
0x188: {  	v3 =	vld [tilespmem:$0x15040]  }
0x189: {  	v4 =	vld [tilespmem:$0x14FC0]  }
0x18a: {  	v5 =	vld [tilespmem:$0x14FD0];
	_ =	sdelay $0x1  }
0x18b: {  	v2 =	vsub.s32 v2, v0  }
0x18c: {  	v3 =	vsub.s32 v3, v0;
	v2 =	vmin.u32 v2, $0x1F40  }
0x18d: {  	v4 =	vsub.s32 v4, v0;
	v3 =	vmin.u32 v3, $0x1F40;
	[tilespmem:$0x15050] =	vst v2  }
0x18e: {  	v63 =	vsub.s32 v5, v0;
	v2 =	vmin.u32 v4, $0x1F40;
	[tilespmem:$0x15040] =	vst v3  }
0x18f: {  	[tilespmem:$0x14FC0] =	vst v2;
	v2 =	vmin.u32 v63, $0x1F40  }
0x190: {  	[tilespmem:$0x14FD0] =	vst v2  }
0x191: {  	[spmem:s22] =	stream.indirect.scatter.add.f32 [tilespmem:s18], [sflag:$0x3], $0x80, s14, s17, $0xb8;
	[tilespmem:$0x151C0] =	vst v63  }
0x192: {  	_ = 	snop  }
0x193: {  	[spmem:s22] =	stream.indirect.scatter.add.f32 [tilespmem:s18], [sflag:$0x3], $0x80, s15, s17, $0xb8;
	[tilespmem:$0x151C0] =	vst v63  }
0x194: {  	_ =	swait.ge [sflag:s13], $0x1000  }
0x195: {  	s2 =	simm.s32 $0x8;
	[sflag:s13] =	ssyncset.done $0x0  }
.LBB2_8:
0x196: {  	p5 =	sne.s32 s2, $0x7C8  }
0x197: {  	[sflag:s13] =	ssyncadd.s32 $0xFFFFF000;
	s3 =	smov.u32 s2;
	s2 =	sadd.s32 $0x8, s2  }
0x198: {  	_ =	swait.ge [sflag:s13], $0x1000  }
0x199: {  	[sflag:s13] =	ssyncset.done $0x0  }
0x19a: {  	s3 =	sadd.s32 s3, s19;
	[sflag:s13] =	ssyncadd.s32 $0xFFFFF000  }
0x19b: {  	[tilespmem:s14], [sflag:$0x1] =	stream.linear.gather [hbm4b:s3+s16], $0x20, $0x38;
	[tilespmem:$0x151C0] =	vst v63  }
0x19c: {  	s3 =	sadd.s32 $0x4, s3  }
0x19d: {  	[tilespmem:s15], [sflag:$0x1] =	stream.linear.gather [hbm4b:s3+s16], $0x20, $0x38;
	[tilespmem:$0x151C0] =	vst v63  }
0x19e: {  	_ =	swait.ge [sflag:s8], $0x20  }
0x19f: {  	[sflag:s8] =	ssyncset.done $0x0  }
0x1a0: {  	[sflag:s8] =	ssyncadd.s32 $0xFFFFFFE0  }
0x1a1: {  	_ =	swait.ge [sflag:s8], $0x20  }
0x1a2: {  	[sflag:s8] =	ssyncset.done $0x0  }
0x1a3: {  	[sflag:s8] =	ssyncadd.s32 $0xFFFFFFE0  }
0x1a4: {  	v2 =	vld [tilespmem:$0x15050]  }
0x1a5: {  	v3 =	vld [tilespmem:$0x15040]  }
0x1a6: {  	v4 =	vld [tilespmem:$0x14FC0]  }
0x1a7: {  	v5 =	vld [tilespmem:$0x14FD0];
	_ =	sdelay $0x1  }
0x1a8: {  	v2 =	vsub.s32 v2, v0  }
0x1a9: {  	v3 =	vsub.s32 v3, v0;
	v2 =	vmin.u32 v2, $0x1F40  }
0x1aa: {  	v4 =	vsub.s32 v4, v0;
	v3 =	vmin.u32 v3, $0x1F40;
	[tilespmem:$0x15050] =	vst v2  }
0x1ab: {  	v2 =	vmin.u32 v4, $0x1F40;
	v4 =	vsub.s32 v5, v0;
	[tilespmem:$0x15040] =	vst v3  }
0x1ac: {  	[tilespmem:$0x14FC0] =	vst v2;
	v2 =	vmin.u32 v4, $0x1F40  }
0x1ad: {  	[tilespmem:$0x14FD0] =	vst v2  }
0x1ae: {  	[spmem:s22] =	stream.indirect.scatter.add.f32 [tilespmem:s18], [sflag:$0x3], $0x80, s14, s17, $0xb8;
	[tilespmem:$0x151C0] =	vst v63  }
.Ltmp3:
0x1af: {  	_ = 	snop;
	(pc) =	sbr.rel @p5 .LBB2_8-.Ltmp3, $4  }
0x1b0: {  	_ = 	snop  }
0x1b1: {  	[spmem:s22] =	stream.indirect.scatter.add.f32 [tilespmem:s18], [sflag:$0x3], $0x80, s15, s17, $0xb8;
	[tilespmem:$0x151C0] =	vst v63  }
0x1b2: {  	_ =	swait.ge [sflag:s13], $0x1000  }
0x1b3: {  	[sflag:s13] =	ssyncset.done $0x0  }
0x1b4: {  	[sflag:s13] =	ssyncadd.s32 $0xFFFFF000  }
0x1b5: {  	_ =	swait.ge [sflag:s13], $0x1000  }
0x1b6: {  	[sflag:s13] =	ssyncset.done $0x0  }
0x1b7: {  	[sflag:s13] =	ssyncadd.s32 $0xFFFFF000  }
0x1b8: {  	[bflag:$0x0] =	sbarrier.arrive $0xFFFF  }
0x1b9: {  	s31 =	sld [smem:$0x7F8]  }
0x1ba: {  	s1 =	sld [smem:$0x7FD];
	_ =	sdelay $0x1  }
0x1bb: {  	s30 =	simm.s32 $0x4;
	s2 =	rddreg [dreg:$0x10]  }
0x1bc: {  	[hbm:s2], [sflag:s1] =	dma.local [spmem:s31], $0x800  }
0x1bd: {  	_ =	swait.ge [sflag:s30], $0x800  }
0x1be: {  	s3 =	sld [smem:$0x7F9]  }
0x1bf: {  	[sflag:s30] =	ssyncset.done $0x0  }
0x1c0: {  	s4 =	rddreg [dreg:$0x11];
	[sflag:s30] =	ssyncadd.s32 $0xFFFFF800  }
0x1c1: {  	[hbm:s4], [sflag:s1] =	dma.local [spmem:s3], $0x800  }
0x1c2: {  	_ =	swait.ge [sflag:s30], $0x800  }
0x1c3: {  	s28 =	sld [smem:$0x7FA]  }
0x1c4: {  	[sflag:s30] =	ssyncset.done $0x0  }
0x1c5: {  	s5 =	rddreg [dreg:$0x12];
	[sflag:s30] =	ssyncadd.s32 $0xFFFFF800  }
0x1c6: {  	[hbm:s5], [sflag:s1] =	dma.local [spmem:s28], $0x800  }
0x1c7: {  	_ =	swait.ge [sflag:s30], $0x800  }
0x1c8: {  	s3 =	sld [smem:$0x7FB]  }
0x1c9: {  	[sflag:s30] =	ssyncset.done $0x0  }
0x1ca: {  	s4 =	simm.s32 @!p0 $0x4;
	s2 =	rddreg [dreg:$0x13];
	[sflag:s30] =	ssyncadd.s32 $0xFFFFF800  }
0x1cb: {  	[hbm:s2], [sflag:s1] =	dma.local @!p0 [spmem:s3], $0x800  }
0x1cc: {  	_ =	swait.ge @!p0 [sflag:s4], $0x800  }
0x1cd: {  	s5 =	sld [smem:$0x7F7]  }
0x1ce: {  	[sflag:s4] =	ssyncset.done @!p0 $0x0  }
0x1cf: {  	s3 =	rddreg [dreg:$0x14];
	[sflag:s4] =	ssyncadd.s32 @!p0 $0xFFFFF800  }
0x1d0: {  	[hbm:s3], [sflag:s1] =	dma.local @p4 [spmem:s5], $0x400  }
0x1d1: {  	s3 =	simm.s32 @p4 $0x4  }
0x1d2: {  	_ =	swait.ge @p4 [sflag:s3], $0x400  }
0x1d3: {  	[sflag:s3] =	ssyncset.done @p4 $0x0  }
0x1d4: {  	[sflag:s3] =	ssyncadd.s32 @p4 $0xFFFFFC00  }
0x1d5: {  	[bflag:$0x0] =	sbarrier.arrive $0xFFFF  }
0x1d6: {  	s2 =	sld [smem:$0x7FC];
	_ =	sdelay $0x2  }
0x1d7: {  	[spmem:s31], [sflag:s1] =	dma.local [hbm:s2], $0x800  }
0x1d8: {  	_ =	swait.ge [sflag:s30], $0x800  }
0x1d9: {  	s31 =	sld [smem:$0x7F9]  }
0x1da: {  	[sflag:s30] =	ssyncset.done $0x0  }
0x1db: {  	[sflag:s30] =	ssyncadd.s32 $0xFFFFF800  }
0x1dc: {  	[spmem:s31], [sflag:s1] =	dma.local [hbm:s2], $0x800  }
0x1dd: {  	_ =	swait.ge [sflag:s30], $0x800  }
0x1de: {  	[sflag:s30] =	ssyncset.done $0x0  }
0x1df: {  	[sflag:s30] =	ssyncadd.s32 $0xFFFFF800  }
0x1e0: {  	[spmem:s28], [sflag:s1] =	dma.local [hbm:s2], $0x800  }
0x1e1: {  	_ =	swait.ge [sflag:s30], $0x800  }
0x1e2: {  	s28 =	sld [smem:$0x7FB]  }
0x1e3: {  	[sflag:s30] =	ssyncset.done $0x0  }
0x1e4: {  	[sflag:s30] =	ssyncadd.s32 $0xFFFFF800  }
0x1e5: {  	[spmem:s28], [sflag:s1] =	dma.local @!p0 [hbm:s2], $0x800  }
0x1e6: {  	_ =	swait.ge @!p0 [sflag:s4], $0x800  }
0x1e7: {  	[sflag:s4] =	ssyncset.done @!p0 $0x0  }
0x1e8: {  	[sflag:s4] =	ssyncadd.s32 @!p0 $0xFFFFF800  }
0x1e9: {  	[spmem:s5], [sflag:s1] =	dma.local @p4 [hbm:s2], $0x480  }
0x1ea: {  	_ =	swait.ge @p4 [sflag:s3], $0x480  }
0x1eb: {  	[sflag:s3] =	ssyncset.done @p4 $0x0  }
0x1ec: {  	[sflag:s3] =	ssyncadd.s32 @p4 $0xFFFFFB80  }
0x1ed: {  	s30 =	sadd.s32 $0x0, s23;
	[bflag:$0x0] =	sbarrier.arrive $0xFFFF  }
0x1ee: {  	[tilespmem:s29], [sflag:$0x1] =	stream.linear.gather [hbm4b:s30+s16], $0x28, $0x38;
	[tilespmem:$0x151C0] =	vst v63  }
0x1ef: {  	s31 =	sadd.s32 $0x0, s24  }
0x1f0: {  	[tilespmem:s20], [sflag:$0x1] =	stream.linear.gather [hbm4b:s31+s16], $0x28, $0x38;
	[tilespmem:$0x151C0] =	vst v63  }
0x1f1: {  	_ =	swait.ge [sflag:s8], $0x28  }
0x1f2: {  	[sflag:s8] =	ssyncset.done $0x0  }
0x1f3: {  	[sflag:s8] =	ssyncadd.s32 $0xFFFFFFD8  }
0x1f4: {  	_ =	swait.ge [sflag:s8], $0x28  }
0x1f5: {  	[sflag:s8] =	ssyncset.done $0x0  }
0x1f6: {  	[sflag:s8] =	ssyncadd.s32 $0xFFFFFFD8  }
0x1f7: {  	[spmem:s22] =	stream.indirect.scatter.add.f32 [tilespmem:s18], [sflag:$0x3], $0x80, s29, s0, $0xb8;
	[tilespmem:$0x151C0] =	vst v63  }
0x1f8: {  	_ = 	snop  }
0x1f9: {  	[spmem:s22] =	stream.indirect.scatter.add.f32 [tilespmem:s18], [sflag:$0x3], $0x80, s20, s0, $0xb8;
	[tilespmem:$0x151C0] =	vst v63  }
0x1fa: {  	_ =	swait.ge [sflag:s13], $0x1400  }
0x1fb: {  	[sflag:s13] =	ssyncset.done $0x0  }
0x1fc: {  	[sflag:s13] =	ssyncadd.s32 $0xFFFFEC00  }
0x1fd: {  	_ =	swait.ge [sflag:s13], $0x1400  }
0x1fe: {  	s1 =	simm.s32 $0xA;
	s2 =	simm.s32 $0x14;
	[sflag:s13] =	ssyncset.done $0x0  }
.LBB2_10:
0x1ff: {  	s3 =	sadd.s32 s1, s23  }
0x200: {  	[sflag:s13] =	ssyncadd.s32 $0xFFFFEC00;
	s4 =	smov.u32 s2;
	s31 =	sadd.s32 $0xA, s2  }
0x201: {  	[tilespmem:s29], [sflag:$0x1] =	stream.linear.gather [hbm4b:s3+s16], $0x28, $0x38;
	[tilespmem:$0x151C0] =	vst v63  }
0x202: {  	p4 =	sne.s32 s2, $0xF0;
	s2 =	sadd.s32 s1, s24;
	s1 =	smov.u32 s4  }
0x203: {  	[tilespmem:s20], [sflag:$0x1] =	stream.linear.gather [hbm4b:s2+s16], $0x28, $0x38;
	[tilespmem:$0x151C0] =	vst v63  }
0x204: {  	_ =	swait.ge [sflag:s8], $0x28  }
0x205: {  	[sflag:s8] =	ssyncset.done $0x0  }
0x206: {  	[sflag:s8] =	ssyncadd.s32 $0xFFFFFFD8  }
0x207: {  	_ =	swait.ge [sflag:s8], $0x28  }
0x208: {  	[sflag:s8] =	ssyncset.done $0x0  }
0x209: {  	[sflag:s8] =	ssyncadd.s32 $0xFFFFFFD8  }
0x20a: {  	[spmem:s22] =	stream.indirect.scatter.add.f32 [tilespmem:s18], [sflag:$0x3], $0x80, s29, s0, $0xb8;
	[tilespmem:$0x151C0] =	vst v63  }
0x20b: {  	_ = 	snop  }
0x20c: {  	[spmem:s22] =	stream.indirect.scatter.add.f32 [tilespmem:s18], [sflag:$0x3], $0x80, s20, s0, $0xb8;
	[tilespmem:$0x151C0] =	vst v63  }
.Ltmp4:
0x20d: {  	_ =	swait.ge [sflag:s13], $0x1400;
	(pc) =	sbr.rel @p4 .LBB2_10-.Ltmp4, $4  }
0x20e: {  	[sflag:s13] =	ssyncset.done $0x0  }
0x20f: {  	[sflag:s13] =	ssyncadd.s32 $0xFFFFEC00  }
0x210: {  	_ =	swait.ge [sflag:s13], $0x1400  }
0x211: {  	s2 =	smov.u32 s31;
	[sflag:s13] =	ssyncset.done $0x0  }
0x212: {  	s2 =	sadd.s32 s1, s23;
	[sflag:s13] =	ssyncadd.s32 $0xFFFFEC00  }
0x213: {  	[tilespmem:s29], [sflag:$0x1] =	stream.linear.gather [hbm4b:s2+s16], $0x28, $0x38;
	[tilespmem:$0x151C0] =	vst v63  }
0x214: {  	s30 =	sadd.s32 s1, s24  }
0x215: {  	[tilespmem:s20], [sflag:$0x1] =	stream.linear.gather [hbm4b:s30+s16], $0x28, $0x38;
	[tilespmem:$0x151C0] =	vst v63  }
0x216: {  	_ =	swait.ge [sflag:s8], $0x28  }
0x217: {  	[sflag:s8] =	ssyncset.done $0x0  }
0x218: {  	[sflag:s8] =	ssyncadd.s32 $0xFFFFFFD8  }
0x219: {  	_ =	swait.ge [sflag:s8], $0x28  }
0x21a: {  	[sflag:s8] =	ssyncset.done $0x0  }
0x21b: {  	[sflag:s8] =	ssyncadd.s32 $0xFFFFFFD8  }
0x21c: {  	[spmem:s22] =	stream.indirect.scatter.add.f32 [tilespmem:s18], [sflag:$0x3], $0x80, s29, s0, $0xb8;
	[tilespmem:$0x151C0] =	vst v63  }
0x21d: {  	_ = 	snop  }
0x21e: {  	[spmem:s22] =	stream.indirect.scatter.add.f32 [tilespmem:s18], [sflag:$0x3], $0x80, s20, s0, $0xb8;
	[tilespmem:$0x151C0] =	vst v63  }
0x21f: {  	_ =	swait.ge [sflag:s13], $0x1400  }
0x220: {  	[sflag:s13] =	ssyncset.done $0x0  }
0x221: {  	[sflag:s13] =	ssyncadd.s32 $0xFFFFEC00  }
0x222: {  	_ =	swait.ge [sflag:s13], $0x1400  }
0x223: {  	[sflag:s13] =	ssyncset.done $0x0  }
0x224: {  	[sflag:s13] =	ssyncadd.s32 $0xFFFFEC00  }
0x225: {  	[bflag:$0x0] =	sbarrier.arrive $0xFFFF  }
0x226: {  	s4 =	sld [smem:$0x7F8]  }
0x227: {  	s3 =	sld [smem:$0x7FD];
	_ =	sdelay $0x1  }
0x228: {  	s5 =	simm.s32 $0x4;
	s2 =	rddreg [dreg:$0x15]  }
0x229: {  	[hbm:s2], [sflag:s3] =	dma.local [spmem:s4], $0x800  }
0x22a: {  	_ =	swait.ge [sflag:s5], $0x800  }
0x22b: {  	[sflag:s5] =	ssyncset.done $0x0;
	s1 =	rddreg [dreg:$0x1b]  }
0x22c: {  	s2 =	rddreg [dreg:$0x1d];
	[sflag:s5] =	ssyncadd.s32 $0xFFFFF800  }
0x22d: {  	[hbm:s1], [sflag:s3] =	dma.local @p1 [spmem:s2], $0x200  }
0x22e: {  	s1 =	simm.s32 @p1 $0x4  }
0x22f: {  	_ =	swait.ge @p1 [sflag:s1], $0x200  }
0x230: {  	[sflag:s1] =	ssyncset.done @p1 $0x0;
	s31 =	rddreg [dreg:$0x18]  }
0x231: {  	s2 =	rddreg [dreg:$0x16];
	[sflag:s1] =	ssyncadd.s32 @p1 $0xFFFFFE00;
	s1 =	sshrl.u32 @!p1 s31, $0x3  }
0x232: {  	[hbm:s2], [sflag:s3] =	dma.local @!p1 [spmem:s1], $0x800  }
0x233: {  	s1 =	simm.s32 @!p1 $0x4  }
0x234: {  	_ =	swait.ge @!p1 [sflag:s1], $0x800  }
0x235: {  	s28 =	rddreg [dreg:$0x1f]  }
0x236: {  	s30 =	rddreg [dreg:$0x1c];
	s3 =	sadd.s32 $0x1, s28  }
0x237: {  	p4 =	sne.s32 s3, s30  }
.Ltmp5:
0x238: {  	_ = 	snop;
	(pc) =	sbr.rel @p4 .LBB2_1-.Ltmp5, $3  }
0x239: {  	_ =	sdelay $0x1  }
0x23a: {  	[sflag:s1] =	ssyncset.done @!p1 $0x0  }
0x23b: {  	[sflag:s1] =	ssyncadd.s32 @!p1 $0xFFFFF800  }
0x23c: {  	_ =	sfence.sel $0x180000  }
0x23d: {  	[bflag:$0x0] =	sbarrier.arrive $0xFFFF  }
0x23e: {  	_ =	strace $0x90000047  }
0x23f: {  	s0 =	stileid.u32;
	[bflag:$0x2] =	sbarrier.arrive $0xFFFF  }
0x240: {  	p0 =	sne.s32 s0, $0x0;
	s0 =	rddreg [dreg:$0x5]  }
0x241: {  	s0 =	sadd.s32 @!p0 $0x100000, s0  }
0x242: {  	[sflag:s0] =	ssyncadd.tile.s32 @!p0 $0x1;
	_ =	shalt  }
.Lfunc_end2:
_tile_overlayer_lowered:
.L_overlay_start_2:
0x243: {  	(tag) =	ssettag $0x2  }
0x244: {  	s0 =	rddreg [dreg:$0x0];
	s2 =	stileid.u32  }
0x245: {  	s1 =	rddreg [dreg:$0x1];
	p0 =	sne.s32 s2, $0x0  }
0x246: {  	s3 =	rddreg [dreg:$0x2];
	[bflag:$0x3] =	sbarrier.arrive $0xFFFF;
	s2 =	simm.s32 @!p0 $0x1C04  }
0x247: {  	[timem:s3], [sflag:s2] =	dma.local @!p0 [hbm:s0], s1  }
0x248: {  	s0 =	simm.s32 @!p0 $0x4  }
0x249: {  	_ =	swait.ge @!p0 [sflag:s0], s1  }
0x24a: {  	s1 =	ssub.s32 @!p0 $0x0, s1;
	[sflag:s0] =	ssyncset.done @!p0 $0x0  }
0x24b: {  	[sflag:s0] =	ssyncadd.s32 @!p0 s1  }
0x24c: {  	[bflag:$0x3] =	sbarrier.arrive $0xFFFF  }
0x24d: {  	_ =	shalt  }

</sc_bundles>
